<compile_context>
chip_gen: v7x
topology: tpu7x:2x2x1
jax: 0.10.2.dev20260603
libtpu: 0.0.44.dev20260713+nightly
codegen_flags: <defaults>
</compile_context>

<pallas_src>
import functools

import numpy as np
import jax
import jax.numpy as jnp
from jax import lax
from jax.experimental import pallas as pl
from jax.experimental.pallas import tpu as pltpu
from jax.experimental.pallas import tpu_sc as plsc

_N = 10000
_E = 320000
_H = 128
_B = 64
_NUM_RBF = 32
_CUTOFF = 6.0
_TDIM = 64

_BN = 1000
_BE = 2000

_NC = 2
_NS = 16
_NW = _NC * _NS
_PER_W = _E // _NW
_K = 80
_KG = 40
_NCHUNK = _PER_W // _K
_NPAD = 10240
_RPT = _NPAD // _NS

_f32 = jnp.float32
_i32 = jnp.int32


def _silu(x):
    return x * jax.nn.sigmoid(x)


def _ln(x, g, b):
    m = jnp.mean(x, axis=-1, keepdims=True)
    v = jnp.mean((x - m) ** 2, axis=-1, keepdims=True)
    return (x - m) / jnp.sqrt(v + 1e-5) * g + b



def _time_body(t_ref, w1t_ref, w2t_ref, aux_ref, out_ref):
    half = _TDIM // 2
    k = lax.broadcasted_iota(_i32, (1, half), 1).astype(_f32)
    freqs = jnp.exp(-float(np.log(10000.0) / (half - 1)) * k)
    args = t_ref[...] * freqs
    emb = jnp.concatenate([jnp.sin(args), jnp.cos(args)], axis=1)
    h1 = _silu(jnp.dot(emb, w1t_ref[...], preferred_element_type=_f32)
               + aux_ref[0:1, :])
    out_ref[...] = (jnp.dot(h1, w2t_ref[...], preferred_element_type=_f32)
                    + aux_ref[1:2, :])


def _ktime(t2, w1t, w2t, aux):
    return pl.pallas_call(
        _time_body,
        out_shape=jax.ShapeDtypeStruct((_B, _H), _f32),
    )(t2, w1t, w2t, aux)


def _node_body(z_ref, nt_ref, bt_ref, atom_ref, tf_ref, aux_ref, out_ref):
    zb = z_ref[...]
    lane = lax.broadcasted_iota(_i32, (_BN, _H), 1)
    oh = (lane == zb).astype(_f32)
    h = jnp.dot(oh, atom_ref[...], preferred_element_type=_f32)
    laneb = lax.broadcasted_iota(_i32, (_BN, _B), 1)
    ohb = (laneb == bt_ref[...]).astype(_f32)
    h = h + jnp.dot(ohb, tf_ref[...], preferred_element_type=_f32)
    ntf = nt_ref[...].astype(_f32)
    h = h + aux_ref[0:1, :] + ntf * aux_ref[1:2, :]
    out_ref[...] = _ln(h, aux_ref[2:3, :], aux_ref[3:4, :])


def _knode(z2, nt2, bt2, atom, tf, aux):
    g = _N // _BN
    blkn1 = pl.BlockSpec((_BN, 1), lambda i: (i, 0))
    full = lambda shape: pl.BlockSpec(shape, lambda i: (0, 0))
    return pl.pallas_call(
        _node_body,
        grid=(g,),
        in_specs=[blkn1, blkn1, blkn1, full((_H, _H)), full((_B, _H)),
                  full((8, _H))],
        out_specs=pl.BlockSpec((_BN, _H), lambda i: (i, 0)),
        out_shape=jax.ShapeDtypeStruct((_N, _H), _f32),
    )(z2, nt2, bt2, atom, tf, aux)


def _proj_body(h_ref, wst_ref, wdt_ref, hs_ref, hd_ref):
    hb = h_ref[...]
    hs_ref[...] = jnp.dot(hb, wst_ref[...], preferred_element_type=_f32)
    hd_ref[...] = jnp.dot(hb, wdt_ref[...], preferred_element_type=_f32)


def _kproj(h, wst, wdt):
    g = _N // _BN
    blk = pl.BlockSpec((_BN, _H), lambda i: (i, 0))
    full = pl.BlockSpec((_H, _H), lambda i: (0, 0))
    return pl.pallas_call(
        _proj_body,
        grid=(g,),
        in_specs=[blk, full, full],
        out_specs=[blk, blk],
        out_shape=[jax.ShapeDtypeStruct((_N, _H), _f32)] * 2,
    )(h, wst, wdt)


_CENTERS = np.linspace(0.0, _CUTOFF, _NUM_RBF).astype(np.float32)
_GAMMA = float(1.0 / max((_CENTERS[1] - _CENTERS[0]) ** 2, 1e-6))


def _msg_body(prea_ref, preb_ref, d_ref, et_ref, wrt_ref, w2t_ref, aux_ref,
              out_ref):
    d = jnp.sqrt(d_ref[...])
    step = float(_CENTERS[1] - _CENTERS[0])
    centers = (lax.broadcasted_iota(_i32, (1, _NUM_RBF), 1).astype(_f32)
               * step)
    radial = jnp.exp(-_GAMMA * (d - centers) ** 2)
    etf = et_ref[...].astype(_f32)
    x = (prea_ref[...] + preb_ref[...] + aux_ref[0:1, :]
         + etf * aux_ref[1:2, :] + d * aux_ref[2:3, :]
         + jnp.dot(radial, wrt_ref[...], preferred_element_type=_f32))
    x = _silu(x)
    out_ref[...] = _silu(
        jnp.dot(x, w2t_ref[...], preferred_element_type=_f32)
        + aux_ref[3:4, :])


def _kmsg(prea, preb, d2col, et2, wrt, w2t, aux):
    g = _E // _BE
    blk = pl.BlockSpec((_BE, _H), lambda i: (i, 0))
    blk1 = pl.BlockSpec((_BE, 1), lambda i: (i, 0))
    full = lambda shape: pl.BlockSpec(shape, lambda i: (0, 0))
    return pl.pallas_call(
        _msg_body,
        grid=(g,),
        in_specs=[blk, blk, blk1, blk1, full((_NUM_RBF, _H)), full((_H, _H)),
                  full((8, _H))],
        out_specs=blk,
        out_shape=jax.ShapeDtypeStruct((_E, _H), _f32),
    )(prea, preb, d2col, et2, wrt, w2t, aux)


def _upd_body(h_ref, p0_ref, p1_ref, c0_ref, c1_ref, nt_ref, wht_ref,
              wat_ref, w2t_ref, aux_ref, out_ref):
    h = h_ref[...]
    cnt = c0_ref[...][:, 0:1] + c1_ref[...][:, 0:1]
    agg = (p0_ref[...] + p1_ref[...]) / jnp.maximum(cnt, 1.0)
    u = _silu(jnp.dot(h, wht_ref[...], preferred_element_type=_f32)
              + jnp.dot(agg, wat_ref[...], preferred_element_type=_f32)
              + aux_ref[0:1, :])
    upd = jnp.dot(u, w2t_ref[...], preferred_element_type=_f32) + aux_ref[1:2, :]
    y = _ln(h + upd, aux_ref[2:3, :], aux_ref[3:4, :])
    out_ref[...] = jnp.where(nt_ref[...] == 1, y, h)


def _kupd(h, p0, p1, c0, c1, nt2, wht, wat, w2t, aux):
    g = _N // _BN
    blk = pl.BlockSpec((_BN, _H), lambda i: (i, 0))
    blk1 = pl.BlockSpec((_BN, 1), lambda i: (i, 0))
    full = lambda shape: pl.BlockSpec(shape, lambda i: (0, 0))
    return pl.pallas_call(
        _upd_body,
        grid=(g,),
        in_specs=[blk, blk, blk, blk, blk, blk1, full((_H, _H)),
                  full((_H, _H)), full((_H, _H)), full((8, _H))],
        out_specs=blk,
        out_shape=jax.ShapeDtypeStruct((_N, _H), _f32),
    )(h, p0, p1, c0, c1, nt2, wht, wat, w2t, aux)


def _pool_body(h_ref, nt_ref, bt_ref, gsum_ref, gcnt_ref):
    i = pl.program_id(0)

    @pl.when(i == 0)
    def _():
        gsum_ref[...] = jnp.zeros_like(gsum_ref)
        gcnt_ref[...] = jnp.zeros_like(gcnt_ref)

    maskf = (nt_ref[...] == 1).astype(_f32)
    hm = h_ref[...] * maskf
    laneb = lax.broadcasted_iota(_i32, (_BN, _B), 1)
    ohb = (laneb == bt_ref[...]).astype(_f32)
    gsum_ref[...] += lax.dot_general(ohb, hm, (((0,), (0,)), ((), ())),
                                     preferred_element_type=_f32)
    gcnt_ref[...] += lax.dot_general(ohb, maskf, (((0,), (0,)), ((), ())),
                                     preferred_element_type=_f32)


def _kpool(h, nt2, bt2):
    g = _N // _BN
    blk = pl.BlockSpec((_BN, _H), lambda i: (i, 0))
    blk1 = pl.BlockSpec((_BN, 1), lambda i: (i, 0))
    return pl.pallas_call(
        _pool_body,
        grid=(g,),
        in_specs=[blk, blk1, blk1],
        out_specs=[pl.BlockSpec((_B, _H), lambda i: (0, 0)),
                   pl.BlockSpec((_B, 1), lambda i: (0, 0))],
        out_shape=[jax.ShapeDtypeStruct((_B, _H), _f32),
                   jax.ShapeDtypeStruct((_B, 1), _f32)],
    )(h, nt2, bt2)


def _fin_body(gsum_ref, gcnt_ref, w1t_ref, aux_ref, out_ref):
    gfeat = gsum_ref[...] / jnp.maximum(gcnt_ref[...], 1.0)
    u = _silu(jnp.dot(gfeat, w1t_ref[...], preferred_element_type=_f32)
              + aux_ref[0:1, :])
    prod = u * aux_ref[1:2, :] + aux_ref[2:3, :] * (1.0 / _H)
    out_ref[...] = jnp.sum(prod, axis=1, keepdims=True)


def _kfin(gsum, gcnt, w1t, aux):
    return pl.pallas_call(
        _fin_body,
        out_shape=jax.ShapeDtypeStruct((_B, 1), _f32),
    )(gsum, gcnt, w1t, aux)



def _worker_id():
    return lax.axis_index("s") * _NC + lax.axis_index("c")


def _d2_body(a_ref, b_ref, out_ref):
    df = a_ref[...] - b_ref[...]
    out_ref[...] = jnp.sum(df * df, axis=1, keepdims=True)


def _kd2(ga, gb):
    g = _E // _BE
    blk = pl.BlockSpec((_BE, _H), lambda i: (i, 0))
    return pl.pallas_call(
        _d2_body,
        grid=(g,),
        in_specs=[blk, blk],
        out_specs=pl.BlockSpec((_BE, 1), lambda i: (i, 0)),
        out_shape=jax.ShapeDtypeStruct((_E, 1), _f32),
    )(ga, gb)


def _sc_prep(px, py, pz, src, dst, zeros_nh):
    p128 = jnp.zeros((_N, _H), _f32)
    p128 = p128.at[:, 0].set(px).at[:, 1].set(py).at[:, 2].set(pz)
    ga, gb = _build_sc_gather(_H)(p128, p128, src, dst)
    d2col = _kd2(ga, gb)
    cnt = _build_sc_scatter(_H)(jnp.ones((_E, _H), _f32), dst, zeros_nh)
    return d2col, cnt


@functools.cache
def _build_sc_gather(width):
    mesh = plsc.VectorSubcoreMesh(core_axis_name="c", subcore_axis_name="s")

    @functools.partial(
        pl.kernel,
        mesh=mesh,
        compiler_params=pltpu.CompilerParams(needs_layout_passes=False),
        out_type=[jax.ShapeDtypeStruct((_E, width), _f32),
                  jax.ShapeDtypeStruct((_E, width), _f32)],
        scratch_types=[pltpu.VMEM((_KG,), _i32),
                       pltpu.VMEM((_KG,), _i32),
                       pltpu.VMEM((_KG,), _i32),
                       pltpu.VMEM((_KG,), _i32),
                       pltpu.VMEM((_KG, width), _f32),
                       pltpu.VMEM((_KG, width), _f32),
                       pltpu.VMEM((_KG, width), _f32),
                       pltpu.VMEM((_KG, width), _f32)]
                      + [pltpu.SemaphoreType.DMA] * 8,
    )
    def body(hs_hbm, hd_hbm, src_hbm, dst_hbm, outa_hbm, outb_hbm,
             isv0, idv0, isv1, idv1, bufa0, bufb0, bufa1, bufb1,
             sa0, sb0, sa1, sb1, swa0, swb0, swa1, swb1):
        base0 = _worker_id() * _PER_W

        def pair(p, _):
            be = base0 + (2 * p) * _KG
            bo = be + _KG
            pltpu.sync_copy(src_hbm.at[pl.ds(be, _KG)], isv0)
            pltpu.sync_copy(dst_hbm.at[pl.ds(be, _KG)], idv0)
            pltpu.sync_copy(src_hbm.at[pl.ds(bo, _KG)], isv1)
            pltpu.sync_copy(dst_hbm.at[pl.ds(bo, _KG)], idv1)
            ga0 = pltpu.async_copy(hs_hbm.at[isv0], bufa0, sa0)
            gb0 = pltpu.async_copy(hd_hbm.at[idv0], bufb0, sb0)
            ga1 = pltpu.async_copy(hs_hbm.at[isv1], bufa1, sa1)
            gb1 = pltpu.async_copy(hd_hbm.at[idv1], bufb1, sb1)
            ga0.wait()
            gb0.wait()
            wa0 = pltpu.async_copy(bufa0, outa_hbm.at[pl.ds(be, _KG)], swa0)
            wb0 = pltpu.async_copy(bufb0, outb_hbm.at[pl.ds(be, _KG)], swb0)
            ga1.wait()
            gb1.wait()
            wa1 = pltpu.async_copy(bufa1, outa_hbm.at[pl.ds(bo, _KG)], swa1)
            wb1 = pltpu.async_copy(bufb1, outb_hbm.at[pl.ds(bo, _KG)], swb1)
            wa0.wait()
            wb0.wait()
            wa1.wait()
            wb1.wait()
            return 0

        lax.fori_loop(0, _PER_W // (2 * _KG), pair, 0)

    return body


def _sc_gather(hs, hd, src, dst):
    return _build_sc_gather(_H)(hs, hd, src, dst)


@functools.cache
def _build_sc_scatter(width):
    mesh = plsc.VectorSubcoreMesh(core_axis_name="c", subcore_axis_name="s")

    @functools.partial(
        pl.kernel,
        mesh=mesh,
        compiler_params=pltpu.CompilerParams(needs_layout_passes=False),
        out_type=jax.ShapeDtypeStruct((_NC, _NPAD, width), _f32),
        scratch_types=[pltpu.VMEM((_KG,), _i32),
                       pltpu.VMEM((_KG,), _i32),
                       pltpu.VMEM((_KG, width), _f32),
                       pltpu.VMEM((_KG, width), _f32),
                       pltpu.VMEM_SHARED((_NPAD, width), _f32)]
                      + [pltpu.SemaphoreType.DMA] * 4,
    )
    def body(msg_hbm, dst_hbm, zeros_hbm, out_hbm,
             idv0, idv1, mbuf0, mbuf1, sums, sl0, sl1, ss0, ss1):
        cid = lax.axis_index("c")
        sid = lax.axis_index("s")
        wid = sid * _NC + cid
        base0 = wid * _PER_W

        pltpu.sync_copy(zeros_hbm.at[pl.ds(sid * _RPT, _RPT)],
                        sums.at[pl.ds(sid * _RPT, _RPT)])
        plsc.subcore_barrier()

        def pair(p, _):
            be = base0 + (2 * p) * _KG
            bo = be + _KG
            pltpu.sync_copy(dst_hbm.at[pl.ds(be, _KG)], idv0)
            l0 = pltpu.async_copy(msg_hbm.at[pl.ds(be, _KG)], mbuf0, sl0)
            pltpu.sync_copy(dst_hbm.at[pl.ds(bo, _KG)], idv1)
            l1 = pltpu.async_copy(msg_hbm.at[pl.ds(bo, _KG)], mbuf1, sl1)
            l0.wait()
            s0 = pltpu.async_copy(mbuf0, sums.at[idv0], ss0, add=True)
            l1.wait()
            s1 = pltpu.async_copy(mbuf1, sums.at[idv1], ss1, add=True)
            s0.wait()
            s1.wait()
            return 0

        lax.fori_loop(0, _PER_W // (2 * _KG), pair, 0)
        plsc.subcore_barrier()
        pltpu.sync_copy(sums.at[pl.ds(sid * _RPT, _RPT)],
                        out_hbm.at[cid, pl.ds(sid * _RPT, _RPT)])

    return body


def _sc_scatter(msg, dst, zeros_nh):
    return _build_sc_scatter(_H)(msg, dst, zeros_nh)



def _pad8(rows):
    out = jnp.zeros((8, _H), _f32)
    for r, v in enumerate(rows):
        out = out.at[r].set(v)
    return out


def kernel(z, node_type, pos, edge_index, edge_type, t, batch, batch_size,
           params):
    del batch_size
    z2 = jnp.clip(z, 0, 127).astype(_i32).reshape(_N, 1)
    nt2 = node_type.astype(_i32).reshape(_N, 1)
    bt2 = batch.astype(_i32).reshape(_N, 1)
    src = edge_index[0].astype(_i32)
    dst = edge_index[1].astype(_i32)
    et2 = edge_type.astype(_i32).reshape(_E, 1)
    posT = jnp.transpose(pos.astype(_f32))

    time_aux = _pad8([params["time_l1"]["b"], params["time_l2"]["b"]])
    tf = _ktime(t.astype(_f32).reshape(_B, 1),
                jnp.transpose(params["time_l1"]["w"]),
                jnp.transpose(params["time_l2"]["w"]), time_aux)

    nte = params["ntype_emb"]
    node_aux = _pad8([nte[0], nte[1] - nte[0],
                      params["in_ln_g"], params["in_ln_b"]])
    h = _knode(z2, nt2, bt2, params["atom_emb"], tf, node_aux)

    zeros_nh = jnp.zeros((_NPAD, _H), _f32)
    d2col, cnt = _sc_prep(posT[0], posT[1], posT[2], src, dst, zeros_nh)
    c0, c1 = cnt[0], cnt[1]

    for lp in params["layers"]:
        w1t = jnp.transpose(lp["msg_l1"]["w"])
        wst, wdt = w1t[0:_H], w1t[_H:2 * _H]
        wet, wrt = w1t[2 * _H:3 * _H], w1t[3 * _H:3 * _H + _NUM_RBF]
        wdist_row = w1t[3 * _H + _NUM_RBF]
        row0 = lp["etype_emb"][0] @ wet
        row1 = lp["etype_emb"][1] @ wet
        msg_aux = _pad8([row0 + lp["msg_l1"]["b"], row1 - row0, wdist_row,
                         lp["msg_l2"]["b"]])
        upd_aux = _pad8([lp["upd_l1"]["b"], lp["upd_l2"]["b"],
                         lp["ln_g"], lp["ln_b"]])
        wu1t = jnp.transpose(lp["upd_l1"]["w"])

        hs, hd = _kproj(h, wst, wdt)
        prea, preb = _sc_gather(hs, hd, src, dst)
        msg = _kmsg(prea, preb, d2col, et2, wrt,
                    jnp.transpose(lp["msg_l2"]["w"]), msg_aux)
        part = _sc_scatter(msg, dst, zeros_nh)
        h = _kupd(h, part[0], part[1], c0, c1, nt2,
                  wu1t[0:_H], wu1t[_H:2 * _H],
                  jnp.transpose(lp["upd_l2"]["w"]), upd_aux)

    gsum, gcnt = _kpool(h, nt2, bt2)
    fin_aux = _pad8([params["head_l1"]["b"], params["head_l2"]["w"][0],
                     jnp.full((_H,), params["head_l2"]["b"][0])])
    out = _kfin(gsum, gcnt, jnp.transpose(params["head_l1"]["w"]), fin_aux)
    return out.reshape(_B)

# --- scband reference (transcript-rebuilt; emitter-appended) ---
"""Pipeline reference for scband-ligand-context-surrogate-model-23802708755006 (READ-ONLY COPY).

The authoritative reference and input builder live on the scoring server;
editing this copy changes nothing except your own understanding.
"""

import jax, jax.numpy as jnp
import numpy as np

N = 10000
E = 320000
H = 128
B = 64
NUM_LAYERS = 4
NUM_RBF = 32
CUTOFF = 6.0
TDIM = 64
MAXZ = 128
LIGAND_NODE = 1


def _lin_init(key, out_d, in_d):
    k1, _ = jax.random.split(key)
    return {"w": jax.random.normal(k1, (out_d, in_d), dtype=jnp.float32) * 0.02,
            "b": jnp.zeros((out_d,), dtype=jnp.float32)}


def _lin(p, x):
    return x @ p["w"].T + p["b"]


def _layer_norm(x, g, b):
    m = jnp.mean(x, axis=-1, keepdims=True)
    v = jnp.mean((x - m) ** 2, axis=-1, keepdims=True)
    return (x - m) / jnp.sqrt(v + 1e-5) * g + b


def _sinusoidal(t, dim):
    half = dim // 2
    emb = jnp.log(10000.0) / (half - 1)
    freqs = jnp.exp(-emb * jnp.arange(half, dtype=jnp.float32))
    args = t[:, None] * freqs[None, :]
    return jnp.concatenate([jnp.sin(args), jnp.cos(args)], axis=-1)


def _make_params(key):
    ks = jax.random.split(key, 8 + NUM_LAYERS)
    params = {
        "atom_emb": jax.random.normal(ks[0], (MAXZ, H), dtype=jnp.float32) * 0.02,
        "ntype_emb": jax.random.normal(ks[1], (2, H), dtype=jnp.float32) * 0.02,
        "in_ln_g": jnp.ones((H,), jnp.float32),
        "in_ln_b": jnp.zeros((H,), jnp.float32),
        "time_l1": _lin_init(ks[2], H, TDIM),
        "time_l2": _lin_init(ks[3], H, H),
        "head_l1": _lin_init(ks[4], H, H),
        "head_l2": _lin_init(ks[5], 1, H),
        "layers": [],
    }
    for i in range(NUM_LAYERS):
        lk = jax.random.split(ks[8 + i], 5)
        params["layers"].append({
            "etype_emb": jax.random.normal(lk[0], (2, H), dtype=jnp.float32) * 0.02,
            "msg_l1": _lin_init(lk[1], H, 3 * H + NUM_RBF + 1),
            "msg_l2": _lin_init(lk[2], H, H),
            "upd_l1": _lin_init(lk[3], H, 2 * H),
            "upd_l2": _lin_init(lk[4], H, H),
            "ln_g": jnp.ones((H,), jnp.float32),
            "ln_b": jnp.zeros((H,), jnp.float32),
        })
    return params


def setup_inputs(seed: int = 0):
    key = jax.random.key(seed)
    ks = jax.random.split(key, 10)
    return {
        "z": jax.random.randint(ks[0], (N,), 0, MAXZ),
        "node_type": jax.random.randint(ks[1], (N,), 0, 2),
        "pos": jax.random.normal(ks[2], (N, 3), dtype=jnp.float32),
        "edge_index": jax.random.randint(ks[3], (2, E), 0, N),
        "edge_type": jax.random.randint(ks[4], (E,), 0, 2),
        "t": jax.random.uniform(ks[5], (B,), dtype=jnp.float32),
        "batch": jnp.sort(jax.random.randint(ks[6], (N,), 0, B)),
        "batch_size": B,
        "params": _make_params(ks[7]),
    }


def _forward(pos, t, params, z, node_type, edge_index, edge_type, batch, batch_size):
    centers = jnp.linspace(0.0, CUTOFF, NUM_RBF)
    step = centers[1] - centers[0]
    gamma = 1.0 / jnp.maximum(step * step, 1e-6)
    clamped_z = jnp.clip(z, 0, MAXZ - 1)
    h = params["atom_emb"][clamped_z] + params["ntype_emb"][node_type]
    tf = _sinusoidal(t.astype(jnp.float32), TDIM)
    tf = _lin(params["time_l2"], jax.nn.silu(_lin(params["time_l1"], tf)))
    h = h + tf[batch]
    h = _layer_norm(h, params["in_ln_g"], params["in_ln_b"])
    src = edge_index[0]
    dst = edge_index[1]
    num_nodes = h.shape[0]
    lig_mask = (node_type == LIGAND_NODE)
    for lp in params["layers"]:
        rel = pos[src] - pos[dst]
        dist = jnp.linalg.norm(rel, axis=-1)
        radial = jnp.exp(-gamma * (dist[:, None] - centers[None, :]) ** 2)
        edge_kind = lp["etype_emb"][edge_type]
        m_in = jnp.concatenate([h[src], h[dst], edge_kind, radial, dist[:, None]], axis=-1)
        messages = jax.nn.silu(_lin(lp["msg_l2"], jax.nn.silu(_lin(lp["msg_l1"], m_in))))
        sums = jax.ops.segment_sum(messages, dst, num_segments=num_nodes)
        counts = jax.ops.segment_sum(jnp.ones((messages.shape[0],), jnp.float32), dst, num_segments=num_nodes)
        counts = jnp.clip(counts, 1.0, None)
        aggregated = sums / counts[:, None]
        update = _lin(lp["upd_l2"], jax.nn.silu(_lin(lp["upd_l1"], jnp.concatenate([h, aggregated], axis=-1))))
        normed = _layer_norm(h + update, lp["ln_g"], lp["ln_b"])
        h = jnp.where(lig_mask[:, None], normed, h)
    maskf = lig_mask.astype(jnp.float32)
    num_graphs = t.shape[0]
    batch_used = batch + jnp.asarray(batch_size, batch.dtype) * 0
    gsum = jax.ops.segment_sum(h * maskf[:, None], batch_used, num_segments=num_graphs)
    gcnt = jnp.clip(jax.ops.segment_sum(maskf, batch_used, num_segments=num_graphs), 1.0, None)
    gfeat = gsum / gcnt[:, None]
    out = _lin(params["head_l2"], jax.nn.silu(_lin(params["head_l1"], gfeat)))
    return jnp.squeeze(out, -1)


def reference(z, node_type, pos, edge_index, edge_type, t, batch, batch_size, params):
    return _forward(pos, t, params, z, node_type, edge_index, edge_type, batch, batch_size)

if __name__ == "__main__":
    import jax
    _d = setup_inputs()
    print(jax.jit(kernel)(*tuple(_d.values())))

</pallas_src>

<mosaic_0001>
#map = affine_map<(d0, d1) -> (0, 0)>
#map1 = affine_map<(d0, d1) -> (0)>
module attributes {stable_mosaic.version = 14 : i64} {
  func.func @body(%arg0: i32, %arg1: i32, %arg2: memref<10000x128xf32, #tpu.memory_space<hbm>>, %arg3: memref<10000x128xf32, #tpu.memory_space<hbm>>, %arg4: memref<320000xi32, #tpu.memory_space<hbm>>, %arg5: memref<320000xi32, #tpu.memory_space<hbm>>, %arg6: memref<320000x128xf32, #tpu.memory_space<hbm>>, %arg7: memref<320000x128xf32, #tpu.memory_space<hbm>>, %arg8: memref<40xi32, #tpu.memory_space<vmem>>, %arg9: memref<40xi32, #tpu.memory_space<vmem>>, %arg10: memref<40xi32, #tpu.memory_space<vmem>>, %arg11: memref<40xi32, #tpu.memory_space<vmem>>, %arg12: memref<40x128xf32, #tpu.memory_space<vmem>>, %arg13: memref<40x128xf32, #tpu.memory_space<vmem>>, %arg14: memref<40x128xf32, #tpu.memory_space<vmem>>, %arg15: memref<40x128xf32, #tpu.memory_space<vmem>>, %arg16: memref<!tpu.dma_semaphore, #tpu.memory_space<semaphore_mem>>, %arg17: memref<!tpu.dma_semaphore, #tpu.memory_space<semaphore_mem>>, %arg18: memref<!tpu.dma_semaphore, #tpu.memory_space<semaphore_mem>>, %arg19: memref<!tpu.dma_semaphore, #tpu.memory_space<semaphore_mem>>, %arg20: memref<!tpu.dma_semaphore, #tpu.memory_space<semaphore_mem>>, %arg21: memref<!tpu.dma_semaphore, #tpu.memory_space<semaphore_mem>>, %arg22: memref<!tpu.dma_semaphore, #tpu.memory_space<semaphore_mem>>, %arg23: memref<!tpu.dma_semaphore, #tpu.memory_space<semaphore_mem>>) attributes {dimension_semantics = [#tpu.dimension_semantics<core_parallel>, #tpu.dimension_semantics<subcore_parallel>], iteration_bounds = array<i64: 2, 16>, scalar_prefetch = 0 : i64, scratch_operands = 16 : i64, tpu.core_type = #tpu.core_type<sc_vector_subcore>, window_params = [{transform_indices = #map}, {transform_indices = #map}, {transform_indices = #map1}, {transform_indices = #map1}, {transform_indices = #map}, {transform_indices = #map}]} {
    %mul3A = arith.constant 2 : i32
    %mul3A_0 = arith.muli %arg1, %mul3A : i32
    %add3A = arith.addi %mul3A_0, %arg0 : i32
    %mul3A_1 = arith.constant 10000 : i32
    %mul3A_2 = arith.muli %add3A, %mul3A_1 : i32
    %scan3A = arith.constant 0 : i32
    %scan3A_3 = arith.constant 0 : i32
    %scan3A_4 = arith.constant 125 : i32
    %scan3A_5 = arith.addi %scan3A_3, %scan3A_4 : i32
    %scan3A_6 = arith.constant 1 : i32
    %scan3A_7 = scf.for %scan3A_9 = %scan3A_3 to %scan3A_5 step %scan3A_6 iter_args(%scan3A_10 = %scan3A) -> (i32)  : i32 {
      %mul3A_11 = arith.constant 2 : i32
      %mul3A_12 = arith.muli %mul3A_11, %scan3A_9 : i32
      %mul3A_13 = arith.constant 40 : i32
      %mul3A_14 = arith.muli %mul3A_12, %mul3A_13 : i32
      %add3A_15 = arith.addi %mul3A_2, %mul3A_14 : i32
      %add3A_16 = arith.constant 40 : i32
      %add3A_17 = arith.addi %add3A_15, %add3A_16 : i32
      "tpu.region"() ({
        %run_scoped3A = tpu.sem_alloc : memref<!tpu.dma_semaphore, #tpu.memory_space<semaphore_mem>>
        %dma_start3A_73 = tpu.memref_slice %arg4[%add3A_15] : memref<320000xi32, #tpu.memory_space<hbm>> -> memref<40xi32, #tpu.memory_space<hbm>>
        %dma_start3A_74 = tpu.memref_slice %arg4[%add3A_15] : memref<320000xi32, #tpu.memory_space<hbm>> -> memref<40xi32, #tpu.memory_space<hbm>>
        tpu.enqueue_dma source(%dma_start3A_74 : memref<40xi32, #tpu.memory_space<hbm>>) target(%arg8 : memref<40xi32, #tpu.memory_space<vmem>>) target_semaphore(%run_scoped3A : memref<!tpu.dma_semaphore, #tpu.memory_space<semaphore_mem>>)
        %dma_wait3A_75 = tpu.memref_slice %arg4[%add3A_15] : memref<320000xi32, #tpu.memory_space<hbm>> -> memref<40xi32, #tpu.memory_space<hbm>>
        %dma_wait3A_76 = tpu.memref_slice %arg4[%add3A_15] : memref<320000xi32, #tpu.memory_space<hbm>> -> memref<40xi32, #tpu.memory_space<hbm>>
        tpu.wait_dma2 semaphore(%run_scoped3A : memref<!tpu.dma_semaphore, #tpu.memory_space<semaphore_mem>>) src(%dma_wait3A_76 : memref<40xi32, #tpu.memory_space<hbm>>) dst(%arg8 : memref<40xi32, #tpu.memory_space<vmem>>)
        tpu.yield
      }) : () -> ()
      "tpu.region"() ({
        %run_scoped3A = tpu.sem_alloc : memref<!tpu.dma_semaphore, #tpu.memory_space<semaphore_mem>>
        %dma_start3A_73 = tpu.memref_slice %arg5[%add3A_15] : memref<320000xi32, #tpu.memory_space<hbm>> -> memref<40xi32, #tpu.memory_space<hbm>>
        %dma_start3A_74 = tpu.memref_slice %arg5[%add3A_15] : memref<320000xi32, #tpu.memory_space<hbm>> -> memref<40xi32, #tpu.memory_space<hbm>>
        tpu.enqueue_dma source(%dma_start3A_74 : memref<40xi32, #tpu.memory_space<hbm>>) target(%arg9 : memref<40xi32, #tpu.memory_space<vmem>>) target_semaphore(%run_scoped3A : memref<!tpu.dma_semaphore, #tpu.memory_space<semaphore_mem>>)
        %dma_wait3A_75 = tpu.memref_slice %arg5[%add3A_15] : memref<320000xi32, #tpu.memory_space<hbm>> -> memref<40xi32, #tpu.memory_space<hbm>>
        %dma_wait3A_76 = tpu.memref_slice %arg5[%add3A_15] : memref<320000xi32, #tpu.memory_space<hbm>> -> memref<40xi32, #tpu.memory_space<hbm>>
        tpu.wait_dma2 semaphore(%run_scoped3A : memref<!tpu.dma_semaphore, #tpu.memory_space<semaphore_mem>>) src(%dma_wait3A_76 : memref<40xi32, #tpu.memory_space<hbm>>) dst(%arg9 : memref<40xi32, #tpu.memory_space<vmem>>)
        tpu.yield
      }) : () -> ()
      "tpu.region"() ({
        %run_scoped3A = tpu.sem_alloc : memref<!tpu.dma_semaphore, #tpu.memory_space<semaphore_mem>>
        %dma_start3A_73 = tpu.memref_slice %arg4[%add3A_17] : memref<320000xi32, #tpu.memory_space<hbm>> -> memref<40xi32, #tpu.memory_space<hbm>>
        %dma_start3A_74 = tpu.memref_slice %arg4[%add3A_17] : memref<320000xi32, #tpu.memory_space<hbm>> -> memref<40xi32, #tpu.memory_space<hbm>>
        tpu.enqueue_dma source(%dma_start3A_74 : memref<40xi32, #tpu.memory_space<hbm>>) target(%arg10 : memref<40xi32, #tpu.memory_space<vmem>>) target_semaphore(%run_scoped3A : memref<!tpu.dma_semaphore, #tpu.memory_space<semaphore_mem>>)
        %dma_wait3A_75 = tpu.memref_slice %arg4[%add3A_17] : memref<320000xi32, #tpu.memory_space<hbm>> -> memref<40xi32, #tpu.memory_space<hbm>>
        %dma_wait3A_76 = tpu.memref_slice %arg4[%add3A_17] : memref<320000xi32, #tpu.memory_space<hbm>> -> memref<40xi32, #tpu.memory_space<hbm>>
        tpu.wait_dma2 semaphore(%run_scoped3A : memref<!tpu.dma_semaphore, #tpu.memory_space<semaphore_mem>>) src(%dma_wait3A_76 : memref<40xi32, #tpu.memory_space<hbm>>) dst(%arg10 : memref<40xi32, #tpu.memory_space<vmem>>)
        tpu.yield
      }) : () -> ()
      "tpu.region"() ({
        %run_scoped3A = tpu.sem_alloc : memref<!tpu.dma_semaphore, #tpu.memory_space<semaphore_mem>>
        %dma_start3A_73 = tpu.memref_slice %arg5[%add3A_17] : memref<320000xi32, #tpu.memory_space<hbm>> -> memref<40xi32, #tpu.memory_space<hbm>>
        %dma_start3A_74 = tpu.memref_slice %arg5[%add3A_17] : memref<320000xi32, #tpu.memory_space<hbm>> -> memref<40xi32, #tpu.memory_space<hbm>>
        tpu.enqueue_dma source(%dma_start3A_74 : memref<40xi32, #tpu.memory_space<hbm>>) target(%arg11 : memref<40xi32, #tpu.memory_space<vmem>>) target_semaphore(%run_scoped3A : memref<!tpu.dma_semaphore, #tpu.memory_space<semaphore_mem>>)
        %dma_wait3A_75 = tpu.memref_slice %arg5[%add3A_17] : memref<320000xi32, #tpu.memory_space<hbm>> -> memref<40xi32, #tpu.memory_space<hbm>>
        %dma_wait3A_76 = tpu.memref_slice %arg5[%add3A_17] : memref<320000xi32, #tpu.memory_space<hbm>> -> memref<40xi32, #tpu.memory_space<hbm>>
        tpu.wait_dma2 semaphore(%run_scoped3A : memref<!tpu.dma_semaphore, #tpu.memory_space<semaphore_mem>>) src(%dma_wait3A_76 : memref<40xi32, #tpu.memory_space<hbm>>) dst(%arg11 : memref<40xi32, #tpu.memory_space<vmem>>)
        tpu.yield
      }) : () -> ()
      %dma_start3A = arith.constant 0 : i32
      %dma_start3A_18 = arith.constant 0 : i32
      %dma_start3A_19 = tpu.memref_slice %arg2[%dma_start3A, %dma_start3A_18] : memref<10000x128xf32, #tpu.memory_space<hbm>> -> memref<10000x128xf32, #tpu.memory_space<hbm>>
      tpu.enqueue_indirect_dma source(%dma_start3A_19 : memref<10000x128xf32, #tpu.memory_space<hbm>>) target(%arg12 : memref<40x128xf32, #tpu.memory_space<vmem>>) offsets(%arg8 : memref<40xi32, #tpu.memory_space<vmem>>) semaphore(%arg16 : memref<!tpu.dma_semaphore, #tpu.memory_space<semaphore_mem>>)
      %dma_start3A_20 = arith.constant 0 : i32
      %dma_start3A_21 = arith.constant 0 : i32
      %dma_start3A_22 = tpu.memref_slice %arg3[%dma_start3A_20, %dma_start3A_21] : memref<10000x128xf32, #tpu.memory_space<hbm>> -> memref<10000x128xf32, #tpu.memory_space<hbm>>
      tpu.enqueue_indirect_dma source(%dma_start3A_22 : memref<10000x128xf32, #tpu.memory_space<hbm>>) target(%arg13 : memref<40x128xf32, #tpu.memory_space<vmem>>) offsets(%arg9 : memref<40xi32, #tpu.memory_space<vmem>>) semaphore(%arg17 : memref<!tpu.dma_semaphore, #tpu.memory_space<semaphore_mem>>)
      %dma_start3A_23 = arith.constant 0 : i32
      %dma_start3A_24 = arith.constant 0 : i32
      %dma_start3A_25 = tpu.memref_slice %arg2[%dma_start3A_23, %dma_start3A_24] : memref<10000x128xf32, #tpu.memory_space<hbm>> -> memref<10000x128xf32, #tpu.memory_space<hbm>>
      tpu.enqueue_indirect_dma source(%dma_start3A_25 : memref<10000x128xf32, #tpu.memory_space<hbm>>) target(%arg14 : memref<40x128xf32, #tpu.memory_space<vmem>>) offsets(%arg10 : memref<40xi32, #tpu.memory_space<vmem>>) semaphore(%arg18 : memref<!tpu.dma_semaphore, #tpu.memory_space<semaphore_mem>>)
      %dma_start3A_26 = arith.constant 0 : i32
      %dma_start3A_27 = arith.constant 0 : i32
      %dma_start3A_28 = tpu.memref_slice %arg3[%dma_start3A_26, %dma_start3A_27] : memref<10000x128xf32, #tpu.memory_space<hbm>> -> memref<10000x128xf32, #tpu.memory_space<hbm>>
      tpu.enqueue_indirect_dma source(%dma_start3A_28 : memref<10000x128xf32, #tpu.memory_space<hbm>>) target(%arg15 : memref<40x128xf32, #tpu.memory_space<vmem>>) offsets(%arg11 : memref<40xi32, #tpu.memory_space<vmem>>) semaphore(%arg19 : memref<!tpu.dma_semaphore, #tpu.memory_space<semaphore_mem>>)
      %dma_wait3A = arith.constant 0 : i32
      %dma_wait3A_29 = arith.constant 0 : i32
      %dma_wait3A_30 = tpu.memref_slice %arg2[%dma_wait3A, %dma_wait3A_29] : memref<10000x128xf32, #tpu.memory_space<hbm>> -> memref<10000x128xf32, #tpu.memory_space<hbm>>
      tpu.wait_indirect_dma semaphore(%arg16 : memref<!tpu.dma_semaphore, #tpu.memory_space<semaphore_mem>>) src(%dma_wait3A_30 : memref<10000x128xf32, #tpu.memory_space<hbm>>) dst(%arg12 : memref<40x128xf32, #tpu.memory_space<vmem>>)
      %dma_wait3A_31 = arith.constant 0 : i32
      %dma_wait3A_32 = arith.constant 0 : i32
      %dma_wait3A_33 = tpu.memref_slice %arg3[%dma_wait3A_31, %dma_wait3A_32] : memref<10000x128xf32, #tpu.memory_space<hbm>> -> memref<10000x128xf32, #tpu.memory_space<hbm>>
      tpu.wait_indirect_dma semaphore(%arg17 : memref<!tpu.dma_semaphore, #tpu.memory_space<semaphore_mem>>) src(%dma_wait3A_33 : memref<10000x128xf32, #tpu.memory_space<hbm>>) dst(%arg13 : memref<40x128xf32, #tpu.memory_space<vmem>>)
      %dma_start3A_34 = arith.constant 0 : i32
      %dma_start3A_35 = tpu.memref_slice %arg6[%add3A_15, %dma_start3A_34] : memref<320000x128xf32, #tpu.memory_space<hbm>> -> memref<40x128xf32, #tpu.memory_space<hbm>>
      %dma_start3A_36 = arith.constant 0 : i32
      %dma_start3A_37 = tpu.memref_slice %arg6[%add3A_15, %dma_start3A_36] : memref<320000x128xf32, #tpu.memory_space<hbm>> -> memref<40x128xf32, #tpu.memory_space<hbm>>
      tpu.enqueue_dma source(%arg12 : memref<40x128xf32, #tpu.memory_space<vmem>>) target(%dma_start3A_37 : memref<40x128xf32, #tpu.memory_space<hbm>>) target_semaphore(%arg20 : memref<!tpu.dma_semaphore, #tpu.memory_space<semaphore_mem>>)
      %dma_start3A_38 = arith.constant 0 : i32
      %dma_start3A_39 = tpu.memref_slice %arg7[%add3A_15, %dma_start3A_38] : memref<320000x128xf32, #tpu.memory_space<hbm>> -> memref<40x128xf32, #tpu.memory_space<hbm>>
      %dma_start3A_40 = arith.constant 0 : i32
      %dma_start3A_41 = tpu.memref_slice %arg7[%add3A_15, %dma_start3A_40] : memref<320000x128xf32, #tpu.memory_space<hbm>> -> memref<40x128xf32, #tpu.memory_space<hbm>>
      tpu.enqueue_dma source(%arg13 : memref<40x128xf32, #tpu.memory_space<vmem>>) target(%dma_start3A_41 : memref<40x128xf32, #tpu.memory_space<hbm>>) target_semaphore(%arg21 : memref<!tpu.dma_semaphore, #tpu.memory_space<semaphore_mem>>)
      %dma_wait3A_42 = arith.constant 0 : i32
      %dma_wait3A_43 = arith.constant 0 : i32
      %dma_wait3A_44 = tpu.memref_slice %arg2[%dma_wait3A_42, %dma_wait3A_43] : memref<10000x128xf32, #tpu.memory_space<hbm>> -> memref<10000x128xf32, #tpu.memory_space<hbm>>
      tpu.wait_indirect_dma semaphore(%arg18 : memref<!tpu.dma_semaphore, #tpu.memory_space<semaphore_mem>>) src(%dma_wait3A_44 : memref<10000x128xf32, #tpu.memory_space<hbm>>) dst(%arg14 : memref<40x128xf32, #tpu.memory_space<vmem>>)
      %dma_wait3A_45 = arith.constant 0 : i32
      %dma_wait3A_46 = arith.constant 0 : i32
      %dma_wait3A_47 = tpu.memref_slice %arg3[%dma_wait3A_45, %dma_wait3A_46] : memref<10000x128xf32, #tpu.memory_space<hbm>> -> memref<10000x128xf32, #tpu.memory_space<hbm>>
      tpu.wait_indirect_dma semaphore(%arg19 : memref<!tpu.dma_semaphore, #tpu.memory_space<semaphore_mem>>) src(%dma_wait3A_47 : memref<10000x128xf32, #tpu.memory_space<hbm>>) dst(%arg15 : memref<40x128xf32, #tpu.memory_space<vmem>>)
      %dma_start3A_48 = arith.constant 0 : i32
      %dma_start3A_49 = tpu.memref_slice %arg6[%add3A_17, %dma_start3A_48] : memref<320000x128xf32, #tpu.memory_space<hbm>> -> memref<40x128xf32, #tpu.memory_space<hbm>>
      %dma_start3A_50 = arith.constant 0 : i32
      %dma_start3A_51 = tpu.memref_slice %arg6[%add3A_17, %dma_start3A_50] : memref<320000x128xf32, #tpu.memory_space<hbm>> -> memref<40x128xf32, #tpu.memory_space<hbm>>
      tpu.enqueue_dma source(%arg14 : memref<40x128xf32, #tpu.memory_space<vmem>>) target(%dma_start3A_51 : memref<40x128xf32, #tpu.memory_space<hbm>>) target_semaphore(%arg22 : memref<!tpu.dma_semaphore, #tpu.memory_space<semaphore_mem>>)
      %dma_start3A_52 = arith.constant 0 : i32
      %dma_start3A_53 = tpu.memref_slice %arg7[%add3A_17, %dma_start3A_52] : memref<320000x128xf32, #tpu.memory_space<hbm>> -> memref<40x128xf32, #tpu.memory_space<hbm>>
      %dma_start3A_54 = arith.constant 0 : i32
      %dma_start3A_55 = tpu.memref_slice %arg7[%add3A_17, %dma_start3A_54] : memref<320000x128xf32, #tpu.memory_space<hbm>> -> memref<40x128xf32, #tpu.memory_space<hbm>>
      tpu.enqueue_dma source(%arg15 : memref<40x128xf32, #tpu.memory_space<vmem>>) target(%dma_start3A_55 : memref<40x128xf32, #tpu.memory_space<hbm>>) target_semaphore(%arg23 : memref<!tpu.dma_semaphore, #tpu.memory_space<semaphore_mem>>)
      %dma_wait3A_56 = arith.constant 0 : i32
      %dma_wait3A_57 = tpu.memref_slice %arg6[%add3A_15, %dma_wait3A_56] : memref<320000x128xf32, #tpu.memory_space<hbm>> -> memref<40x128xf32, #tpu.memory_space<hbm>>
      %dma_wait3A_58 = arith.constant 0 : i32
      %dma_wait3A_59 = tpu.memref_slice %arg6[%add3A_15, %dma_wait3A_58] : memref<320000x128xf32, #tpu.memory_space<hbm>> -> memref<40x128xf32, #tpu.memory_space<hbm>>
      tpu.wait_dma2 semaphore(%arg20 : memref<!tpu.dma_semaphore, #tpu.memory_space<semaphore_mem>>) src(%arg12 : memref<40x128xf32, #tpu.memory_space<vmem>>) dst(%dma_wait3A_59 : memref<40x128xf32, #tpu.memory_space<hbm>>)
      %dma_wait3A_60 = arith.constant 0 : i32
      %dma_wait3A_61 = tpu.memref_slice %arg7[%add3A_15, %dma_wait3A_60] : memref<320000x128xf32, #tpu.memory_space<hbm>> -> memref<40x128xf32, #tpu.memory_space<hbm>>
      %dma_wait3A_62 = arith.constant 0 : i32
      %dma_wait3A_63 = tpu.memref_slice %arg7[%add3A_15, %dma_wait3A_62] : memref<320000x128xf32, #tpu.memory_space<hbm>> -> memref<40x128xf32, #tpu.memory_space<hbm>>
      tpu.wait_dma2 semaphore(%arg21 : memref<!tpu.dma_semaphore, #tpu.memory_space<semaphore_mem>>) src(%arg13 : memref<40x128xf32, #tpu.memory_space<vmem>>) dst(%dma_wait3A_63 : memref<40x128xf32, #tpu.memory_space<hbm>>)
      %dma_wait3A_64 = arith.constant 0 : i32
      %dma_wait3A_65 = tpu.memref_slice %arg6[%add3A_17, %dma_wait3A_64] : memref<320000x128xf32, #tpu.memory_space<hbm>> -> memref<40x128xf32, #tpu.memory_space<hbm>>
      %dma_wait3A_66 = arith.constant 0 : i32
      %dma_wait3A_67 = tpu.memref_slice %arg6[%add3A_17, %dma_wait3A_66] : memref<320000x128xf32, #tpu.memory_space<hbm>> -> memref<40x128xf32, #tpu.memory_space<hbm>>
      tpu.wait_dma2 semaphore(%arg22 : memref<!tpu.dma_semaphore, #tpu.memory_space<semaphore_mem>>) src(%arg14 : memref<40x128xf32, #tpu.memory_space<vmem>>) dst(%dma_wait3A_67 : memref<40x128xf32, #tpu.memory_space<hbm>>)
      %dma_wait3A_68 = arith.constant 0 : i32
      %dma_wait3A_69 = tpu.memref_slice %arg7[%add3A_17, %dma_wait3A_68] : memref<320000x128xf32, #tpu.memory_space<hbm>> -> memref<40x128xf32, #tpu.memory_space<hbm>>
      %dma_wait3A_70 = arith.constant 0 : i32
      %dma_wait3A_71 = tpu.memref_slice %arg7[%add3A_17, %dma_wait3A_70] : memref<320000x128xf32, #tpu.memory_space<hbm>> -> memref<40x128xf32, #tpu.memory_space<hbm>>
      tpu.wait_dma2 semaphore(%arg23 : memref<!tpu.dma_semaphore, #tpu.memory_space<semaphore_mem>>) src(%arg15 : memref<40x128xf32, #tpu.memory_space<vmem>>) dst(%dma_wait3A_71 : memref<40x128xf32, #tpu.memory_space<hbm>>)
      %scan3A_72 = arith.constant 0 : i32
      scf.yield %scan3A_72 : i32
    }
    %scan3A_8 = arith.constant 125 : i32
    return
  }
}

#map = affine_map<(d0, d1) -> (0, 0)>
#map1 = affine_map<(d0, d1) -> (0)>
#map2 = affine_map<(d0, d1) -> (0, 0, 0)>
module attributes {stable_mosaic.version = 14 : i64} {
  func.func @body(%arg0: i32, %arg1: i32, %arg2: memref<320000x128xf32, #tpu.memory_space<hbm>>, %arg3: memref<320000xi32, #tpu.memory_space<hbm>>, %arg4: memref<10240x128xf32, #tpu.memory_space<hbm>>, %arg5: memref<2x10240x128xf32, #tpu.memory_space<hbm>>, %arg6: memref<40xi32, #tpu.memory_space<vmem>>, %arg7: memref<40xi32, #tpu.memory_space<vmem>>, %arg8: memref<40x128xf32, #tpu.memory_space<vmem>>, %arg9: memref<40x128xf32, #tpu.memory_space<vmem>>, %arg10: memref<10240x128xf32, #tpu.memory_space<vmem_shared>>, %arg11: memref<!tpu.dma_semaphore, #tpu.memory_space<semaphore_mem>>, %arg12: memref<!tpu.dma_semaphore, #tpu.memory_space<semaphore_mem>>, %arg13: memref<!tpu.dma_semaphore, #tpu.memory_space<semaphore_mem>>, %arg14: memref<!tpu.dma_semaphore, #tpu.memory_space<semaphore_mem>>) attributes {dimension_semantics = [#tpu.dimension_semantics<core_parallel>, #tpu.dimension_semantics<subcore_parallel>], iteration_bounds = array<i64: 2, 16>, scalar_prefetch = 0 : i64, scratch_operands = 9 : i64, tpu.core_type = #tpu.core_type<sc_vector_subcore>, window_params = [{transform_indices = #map}, {transform_indices = #map1}, {transform_indices = #map}, {transform_indices = #map2}]} {
    %mul3A = arith.constant 2 : i32
    %mul3A_0 = arith.muli %arg1, %mul3A : i32
    %add3A = arith.addi %mul3A_0, %arg0 : i32
    %mul3A_1 = arith.constant 10000 : i32
    %mul3A_2 = arith.muli %add3A, %mul3A_1 : i32
    %mul3A_3 = arith.constant 640 : i32
    %mul3A_4 = arith.muli %arg1, %mul3A_3 : i32
    %mul3A_5 = arith.constant 640 : i32
    %mul3A_6 = arith.muli %arg1, %mul3A_5 : i32
    "tpu.region"() ({
      %run_scoped3A = tpu.sem_alloc : memref<!tpu.dma_semaphore, #tpu.memory_space<semaphore_mem>>
      %dma_start3A = arith.constant 0 : i32
      %dma_start3A_18 = tpu.memref_slice %arg10[%mul3A_6, %dma_start3A] : memref<10240x128xf32, #tpu.memory_space<vmem_shared>> -> memref<640x128xf32, #tpu.memory_space<vmem_shared>>
      %dma_start3A_19 = arith.constant 0 : i32
      %dma_start3A_20 = tpu.memref_slice %arg4[%mul3A_4, %dma_start3A_19] : memref<10240x128xf32, #tpu.memory_space<hbm>> -> memref<640x128xf32, #tpu.memory_space<hbm>>
      tpu.enqueue_dma source(%dma_start3A_20 : memref<640x128xf32, #tpu.memory_space<hbm>>) target(%dma_start3A_18 : memref<640x128xf32, #tpu.memory_space<vmem_shared>>) target_semaphore(%run_scoped3A : memref<!tpu.dma_semaphore, #tpu.memory_space<semaphore_mem>>)
      %dma_wait3A = arith.constant 0 : i32
      %dma_wait3A_21 = tpu.memref_slice %arg10[%mul3A_6, %dma_wait3A] : memref<10240x128xf32, #tpu.memory_space<vmem_shared>> -> memref<640x128xf32, #tpu.memory_space<vmem_shared>>
      %dma_wait3A_22 = arith.constant 0 : i32
      %dma_wait3A_23 = tpu.memref_slice %arg4[%mul3A_4, %dma_wait3A_22] : memref<10240x128xf32, #tpu.memory_space<hbm>> -> memref<640x128xf32, #tpu.memory_space<hbm>>
      tpu.wait_dma2 semaphore(%run_scoped3A : memref<!tpu.dma_semaphore, #tpu.memory_space<semaphore_mem>>) src(%dma_wait3A_23 : memref<640x128xf32, #tpu.memory_space<hbm>>) dst(%dma_wait3A_21 : memref<640x128xf32, #tpu.memory_space<vmem_shared>>)
      tpu.yield
    }) : () -> ()
    %barrier3A = arith.constant 0 : index
    tpu.barrier barrier_id(%barrier3A)
    %scan3A = arith.constant 0 : i32
    %scan3A_7 = arith.constant 0 : i32
    %scan3A_8 = arith.constant 125 : i32
    %scan3A_9 = arith.addi %scan3A_7, %scan3A_8 : i32
    %scan3A_10 = arith.constant 1 : i32
    %scan3A_11 = scf.for %scan3A_18 = %scan3A_7 to %scan3A_9 step %scan3A_10 iter_args(%scan3A_19 = %scan3A) -> (i32)  : i32 {
      %mul3A_20 = arith.constant 2 : i32
      %mul3A_21 = arith.muli %mul3A_20, %scan3A_18 : i32
      %mul3A_22 = arith.constant 40 : i32
      %mul3A_23 = arith.muli %mul3A_21, %mul3A_22 : i32
      %add3A_24 = arith.addi %mul3A_2, %mul3A_23 : i32
      %add3A_25 = arith.constant 40 : i32
      %add3A_26 = arith.addi %add3A_24, %add3A_25 : i32
      "tpu.region"() ({
        %run_scoped3A = tpu.sem_alloc : memref<!tpu.dma_semaphore, #tpu.memory_space<semaphore_mem>>
        %dma_start3A_54 = tpu.memref_slice %arg3[%add3A_24] : memref<320000xi32, #tpu.memory_space<hbm>> -> memref<40xi32, #tpu.memory_space<hbm>>
        %dma_start3A_55 = tpu.memref_slice %arg3[%add3A_24] : memref<320000xi32, #tpu.memory_space<hbm>> -> memref<40xi32, #tpu.memory_space<hbm>>
        tpu.enqueue_dma source(%dma_start3A_55 : memref<40xi32, #tpu.memory_space<hbm>>) target(%arg6 : memref<40xi32, #tpu.memory_space<vmem>>) target_semaphore(%run_scoped3A : memref<!tpu.dma_semaphore, #tpu.memory_space<semaphore_mem>>)
        %dma_wait3A_56 = tpu.memref_slice %arg3[%add3A_24] : memref<320000xi32, #tpu.memory_space<hbm>> -> memref<40xi32, #tpu.memory_space<hbm>>
        %dma_wait3A_57 = tpu.memref_slice %arg3[%add3A_24] : memref<320000xi32, #tpu.memory_space<hbm>> -> memref<40xi32, #tpu.memory_space<hbm>>
        tpu.wait_dma2 semaphore(%run_scoped3A : memref<!tpu.dma_semaphore, #tpu.memory_space<semaphore_mem>>) src(%dma_wait3A_57 : memref<40xi32, #tpu.memory_space<hbm>>) dst(%arg6 : memref<40xi32, #tpu.memory_space<vmem>>)
        tpu.yield
      }) : () -> ()
      %dma_start3A = arith.constant 0 : i32
      %dma_start3A_27 = tpu.memref_slice %arg2[%add3A_24, %dma_start3A] : memref<320000x128xf32, #tpu.memory_space<hbm>> -> memref<40x128xf32, #tpu.memory_space<hbm>>
      %dma_start3A_28 = arith.constant 0 : i32
      %dma_start3A_29 = tpu.memref_slice %arg2[%add3A_24, %dma_start3A_28] : memref<320000x128xf32, #tpu.memory_space<hbm>> -> memref<40x128xf32, #tpu.memory_space<hbm>>
      tpu.enqueue_dma source(%dma_start3A_29 : memref<40x128xf32, #tpu.memory_space<hbm>>) target(%arg8 : memref<40x128xf32, #tpu.memory_space<vmem>>) target_semaphore(%arg11 : memref<!tpu.dma_semaphore, #tpu.memory_space<semaphore_mem>>)
      "tpu.region"() ({
        %run_scoped3A = tpu.sem_alloc : memref<!tpu.dma_semaphore, #tpu.memory_space<semaphore_mem>>
        %dma_start3A_54 = tpu.memref_slice %arg3[%add3A_26] : memref<320000xi32, #tpu.memory_space<hbm>> -> memref<40xi32, #tpu.memory_space<hbm>>
        %dma_start3A_55 = tpu.memref_slice %arg3[%add3A_26] : memref<320000xi32, #tpu.memory_space<hbm>> -> memref<40xi32, #tpu.memory_space<hbm>>
        tpu.enqueue_dma source(%dma_start3A_55 : memref<40xi32, #tpu.memory_space<hbm>>) target(%arg7 : memref<40xi32, #tpu.memory_space<vmem>>) target_semaphore(%run_scoped3A : memref<!tpu.dma_semaphore, #tpu.memory_space<semaphore_mem>>)
        %dma_wait3A_56 = tpu.memref_slice %arg3[%add3A_26] : memref<320000xi32, #tpu.memory_space<hbm>> -> memref<40xi32, #tpu.memory_space<hbm>>
        %dma_wait3A_57 = tpu.memref_slice %arg3[%add3A_26] : memref<320000xi32, #tpu.memory_space<hbm>> -> memref<40xi32, #tpu.memory_space<hbm>>
        tpu.wait_dma2 semaphore(%run_scoped3A : memref<!tpu.dma_semaphore, #tpu.memory_space<semaphore_mem>>) src(%dma_wait3A_57 : memref<40xi32, #tpu.memory_space<hbm>>) dst(%arg7 : memref<40xi32, #tpu.memory_space<vmem>>)
        tpu.yield
      }) : () -> ()
      %dma_start3A_30 = arith.constant 0 : i32
      %dma_start3A_31 = tpu.memref_slice %arg2[%add3A_26, %dma_start3A_30] : memref<320000x128xf32, #tpu.memory_space<hbm>> -> memref<40x128xf32, #tpu.memory_space<hbm>>
      %dma_start3A_32 = arith.constant 0 : i32
      %dma_start3A_33 = tpu.memref_slice %arg2[%add3A_26, %dma_start3A_32] : memref<320000x128xf32, #tpu.memory_space<hbm>> -> memref<40x128xf32, #tpu.memory_space<hbm>>
      tpu.enqueue_dma source(%dma_start3A_33 : memref<40x128xf32, #tpu.memory_space<hbm>>) target(%arg9 : memref<40x128xf32, #tpu.memory_space<vmem>>) target_semaphore(%arg12 : memref<!tpu.dma_semaphore, #tpu.memory_space<semaphore_mem>>)
      %dma_wait3A = arith.constant 0 : i32
      %dma_wait3A_34 = tpu.memref_slice %arg2[%add3A_24, %dma_wait3A] : memref<320000x128xf32, #tpu.memory_space<hbm>> -> memref<40x128xf32, #tpu.memory_space<hbm>>
      %dma_wait3A_35 = arith.constant 0 : i32
      %dma_wait3A_36 = tpu.memref_slice %arg2[%add3A_24, %dma_wait3A_35] : memref<320000x128xf32, #tpu.memory_space<hbm>> -> memref<40x128xf32, #tpu.memory_space<hbm>>
      tpu.wait_dma2 semaphore(%arg11 : memref<!tpu.dma_semaphore, #tpu.memory_space<semaphore_mem>>) src(%dma_wait3A_36 : memref<40x128xf32, #tpu.memory_space<hbm>>) dst(%arg8 : memref<40x128xf32, #tpu.memory_space<vmem>>)
      %dma_start3A_37 = arith.constant 0 : i32
      %dma_start3A_38 = arith.constant 0 : i32
      %dma_start3A_39 = tpu.memref_slice %arg10[%dma_start3A_37, %dma_start3A_38] : memref<10240x128xf32, #tpu.memory_space<vmem_shared>> -> memref<10240x128xf32, #tpu.memory_space<vmem_shared>>
      tpu.enqueue_indirect_dma source(%arg8 : memref<40x128xf32, #tpu.memory_space<vmem>>) target(%dma_start3A_39 : memref<10240x128xf32, #tpu.memory_space<vmem_shared>>) offsets(%arg6 : memref<40xi32, #tpu.memory_space<vmem>>) semaphore(%arg13 : memref<!tpu.dma_semaphore, #tpu.memory_space<semaphore_mem>>) {add = true}
      %dma_wait3A_40 = arith.constant 0 : i32
      %dma_wait3A_41 = tpu.memref_slice %arg2[%add3A_26, %dma_wait3A_40] : memref<320000x128xf32, #tpu.memory_space<hbm>> -> memref<40x128xf32, #tpu.memory_space<hbm>>
      %dma_wait3A_42 = arith.constant 0 : i32
      %dma_wait3A_43 = tpu.memref_slice %arg2[%add3A_26, %dma_wait3A_42] : memref<320000x128xf32, #tpu.memory_space<hbm>> -> memref<40x128xf32, #tpu.memory_space<hbm>>
      tpu.wait_dma2 semaphore(%arg12 : memref<!tpu.dma_semaphore, #tpu.memory_space<semaphore_mem>>) src(%dma_wait3A_43 : memref<40x128xf32, #tpu.memory_space<hbm>>) dst(%arg9 : memref<40x128xf32, #tpu.memory_space<vmem>>)
      %dma_start3A_44 = arith.constant 0 : i32
      %dma_start3A_45 = arith.constant 0 : i32
      %dma_start3A_46 = tpu.memref_slice %arg10[%dma_start3A_44, %dma_start3A_45] : memref<10240x128xf32, #tpu.memory_space<vmem_shared>> -> memref<10240x128xf32, #tpu.memory_space<vmem_shared>>
      tpu.enqueue_indirect_dma source(%arg9 : memref<40x128xf32, #tpu.memory_space<vmem>>) target(%dma_start3A_46 : memref<10240x128xf32, #tpu.memory_space<vmem_shared>>) offsets(%arg7 : memref<40xi32, #tpu.memory_space<vmem>>) semaphore(%arg14 : memref<!tpu.dma_semaphore, #tpu.memory_space<semaphore_mem>>) {add = true}
      %dma_wait3A_47 = arith.constant 0 : i32
      %dma_wait3A_48 = arith.constant 0 : i32
      %dma_wait3A_49 = tpu.memref_slice %arg10[%dma_wait3A_47, %dma_wait3A_48] : memref<10240x128xf32, #tpu.memory_space<vmem_shared>> -> memref<10240x128xf32, #tpu.memory_space<vmem_shared>>
      tpu.wait_indirect_dma semaphore(%arg13 : memref<!tpu.dma_semaphore, #tpu.memory_space<semaphore_mem>>) src(%arg8 : memref<40x128xf32, #tpu.memory_space<vmem>>) dst(%dma_wait3A_49 : memref<10240x128xf32, #tpu.memory_space<vmem_shared>>)
      %dma_wait3A_50 = arith.constant 0 : i32
      %dma_wait3A_51 = arith.constant 0 : i32
      %dma_wait3A_52 = tpu.memref_slice %arg10[%dma_wait3A_50, %dma_wait3A_51] : memref<10240x128xf32, #tpu.memory_space<vmem_shared>> -> memref<10240x128xf32, #tpu.memory_space<vmem_shared>>
      tpu.wait_indirect_dma semaphore(%arg14 : memref<!tpu.dma_semaphore, #tpu.memory_space<semaphore_mem>>) src(%arg9 : memref<40x128xf32, #tpu.memory_space<vmem>>) dst(%dma_wait3A_52 : memref<10240x128xf32, #tpu.memory_space<vmem_shared>>)
      %scan3A_53 = arith.constant 0 : i32
      scf.yield %scan3A_53 : i32
    }
    %scan3A_12 = arith.constant 125 : i32
    %barrier3A_13 = arith.constant 0 : index
    tpu.barrier barrier_id(%barrier3A_13)
    %mul3A_14 = arith.constant 640 : i32
    %mul3A_15 = arith.muli %arg1, %mul3A_14 : i32
    %mul3A_16 = arith.constant 640 : i32
    %mul3A_17 = arith.muli %arg1, %mul3A_16 : i32
    "tpu.region"() ({
      %run_scoped3A = tpu.sem_alloc : memref<!tpu.dma_semaphore, #tpu.memory_space<semaphore_mem>>
      %dma_start3A = arith.constant 0 : i32
      %dma_start3A_18 = tpu.memref_slice %arg5[%arg0, %mul3A_17, %dma_start3A] : memref<2x10240x128xf32, #tpu.memory_space<hbm>> -> memref<1x640x128xf32, #tpu.memory_space<hbm>>
      %dma_start3A_19 = tpu.memref_squeeze %dma_start3A_18 : memref<1x640x128xf32, #tpu.memory_space<hbm>> -> memref<640x128xf32, #tpu.memory_space<hbm>>
      %dma_start3A_20 = arith.constant 0 : i32
      %dma_start3A_21 = tpu.memref_slice %arg10[%mul3A_15, %dma_start3A_20] : memref<10240x128xf32, #tpu.memory_space<vmem_shared>> -> memref<640x128xf32, #tpu.memory_space<vmem_shared>>
      tpu.enqueue_dma source(%dma_start3A_21 : memref<640x128xf32, #tpu.memory_space<vmem_shared>>) target(%dma_start3A_19 : memref<640x128xf32, #tpu.memory_space<hbm>>) target_semaphore(%run_scoped3A : memref<!tpu.dma_semaphore, #tpu.memory_space<semaphore_mem>>)
      %dma_wait3A = arith.constant 0 : i32
      %dma_wait3A_22 = tpu.memref_slice %arg5[%arg0, %mul3A_17, %dma_wait3A] : memref<2x10240x128xf32, #tpu.memory_space<hbm>> -> memref<1x640x128xf32, #tpu.memory_space<hbm>>
      %dma_wait3A_23 = tpu.memref_squeeze %dma_wait3A_22 : memref<1x640x128xf32, #tpu.memory_space<hbm>> -> memref<640x128xf32, #tpu.memory_space<hbm>>
      %dma_wait3A_24 = arith.constant 0 : i32
      %dma_wait3A_25 = tpu.memref_slice %arg10[%mul3A_15, %dma_wait3A_24] : memref<10240x128xf32, #tpu.memory_space<vmem_shared>> -> memref<640x128xf32, #tpu.memory_space<vmem_shared>>
      tpu.wait_dma2 semaphore(%run_scoped3A : memref<!tpu.dma_semaphore, #tpu.memory_space<semaphore_mem>>) src(%dma_wait3A_25 : memref<640x128xf32, #tpu.memory_space<vmem_shared>>) dst(%dma_wait3A_23 : memref<640x128xf32, #tpu.memory_space<hbm>>)
      tpu.yield
    }) : () -> ()
    return
  }
}

#map = affine_map<(d0, d1) -> (0, 0)>
#map1 = affine_map<(d0, d1) -> (0)>
#map2 = affine_map<(d0, d1) -> (0, 0, 0)>
module attributes {stable_mosaic.version = 14 : i64} {
  func.func @body(%arg0: i32, %arg1: i32, %arg2: memref<320000x128xf32, #tpu.memory_space<hbm>>, %arg3: memref<320000xi32, #tpu.memory_space<hbm>>, %arg4: memref<10240x128xf32, #tpu.memory_space<hbm>>, %arg5: memref<2x10240x128xf32, #tpu.memory_space<hbm>>, %arg6: memref<40xi32, #tpu.memory_space<vmem>>, %arg7: memref<40xi32, #tpu.memory_space<vmem>>, %arg8: memref<40x128xf32, #tpu.memory_space<vmem>>, %arg9: memref<40x128xf32, #tpu.memory_space<vmem>>, %arg10: memref<10240x128xf32, #tpu.memory_space<vmem_shared>>, %arg11: memref<!tpu.dma_semaphore, #tpu.memory_space<semaphore_mem>>, %arg12: memref<!tpu.dma_semaphore, #tpu.memory_space<semaphore_mem>>, %arg13: memref<!tpu.dma_semaphore, #tpu.memory_space<semaphore_mem>>, %arg14: memref<!tpu.dma_semaphore, #tpu.memory_space<semaphore_mem>>) attributes {dimension_semantics = [#tpu.dimension_semantics<core_parallel>, #tpu.dimension_semantics<subcore_parallel>], iteration_bounds = array<i64: 2, 16>, scalar_prefetch = 0 : i64, scratch_operands = 9 : i64, tpu.core_type = #tpu.core_type<sc_vector_subcore>, window_params = [{transform_indices = #map}, {transform_indices = #map1}, {transform_indices = #map}, {transform_indices = #map2}]} {
    %mul3A = arith.constant 2 : i32
    %mul3A_0 = arith.muli %arg1, %mul3A : i32
    %add3A = arith.addi %mul3A_0, %arg0 : i32
    %mul3A_1 = arith.constant 10000 : i32
    %mul3A_2 = arith.muli %add3A, %mul3A_1 : i32
    %mul3A_3 = arith.constant 640 : i32
    %mul3A_4 = arith.muli %arg1, %mul3A_3 : i32
    %mul3A_5 = arith.constant 640 : i32
    %mul3A_6 = arith.muli %arg1, %mul3A_5 : i32
    "tpu.region"() ({
      %run_scoped3A = tpu.sem_alloc : memref<!tpu.dma_semaphore, #tpu.memory_space<semaphore_mem>>
      %dma_start3A = arith.constant 0 : i32
      %dma_start3A_18 = tpu.memref_slice %arg10[%mul3A_6, %dma_start3A] : memref<10240x128xf32, #tpu.memory_space<vmem_shared>> -> memref<640x128xf32, #tpu.memory_space<vmem_shared>>
      %dma_start3A_19 = arith.constant 0 : i32
      %dma_start3A_20 = tpu.memref_slice %arg4[%mul3A_4, %dma_start3A_19] : memref<10240x128xf32, #tpu.memory_space<hbm>> -> memref<640x128xf32, #tpu.memory_space<hbm>>
      tpu.enqueue_dma source(%dma_start3A_20 : memref<640x128xf32, #tpu.memory_space<hbm>>) target(%dma_start3A_18 : memref<640x128xf32, #tpu.memory_space<vmem_shared>>) target_semaphore(%run_scoped3A : memref<!tpu.dma_semaphore, #tpu.memory_space<semaphore_mem>>)
      %dma_wait3A = arith.constant 0 : i32
      %dma_wait3A_21 = tpu.memref_slice %arg10[%mul3A_6, %dma_wait3A] : memref<10240x128xf32, #tpu.memory_space<vmem_shared>> -> memref<640x128xf32, #tpu.memory_space<vmem_shared>>
      %dma_wait3A_22 = arith.constant 0 : i32
      %dma_wait3A_23 = tpu.memref_slice %arg4[%mul3A_4, %dma_wait3A_22] : memref<10240x128xf32, #tpu.memory_space<hbm>> -> memref<640x128xf32, #tpu.memory_space<hbm>>
      tpu.wait_dma2 semaphore(%run_scoped3A : memref<!tpu.dma_semaphore, #tpu.memory_space<semaphore_mem>>) src(%dma_wait3A_23 : memref<640x128xf32, #tpu.memory_space<hbm>>) dst(%dma_wait3A_21 : memref<640x128xf32, #tpu.memory_space<vmem_shared>>)
      tpu.yield
    }) : () -> ()
    %barrier3A = arith.constant 0 : index
    tpu.barrier barrier_id(%barrier3A)
    %scan3A = arith.constant 0 : i32
    %scan3A_7 = arith.constant 0 : i32
    %scan3A_8 = arith.constant 125 : i32
    %scan3A_9 = arith.addi %scan3A_7, %scan3A_8 : i32
    %scan3A_10 = arith.constant 1 : i32
    %scan3A_11 = scf.for %scan3A_18 = %scan3A_7 to %scan3A_9 step %scan3A_10 iter_args(%scan3A_19 = %scan3A) -> (i32)  : i32 {
      %mul3A_20 = arith.constant 2 : i32
      %mul3A_21 = arith.muli %mul3A_20, %scan3A_18 : i32
      %mul3A_22 = arith.constant 40 : i32
      %mul3A_23 = arith.muli %mul3A_21, %mul3A_22 : i32
      %add3A_24 = arith.addi %mul3A_2, %mul3A_23 : i32
      %add3A_25 = arith.constant 40 : i32
      %add3A_26 = arith.addi %add3A_24, %add3A_25 : i32
      "tpu.region"() ({
        %run_scoped3A = tpu.sem_alloc : memref<!tpu.dma_semaphore, #tpu.memory_space<semaphore_mem>>
        %dma_start3A_54 = tpu.memref_slice %arg3[%add3A_24] : memref<320000xi32, #tpu.memory_space<hbm>> -> memref<40xi32, #tpu.memory_space<hbm>>
        %dma_start3A_55 = tpu.memref_slice %arg3[%add3A_24] : memref<320000xi32, #tpu.memory_space<hbm>> -> memref<40xi32, #tpu.memory_space<hbm>>
        tpu.enqueue_dma source(%dma_start3A_55 : memref<40xi32, #tpu.memory_space<hbm>>) target(%arg6 : memref<40xi32, #tpu.memory_space<vmem>>) target_semaphore(%run_scoped3A : memref<!tpu.dma_semaphore, #tpu.memory_space<semaphore_mem>>)
        %dma_wait3A_56 = tpu.memref_slice %arg3[%add3A_24] : memref<320000xi32, #tpu.memory_space<hbm>> -> memref<40xi32, #tpu.memory_space<hbm>>
        %dma_wait3A_57 = tpu.memref_slice %arg3[%add3A_24] : memref<320000xi32, #tpu.memory_space<hbm>> -> memref<40xi32, #tpu.memory_space<hbm>>
        tpu.wait_dma2 semaphore(%run_scoped3A : memref<!tpu.dma_semaphore, #tpu.memory_space<semaphore_mem>>) src(%dma_wait3A_57 : memref<40xi32, #tpu.memory_space<hbm>>) dst(%arg6 : memref<40xi32, #tpu.memory_space<vmem>>)
        tpu.yield
      }) : () -> ()
      %dma_start3A = arith.constant 0 : i32
      %dma_start3A_27 = tpu.memref_slice %arg2[%add3A_24, %dma_start3A] : memref<320000x128xf32, #tpu.memory_space<hbm>> -> memref<40x128xf32, #tpu.memory_space<hbm>>
      %dma_start3A_28 = arith.constant 0 : i32
      %dma_start3A_29 = tpu.memref_slice %arg2[%add3A_24, %dma_start3A_28] : memref<320000x128xf32, #tpu.memory_space<hbm>> -> memref<40x128xf32, #tpu.memory_space<hbm>>
      tpu.enqueue_dma source(%dma_start3A_29 : memref<40x128xf32, #tpu.memory_space<hbm>>) target(%arg8 : memref<40x128xf32, #tpu.memory_space<vmem>>) target_semaphore(%arg11 : memref<!tpu.dma_semaphore, #tpu.memory_space<semaphore_mem>>)
      "tpu.region"() ({
        %run_scoped3A = tpu.sem_alloc : memref<!tpu.dma_semaphore, #tpu.memory_space<semaphore_mem>>
        %dma_start3A_54 = tpu.memref_slice %arg3[%add3A_26] : memref<320000xi32, #tpu.memory_space<hbm>> -> memref<40xi32, #tpu.memory_space<hbm>>
        %dma_start3A_55 = tpu.memref_slice %arg3[%add3A_26] : memref<320000xi32, #tpu.memory_space<hbm>> -> memref<40xi32, #tpu.memory_space<hbm>>
        tpu.enqueue_dma source(%dma_start3A_55 : memref<40xi32, #tpu.memory_space<hbm>>) target(%arg7 : memref<40xi32, #tpu.memory_space<vmem>>) target_semaphore(%run_scoped3A : memref<!tpu.dma_semaphore, #tpu.memory_space<semaphore_mem>>)
        %dma_wait3A_56 = tpu.memref_slice %arg3[%add3A_26] : memref<320000xi32, #tpu.memory_space<hbm>> -> memref<40xi32, #tpu.memory_space<hbm>>
        %dma_wait3A_57 = tpu.memref_slice %arg3[%add3A_26] : memref<320000xi32, #tpu.memory_space<hbm>> -> memref<40xi32, #tpu.memory_space<hbm>>
        tpu.wait_dma2 semaphore(%run_scoped3A : memref<!tpu.dma_semaphore, #tpu.memory_space<semaphore_mem>>) src(%dma_wait3A_57 : memref<40xi32, #tpu.memory_space<hbm>>) dst(%arg7 : memref<40xi32, #tpu.memory_space<vmem>>)
        tpu.yield
      }) : () -> ()
      %dma_start3A_30 = arith.constant 0 : i32
      %dma_start3A_31 = tpu.memref_slice %arg2[%add3A_26, %dma_start3A_30] : memref<320000x128xf32, #tpu.memory_space<hbm>> -> memref<40x128xf32, #tpu.memory_space<hbm>>
      %dma_start3A_32 = arith.constant 0 : i32
      %dma_start3A_33 = tpu.memref_slice %arg2[%add3A_26, %dma_start3A_32] : memref<320000x128xf32, #tpu.memory_space<hbm>> -> memref<40x128xf32, #tpu.memory_space<hbm>>
      tpu.enqueue_dma source(%dma_start3A_33 : memref<40x128xf32, #tpu.memory_space<hbm>>) target(%arg9 : memref<40x128xf32, #tpu.memory_space<vmem>>) target_semaphore(%arg12 : memref<!tpu.dma_semaphore, #tpu.memory_space<semaphore_mem>>)
      %dma_wait3A = arith.constant 0 : i32
      %dma_wait3A_34 = tpu.memref_slice %arg2[%add3A_24, %dma_wait3A] : memref<320000x128xf32, #tpu.memory_space<hbm>> -> memref<40x128xf32, #tpu.memory_space<hbm>>
      %dma_wait3A_35 = arith.constant 0 : i32
      %dma_wait3A_36 = tpu.memref_slice %arg2[%add3A_24, %dma_wait3A_35] : memref<320000x128xf32, #tpu.memory_space<hbm>> -> memref<40x128xf32, #tpu.memory_space<hbm>>
      tpu.wait_dma2 semaphore(%arg11 : memref<!tpu.dma_semaphore, #tpu.memory_space<semaphore_mem>>) src(%dma_wait3A_36 : memref<40x128xf32, #tpu.memory_space<hbm>>) dst(%arg8 : memref<40x128xf32, #tpu.memory_space<vmem>>)
      %dma_start3A_37 = arith.constant 0 : i32
      %dma_start3A_38 = arith.constant 0 : i32
      %dma_start3A_39 = tpu.memref_slice %arg10[%dma_start3A_37, %dma_start3A_38] : memref<10240x128xf32, #tpu.memory_space<vmem_shared>> -> memref<10240x128xf32, #tpu.memory_space<vmem_shared>>
      tpu.enqueue_indirect_dma source(%arg8 : memref<40x128xf32, #tpu.memory_space<vmem>>) target(%dma_start3A_39 : memref<10240x128xf32, #tpu.memory_space<vmem_shared>>) offsets(%arg6 : memref<40xi32, #tpu.memory_space<vmem>>) semaphore(%arg13 : memref<!tpu.dma_semaphore, #tpu.memory_space<semaphore_mem>>) {add = true}
      %dma_wait3A_40 = arith.constant 0 : i32
      %dma_wait3A_41 = tpu.memref_slice %arg2[%add3A_26, %dma_wait3A_40] : memref<320000x128xf32, #tpu.memory_space<hbm>> -> memref<40x128xf32, #tpu.memory_space<hbm>>
      %dma_wait3A_42 = arith.constant 0 : i32
      %dma_wait3A_43 = tpu.memref_slice %arg2[%add3A_26, %dma_wait3A_42] : memref<320000x128xf32, #tpu.memory_space<hbm>> -> memref<40x128xf32, #tpu.memory_space<hbm>>
      tpu.wait_dma2 semaphore(%arg12 : memref<!tpu.dma_semaphore, #tpu.memory_space<semaphore_mem>>) src(%dma_wait3A_43 : memref<40x128xf32, #tpu.memory_space<hbm>>) dst(%arg9 : memref<40x128xf32, #tpu.memory_space<vmem>>)
      %dma_start3A_44 = arith.constant 0 : i32
      %dma_start3A_45 = arith.constant 0 : i32
      %dma_start3A_46 = tpu.memref_slice %arg10[%dma_start3A_44, %dma_start3A_45] : memref<10240x128xf32, #tpu.memory_space<vmem_shared>> -> memref<10240x128xf32, #tpu.memory_space<vmem_shared>>
      tpu.enqueue_indirect_dma source(%arg9 : memref<40x128xf32, #tpu.memory_space<vmem>>) target(%dma_start3A_46 : memref<10240x128xf32, #tpu.memory_space<vmem_shared>>) offsets(%arg7 : memref<40xi32, #tpu.memory_space<vmem>>) semaphore(%arg14 : memref<!tpu.dma_semaphore, #tpu.memory_space<semaphore_mem>>) {add = true}
      %dma_wait3A_47 = arith.constant 0 : i32
      %dma_wait3A_48 = arith.constant 0 : i32
      %dma_wait3A_49 = tpu.memref_slice %arg10[%dma_wait3A_47, %dma_wait3A_48] : memref<10240x128xf32, #tpu.memory_space<vmem_shared>> -> memref<10240x128xf32, #tpu.memory_space<vmem_shared>>
      tpu.wait_indirect_dma semaphore(%arg13 : memref<!tpu.dma_semaphore, #tpu.memory_space<semaphore_mem>>) src(%arg8 : memref<40x128xf32, #tpu.memory_space<vmem>>) dst(%dma_wait3A_49 : memref<10240x128xf32, #tpu.memory_space<vmem_shared>>)
      %dma_wait3A_50 = arith.constant 0 : i32
      %dma_wait3A_51 = arith.constant 0 : i32
      %dma_wait3A_52 = tpu.memref_slice %arg10[%dma_wait3A_50, %dma_wait3A_51] : memref<10240x128xf32, #tpu.memory_space<vmem_shared>> -> memref<10240x128xf32, #tpu.memory_space<vmem_shared>>
      tpu.wait_indirect_dma semaphore(%arg14 : memref<!tpu.dma_semaphore, #tpu.memory_space<semaphore_mem>>) src(%arg9 : memref<40x128xf32, #tpu.memory_space<vmem>>) dst(%dma_wait3A_52 : memref<10240x128xf32, #tpu.memory_space<vmem_shared>>)
      %scan3A_53 = arith.constant 0 : i32
      scf.yield %scan3A_53 : i32
    }
    %scan3A_12 = arith.constant 125 : i32
    %barrier3A_13 = arith.constant 0 : index
    tpu.barrier barrier_id(%barrier3A_13)
    %mul3A_14 = arith.constant 640 : i32
    %mul3A_15 = arith.muli %arg1, %mul3A_14 : i32
    %mul3A_16 = arith.constant 640 : i32
    %mul3A_17 = arith.muli %arg1, %mul3A_16 : i32
    "tpu.region"() ({
      %run_scoped3A = tpu.sem_alloc : memref<!tpu.dma_semaphore, #tpu.memory_space<semaphore_mem>>
      %dma_start3A = arith.constant 0 : i32
      %dma_start3A_18 = tpu.memref_slice %arg5[%arg0, %mul3A_17, %dma_start3A] : memref<2x10240x128xf32, #tpu.memory_space<hbm>> -> memref<1x640x128xf32, #tpu.memory_space<hbm>>
      %dma_start3A_19 = tpu.memref_squeeze %dma_start3A_18 : memref<1x640x128xf32, #tpu.memory_space<hbm>> -> memref<640x128xf32, #tpu.memory_space<hbm>>
      %dma_start3A_20 = arith.constant 0 : i32
      %dma_start3A_21 = tpu.memref_slice %arg10[%mul3A_15, %dma_start3A_20] : memref<10240x128xf32, #tpu.memory_space<vmem_shared>> -> memref<640x128xf32, #tpu.memory_space<vmem_shared>>
      tpu.enqueue_dma source(%dma_start3A_21 : memref<640x128xf32, #tpu.memory_space<vmem_shared>>) target(%dma_start3A_19 : memref<640x128xf32, #tpu.memory_space<hbm>>) target_semaphore(%run_scoped3A : memref<!tpu.dma_semaphore, #tpu.memory_space<semaphore_mem>>)
      %dma_wait3A = arith.constant 0 : i32
      %dma_wait3A_22 = tpu.memref_slice %arg5[%arg0, %mul3A_17, %dma_wait3A] : memref<2x10240x128xf32, #tpu.memory_space<hbm>> -> memref<1x640x128xf32, #tpu.memory_space<hbm>>
      %dma_wait3A_23 = tpu.memref_squeeze %dma_wait3A_22 : memref<1x640x128xf32, #tpu.memory_space<hbm>> -> memref<640x128xf32, #tpu.memory_space<hbm>>
      %dma_wait3A_24 = arith.constant 0 : i32
      %dma_wait3A_25 = tpu.memref_slice %arg10[%mul3A_15, %dma_wait3A_24] : memref<10240x128xf32, #tpu.memory_space<vmem_shared>> -> memref<640x128xf32, #tpu.memory_space<vmem_shared>>
      tpu.wait_dma2 semaphore(%run_scoped3A : memref<!tpu.dma_semaphore, #tpu.memory_space<semaphore_mem>>) src(%dma_wait3A_25 : memref<640x128xf32, #tpu.memory_space<vmem_shared>>) dst(%dma_wait3A_23 : memref<640x128xf32, #tpu.memory_space<hbm>>)
      tpu.yield
    }) : () -> ()
    return
  }
}

#map = affine_map<(d0, d1) -> (0, 0)>
#map1 = affine_map<(d0, d1) -> (0)>
module attributes {stable_mosaic.version = 14 : i64} {
  func.func @body(%arg0: i32, %arg1: i32, %arg2: memref<10000x128xf32, #tpu.memory_space<hbm>>, %arg3: memref<10000x128xf32, #tpu.memory_space<hbm>>, %arg4: memref<320000xi32, #tpu.memory_space<hbm>>, %arg5: memref<320000xi32, #tpu.memory_space<hbm>>, %arg6: memref<320000x128xf32, #tpu.memory_space<hbm>>, %arg7: memref<320000x128xf32, #tpu.memory_space<hbm>>, %arg8: memref<40xi32, #tpu.memory_space<vmem>>, %arg9: memref<40xi32, #tpu.memory_space<vmem>>, %arg10: memref<40xi32, #tpu.memory_space<vmem>>, %arg11: memref<40xi32, #tpu.memory_space<vmem>>, %arg12: memref<40x128xf32, #tpu.memory_space<vmem>>, %arg13: memref<40x128xf32, #tpu.memory_space<vmem>>, %arg14: memref<40x128xf32, #tpu.memory_space<vmem>>, %arg15: memref<40x128xf32, #tpu.memory_space<vmem>>, %arg16: memref<!tpu.dma_semaphore, #tpu.memory_space<semaphore_mem>>, %arg17: memref<!tpu.dma_semaphore, #tpu.memory_space<semaphore_mem>>, %arg18: memref<!tpu.dma_semaphore, #tpu.memory_space<semaphore_mem>>, %arg19: memref<!tpu.dma_semaphore, #tpu.memory_space<semaphore_mem>>, %arg20: memref<!tpu.dma_semaphore, #tpu.memory_space<semaphore_mem>>, %arg21: memref<!tpu.dma_semaphore, #tpu.memory_space<semaphore_mem>>, %arg22: memref<!tpu.dma_semaphore, #tpu.memory_space<semaphore_mem>>, %arg23: memref<!tpu.dma_semaphore, #tpu.memory_space<semaphore_mem>>) attributes {dimension_semantics = [#tpu.dimension_semantics<core_parallel>, #tpu.dimension_semantics<subcore_parallel>], iteration_bounds = array<i64: 2, 16>, scalar_prefetch = 0 : i64, scratch_operands = 16 : i64, tpu.core_type = #tpu.core_type<sc_vector_subcore>, window_params = [{transform_indices = #map}, {transform_indices = #map}, {transform_indices = #map1}, {transform_indices = #map1}, {transform_indices = #map}, {transform_indices = #map}]} {
    %mul3A = arith.constant 2 : i32
    %mul3A_0 = arith.muli %arg1, %mul3A : i32
    %add3A = arith.addi %mul3A_0, %arg0 : i32
    %mul3A_1 = arith.constant 10000 : i32
    %mul3A_2 = arith.muli %add3A, %mul3A_1 : i32
    %scan3A = arith.constant 0 : i32
    %scan3A_3 = arith.constant 0 : i32
    %scan3A_4 = arith.constant 125 : i32
    %scan3A_5 = arith.addi %scan3A_3, %scan3A_4 : i32
    %scan3A_6 = arith.constant 1 : i32
    %scan3A_7 = scf.for %scan3A_9 = %scan3A_3 to %scan3A_5 step %scan3A_6 iter_args(%scan3A_10 = %scan3A) -> (i32)  : i32 {
      %mul3A_11 = arith.constant 2 : i32
      %mul3A_12 = arith.muli %mul3A_11, %scan3A_9 : i32
      %mul3A_13 = arith.constant 40 : i32
      %mul3A_14 = arith.muli %mul3A_12, %mul3A_13 : i32
      %add3A_15 = arith.addi %mul3A_2, %mul3A_14 : i32
      %add3A_16 = arith.constant 40 : i32
      %add3A_17 = arith.addi %add3A_15, %add3A_16 : i32
      "tpu.region"() ({
        %run_scoped3A = tpu.sem_alloc : memref<!tpu.dma_semaphore, #tpu.memory_space<semaphore_mem>>
        %dma_start3A_73 = tpu.memref_slice %arg4[%add3A_15] : memref<320000xi32, #tpu.memory_space<hbm>> -> memref<40xi32, #tpu.memory_space<hbm>>
        %dma_start3A_74 = tpu.memref_slice %arg4[%add3A_15] : memref<320000xi32, #tpu.memory_space<hbm>> -> memref<40xi32, #tpu.memory_space<hbm>>
        tpu.enqueue_dma source(%dma_start3A_74 : memref<40xi32, #tpu.memory_space<hbm>>) target(%arg8 : memref<40xi32, #tpu.memory_space<vmem>>) target_semaphore(%run_scoped3A : memref<!tpu.dma_semaphore, #tpu.memory_space<semaphore_mem>>)
        %dma_wait3A_75 = tpu.memref_slice %arg4[%add3A_15] : memref<320000xi32, #tpu.memory_space<hbm>> -> memref<40xi32, #tpu.memory_space<hbm>>
        %dma_wait3A_76 = tpu.memref_slice %arg4[%add3A_15] : memref<320000xi32, #tpu.memory_space<hbm>> -> memref<40xi32, #tpu.memory_space<hbm>>
        tpu.wait_dma2 semaphore(%run_scoped3A : memref<!tpu.dma_semaphore, #tpu.memory_space<semaphore_mem>>) src(%dma_wait3A_76 : memref<40xi32, #tpu.memory_space<hbm>>) dst(%arg8 : memref<40xi32, #tpu.memory_space<vmem>>)
        tpu.yield
      }) : () -> ()
      "tpu.region"() ({
        %run_scoped3A = tpu.sem_alloc : memref<!tpu.dma_semaphore, #tpu.memory_space<semaphore_mem>>
        %dma_start3A_73 = tpu.memref_slice %arg5[%add3A_15] : memref<320000xi32, #tpu.memory_space<hbm>> -> memref<40xi32, #tpu.memory_space<hbm>>
        %dma_start3A_74 = tpu.memref_slice %arg5[%add3A_15] : memref<320000xi32, #tpu.memory_space<hbm>> -> memref<40xi32, #tpu.memory_space<hbm>>
        tpu.enqueue_dma source(%dma_start3A_74 : memref<40xi32, #tpu.memory_space<hbm>>) target(%arg9 : memref<40xi32, #tpu.memory_space<vmem>>) target_semaphore(%run_scoped3A : memref<!tpu.dma_semaphore, #tpu.memory_space<semaphore_mem>>)
        %dma_wait3A_75 = tpu.memref_slice %arg5[%add3A_15] : memref<320000xi32, #tpu.memory_space<hbm>> -> memref<40xi32, #tpu.memory_space<hbm>>
        %dma_wait3A_76 = tpu.memref_slice %arg5[%add3A_15] : memref<320000xi32, #tpu.memory_space<hbm>> -> memref<40xi32, #tpu.memory_space<hbm>>
        tpu.wait_dma2 semaphore(%run_scoped3A : memref<!tpu.dma_semaphore, #tpu.memory_space<semaphore_mem>>) src(%dma_wait3A_76 : memref<40xi32, #tpu.memory_space<hbm>>) dst(%arg9 : memref<40xi32, #tpu.memory_space<vmem>>)
        tpu.yield
      }) : () -> ()
      "tpu.region"() ({
        %run_scoped3A = tpu.sem_alloc : memref<!tpu.dma_semaphore, #tpu.memory_space<semaphore_mem>>
        %dma_start3A_73 = tpu.memref_slice %arg4[%add3A_17] : memref<320000xi32, #tpu.memory_space<hbm>> -> memref<40xi32, #tpu.memory_space<hbm>>
        %dma_start3A_74 = tpu.memref_slice %arg4[%add3A_17] : memref<320000xi32, #tpu.memory_space<hbm>> -> memref<40xi32, #tpu.memory_space<hbm>>
        tpu.enqueue_dma source(%dma_start3A_74 : memref<40xi32, #tpu.memory_space<hbm>>) target(%arg10 : memref<40xi32, #tpu.memory_space<vmem>>) target_semaphore(%run_scoped3A : memref<!tpu.dma_semaphore, #tpu.memory_space<semaphore_mem>>)
        %dma_wait3A_75 = tpu.memref_slice %arg4[%add3A_17] : memref<320000xi32, #tpu.memory_space<hbm>> -> memref<40xi32, #tpu.memory_space<hbm>>
        %dma_wait3A_76 = tpu.memref_slice %arg4[%add3A_17] : memref<320000xi32, #tpu.memory_space<hbm>> -> memref<40xi32, #tpu.memory_space<hbm>>
        tpu.wait_dma2 semaphore(%run_scoped3A : memref<!tpu.dma_semaphore, #tpu.memory_space<semaphore_mem>>) src(%dma_wait3A_76 : memref<40xi32, #tpu.memory_space<hbm>>) dst(%arg10 : memref<40xi32, #tpu.memory_space<vmem>>)
        tpu.yield
      }) : () -> ()
      "tpu.region"() ({
        %run_scoped3A = tpu.sem_alloc : memref<!tpu.dma_semaphore, #tpu.memory_space<semaphore_mem>>
        %dma_start3A_73 = tpu.memref_slice %arg5[%add3A_17] : memref<320000xi32, #tpu.memory_space<hbm>> -> memref<40xi32, #tpu.memory_space<hbm>>
        %dma_start3A_74 = tpu.memref_slice %arg5[%add3A_17] : memref<320000xi32, #tpu.memory_space<hbm>> -> memref<40xi32, #tpu.memory_space<hbm>>
        tpu.enqueue_dma source(%dma_start3A_74 : memref<40xi32, #tpu.memory_space<hbm>>) target(%arg11 : memref<40xi32, #tpu.memory_space<vmem>>) target_semaphore(%run_scoped3A : memref<!tpu.dma_semaphore, #tpu.memory_space<semaphore_mem>>)
        %dma_wait3A_75 = tpu.memref_slice %arg5[%add3A_17] : memref<320000xi32, #tpu.memory_space<hbm>> -> memref<40xi32, #tpu.memory_space<hbm>>
        %dma_wait3A_76 = tpu.memref_slice %arg5[%add3A_17] : memref<320000xi32, #tpu.memory_space<hbm>> -> memref<40xi32, #tpu.memory_space<hbm>>
        tpu.wait_dma2 semaphore(%run_scoped3A : memref<!tpu.dma_semaphore, #tpu.memory_space<semaphore_mem>>) src(%dma_wait3A_76 : memref<40xi32, #tpu.memory_space<hbm>>) dst(%arg11 : memref<40xi32, #tpu.memory_space<vmem>>)
        tpu.yield
      }) : () -> ()
      %dma_start3A = arith.constant 0 : i32
      %dma_start3A_18 = arith.constant 0 : i32
      %dma_start3A_19 = tpu.memref_slice %arg2[%dma_start3A, %dma_start3A_18] : memref<10000x128xf32, #tpu.memory_space<hbm>> -> memref<10000x128xf32, #tpu.memory_space<hbm>>
      tpu.enqueue_indirect_dma source(%dma_start3A_19 : memref<10000x128xf32, #tpu.memory_space<hbm>>) target(%arg12 : memref<40x128xf32, #tpu.memory_space<vmem>>) offsets(%arg8 : memref<40xi32, #tpu.memory_space<vmem>>) semaphore(%arg16 : memref<!tpu.dma_semaphore, #tpu.memory_space<semaphore_mem>>)
      %dma_start3A_20 = arith.constant 0 : i32
      %dma_start3A_21 = arith.constant 0 : i32
      %dma_start3A_22 = tpu.memref_slice %arg3[%dma_start3A_20, %dma_start3A_21] : memref<10000x128xf32, #tpu.memory_space<hbm>> -> memref<10000x128xf32, #tpu.memory_space<hbm>>
      tpu.enqueue_indirect_dma source(%dma_start3A_22 : memref<10000x128xf32, #tpu.memory_space<hbm>>) target(%arg13 : memref<40x128xf32, #tpu.memory_space<vmem>>) offsets(%arg9 : memref<40xi32, #tpu.memory_space<vmem>>) semaphore(%arg17 : memref<!tpu.dma_semaphore, #tpu.memory_space<semaphore_mem>>)
      %dma_start3A_23 = arith.constant 0 : i32
      %dma_start3A_24 = arith.constant 0 : i32
      %dma_start3A_25 = tpu.memref_slice %arg2[%dma_start3A_23, %dma_start3A_24] : memref<10000x128xf32, #tpu.memory_space<hbm>> -> memref<10000x128xf32, #tpu.memory_space<hbm>>
      tpu.enqueue_indirect_dma source(%dma_start3A_25 : memref<10000x128xf32, #tpu.memory_space<hbm>>) target(%arg14 : memref<40x128xf32, #tpu.memory_space<vmem>>) offsets(%arg10 : memref<40xi32, #tpu.memory_space<vmem>>) semaphore(%arg18 : memref<!tpu.dma_semaphore, #tpu.memory_space<semaphore_mem>>)
      %dma_start3A_26 = arith.constant 0 : i32
      %dma_start3A_27 = arith.constant 0 : i32
      %dma_start3A_28 = tpu.memref_slice %arg3[%dma_start3A_26, %dma_start3A_27] : memref<10000x128xf32, #tpu.memory_space<hbm>> -> memref<10000x128xf32, #tpu.memory_space<hbm>>
      tpu.enqueue_indirect_dma source(%dma_start3A_28 : memref<10000x128xf32, #tpu.memory_space<hbm>>) target(%arg15 : memref<40x128xf32, #tpu.memory_space<vmem>>) offsets(%arg11 : memref<40xi32, #tpu.memory_space<vmem>>) semaphore(%arg19 : memref<!tpu.dma_semaphore, #tpu.memory_space<semaphore_mem>>)
      %dma_wait3A = arith.constant 0 : i32
      %dma_wait3A_29 = arith.constant 0 : i32
      %dma_wait3A_30 = tpu.memref_slice %arg2[%dma_wait3A, %dma_wait3A_29] : memref<10000x128xf32, #tpu.memory_space<hbm>> -> memref<10000x128xf32, #tpu.memory_space<hbm>>
      tpu.wait_indirect_dma semaphore(%arg16 : memref<!tpu.dma_semaphore, #tpu.memory_space<semaphore_mem>>) src(%dma_wait3A_30 : memref<10000x128xf32, #tpu.memory_space<hbm>>) dst(%arg12 : memref<40x128xf32, #tpu.memory_space<vmem>>)
      %dma_wait3A_31 = arith.constant 0 : i32
      %dma_wait3A_32 = arith.constant 0 : i32
      %dma_wait3A_33 = tpu.memref_slice %arg3[%dma_wait3A_31, %dma_wait3A_32] : memref<10000x128xf32, #tpu.memory_space<hbm>> -> memref<10000x128xf32, #tpu.memory_space<hbm>>
      tpu.wait_indirect_dma semaphore(%arg17 : memref<!tpu.dma_semaphore, #tpu.memory_space<semaphore_mem>>) src(%dma_wait3A_33 : memref<10000x128xf32, #tpu.memory_space<hbm>>) dst(%arg13 : memref<40x128xf32, #tpu.memory_space<vmem>>)
      %dma_start3A_34 = arith.constant 0 : i32
      %dma_start3A_35 = tpu.memref_slice %arg6[%add3A_15, %dma_start3A_34] : memref<320000x128xf32, #tpu.memory_space<hbm>> -> memref<40x128xf32, #tpu.memory_space<hbm>>
      %dma_start3A_36 = arith.constant 0 : i32
      %dma_start3A_37 = tpu.memref_slice %arg6[%add3A_15, %dma_start3A_36] : memref<320000x128xf32, #tpu.memory_space<hbm>> -> memref<40x128xf32, #tpu.memory_space<hbm>>
      tpu.enqueue_dma source(%arg12 : memref<40x128xf32, #tpu.memory_space<vmem>>) target(%dma_start3A_37 : memref<40x128xf32, #tpu.memory_space<hbm>>) target_semaphore(%arg20 : memref<!tpu.dma_semaphore, #tpu.memory_space<semaphore_mem>>)
      %dma_start3A_38 = arith.constant 0 : i32
      %dma_start3A_39 = tpu.memref_slice %arg7[%add3A_15, %dma_start3A_38] : memref<320000x128xf32, #tpu.memory_space<hbm>> -> memref<40x128xf32, #tpu.memory_space<hbm>>
      %dma_start3A_40 = arith.constant 0 : i32
      %dma_start3A_41 = tpu.memref_slice %arg7[%add3A_15, %dma_start3A_40] : memref<320000x128xf32, #tpu.memory_space<hbm>> -> memref<40x128xf32, #tpu.memory_space<hbm>>
      tpu.enqueue_dma source(%arg13 : memref<40x128xf32, #tpu.memory_space<vmem>>) target(%dma_start3A_41 : memref<40x128xf32, #tpu.memory_space<hbm>>) target_semaphore(%arg21 : memref<!tpu.dma_semaphore, #tpu.memory_space<semaphore_mem>>)
      %dma_wait3A_42 = arith.constant 0 : i32
      %dma_wait3A_43 = arith.constant 0 : i32
      %dma_wait3A_44 = tpu.memref_slice %arg2[%dma_wait3A_42, %dma_wait3A_43] : memref<10000x128xf32, #tpu.memory_space<hbm>> -> memref<10000x128xf32, #tpu.memory_space<hbm>>
      tpu.wait_indirect_dma semaphore(%arg18 : memref<!tpu.dma_semaphore, #tpu.memory_space<semaphore_mem>>) src(%dma_wait3A_44 : memref<10000x128xf32, #tpu.memory_space<hbm>>) dst(%arg14 : memref<40x128xf32, #tpu.memory_space<vmem>>)
      %dma_wait3A_45 = arith.constant 0 : i32
      %dma_wait3A_46 = arith.constant 0 : i32
      %dma_wait3A_47 = tpu.memref_slice %arg3[%dma_wait3A_45, %dma_wait3A_46] : memref<10000x128xf32, #tpu.memory_space<hbm>> -> memref<10000x128xf32, #tpu.memory_space<hbm>>
      tpu.wait_indirect_dma semaphore(%arg19 : memref<!tpu.dma_semaphore, #tpu.memory_space<semaphore_mem>>) src(%dma_wait3A_47 : memref<10000x128xf32, #tpu.memory_space<hbm>>) dst(%arg15 : memref<40x128xf32, #tpu.memory_space<vmem>>)
      %dma_start3A_48 = arith.constant 0 : i32
      %dma_start3A_49 = tpu.memref_slice %arg6[%add3A_17, %dma_start3A_48] : memref<320000x128xf32, #tpu.memory_space<hbm>> -> memref<40x128xf32, #tpu.memory_space<hbm>>
      %dma_start3A_50 = arith.constant 0 : i32
      %dma_start3A_51 = tpu.memref_slice %arg6[%add3A_17, %dma_start3A_50] : memref<320000x128xf32, #tpu.memory_space<hbm>> -> memref<40x128xf32, #tpu.memory_space<hbm>>
      tpu.enqueue_dma source(%arg14 : memref<40x128xf32, #tpu.memory_space<vmem>>) target(%dma_start3A_51 : memref<40x128xf32, #tpu.memory_space<hbm>>) target_semaphore(%arg22 : memref<!tpu.dma_semaphore, #tpu.memory_space<semaphore_mem>>)
      %dma_start3A_52 = arith.constant 0 : i32
      %dma_start3A_53 = tpu.memref_slice %arg7[%add3A_17, %dma_start3A_52] : memref<320000x128xf32, #tpu.memory_space<hbm>> -> memref<40x128xf32, #tpu.memory_space<hbm>>
      %dma_start3A_54 = arith.constant 0 : i32
      %dma_start3A_55 = tpu.memref_slice %arg7[%add3A_17, %dma_start3A_54] : memref<320000x128xf32, #tpu.memory_space<hbm>> -> memref<40x128xf32, #tpu.memory_space<hbm>>
      tpu.enqueue_dma source(%arg15 : memref<40x128xf32, #tpu.memory_space<vmem>>) target(%dma_start3A_55 : memref<40x128xf32, #tpu.memory_space<hbm>>) target_semaphore(%arg23 : memref<!tpu.dma_semaphore, #tpu.memory_space<semaphore_mem>>)
      %dma_wait3A_56 = arith.constant 0 : i32
      %dma_wait3A_57 = tpu.memref_slice %arg6[%add3A_15, %dma_wait3A_56] : memref<320000x128xf32, #tpu.memory_space<hbm>> -> memref<40x128xf32, #tpu.memory_space<hbm>>
      %dma_wait3A_58 = arith.constant 0 : i32
      %dma_wait3A_59 = tpu.memref_slice %arg6[%add3A_15, %dma_wait3A_58] : memref<320000x128xf32, #tpu.memory_space<hbm>> -> memref<40x128xf32, #tpu.memory_space<hbm>>
      tpu.wait_dma2 semaphore(%arg20 : memref<!tpu.dma_semaphore, #tpu.memory_space<semaphore_mem>>) src(%arg12 : memref<40x128xf32, #tpu.memory_space<vmem>>) dst(%dma_wait3A_59 : memref<40x128xf32, #tpu.memory_space<hbm>>)
      %dma_wait3A_60 = arith.constant 0 : i32
      %dma_wait3A_61 = tpu.memref_slice %arg7[%add3A_15, %dma_wait3A_60] : memref<320000x128xf32, #tpu.memory_space<hbm>> -> memref<40x128xf32, #tpu.memory_space<hbm>>
      %dma_wait3A_62 = arith.constant 0 : i32
      %dma_wait3A_63 = tpu.memref_slice %arg7[%add3A_15, %dma_wait3A_62] : memref<320000x128xf32, #tpu.memory_space<hbm>> -> memref<40x128xf32, #tpu.memory_space<hbm>>
      tpu.wait_dma2 semaphore(%arg21 : memref<!tpu.dma_semaphore, #tpu.memory_space<semaphore_mem>>) src(%arg13 : memref<40x128xf32, #tpu.memory_space<vmem>>) dst(%dma_wait3A_63 : memref<40x128xf32, #tpu.memory_space<hbm>>)
      %dma_wait3A_64 = arith.constant 0 : i32
      %dma_wait3A_65 = tpu.memref_slice %arg6[%add3A_17, %dma_wait3A_64] : memref<320000x128xf32, #tpu.memory_space<hbm>> -> memref<40x128xf32, #tpu.memory_space<hbm>>
      %dma_wait3A_66 = arith.constant 0 : i32
      %dma_wait3A_67 = tpu.memref_slice %arg6[%add3A_17, %dma_wait3A_66] : memref<320000x128xf32, #tpu.memory_space<hbm>> -> memref<40x128xf32, #tpu.memory_space<hbm>>
      tpu.wait_dma2 semaphore(%arg22 : memref<!tpu.dma_semaphore, #tpu.memory_space<semaphore_mem>>) src(%arg14 : memref<40x128xf32, #tpu.memory_space<vmem>>) dst(%dma_wait3A_67 : memref<40x128xf32, #tpu.memory_space<hbm>>)
      %dma_wait3A_68 = arith.constant 0 : i32
      %dma_wait3A_69 = tpu.memref_slice %arg7[%add3A_17, %dma_wait3A_68] : memref<320000x128xf32, #tpu.memory_space<hbm>> -> memref<40x128xf32, #tpu.memory_space<hbm>>
      %dma_wait3A_70 = arith.constant 0 : i32
      %dma_wait3A_71 = tpu.memref_slice %arg7[%add3A_17, %dma_wait3A_70] : memref<320000x128xf32, #tpu.memory_space<hbm>> -> memref<40x128xf32, #tpu.memory_space<hbm>>
      tpu.wait_dma2 semaphore(%arg23 : memref<!tpu.dma_semaphore, #tpu.memory_space<semaphore_mem>>) src(%arg15 : memref<40x128xf32, #tpu.memory_space<vmem>>) dst(%dma_wait3A_71 : memref<40x128xf32, #tpu.memory_space<hbm>>)
      %scan3A_72 = arith.constant 0 : i32
      scf.yield %scan3A_72 : i32
    }
    %scan3A_8 = arith.constant 125 : i32
    return
  }
}

#map = affine_map<(d0, d1) -> (0, 0)>
#map1 = affine_map<(d0, d1) -> (0)>
module attributes {stable_mosaic.version = 14 : i64} {
  func.func @body(%arg0: i32, %arg1: i32, %arg2: memref<10000x128xf32, #tpu.memory_space<hbm>>, %arg3: memref<10000x128xf32, #tpu.memory_space<hbm>>, %arg4: memref<320000xi32, #tpu.memory_space<hbm>>, %arg5: memref<320000xi32, #tpu.memory_space<hbm>>, %arg6: memref<320000x128xf32, #tpu.memory_space<hbm>>, %arg7: memref<320000x128xf32, #tpu.memory_space<hbm>>, %arg8: memref<40xi32, #tpu.memory_space<vmem>>, %arg9: memref<40xi32, #tpu.memory_space<vmem>>, %arg10: memref<40xi32, #tpu.memory_space<vmem>>, %arg11: memref<40xi32, #tpu.memory_space<vmem>>, %arg12: memref<40x128xf32, #tpu.memory_space<vmem>>, %arg13: memref<40x128xf32, #tpu.memory_space<vmem>>, %arg14: memref<40x128xf32, #tpu.memory_space<vmem>>, %arg15: memref<40x128xf32, #tpu.memory_space<vmem>>, %arg16: memref<!tpu.dma_semaphore, #tpu.memory_space<semaphore_mem>>, %arg17: memref<!tpu.dma_semaphore, #tpu.memory_space<semaphore_mem>>, %arg18: memref<!tpu.dma_semaphore, #tpu.memory_space<semaphore_mem>>, %arg19: memref<!tpu.dma_semaphore, #tpu.memory_space<semaphore_mem>>, %arg20: memref<!tpu.dma_semaphore, #tpu.memory_space<semaphore_mem>>, %arg21: memref<!tpu.dma_semaphore, #tpu.memory_space<semaphore_mem>>, %arg22: memref<!tpu.dma_semaphore, #tpu.memory_space<semaphore_mem>>, %arg23: memref<!tpu.dma_semaphore, #tpu.memory_space<semaphore_mem>>) attributes {dimension_semantics = [#tpu.dimension_semantics<core_parallel>, #tpu.dimension_semantics<subcore_parallel>], iteration_bounds = array<i64: 2, 16>, scalar_prefetch = 0 : i64, scratch_operands = 16 : i64, tpu.core_type = #tpu.core_type<sc_vector_subcore>, window_params = [{transform_indices = #map}, {transform_indices = #map}, {transform_indices = #map1}, {transform_indices = #map1}, {transform_indices = #map}, {transform_indices = #map}]} {
    %mul3A = arith.constant 2 : i32
    %mul3A_0 = arith.muli %arg1, %mul3A : i32
    %add3A = arith.addi %mul3A_0, %arg0 : i32
    %mul3A_1 = arith.constant 10000 : i32
    %mul3A_2 = arith.muli %add3A, %mul3A_1 : i32
    %scan3A = arith.constant 0 : i32
    %scan3A_3 = arith.constant 0 : i32
    %scan3A_4 = arith.constant 125 : i32
    %scan3A_5 = arith.addi %scan3A_3, %scan3A_4 : i32
    %scan3A_6 = arith.constant 1 : i32
    %scan3A_7 = scf.for %scan3A_9 = %scan3A_3 to %scan3A_5 step %scan3A_6 iter_args(%scan3A_10 = %scan3A) -> (i32)  : i32 {
      %mul3A_11 = arith.constant 2 : i32
      %mul3A_12 = arith.muli %mul3A_11, %scan3A_9 : i32
      %mul3A_13 = arith.constant 40 : i32
      %mul3A_14 = arith.muli %mul3A_12, %mul3A_13 : i32
      %add3A_15 = arith.addi %mul3A_2, %mul3A_14 : i32
      %add3A_16 = arith.constant 40 : i32
      %add3A_17 = arith.addi %add3A_15, %add3A_16 : i32
      "tpu.region"() ({
        %run_scoped3A = tpu.sem_alloc : memref<!tpu.dma_semaphore, #tpu.memory_space<semaphore_mem>>
        %dma_start3A_73 = tpu.memref_slice %arg4[%add3A_15] : memref<320000xi32, #tpu.memory_space<hbm>> -> memref<40xi32, #tpu.memory_space<hbm>>
        %dma_start3A_74 = tpu.memref_slice %arg4[%add3A_15] : memref<320000xi32, #tpu.memory_space<hbm>> -> memref<40xi32, #tpu.memory_space<hbm>>
        tpu.enqueue_dma source(%dma_start3A_74 : memref<40xi32, #tpu.memory_space<hbm>>) target(%arg8 : memref<40xi32, #tpu.memory_space<vmem>>) target_semaphore(%run_scoped3A : memref<!tpu.dma_semaphore, #tpu.memory_space<semaphore_mem>>)
        %dma_wait3A_75 = tpu.memref_slice %arg4[%add3A_15] : memref<320000xi32, #tpu.memory_space<hbm>> -> memref<40xi32, #tpu.memory_space<hbm>>
        %dma_wait3A_76 = tpu.memref_slice %arg4[%add3A_15] : memref<320000xi32, #tpu.memory_space<hbm>> -> memref<40xi32, #tpu.memory_space<hbm>>
        tpu.wait_dma2 semaphore(%run_scoped3A : memref<!tpu.dma_semaphore, #tpu.memory_space<semaphore_mem>>) src(%dma_wait3A_76 : memref<40xi32, #tpu.memory_space<hbm>>) dst(%arg8 : memref<40xi32, #tpu.memory_space<vmem>>)
        tpu.yield
      }) : () -> ()
      "tpu.region"() ({
        %run_scoped3A = tpu.sem_alloc : memref<!tpu.dma_semaphore, #tpu.memory_space<semaphore_mem>>
        %dma_start3A_73 = tpu.memref_slice %arg5[%add3A_15] : memref<320000xi32, #tpu.memory_space<hbm>> -> memref<40xi32, #tpu.memory_space<hbm>>
        %dma_start3A_74 = tpu.memref_slice %arg5[%add3A_15] : memref<320000xi32, #tpu.memory_space<hbm>> -> memref<40xi32, #tpu.memory_space<hbm>>
        tpu.enqueue_dma source(%dma_start3A_74 : memref<40xi32, #tpu.memory_space<hbm>>) target(%arg9 : memref<40xi32, #tpu.memory_space<vmem>>) target_semaphore(%run_scoped3A : memref<!tpu.dma_semaphore, #tpu.memory_space<semaphore_mem>>)
        %dma_wait3A_75 = tpu.memref_slice %arg5[%add3A_15] : memref<320000xi32, #tpu.memory_space<hbm>> -> memref<40xi32, #tpu.memory_space<hbm>>
        %dma_wait3A_76 = tpu.memref_slice %arg5[%add3A_15] : memref<320000xi32, #tpu.memory_space<hbm>> -> memref<40xi32, #tpu.memory_space<hbm>>
        tpu.wait_dma2 semaphore(%run_scoped3A : memref<!tpu.dma_semaphore, #tpu.memory_space<semaphore_mem>>) src(%dma_wait3A_76 : memref<40xi32, #tpu.memory_space<hbm>>) dst(%arg9 : memref<40xi32, #tpu.memory_space<vmem>>)
        tpu.yield
      }) : () -> ()
      "tpu.region"() ({
        %run_scoped3A = tpu.sem_alloc : memref<!tpu.dma_semaphore, #tpu.memory_space<semaphore_mem>>
        %dma_start3A_73 = tpu.memref_slice %arg4[%add3A_17] : memref<320000xi32, #tpu.memory_space<hbm>> -> memref<40xi32, #tpu.memory_space<hbm>>
        %dma_start3A_74 = tpu.memref_slice %arg4[%add3A_17] : memref<320000xi32, #tpu.memory_space<hbm>> -> memref<40xi32, #tpu.memory_space<hbm>>
        tpu.enqueue_dma source(%dma_start3A_74 : memref<40xi32, #tpu.memory_space<hbm>>) target(%arg10 : memref<40xi32, #tpu.memory_space<vmem>>) target_semaphore(%run_scoped3A : memref<!tpu.dma_semaphore, #tpu.memory_space<semaphore_mem>>)
        %dma_wait3A_75 = tpu.memref_slice %arg4[%add3A_17] : memref<320000xi32, #tpu.memory_space<hbm>> -> memref<40xi32, #tpu.memory_space<hbm>>
        %dma_wait3A_76 = tpu.memref_slice %arg4[%add3A_17] : memref<320000xi32, #tpu.memory_space<hbm>> -> memref<40xi32, #tpu.memory_space<hbm>>
        tpu.wait_dma2 semaphore(%run_scoped3A : memref<!tpu.dma_semaphore, #tpu.memory_space<semaphore_mem>>) src(%dma_wait3A_76 : memref<40xi32, #tpu.memory_space<hbm>>) dst(%arg10 : memref<40xi32, #tpu.memory_space<vmem>>)
        tpu.yield
      }) : () -> ()
      "tpu.region"() ({
        %run_scoped3A = tpu.sem_alloc : memref<!tpu.dma_semaphore, #tpu.memory_space<semaphore_mem>>
        %dma_start3A_73 = tpu.memref_slice %arg5[%add3A_17] : memref<320000xi32, #tpu.memory_space<hbm>> -> memref<40xi32, #tpu.memory_space<hbm>>
        %dma_start3A_74 = tpu.memref_slice %arg5[%add3A_17] : memref<320000xi32, #tpu.memory_space<hbm>> -> memref<40xi32, #tpu.memory_space<hbm>>
        tpu.enqueue_dma source(%dma_start3A_74 : memref<40xi32, #tpu.memory_space<hbm>>) target(%arg11 : memref<40xi32, #tpu.memory_space<vmem>>) target_semaphore(%run_scoped3A : memref<!tpu.dma_semaphore, #tpu.memory_space<semaphore_mem>>)
        %dma_wait3A_75 = tpu.memref_slice %arg5[%add3A_17] : memref<320000xi32, #tpu.memory_space<hbm>> -> memref<40xi32, #tpu.memory_space<hbm>>
        %dma_wait3A_76 = tpu.memref_slice %arg5[%add3A_17] : memref<320000xi32, #tpu.memory_space<hbm>> -> memref<40xi32, #tpu.memory_space<hbm>>
        tpu.wait_dma2 semaphore(%run_scoped3A : memref<!tpu.dma_semaphore, #tpu.memory_space<semaphore_mem>>) src(%dma_wait3A_76 : memref<40xi32, #tpu.memory_space<hbm>>) dst(%arg11 : memref<40xi32, #tpu.memory_space<vmem>>)
        tpu.yield
      }) : () -> ()
      %dma_start3A = arith.constant 0 : i32
      %dma_start3A_18 = arith.constant 0 : i32
      %dma_start3A_19 = tpu.memref_slice %arg2[%dma_start3A, %dma_start3A_18] : memref<10000x128xf32, #tpu.memory_space<hbm>> -> memref<10000x128xf32, #tpu.memory_space<hbm>>
      tpu.enqueue_indirect_dma source(%dma_start3A_19 : memref<10000x128xf32, #tpu.memory_space<hbm>>) target(%arg12 : memref<40x128xf32, #tpu.memory_space<vmem>>) offsets(%arg8 : memref<40xi32, #tpu.memory_space<vmem>>) semaphore(%arg16 : memref<!tpu.dma_semaphore, #tpu.memory_space<semaphore_mem>>)
      %dma_start3A_20 = arith.constant 0 : i32
      %dma_start3A_21 = arith.constant 0 : i32
      %dma_start3A_22 = tpu.memref_slice %arg3[%dma_start3A_20, %dma_start3A_21] : memref<10000x128xf32, #tpu.memory_space<hbm>> -> memref<10000x128xf32, #tpu.memory_space<hbm>>
      tpu.enqueue_indirect_dma source(%dma_start3A_22 : memref<10000x128xf32, #tpu.memory_space<hbm>>) target(%arg13 : memref<40x128xf32, #tpu.memory_space<vmem>>) offsets(%arg9 : memref<40xi32, #tpu.memory_space<vmem>>) semaphore(%arg17 : memref<!tpu.dma_semaphore, #tpu.memory_space<semaphore_mem>>)
      %dma_start3A_23 = arith.constant 0 : i32
      %dma_start3A_24 = arith.constant 0 : i32
      %dma_start3A_25 = tpu.memref_slice %arg2[%dma_start3A_23, %dma_start3A_24] : memref<10000x128xf32, #tpu.memory_space<hbm>> -> memref<10000x128xf32, #tpu.memory_space<hbm>>
      tpu.enqueue_indirect_dma source(%dma_start3A_25 : memref<10000x128xf32, #tpu.memory_space<hbm>>) target(%arg14 : memref<40x128xf32, #tpu.memory_space<vmem>>) offsets(%arg10 : memref<40xi32, #tpu.memory_space<vmem>>) semaphore(%arg18 : memref<!tpu.dma_semaphore, #tpu.memory_space<semaphore_mem>>)
      %dma_start3A_26 = arith.constant 0 : i32
      %dma_start3A_27 = arith.constant 0 : i32
      %dma_start3A_28 = tpu.memref_slice %arg3[%dma_start3A_26, %dma_start3A_27] : memref<10000x128xf32, #tpu.memory_space<hbm>> -> memref<10000x128xf32, #tpu.memory_space<hbm>>
      tpu.enqueue_indirect_dma source(%dma_start3A_28 : memref<10000x128xf32, #tpu.memory_space<hbm>>) target(%arg15 : memref<40x128xf32, #tpu.memory_space<vmem>>) offsets(%arg11 : memref<40xi32, #tpu.memory_space<vmem>>) semaphore(%arg19 : memref<!tpu.dma_semaphore, #tpu.memory_space<semaphore_mem>>)
      %dma_wait3A = arith.constant 0 : i32
      %dma_wait3A_29 = arith.constant 0 : i32
      %dma_wait3A_30 = tpu.memref_slice %arg2[%dma_wait3A, %dma_wait3A_29] : memref<10000x128xf32, #tpu.memory_space<hbm>> -> memref<10000x128xf32, #tpu.memory_space<hbm>>
      tpu.wait_indirect_dma semaphore(%arg16 : memref<!tpu.dma_semaphore, #tpu.memory_space<semaphore_mem>>) src(%dma_wait3A_30 : memref<10000x128xf32, #tpu.memory_space<hbm>>) dst(%arg12 : memref<40x128xf32, #tpu.memory_space<vmem>>)
      %dma_wait3A_31 = arith.constant 0 : i32
      %dma_wait3A_32 = arith.constant 0 : i32
      %dma_wait3A_33 = tpu.memref_slice %arg3[%dma_wait3A_31, %dma_wait3A_32] : memref<10000x128xf32, #tpu.memory_space<hbm>> -> memref<10000x128xf32, #tpu.memory_space<hbm>>
      tpu.wait_indirect_dma semaphore(%arg17 : memref<!tpu.dma_semaphore, #tpu.memory_space<semaphore_mem>>) src(%dma_wait3A_33 : memref<10000x128xf32, #tpu.memory_space<hbm>>) dst(%arg13 : memref<40x128xf32, #tpu.memory_space<vmem>>)
      %dma_start3A_34 = arith.constant 0 : i32
      %dma_start3A_35 = tpu.memref_slice %arg6[%add3A_15, %dma_start3A_34] : memref<320000x128xf32, #tpu.memory_space<hbm>> -> memref<40x128xf32, #tpu.memory_space<hbm>>
      %dma_start3A_36 = arith.constant 0 : i32
      %dma_start3A_37 = tpu.memref_slice %arg6[%add3A_15, %dma_start3A_36] : memref<320000x128xf32, #tpu.memory_space<hbm>> -> memref<40x128xf32, #tpu.memory_space<hbm>>
      tpu.enqueue_dma source(%arg12 : memref<40x128xf32, #tpu.memory_space<vmem>>) target(%dma_start3A_37 : memref<40x128xf32, #tpu.memory_space<hbm>>) target_semaphore(%arg20 : memref<!tpu.dma_semaphore, #tpu.memory_space<semaphore_mem>>)
      %dma_start3A_38 = arith.constant 0 : i32
      %dma_start3A_39 = tpu.memref_slice %arg7[%add3A_15, %dma_start3A_38] : memref<320000x128xf32, #tpu.memory_space<hbm>> -> memref<40x128xf32, #tpu.memory_space<hbm>>
      %dma_start3A_40 = arith.constant 0 : i32
      %dma_start3A_41 = tpu.memref_slice %arg7[%add3A_15, %dma_start3A_40] : memref<320000x128xf32, #tpu.memory_space<hbm>> -> memref<40x128xf32, #tpu.memory_space<hbm>>
      tpu.enqueue_dma source(%arg13 : memref<40x128xf32, #tpu.memory_space<vmem>>) target(%dma_start3A_41 : memref<40x128xf32, #tpu.memory_space<hbm>>) target_semaphore(%arg21 : memref<!tpu.dma_semaphore, #tpu.memory_space<semaphore_mem>>)
      %dma_wait3A_42 = arith.constant 0 : i32
      %dma_wait3A_43 = arith.constant 0 : i32
      %dma_wait3A_44 = tpu.memref_slice %arg2[%dma_wait3A_42, %dma_wait3A_43] : memref<10000x128xf32, #tpu.memory_space<hbm>> -> memref<10000x128xf32, #tpu.memory_space<hbm>>
      tpu.wait_indirect_dma semaphore(%arg18 : memref<!tpu.dma_semaphore, #tpu.memory_space<semaphore_mem>>) src(%dma_wait3A_44 : memref<10000x128xf32, #tpu.memory_space<hbm>>) dst(%arg14 : memref<40x128xf32, #tpu.memory_space<vmem>>)
      %dma_wait3A_45 = arith.constant 0 : i32
      %dma_wait3A_46 = arith.constant 0 : i32
      %dma_wait3A_47 = tpu.memref_slice %arg3[%dma_wait3A_45, %dma_wait3A_46] : memref<10000x128xf32, #tpu.memory_space<hbm>> -> memref<10000x128xf32, #tpu.memory_space<hbm>>
      tpu.wait_indirect_dma semaphore(%arg19 : memref<!tpu.dma_semaphore, #tpu.memory_space<semaphore_mem>>) src(%dma_wait3A_47 : memref<10000x128xf32, #tpu.memory_space<hbm>>) dst(%arg15 : memref<40x128xf32, #tpu.memory_space<vmem>>)
      %dma_start3A_48 = arith.constant 0 : i32
      %dma_start3A_49 = tpu.memref_slice %arg6[%add3A_17, %dma_start3A_48] : memref<320000x128xf32, #tpu.memory_space<hbm>> -> memref<40x128xf32, #tpu.memory_space<hbm>>
      %dma_start3A_50 = arith.constant 0 : i32
      %dma_start3A_51 = tpu.memref_slice %arg6[%add3A_17, %dma_start3A_50] : memref<320000x128xf32, #tpu.memory_space<hbm>> -> memref<40x128xf32, #tpu.memory_space<hbm>>
      tpu.enqueue_dma source(%arg14 : memref<40x128xf32, #tpu.memory_space<vmem>>) target(%dma_start3A_51 : memref<40x128xf32, #tpu.memory_space<hbm>>) target_semaphore(%arg22 : memref<!tpu.dma_semaphore, #tpu.memory_space<semaphore_mem>>)
      %dma_start3A_52 = arith.constant 0 : i32
      %dma_start3A_53 = tpu.memref_slice %arg7[%add3A_17, %dma_start3A_52] : memref<320000x128xf32, #tpu.memory_space<hbm>> -> memref<40x128xf32, #tpu.memory_space<hbm>>
      %dma_start3A_54 = arith.constant 0 : i32
      %dma_start3A_55 = tpu.memref_slice %arg7[%add3A_17, %dma_start3A_54] : memref<320000x128xf32, #tpu.memory_space<hbm>> -> memref<40x128xf32, #tpu.memory_space<hbm>>
      tpu.enqueue_dma source(%arg15 : memref<40x128xf32, #tpu.memory_space<vmem>>) target(%dma_start3A_55 : memref<40x128xf32, #tpu.memory_space<hbm>>) target_semaphore(%arg23 : memref<!tpu.dma_semaphore, #tpu.memory_space<semaphore_mem>>)
      %dma_wait3A_56 = arith.constant 0 : i32
      %dma_wait3A_57 = tpu.memref_slice %arg6[%add3A_15, %dma_wait3A_56] : memref<320000x128xf32, #tpu.memory_space<hbm>> -> memref<40x128xf32, #tpu.memory_space<hbm>>
      %dma_wait3A_58 = arith.constant 0 : i32
      %dma_wait3A_59 = tpu.memref_slice %arg6[%add3A_15, %dma_wait3A_58] : memref<320000x128xf32, #tpu.memory_space<hbm>> -> memref<40x128xf32, #tpu.memory_space<hbm>>
      tpu.wait_dma2 semaphore(%arg20 : memref<!tpu.dma_semaphore, #tpu.memory_space<semaphore_mem>>) src(%arg12 : memref<40x128xf32, #tpu.memory_space<vmem>>) dst(%dma_wait3A_59 : memref<40x128xf32, #tpu.memory_space<hbm>>)
      %dma_wait3A_60 = arith.constant 0 : i32
      %dma_wait3A_61 = tpu.memref_slice %arg7[%add3A_15, %dma_wait3A_60] : memref<320000x128xf32, #tpu.memory_space<hbm>> -> memref<40x128xf32, #tpu.memory_space<hbm>>
      %dma_wait3A_62 = arith.constant 0 : i32
      %dma_wait3A_63 = tpu.memref_slice %arg7[%add3A_15, %dma_wait3A_62] : memref<320000x128xf32, #tpu.memory_space<hbm>> -> memref<40x128xf32, #tpu.memory_space<hbm>>
      tpu.wait_dma2 semaphore(%arg21 : memref<!tpu.dma_semaphore, #tpu.memory_space<semaphore_mem>>) src(%arg13 : memref<40x128xf32, #tpu.memory_space<vmem>>) dst(%dma_wait3A_63 : memref<40x128xf32, #tpu.memory_space<hbm>>)
      %dma_wait3A_64 = arith.constant 0 : i32
      %dma_wait3A_65 = tpu.memref_slice %arg6[%add3A_17, %dma_wait3A_64] : memref<320000x128xf32, #tpu.memory_space<hbm>> -> memref<40x128xf32, #tpu.memory_space<hbm>>
      %dma_wait3A_66 = arith.constant 0 : i32
      %dma_wait3A_67 = tpu.memref_slice %arg6[%add3A_17, %dma_wait3A_66] : memref<320000x128xf32, #tpu.memory_space<hbm>> -> memref<40x128xf32, #tpu.memory_space<hbm>>
      tpu.wait_dma2 semaphore(%arg22 : memref<!tpu.dma_semaphore, #tpu.memory_space<semaphore_mem>>) src(%arg14 : memref<40x128xf32, #tpu.memory_space<vmem>>) dst(%dma_wait3A_67 : memref<40x128xf32, #tpu.memory_space<hbm>>)
      %dma_wait3A_68 = arith.constant 0 : i32
      %dma_wait3A_69 = tpu.memref_slice %arg7[%add3A_17, %dma_wait3A_68] : memref<320000x128xf32, #tpu.memory_space<hbm>> -> memref<40x128xf32, #tpu.memory_space<hbm>>
      %dma_wait3A_70 = arith.constant 0 : i32
      %dma_wait3A_71 = tpu.memref_slice %arg7[%add3A_17, %dma_wait3A_70] : memref<320000x128xf32, #tpu.memory_space<hbm>> -> memref<40x128xf32, #tpu.memory_space<hbm>>
      tpu.wait_dma2 semaphore(%arg23 : memref<!tpu.dma_semaphore, #tpu.memory_space<semaphore_mem>>) src(%arg15 : memref<40x128xf32, #tpu.memory_space<vmem>>) dst(%dma_wait3A_71 : memref<40x128xf32, #tpu.memory_space<hbm>>)
      %scan3A_72 = arith.constant 0 : i32
      scf.yield %scan3A_72 : i32
    }
    %scan3A_8 = arith.constant 125 : i32
    return
  }
}

#map = affine_map<(d0, d1) -> (0, 0)>
#map1 = affine_map<(d0, d1) -> (0)>
#map2 = affine_map<(d0, d1) -> (0, 0, 0)>
module attributes {stable_mosaic.version = 14 : i64} {
  func.func @body(%arg0: i32, %arg1: i32, %arg2: memref<320000x128xf32, #tpu.memory_space<hbm>>, %arg3: memref<320000xi32, #tpu.memory_space<hbm>>, %arg4: memref<10240x128xf32, #tpu.memory_space<hbm>>, %arg5: memref<2x10240x128xf32, #tpu.memory_space<hbm>>, %arg6: memref<40xi32, #tpu.memory_space<vmem>>, %arg7: memref<40xi32, #tpu.memory_space<vmem>>, %arg8: memref<40x128xf32, #tpu.memory_space<vmem>>, %arg9: memref<40x128xf32, #tpu.memory_space<vmem>>, %arg10: memref<10240x128xf32, #tpu.memory_space<vmem_shared>>, %arg11: memref<!tpu.dma_semaphore, #tpu.memory_space<semaphore_mem>>, %arg12: memref<!tpu.dma_semaphore, #tpu.memory_space<semaphore_mem>>, %arg13: memref<!tpu.dma_semaphore, #tpu.memory_space<semaphore_mem>>, %arg14: memref<!tpu.dma_semaphore, #tpu.memory_space<semaphore_mem>>) attributes {dimension_semantics = [#tpu.dimension_semantics<core_parallel>, #tpu.dimension_semantics<subcore_parallel>], iteration_bounds = array<i64: 2, 16>, scalar_prefetch = 0 : i64, scratch_operands = 9 : i64, tpu.core_type = #tpu.core_type<sc_vector_subcore>, window_params = [{transform_indices = #map}, {transform_indices = #map1}, {transform_indices = #map}, {transform_indices = #map2}]} {
    %mul3A = arith.constant 2 : i32
    %mul3A_0 = arith.muli %arg1, %mul3A : i32
    %add3A = arith.addi %mul3A_0, %arg0 : i32
    %mul3A_1 = arith.constant 10000 : i32
    %mul3A_2 = arith.muli %add3A, %mul3A_1 : i32
    %mul3A_3 = arith.constant 640 : i32
    %mul3A_4 = arith.muli %arg1, %mul3A_3 : i32
    %mul3A_5 = arith.constant 640 : i32
    %mul3A_6 = arith.muli %arg1, %mul3A_5 : i32
    "tpu.region"() ({
      %run_scoped3A = tpu.sem_alloc : memref<!tpu.dma_semaphore, #tpu.memory_space<semaphore_mem>>
      %dma_start3A = arith.constant 0 : i32
      %dma_start3A_18 = tpu.memref_slice %arg10[%mul3A_6, %dma_start3A] : memref<10240x128xf32, #tpu.memory_space<vmem_shared>> -> memref<640x128xf32, #tpu.memory_space<vmem_shared>>
      %dma_start3A_19 = arith.constant 0 : i32
      %dma_start3A_20 = tpu.memref_slice %arg4[%mul3A_4, %dma_start3A_19] : memref<10240x128xf32, #tpu.memory_space<hbm>> -> memref<640x128xf32, #tpu.memory_space<hbm>>
      tpu.enqueue_dma source(%dma_start3A_20 : memref<640x128xf32, #tpu.memory_space<hbm>>) target(%dma_start3A_18 : memref<640x128xf32, #tpu.memory_space<vmem_shared>>) target_semaphore(%run_scoped3A : memref<!tpu.dma_semaphore, #tpu.memory_space<semaphore_mem>>)
      %dma_wait3A = arith.constant 0 : i32
      %dma_wait3A_21 = tpu.memref_slice %arg10[%mul3A_6, %dma_wait3A] : memref<10240x128xf32, #tpu.memory_space<vmem_shared>> -> memref<640x128xf32, #tpu.memory_space<vmem_shared>>
      %dma_wait3A_22 = arith.constant 0 : i32
      %dma_wait3A_23 = tpu.memref_slice %arg4[%mul3A_4, %dma_wait3A_22] : memref<10240x128xf32, #tpu.memory_space<hbm>> -> memref<640x128xf32, #tpu.memory_space<hbm>>
      tpu.wait_dma2 semaphore(%run_scoped3A : memref<!tpu.dma_semaphore, #tpu.memory_space<semaphore_mem>>) src(%dma_wait3A_23 : memref<640x128xf32, #tpu.memory_space<hbm>>) dst(%dma_wait3A_21 : memref<640x128xf32, #tpu.memory_space<vmem_shared>>)
      tpu.yield
    }) : () -> ()
    %barrier3A = arith.constant 0 : index
    tpu.barrier barrier_id(%barrier3A)
    %scan3A = arith.constant 0 : i32
    %scan3A_7 = arith.constant 0 : i32
    %scan3A_8 = arith.constant 125 : i32
    %scan3A_9 = arith.addi %scan3A_7, %scan3A_8 : i32
    %scan3A_10 = arith.constant 1 : i32
    %scan3A_11 = scf.for %scan3A_18 = %scan3A_7 to %scan3A_9 step %scan3A_10 iter_args(%scan3A_19 = %scan3A) -> (i32)  : i32 {
      %mul3A_20 = arith.constant 2 : i32
      %mul3A_21 = arith.muli %mul3A_20, %scan3A_18 : i32
      %mul3A_22 = arith.constant 40 : i32
      %mul3A_23 = arith.muli %mul3A_21, %mul3A_22 : i32
      %add3A_24 = arith.addi %mul3A_2, %mul3A_23 : i32
      %add3A_25 = arith.constant 40 : i32
      %add3A_26 = arith.addi %add3A_24, %add3A_25 : i32
      "tpu.region"() ({
        %run_scoped3A = tpu.sem_alloc : memref<!tpu.dma_semaphore, #tpu.memory_space<semaphore_mem>>
        %dma_start3A_54 = tpu.memref_slice %arg3[%add3A_24] : memref<320000xi32, #tpu.memory_space<hbm>> -> memref<40xi32, #tpu.memory_space<hbm>>
        %dma_start3A_55 = tpu.memref_slice %arg3[%add3A_24] : memref<320000xi32, #tpu.memory_space<hbm>> -> memref<40xi32, #tpu.memory_space<hbm>>
        tpu.enqueue_dma source(%dma_start3A_55 : memref<40xi32, #tpu.memory_space<hbm>>) target(%arg6 : memref<40xi32, #tpu.memory_space<vmem>>) target_semaphore(%run_scoped3A : memref<!tpu.dma_semaphore, #tpu.memory_space<semaphore_mem>>)
        %dma_wait3A_56 = tpu.memref_slice %arg3[%add3A_24] : memref<320000xi32, #tpu.memory_space<hbm>> -> memref<40xi32, #tpu.memory_space<hbm>>
        %dma_wait3A_57 = tpu.memref_slice %arg3[%add3A_24] : memref<320000xi32, #tpu.memory_space<hbm>> -> memref<40xi32, #tpu.memory_space<hbm>>
        tpu.wait_dma2 semaphore(%run_scoped3A : memref<!tpu.dma_semaphore, #tpu.memory_space<semaphore_mem>>) src(%dma_wait3A_57 : memref<40xi32, #tpu.memory_space<hbm>>) dst(%arg6 : memref<40xi32, #tpu.memory_space<vmem>>)
        tpu.yield
      }) : () -> ()
      %dma_start3A = arith.constant 0 : i32
      %dma_start3A_27 = tpu.memref_slice %arg2[%add3A_24, %dma_start3A] : memref<320000x128xf32, #tpu.memory_space<hbm>> -> memref<40x128xf32, #tpu.memory_space<hbm>>
      %dma_start3A_28 = arith.constant 0 : i32
      %dma_start3A_29 = tpu.memref_slice %arg2[%add3A_24, %dma_start3A_28] : memref<320000x128xf32, #tpu.memory_space<hbm>> -> memref<40x128xf32, #tpu.memory_space<hbm>>
      tpu.enqueue_dma source(%dma_start3A_29 : memref<40x128xf32, #tpu.memory_space<hbm>>) target(%arg8 : memref<40x128xf32, #tpu.memory_space<vmem>>) target_semaphore(%arg11 : memref<!tpu.dma_semaphore, #tpu.memory_space<semaphore_mem>>)
      "tpu.region"() ({
        %run_scoped3A = tpu.sem_alloc : memref<!tpu.dma_semaphore, #tpu.memory_space<semaphore_mem>>
        %dma_start3A_54 = tpu.memref_slice %arg3[%add3A_26] : memref<320000xi32, #tpu.memory_space<hbm>> -> memref<40xi32, #tpu.memory_space<hbm>>
        %dma_start3A_55 = tpu.memref_slice %arg3[%add3A_26] : memref<320000xi32, #tpu.memory_space<hbm>> -> memref<40xi32, #tpu.memory_space<hbm>>
        tpu.enqueue_dma source(%dma_start3A_55 : memref<40xi32, #tpu.memory_space<hbm>>) target(%arg7 : memref<40xi32, #tpu.memory_space<vmem>>) target_semaphore(%run_scoped3A : memref<!tpu.dma_semaphore, #tpu.memory_space<semaphore_mem>>)
        %dma_wait3A_56 = tpu.memref_slice %arg3[%add3A_26] : memref<320000xi32, #tpu.memory_space<hbm>> -> memref<40xi32, #tpu.memory_space<hbm>>
        %dma_wait3A_57 = tpu.memref_slice %arg3[%add3A_26] : memref<320000xi32, #tpu.memory_space<hbm>> -> memref<40xi32, #tpu.memory_space<hbm>>
        tpu.wait_dma2 semaphore(%run_scoped3A : memref<!tpu.dma_semaphore, #tpu.memory_space<semaphore_mem>>) src(%dma_wait3A_57 : memref<40xi32, #tpu.memory_space<hbm>>) dst(%arg7 : memref<40xi32, #tpu.memory_space<vmem>>)
        tpu.yield
      }) : () -> ()
      %dma_start3A_30 = arith.constant 0 : i32
      %dma_start3A_31 = tpu.memref_slice %arg2[%add3A_26, %dma_start3A_30] : memref<320000x128xf32, #tpu.memory_space<hbm>> -> memref<40x128xf32, #tpu.memory_space<hbm>>
      %dma_start3A_32 = arith.constant 0 : i32
      %dma_start3A_33 = tpu.memref_slice %arg2[%add3A_26, %dma_start3A_32] : memref<320000x128xf32, #tpu.memory_space<hbm>> -> memref<40x128xf32, #tpu.memory_space<hbm>>
      tpu.enqueue_dma source(%dma_start3A_33 : memref<40x128xf32, #tpu.memory_space<hbm>>) target(%arg9 : memref<40x128xf32, #tpu.memory_space<vmem>>) target_semaphore(%arg12 : memref<!tpu.dma_semaphore, #tpu.memory_space<semaphore_mem>>)
      %dma_wait3A = arith.constant 0 : i32
      %dma_wait3A_34 = tpu.memref_slice %arg2[%add3A_24, %dma_wait3A] : memref<320000x128xf32, #tpu.memory_space<hbm>> -> memref<40x128xf32, #tpu.memory_space<hbm>>
      %dma_wait3A_35 = arith.constant 0 : i32
      %dma_wait3A_36 = tpu.memref_slice %arg2[%add3A_24, %dma_wait3A_35] : memref<320000x128xf32, #tpu.memory_space<hbm>> -> memref<40x128xf32, #tpu.memory_space<hbm>>
      tpu.wait_dma2 semaphore(%arg11 : memref<!tpu.dma_semaphore, #tpu.memory_space<semaphore_mem>>) src(%dma_wait3A_36 : memref<40x128xf32, #tpu.memory_space<hbm>>) dst(%arg8 : memref<40x128xf32, #tpu.memory_space<vmem>>)
      %dma_start3A_37 = arith.constant 0 : i32
      %dma_start3A_38 = arith.constant 0 : i32
      %dma_start3A_39 = tpu.memref_slice %arg10[%dma_start3A_37, %dma_start3A_38] : memref<10240x128xf32, #tpu.memory_space<vmem_shared>> -> memref<10240x128xf32, #tpu.memory_space<vmem_shared>>
      tpu.enqueue_indirect_dma source(%arg8 : memref<40x128xf32, #tpu.memory_space<vmem>>) target(%dma_start3A_39 : memref<10240x128xf32, #tpu.memory_space<vmem_shared>>) offsets(%arg6 : memref<40xi32, #tpu.memory_space<vmem>>) semaphore(%arg13 : memref<!tpu.dma_semaphore, #tpu.memory_space<semaphore_mem>>) {add = true}
      %dma_wait3A_40 = arith.constant 0 : i32
      %dma_wait3A_41 = tpu.memref_slice %arg2[%add3A_26, %dma_wait3A_40] : memref<320000x128xf32, #tpu.memory_space<hbm>> -> memref<40x128xf32, #tpu.memory_space<hbm>>
      %dma_wait3A_42 = arith.constant 0 : i32
      %dma_wait3A_43 = tpu.memref_slice %arg2[%add3A_26, %dma_wait3A_42] : memref<320000x128xf32, #tpu.memory_space<hbm>> -> memref<40x128xf32, #tpu.memory_space<hbm>>
      tpu.wait_dma2 semaphore(%arg12 : memref<!tpu.dma_semaphore, #tpu.memory_space<semaphore_mem>>) src(%dma_wait3A_43 : memref<40x128xf32, #tpu.memory_space<hbm>>) dst(%arg9 : memref<40x128xf32, #tpu.memory_space<vmem>>)
      %dma_start3A_44 = arith.constant 0 : i32
      %dma_start3A_45 = arith.constant 0 : i32
      %dma_start3A_46 = tpu.memref_slice %arg10[%dma_start3A_44, %dma_start3A_45] : memref<10240x128xf32, #tpu.memory_space<vmem_shared>> -> memref<10240x128xf32, #tpu.memory_space<vmem_shared>>
      tpu.enqueue_indirect_dma source(%arg9 : memref<40x128xf32, #tpu.memory_space<vmem>>) target(%dma_start3A_46 : memref<10240x128xf32, #tpu.memory_space<vmem_shared>>) offsets(%arg7 : memref<40xi32, #tpu.memory_space<vmem>>) semaphore(%arg14 : memref<!tpu.dma_semaphore, #tpu.memory_space<semaphore_mem>>) {add = true}
      %dma_wait3A_47 = arith.constant 0 : i32
      %dma_wait3A_48 = arith.constant 0 : i32
      %dma_wait3A_49 = tpu.memref_slice %arg10[%dma_wait3A_47, %dma_wait3A_48] : memref<10240x128xf32, #tpu.memory_space<vmem_shared>> -> memref<10240x128xf32, #tpu.memory_space<vmem_shared>>
      tpu.wait_indirect_dma semaphore(%arg13 : memref<!tpu.dma_semaphore, #tpu.memory_space<semaphore_mem>>) src(%arg8 : memref<40x128xf32, #tpu.memory_space<vmem>>) dst(%dma_wait3A_49 : memref<10240x128xf32, #tpu.memory_space<vmem_shared>>)
      %dma_wait3A_50 = arith.constant 0 : i32
      %dma_wait3A_51 = arith.constant 0 : i32
      %dma_wait3A_52 = tpu.memref_slice %arg10[%dma_wait3A_50, %dma_wait3A_51] : memref<10240x128xf32, #tpu.memory_space<vmem_shared>> -> memref<10240x128xf32, #tpu.memory_space<vmem_shared>>
      tpu.wait_indirect_dma semaphore(%arg14 : memref<!tpu.dma_semaphore, #tpu.memory_space<semaphore_mem>>) src(%arg9 : memref<40x128xf32, #tpu.memory_space<vmem>>) dst(%dma_wait3A_52 : memref<10240x128xf32, #tpu.memory_space<vmem_shared>>)
      %scan3A_53 = arith.constant 0 : i32
      scf.yield %scan3A_53 : i32
    }
    %scan3A_12 = arith.constant 125 : i32
    %barrier3A_13 = arith.constant 0 : index
    tpu.barrier barrier_id(%barrier3A_13)
    %mul3A_14 = arith.constant 640 : i32
    %mul3A_15 = arith.muli %arg1, %mul3A_14 : i32
    %mul3A_16 = arith.constant 640 : i32
    %mul3A_17 = arith.muli %arg1, %mul3A_16 : i32
    "tpu.region"() ({
      %run_scoped3A = tpu.sem_alloc : memref<!tpu.dma_semaphore, #tpu.memory_space<semaphore_mem>>
      %dma_start3A = arith.constant 0 : i32
      %dma_start3A_18 = tpu.memref_slice %arg5[%arg0, %mul3A_17, %dma_start3A] : memref<2x10240x128xf32, #tpu.memory_space<hbm>> -> memref<1x640x128xf32, #tpu.memory_space<hbm>>
      %dma_start3A_19 = tpu.memref_squeeze %dma_start3A_18 : memref<1x640x128xf32, #tpu.memory_space<hbm>> -> memref<640x128xf32, #tpu.memory_space<hbm>>
      %dma_start3A_20 = arith.constant 0 : i32
      %dma_start3A_21 = tpu.memref_slice %arg10[%mul3A_15, %dma_start3A_20] : memref<10240x128xf32, #tpu.memory_space<vmem_shared>> -> memref<640x128xf32, #tpu.memory_space<vmem_shared>>
      tpu.enqueue_dma source(%dma_start3A_21 : memref<640x128xf32, #tpu.memory_space<vmem_shared>>) target(%dma_start3A_19 : memref<640x128xf32, #tpu.memory_space<hbm>>) target_semaphore(%run_scoped3A : memref<!tpu.dma_semaphore, #tpu.memory_space<semaphore_mem>>)
      %dma_wait3A = arith.constant 0 : i32
      %dma_wait3A_22 = tpu.memref_slice %arg5[%arg0, %mul3A_17, %dma_wait3A] : memref<2x10240x128xf32, #tpu.memory_space<hbm>> -> memref<1x640x128xf32, #tpu.memory_space<hbm>>
      %dma_wait3A_23 = tpu.memref_squeeze %dma_wait3A_22 : memref<1x640x128xf32, #tpu.memory_space<hbm>> -> memref<640x128xf32, #tpu.memory_space<hbm>>
      %dma_wait3A_24 = arith.constant 0 : i32
      %dma_wait3A_25 = tpu.memref_slice %arg10[%mul3A_15, %dma_wait3A_24] : memref<10240x128xf32, #tpu.memory_space<vmem_shared>> -> memref<640x128xf32, #tpu.memory_space<vmem_shared>>
      tpu.wait_dma2 semaphore(%run_scoped3A : memref<!tpu.dma_semaphore, #tpu.memory_space<semaphore_mem>>) src(%dma_wait3A_25 : memref<640x128xf32, #tpu.memory_space<vmem_shared>>) dst(%dma_wait3A_23 : memref<640x128xf32, #tpu.memory_space<hbm>>)
      tpu.yield
    }) : () -> ()
    return
  }
}

#map = affine_map<(d0, d1) -> (0, 0)>
#map1 = affine_map<(d0, d1) -> (0)>
module attributes {stable_mosaic.version = 14 : i64} {
  func.func @body(%arg0: i32, %arg1: i32, %arg2: memref<10000x128xf32, #tpu.memory_space<hbm>>, %arg3: memref<10000x128xf32, #tpu.memory_space<hbm>>, %arg4: memref<320000xi32, #tpu.memory_space<hbm>>, %arg5: memref<320000xi32, #tpu.memory_space<hbm>>, %arg6: memref<320000x128xf32, #tpu.memory_space<hbm>>, %arg7: memref<320000x128xf32, #tpu.memory_space<hbm>>, %arg8: memref<40xi32, #tpu.memory_space<vmem>>, %arg9: memref<40xi32, #tpu.memory_space<vmem>>, %arg10: memref<40xi32, #tpu.memory_space<vmem>>, %arg11: memref<40xi32, #tpu.memory_space<vmem>>, %arg12: memref<40x128xf32, #tpu.memory_space<vmem>>, %arg13: memref<40x128xf32, #tpu.memory_space<vmem>>, %arg14: memref<40x128xf32, #tpu.memory_space<vmem>>, %arg15: memref<40x128xf32, #tpu.memory_space<vmem>>, %arg16: memref<!tpu.dma_semaphore, #tpu.memory_space<semaphore_mem>>, %arg17: memref<!tpu.dma_semaphore, #tpu.memory_space<semaphore_mem>>, %arg18: memref<!tpu.dma_semaphore, #tpu.memory_space<semaphore_mem>>, %arg19: memref<!tpu.dma_semaphore, #tpu.memory_space<semaphore_mem>>, %arg20: memref<!tpu.dma_semaphore, #tpu.memory_space<semaphore_mem>>, %arg21: memref<!tpu.dma_semaphore, #tpu.memory_space<semaphore_mem>>, %arg22: memref<!tpu.dma_semaphore, #tpu.memory_space<semaphore_mem>>, %arg23: memref<!tpu.dma_semaphore, #tpu.memory_space<semaphore_mem>>) attributes {dimension_semantics = [#tpu.dimension_semantics<core_parallel>, #tpu.dimension_semantics<subcore_parallel>], iteration_bounds = array<i64: 2, 16>, scalar_prefetch = 0 : i64, scratch_operands = 16 : i64, tpu.core_type = #tpu.core_type<sc_vector_subcore>, window_params = [{transform_indices = #map}, {transform_indices = #map}, {transform_indices = #map1}, {transform_indices = #map1}, {transform_indices = #map}, {transform_indices = #map}]} {
    %mul3A = arith.constant 2 : i32
    %mul3A_0 = arith.muli %arg1, %mul3A : i32
    %add3A = arith.addi %mul3A_0, %arg0 : i32
    %mul3A_1 = arith.constant 10000 : i32
    %mul3A_2 = arith.muli %add3A, %mul3A_1 : i32
    %scan3A = arith.constant 0 : i32
    %scan3A_3 = arith.constant 0 : i32
    %scan3A_4 = arith.constant 125 : i32
    %scan3A_5 = arith.addi %scan3A_3, %scan3A_4 : i32
    %scan3A_6 = arith.constant 1 : i32
    %scan3A_7 = scf.for %scan3A_9 = %scan3A_3 to %scan3A_5 step %scan3A_6 iter_args(%scan3A_10 = %scan3A) -> (i32)  : i32 {
      %mul3A_11 = arith.constant 2 : i32
      %mul3A_12 = arith.muli %mul3A_11, %scan3A_9 : i32
      %mul3A_13 = arith.constant 40 : i32
      %mul3A_14 = arith.muli %mul3A_12, %mul3A_13 : i32
      %add3A_15 = arith.addi %mul3A_2, %mul3A_14 : i32
      %add3A_16 = arith.constant 40 : i32
      %add3A_17 = arith.addi %add3A_15, %add3A_16 : i32
      "tpu.region"() ({
        %run_scoped3A = tpu.sem_alloc : memref<!tpu.dma_semaphore, #tpu.memory_space<semaphore_mem>>
        %dma_start3A_73 = tpu.memref_slice %arg4[%add3A_15] : memref<320000xi32, #tpu.memory_space<hbm>> -> memref<40xi32, #tpu.memory_space<hbm>>
        %dma_start3A_74 = tpu.memref_slice %arg4[%add3A_15] : memref<320000xi32, #tpu.memory_space<hbm>> -> memref<40xi32, #tpu.memory_space<hbm>>
        tpu.enqueue_dma source(%dma_start3A_74 : memref<40xi32, #tpu.memory_space<hbm>>) target(%arg8 : memref<40xi32, #tpu.memory_space<vmem>>) target_semaphore(%run_scoped3A : memref<!tpu.dma_semaphore, #tpu.memory_space<semaphore_mem>>)
        %dma_wait3A_75 = tpu.memref_slice %arg4[%add3A_15] : memref<320000xi32, #tpu.memory_space<hbm>> -> memref<40xi32, #tpu.memory_space<hbm>>
        %dma_wait3A_76 = tpu.memref_slice %arg4[%add3A_15] : memref<320000xi32, #tpu.memory_space<hbm>> -> memref<40xi32, #tpu.memory_space<hbm>>
        tpu.wait_dma2 semaphore(%run_scoped3A : memref<!tpu.dma_semaphore, #tpu.memory_space<semaphore_mem>>) src(%dma_wait3A_76 : memref<40xi32, #tpu.memory_space<hbm>>) dst(%arg8 : memref<40xi32, #tpu.memory_space<vmem>>)
        tpu.yield
      }) : () -> ()
      "tpu.region"() ({
        %run_scoped3A = tpu.sem_alloc : memref<!tpu.dma_semaphore, #tpu.memory_space<semaphore_mem>>
        %dma_start3A_73 = tpu.memref_slice %arg5[%add3A_15] : memref<320000xi32, #tpu.memory_space<hbm>> -> memref<40xi32, #tpu.memory_space<hbm>>
        %dma_start3A_74 = tpu.memref_slice %arg5[%add3A_15] : memref<320000xi32, #tpu.memory_space<hbm>> -> memref<40xi32, #tpu.memory_space<hbm>>
        tpu.enqueue_dma source(%dma_start3A_74 : memref<40xi32, #tpu.memory_space<hbm>>) target(%arg9 : memref<40xi32, #tpu.memory_space<vmem>>) target_semaphore(%run_scoped3A : memref<!tpu.dma_semaphore, #tpu.memory_space<semaphore_mem>>)
        %dma_wait3A_75 = tpu.memref_slice %arg5[%add3A_15] : memref<320000xi32, #tpu.memory_space<hbm>> -> memref<40xi32, #tpu.memory_space<hbm>>
        %dma_wait3A_76 = tpu.memref_slice %arg5[%add3A_15] : memref<320000xi32, #tpu.memory_space<hbm>> -> memref<40xi32, #tpu.memory_space<hbm>>
        tpu.wait_dma2 semaphore(%run_scoped3A : memref<!tpu.dma_semaphore, #tpu.memory_space<semaphore_mem>>) src(%dma_wait3A_76 : memref<40xi32, #tpu.memory_space<hbm>>) dst(%arg9 : memref<40xi32, #tpu.memory_space<vmem>>)
        tpu.yield
      }) : () -> ()
      "tpu.region"() ({
        %run_scoped3A = tpu.sem_alloc : memref<!tpu.dma_semaphore, #tpu.memory_space<semaphore_mem>>
        %dma_start3A_73 = tpu.memref_slice %arg4[%add3A_17] : memref<320000xi32, #tpu.memory_space<hbm>> -> memref<40xi32, #tpu.memory_space<hbm>>
        %dma_start3A_74 = tpu.memref_slice %arg4[%add3A_17] : memref<320000xi32, #tpu.memory_space<hbm>> -> memref<40xi32, #tpu.memory_space<hbm>>
        tpu.enqueue_dma source(%dma_start3A_74 : memref<40xi32, #tpu.memory_space<hbm>>) target(%arg10 : memref<40xi32, #tpu.memory_space<vmem>>) target_semaphore(%run_scoped3A : memref<!tpu.dma_semaphore, #tpu.memory_space<semaphore_mem>>)
        %dma_wait3A_75 = tpu.memref_slice %arg4[%add3A_17] : memref<320000xi32, #tpu.memory_space<hbm>> -> memref<40xi32, #tpu.memory_space<hbm>>
        %dma_wait3A_76 = tpu.memref_slice %arg4[%add3A_17] : memref<320000xi32, #tpu.memory_space<hbm>> -> memref<40xi32, #tpu.memory_space<hbm>>
        tpu.wait_dma2 semaphore(%run_scoped3A : memref<!tpu.dma_semaphore, #tpu.memory_space<semaphore_mem>>) src(%dma_wait3A_76 : memref<40xi32, #tpu.memory_space<hbm>>) dst(%arg10 : memref<40xi32, #tpu.memory_space<vmem>>)
        tpu.yield
      }) : () -> ()
      "tpu.region"() ({
        %run_scoped3A = tpu.sem_alloc : memref<!tpu.dma_semaphore, #tpu.memory_space<semaphore_mem>>
        %dma_start3A_73 = tpu.memref_slice %arg5[%add3A_17] : memref<320000xi32, #tpu.memory_space<hbm>> -> memref<40xi32, #tpu.memory_space<hbm>>
        %dma_start3A_74 = tpu.memref_slice %arg5[%add3A_17] : memref<320000xi32, #tpu.memory_space<hbm>> -> memref<40xi32, #tpu.memory_space<hbm>>
        tpu.enqueue_dma source(%dma_start3A_74 : memref<40xi32, #tpu.memory_space<hbm>>) target(%arg11 : memref<40xi32, #tpu.memory_space<vmem>>) target_semaphore(%run_scoped3A : memref<!tpu.dma_semaphore, #tpu.memory_space<semaphore_mem>>)
        %dma_wait3A_75 = tpu.memref_slice %arg5[%add3A_17] : memref<320000xi32, #tpu.memory_space<hbm>> -> memref<40xi32, #tpu.memory_space<hbm>>
        %dma_wait3A_76 = tpu.memref_slice %arg5[%add3A_17] : memref<320000xi32, #tpu.memory_space<hbm>> -> memref<40xi32, #tpu.memory_space<hbm>>
        tpu.wait_dma2 semaphore(%run_scoped3A : memref<!tpu.dma_semaphore, #tpu.memory_space<semaphore_mem>>) src(%dma_wait3A_76 : memref<40xi32, #tpu.memory_space<hbm>>) dst(%arg11 : memref<40xi32, #tpu.memory_space<vmem>>)
        tpu.yield
      }) : () -> ()
      %dma_start3A = arith.constant 0 : i32
      %dma_start3A_18 = arith.constant 0 : i32
      %dma_start3A_19 = tpu.memref_slice %arg2[%dma_start3A, %dma_start3A_18] : memref<10000x128xf32, #tpu.memory_space<hbm>> -> memref<10000x128xf32, #tpu.memory_space<hbm>>
      tpu.enqueue_indirect_dma source(%dma_start3A_19 : memref<10000x128xf32, #tpu.memory_space<hbm>>) target(%arg12 : memref<40x128xf32, #tpu.memory_space<vmem>>) offsets(%arg8 : memref<40xi32, #tpu.memory_space<vmem>>) semaphore(%arg16 : memref<!tpu.dma_semaphore, #tpu.memory_space<semaphore_mem>>)
      %dma_start3A_20 = arith.constant 0 : i32
      %dma_start3A_21 = arith.constant 0 : i32
      %dma_start3A_22 = tpu.memref_slice %arg3[%dma_start3A_20, %dma_start3A_21] : memref<10000x128xf32, #tpu.memory_space<hbm>> -> memref<10000x128xf32, #tpu.memory_space<hbm>>
      tpu.enqueue_indirect_dma source(%dma_start3A_22 : memref<10000x128xf32, #tpu.memory_space<hbm>>) target(%arg13 : memref<40x128xf32, #tpu.memory_space<vmem>>) offsets(%arg9 : memref<40xi32, #tpu.memory_space<vmem>>) semaphore(%arg17 : memref<!tpu.dma_semaphore, #tpu.memory_space<semaphore_mem>>)
      %dma_start3A_23 = arith.constant 0 : i32
      %dma_start3A_24 = arith.constant 0 : i32
      %dma_start3A_25 = tpu.memref_slice %arg2[%dma_start3A_23, %dma_start3A_24] : memref<10000x128xf32, #tpu.memory_space<hbm>> -> memref<10000x128xf32, #tpu.memory_space<hbm>>
      tpu.enqueue_indirect_dma source(%dma_start3A_25 : memref<10000x128xf32, #tpu.memory_space<hbm>>) target(%arg14 : memref<40x128xf32, #tpu.memory_space<vmem>>) offsets(%arg10 : memref<40xi32, #tpu.memory_space<vmem>>) semaphore(%arg18 : memref<!tpu.dma_semaphore, #tpu.memory_space<semaphore_mem>>)
      %dma_start3A_26 = arith.constant 0 : i32
      %dma_start3A_27 = arith.constant 0 : i32
      %dma_start3A_28 = tpu.memref_slice %arg3[%dma_start3A_26, %dma_start3A_27] : memref<10000x128xf32, #tpu.memory_space<hbm>> -> memref<10000x128xf32, #tpu.memory_space<hbm>>
      tpu.enqueue_indirect_dma source(%dma_start3A_28 : memref<10000x128xf32, #tpu.memory_space<hbm>>) target(%arg15 : memref<40x128xf32, #tpu.memory_space<vmem>>) offsets(%arg11 : memref<40xi32, #tpu.memory_space<vmem>>) semaphore(%arg19 : memref<!tpu.dma_semaphore, #tpu.memory_space<semaphore_mem>>)
      %dma_wait3A = arith.constant 0 : i32
      %dma_wait3A_29 = arith.constant 0 : i32
      %dma_wait3A_30 = tpu.memref_slice %arg2[%dma_wait3A, %dma_wait3A_29] : memref<10000x128xf32, #tpu.memory_space<hbm>> -> memref<10000x128xf32, #tpu.memory_space<hbm>>
      tpu.wait_indirect_dma semaphore(%arg16 : memref<!tpu.dma_semaphore, #tpu.memory_space<semaphore_mem>>) src(%dma_wait3A_30 : memref<10000x128xf32, #tpu.memory_space<hbm>>) dst(%arg12 : memref<40x128xf32, #tpu.memory_space<vmem>>)
      %dma_wait3A_31 = arith.constant 0 : i32
      %dma_wait3A_32 = arith.constant 0 : i32
      %dma_wait3A_33 = tpu.memref_slice %arg3[%dma_wait3A_31, %dma_wait3A_32] : memref<10000x128xf32, #tpu.memory_space<hbm>> -> memref<10000x128xf32, #tpu.memory_space<hbm>>
      tpu.wait_indirect_dma semaphore(%arg17 : memref<!tpu.dma_semaphore, #tpu.memory_space<semaphore_mem>>) src(%dma_wait3A_33 : memref<10000x128xf32, #tpu.memory_space<hbm>>) dst(%arg13 : memref<40x128xf32, #tpu.memory_space<vmem>>)
      %dma_start3A_34 = arith.constant 0 : i32
      %dma_start3A_35 = tpu.memref_slice %arg6[%add3A_15, %dma_start3A_34] : memref<320000x128xf32, #tpu.memory_space<hbm>> -> memref<40x128xf32, #tpu.memory_space<hbm>>
      %dma_start3A_36 = arith.constant 0 : i32
      %dma_start3A_37 = tpu.memref_slice %arg6[%add3A_15, %dma_start3A_36] : memref<320000x128xf32, #tpu.memory_space<hbm>> -> memref<40x128xf32, #tpu.memory_space<hbm>>
      tpu.enqueue_dma source(%arg12 : memref<40x128xf32, #tpu.memory_space<vmem>>) target(%dma_start3A_37 : memref<40x128xf32, #tpu.memory_space<hbm>>) target_semaphore(%arg20 : memref<!tpu.dma_semaphore, #tpu.memory_space<semaphore_mem>>)
      %dma_start3A_38 = arith.constant 0 : i32
      %dma_start3A_39 = tpu.memref_slice %arg7[%add3A_15, %dma_start3A_38] : memref<320000x128xf32, #tpu.memory_space<hbm>> -> memref<40x128xf32, #tpu.memory_space<hbm>>
      %dma_start3A_40 = arith.constant 0 : i32
      %dma_start3A_41 = tpu.memref_slice %arg7[%add3A_15, %dma_start3A_40] : memref<320000x128xf32, #tpu.memory_space<hbm>> -> memref<40x128xf32, #tpu.memory_space<hbm>>
      tpu.enqueue_dma source(%arg13 : memref<40x128xf32, #tpu.memory_space<vmem>>) target(%dma_start3A_41 : memref<40x128xf32, #tpu.memory_space<hbm>>) target_semaphore(%arg21 : memref<!tpu.dma_semaphore, #tpu.memory_space<semaphore_mem>>)
      %dma_wait3A_42 = arith.constant 0 : i32
      %dma_wait3A_43 = arith.constant 0 : i32
      %dma_wait3A_44 = tpu.memref_slice %arg2[%dma_wait3A_42, %dma_wait3A_43] : memref<10000x128xf32, #tpu.memory_space<hbm>> -> memref<10000x128xf32, #tpu.memory_space<hbm>>
      tpu.wait_indirect_dma semaphore(%arg18 : memref<!tpu.dma_semaphore, #tpu.memory_space<semaphore_mem>>) src(%dma_wait3A_44 : memref<10000x128xf32, #tpu.memory_space<hbm>>) dst(%arg14 : memref<40x128xf32, #tpu.memory_space<vmem>>)
      %dma_wait3A_45 = arith.constant 0 : i32
      %dma_wait3A_46 = arith.constant 0 : i32
      %dma_wait3A_47 = tpu.memref_slice %arg3[%dma_wait3A_45, %dma_wait3A_46] : memref<10000x128xf32, #tpu.memory_space<hbm>> -> memref<10000x128xf32, #tpu.memory_space<hbm>>
      tpu.wait_indirect_dma semaphore(%arg19 : memref<!tpu.dma_semaphore, #tpu.memory_space<semaphore_mem>>) src(%dma_wait3A_47 : memref<10000x128xf32, #tpu.memory_space<hbm>>) dst(%arg15 : memref<40x128xf32, #tpu.memory_space<vmem>>)
      %dma_start3A_48 = arith.constant 0 : i32
      %dma_start3A_49 = tpu.memref_slice %arg6[%add3A_17, %dma_start3A_48] : memref<320000x128xf32, #tpu.memory_space<hbm>> -> memref<40x128xf32, #tpu.memory_space<hbm>>
      %dma_start3A_50 = arith.constant 0 : i32
      %dma_start3A_51 = tpu.memref_slice %arg6[%add3A_17, %dma_start3A_50] : memref<320000x128xf32, #tpu.memory_space<hbm>> -> memref<40x128xf32, #tpu.memory_space<hbm>>
      tpu.enqueue_dma source(%arg14 : memref<40x128xf32, #tpu.memory_space<vmem>>) target(%dma_start3A_51 : memref<40x128xf32, #tpu.memory_space<hbm>>) target_semaphore(%arg22 : memref<!tpu.dma_semaphore, #tpu.memory_space<semaphore_mem>>)
      %dma_start3A_52 = arith.constant 0 : i32
      %dma_start3A_53 = tpu.memref_slice %arg7[%add3A_17, %dma_start3A_52] : memref<320000x128xf32, #tpu.memory_space<hbm>> -> memref<40x128xf32, #tpu.memory_space<hbm>>
      %dma_start3A_54 = arith.constant 0 : i32
      %dma_start3A_55 = tpu.memref_slice %arg7[%add3A_17, %dma_start3A_54] : memref<320000x128xf32, #tpu.memory_space<hbm>> -> memref<40x128xf32, #tpu.memory_space<hbm>>
      tpu.enqueue_dma source(%arg15 : memref<40x128xf32, #tpu.memory_space<vmem>>) target(%dma_start3A_55 : memref<40x128xf32, #tpu.memory_space<hbm>>) target_semaphore(%arg23 : memref<!tpu.dma_semaphore, #tpu.memory_space<semaphore_mem>>)
      %dma_wait3A_56 = arith.constant 0 : i32
      %dma_wait3A_57 = tpu.memref_slice %arg6[%add3A_15, %dma_wait3A_56] : memref<320000x128xf32, #tpu.memory_space<hbm>> -> memref<40x128xf32, #tpu.memory_space<hbm>>
      %dma_wait3A_58 = arith.constant 0 : i32
      %dma_wait3A_59 = tpu.memref_slice %arg6[%add3A_15, %dma_wait3A_58] : memref<320000x128xf32, #tpu.memory_space<hbm>> -> memref<40x128xf32, #tpu.memory_space<hbm>>
      tpu.wait_dma2 semaphore(%arg20 : memref<!tpu.dma_semaphore, #tpu.memory_space<semaphore_mem>>) src(%arg12 : memref<40x128xf32, #tpu.memory_space<vmem>>) dst(%dma_wait3A_59 : memref<40x128xf32, #tpu.memory_space<hbm>>)
      %dma_wait3A_60 = arith.constant 0 : i32
      %dma_wait3A_61 = tpu.memref_slice %arg7[%add3A_15, %dma_wait3A_60] : memref<320000x128xf32, #tpu.memory_space<hbm>> -> memref<40x128xf32, #tpu.memory_space<hbm>>
      %dma_wait3A_62 = arith.constant 0 : i32
      %dma_wait3A_63 = tpu.memref_slice %arg7[%add3A_15, %dma_wait3A_62] : memref<320000x128xf32, #tpu.memory_space<hbm>> -> memref<40x128xf32, #tpu.memory_space<hbm>>
      tpu.wait_dma2 semaphore(%arg21 : memref<!tpu.dma_semaphore, #tpu.memory_space<semaphore_mem>>) src(%arg13 : memref<40x128xf32, #tpu.memory_space<vmem>>) dst(%dma_wait3A_63 : memref<40x128xf32, #tpu.memory_space<hbm>>)
      %dma_wait3A_64 = arith.constant 0 : i32
      %dma_wait3A_65 = tpu.memref_slice %arg6[%add3A_17, %dma_wait3A_64] : memref<320000x128xf32, #tpu.memory_space<hbm>> -> memref<40x128xf32, #tpu.memory_space<hbm>>
      %dma_wait3A_66 = arith.constant 0 : i32
      %dma_wait3A_67 = tpu.memref_slice %arg6[%add3A_17, %dma_wait3A_66] : memref<320000x128xf32, #tpu.memory_space<hbm>> -> memref<40x128xf32, #tpu.memory_space<hbm>>
      tpu.wait_dma2 semaphore(%arg22 : memref<!tpu.dma_semaphore, #tpu.memory_space<semaphore_mem>>) src(%arg14 : memref<40x128xf32, #tpu.memory_space<vmem>>) dst(%dma_wait3A_67 : memref<40x128xf32, #tpu.memory_space<hbm>>)
      %dma_wait3A_68 = arith.constant 0 : i32
      %dma_wait3A_69 = tpu.memref_slice %arg7[%add3A_17, %dma_wait3A_68] : memref<320000x128xf32, #tpu.memory_space<hbm>> -> memref<40x128xf32, #tpu.memory_space<hbm>>
      %dma_wait3A_70 = arith.constant 0 : i32
      %dma_wait3A_71 = tpu.memref_slice %arg7[%add3A_17, %dma_wait3A_70] : memref<320000x128xf32, #tpu.memory_space<hbm>> -> memref<40x128xf32, #tpu.memory_space<hbm>>
      tpu.wait_dma2 semaphore(%arg23 : memref<!tpu.dma_semaphore, #tpu.memory_space<semaphore_mem>>) src(%arg15 : memref<40x128xf32, #tpu.memory_space<vmem>>) dst(%dma_wait3A_71 : memref<40x128xf32, #tpu.memory_space<hbm>>)
      %scan3A_72 = arith.constant 0 : i32
      scf.yield %scan3A_72 : i32
    }
    %scan3A_8 = arith.constant 125 : i32
    return
  }
}

#map = affine_map<(d0, d1) -> (0, 0)>
#map1 = affine_map<(d0, d1) -> (0)>
#map2 = affine_map<(d0, d1) -> (0, 0, 0)>
module attributes {stable_mosaic.version = 14 : i64} {
  func.func @body(%arg0: i32, %arg1: i32, %arg2: memref<320000x128xf32, #tpu.memory_space<hbm>>, %arg3: memref<320000xi32, #tpu.memory_space<hbm>>, %arg4: memref<10240x128xf32, #tpu.memory_space<hbm>>, %arg5: memref<2x10240x128xf32, #tpu.memory_space<hbm>>, %arg6: memref<40xi32, #tpu.memory_space<vmem>>, %arg7: memref<40xi32, #tpu.memory_space<vmem>>, %arg8: memref<40x128xf32, #tpu.memory_space<vmem>>, %arg9: memref<40x128xf32, #tpu.memory_space<vmem>>, %arg10: memref<10240x128xf32, #tpu.memory_space<vmem_shared>>, %arg11: memref<!tpu.dma_semaphore, #tpu.memory_space<semaphore_mem>>, %arg12: memref<!tpu.dma_semaphore, #tpu.memory_space<semaphore_mem>>, %arg13: memref<!tpu.dma_semaphore, #tpu.memory_space<semaphore_mem>>, %arg14: memref<!tpu.dma_semaphore, #tpu.memory_space<semaphore_mem>>) attributes {dimension_semantics = [#tpu.dimension_semantics<core_parallel>, #tpu.dimension_semantics<subcore_parallel>], iteration_bounds = array<i64: 2, 16>, scalar_prefetch = 0 : i64, scratch_operands = 9 : i64, tpu.core_type = #tpu.core_type<sc_vector_subcore>, window_params = [{transform_indices = #map}, {transform_indices = #map1}, {transform_indices = #map}, {transform_indices = #map2}]} {
    %mul3A = arith.constant 2 : i32
    %mul3A_0 = arith.muli %arg1, %mul3A : i32
    %add3A = arith.addi %mul3A_0, %arg0 : i32
    %mul3A_1 = arith.constant 10000 : i32
    %mul3A_2 = arith.muli %add3A, %mul3A_1 : i32
    %mul3A_3 = arith.constant 640 : i32
    %mul3A_4 = arith.muli %arg1, %mul3A_3 : i32
    %mul3A_5 = arith.constant 640 : i32
    %mul3A_6 = arith.muli %arg1, %mul3A_5 : i32
    "tpu.region"() ({
      %run_scoped3A = tpu.sem_alloc : memref<!tpu.dma_semaphore, #tpu.memory_space<semaphore_mem>>
      %dma_start3A = arith.constant 0 : i32
      %dma_start3A_18 = tpu.memref_slice %arg10[%mul3A_6, %dma_start3A] : memref<10240x128xf32, #tpu.memory_space<vmem_shared>> -> memref<640x128xf32, #tpu.memory_space<vmem_shared>>
      %dma_start3A_19 = arith.constant 0 : i32
      %dma_start3A_20 = tpu.memref_slice %arg4[%mul3A_4, %dma_start3A_19] : memref<10240x128xf32, #tpu.memory_space<hbm>> -> memref<640x128xf32, #tpu.memory_space<hbm>>
      tpu.enqueue_dma source(%dma_start3A_20 : memref<640x128xf32, #tpu.memory_space<hbm>>) target(%dma_start3A_18 : memref<640x128xf32, #tpu.memory_space<vmem_shared>>) target_semaphore(%run_scoped3A : memref<!tpu.dma_semaphore, #tpu.memory_space<semaphore_mem>>)
      %dma_wait3A = arith.constant 0 : i32
      %dma_wait3A_21 = tpu.memref_slice %arg10[%mul3A_6, %dma_wait3A] : memref<10240x128xf32, #tpu.memory_space<vmem_shared>> -> memref<640x128xf32, #tpu.memory_space<vmem_shared>>
      %dma_wait3A_22 = arith.constant 0 : i32
      %dma_wait3A_23 = tpu.memref_slice %arg4[%mul3A_4, %dma_wait3A_22] : memref<10240x128xf32, #tpu.memory_space<hbm>> -> memref<640x128xf32, #tpu.memory_space<hbm>>
      tpu.wait_dma2 semaphore(%run_scoped3A : memref<!tpu.dma_semaphore, #tpu.memory_space<semaphore_mem>>) src(%dma_wait3A_23 : memref<640x128xf32, #tpu.memory_space<hbm>>) dst(%dma_wait3A_21 : memref<640x128xf32, #tpu.memory_space<vmem_shared>>)
      tpu.yield
    }) : () -> ()
    %barrier3A = arith.constant 0 : index
    tpu.barrier barrier_id(%barrier3A)
    %scan3A = arith.constant 0 : i32
    %scan3A_7 = arith.constant 0 : i32
    %scan3A_8 = arith.constant 125 : i32
    %scan3A_9 = arith.addi %scan3A_7, %scan3A_8 : i32
    %scan3A_10 = arith.constant 1 : i32
    %scan3A_11 = scf.for %scan3A_18 = %scan3A_7 to %scan3A_9 step %scan3A_10 iter_args(%scan3A_19 = %scan3A) -> (i32)  : i32 {
      %mul3A_20 = arith.constant 2 : i32
      %mul3A_21 = arith.muli %mul3A_20, %scan3A_18 : i32
      %mul3A_22 = arith.constant 40 : i32
      %mul3A_23 = arith.muli %mul3A_21, %mul3A_22 : i32
      %add3A_24 = arith.addi %mul3A_2, %mul3A_23 : i32
      %add3A_25 = arith.constant 40 : i32
      %add3A_26 = arith.addi %add3A_24, %add3A_25 : i32
      "tpu.region"() ({
        %run_scoped3A = tpu.sem_alloc : memref<!tpu.dma_semaphore, #tpu.memory_space<semaphore_mem>>
        %dma_start3A_54 = tpu.memref_slice %arg3[%add3A_24] : memref<320000xi32, #tpu.memory_space<hbm>> -> memref<40xi32, #tpu.memory_space<hbm>>
        %dma_start3A_55 = tpu.memref_slice %arg3[%add3A_24] : memref<320000xi32, #tpu.memory_space<hbm>> -> memref<40xi32, #tpu.memory_space<hbm>>
        tpu.enqueue_dma source(%dma_start3A_55 : memref<40xi32, #tpu.memory_space<hbm>>) target(%arg6 : memref<40xi32, #tpu.memory_space<vmem>>) target_semaphore(%run_scoped3A : memref<!tpu.dma_semaphore, #tpu.memory_space<semaphore_mem>>)
        %dma_wait3A_56 = tpu.memref_slice %arg3[%add3A_24] : memref<320000xi32, #tpu.memory_space<hbm>> -> memref<40xi32, #tpu.memory_space<hbm>>
        %dma_wait3A_57 = tpu.memref_slice %arg3[%add3A_24] : memref<320000xi32, #tpu.memory_space<hbm>> -> memref<40xi32, #tpu.memory_space<hbm>>
        tpu.wait_dma2 semaphore(%run_scoped3A : memref<!tpu.dma_semaphore, #tpu.memory_space<semaphore_mem>>) src(%dma_wait3A_57 : memref<40xi32, #tpu.memory_space<hbm>>) dst(%arg6 : memref<40xi32, #tpu.memory_space<vmem>>)
        tpu.yield
      }) : () -> ()
      %dma_start3A = arith.constant 0 : i32
      %dma_start3A_27 = tpu.memref_slice %arg2[%add3A_24, %dma_start3A] : memref<320000x128xf32, #tpu.memory_space<hbm>> -> memref<40x128xf32, #tpu.memory_space<hbm>>
      %dma_start3A_28 = arith.constant 0 : i32
      %dma_start3A_29 = tpu.memref_slice %arg2[%add3A_24, %dma_start3A_28] : memref<320000x128xf32, #tpu.memory_space<hbm>> -> memref<40x128xf32, #tpu.memory_space<hbm>>
      tpu.enqueue_dma source(%dma_start3A_29 : memref<40x128xf32, #tpu.memory_space<hbm>>) target(%arg8 : memref<40x128xf32, #tpu.memory_space<vmem>>) target_semaphore(%arg11 : memref<!tpu.dma_semaphore, #tpu.memory_space<semaphore_mem>>)
      "tpu.region"() ({
        %run_scoped3A = tpu.sem_alloc : memref<!tpu.dma_semaphore, #tpu.memory_space<semaphore_mem>>
        %dma_start3A_54 = tpu.memref_slice %arg3[%add3A_26] : memref<320000xi32, #tpu.memory_space<hbm>> -> memref<40xi32, #tpu.memory_space<hbm>>
        %dma_start3A_55 = tpu.memref_slice %arg3[%add3A_26] : memref<320000xi32, #tpu.memory_space<hbm>> -> memref<40xi32, #tpu.memory_space<hbm>>
        tpu.enqueue_dma source(%dma_start3A_55 : memref<40xi32, #tpu.memory_space<hbm>>) target(%arg7 : memref<40xi32, #tpu.memory_space<vmem>>) target_semaphore(%run_scoped3A : memref<!tpu.dma_semaphore, #tpu.memory_space<semaphore_mem>>)
        %dma_wait3A_56 = tpu.memref_slice %arg3[%add3A_26] : memref<320000xi32, #tpu.memory_space<hbm>> -> memref<40xi32, #tpu.memory_space<hbm>>
        %dma_wait3A_57 = tpu.memref_slice %arg3[%add3A_26] : memref<320000xi32, #tpu.memory_space<hbm>> -> memref<40xi32, #tpu.memory_space<hbm>>
        tpu.wait_dma2 semaphore(%run_scoped3A : memref<!tpu.dma_semaphore, #tpu.memory_space<semaphore_mem>>) src(%dma_wait3A_57 : memref<40xi32, #tpu.memory_space<hbm>>) dst(%arg7 : memref<40xi32, #tpu.memory_space<vmem>>)
        tpu.yield
      }) : () -> ()
      %dma_start3A_30 = arith.constant 0 : i32
      %dma_start3A_31 = tpu.memref_slice %arg2[%add3A_26, %dma_start3A_30] : memref<320000x128xf32, #tpu.memory_space<hbm>> -> memref<40x128xf32, #tpu.memory_space<hbm>>
      %dma_start3A_32 = arith.constant 0 : i32
      %dma_start3A_33 = tpu.memref_slice %arg2[%add3A_26, %dma_start3A_32] : memref<320000x128xf32, #tpu.memory_space<hbm>> -> memref<40x128xf32, #tpu.memory_space<hbm>>
      tpu.enqueue_dma source(%dma_start3A_33 : memref<40x128xf32, #tpu.memory_space<hbm>>) target(%arg9 : memref<40x128xf32, #tpu.memory_space<vmem>>) target_semaphore(%arg12 : memref<!tpu.dma_semaphore, #tpu.memory_space<semaphore_mem>>)
      %dma_wait3A = arith.constant 0 : i32
      %dma_wait3A_34 = tpu.memref_slice %arg2[%add3A_24, %dma_wait3A] : memref<320000x128xf32, #tpu.memory_space<hbm>> -> memref<40x128xf32, #tpu.memory_space<hbm>>
      %dma_wait3A_35 = arith.constant 0 : i32
      %dma_wait3A_36 = tpu.memref_slice %arg2[%add3A_24, %dma_wait3A_35] : memref<320000x128xf32, #tpu.memory_space<hbm>> -> memref<40x128xf32, #tpu.memory_space<hbm>>
      tpu.wait_dma2 semaphore(%arg11 : memref<!tpu.dma_semaphore, #tpu.memory_space<semaphore_mem>>) src(%dma_wait3A_36 : memref<40x128xf32, #tpu.memory_space<hbm>>) dst(%arg8 : memref<40x128xf32, #tpu.memory_space<vmem>>)
      %dma_start3A_37 = arith.constant 0 : i32
      %dma_start3A_38 = arith.constant 0 : i32
      %dma_start3A_39 = tpu.memref_slice %arg10[%dma_start3A_37, %dma_start3A_38] : memref<10240x128xf32, #tpu.memory_space<vmem_shared>> -> memref<10240x128xf32, #tpu.memory_space<vmem_shared>>
      tpu.enqueue_indirect_dma source(%arg8 : memref<40x128xf32, #tpu.memory_space<vmem>>) target(%dma_start3A_39 : memref<10240x128xf32, #tpu.memory_space<vmem_shared>>) offsets(%arg6 : memref<40xi32, #tpu.memory_space<vmem>>) semaphore(%arg13 : memref<!tpu.dma_semaphore, #tpu.memory_space<semaphore_mem>>) {add = true}
      %dma_wait3A_40 = arith.constant 0 : i32
      %dma_wait3A_41 = tpu.memref_slice %arg2[%add3A_26, %dma_wait3A_40] : memref<320000x128xf32, #tpu.memory_space<hbm>> -> memref<40x128xf32, #tpu.memory_space<hbm>>
      %dma_wait3A_42 = arith.constant 0 : i32
      %dma_wait3A_43 = tpu.memref_slice %arg2[%add3A_26, %dma_wait3A_42] : memref<320000x128xf32, #tpu.memory_space<hbm>> -> memref<40x128xf32, #tpu.memory_space<hbm>>
      tpu.wait_dma2 semaphore(%arg12 : memref<!tpu.dma_semaphore, #tpu.memory_space<semaphore_mem>>) src(%dma_wait3A_43 : memref<40x128xf32, #tpu.memory_space<hbm>>) dst(%arg9 : memref<40x128xf32, #tpu.memory_space<vmem>>)
      %dma_start3A_44 = arith.constant 0 : i32
      %dma_start3A_45 = arith.constant 0 : i32
      %dma_start3A_46 = tpu.memref_slice %arg10[%dma_start3A_44, %dma_start3A_45] : memref<10240x128xf32, #tpu.memory_space<vmem_shared>> -> memref<10240x128xf32, #tpu.memory_space<vmem_shared>>
      tpu.enqueue_indirect_dma source(%arg9 : memref<40x128xf32, #tpu.memory_space<vmem>>) target(%dma_start3A_46 : memref<10240x128xf32, #tpu.memory_space<vmem_shared>>) offsets(%arg7 : memref<40xi32, #tpu.memory_space<vmem>>) semaphore(%arg14 : memref<!tpu.dma_semaphore, #tpu.memory_space<semaphore_mem>>) {add = true}
      %dma_wait3A_47 = arith.constant 0 : i32
      %dma_wait3A_48 = arith.constant 0 : i32
      %dma_wait3A_49 = tpu.memref_slice %arg10[%dma_wait3A_47, %dma_wait3A_48] : memref<10240x128xf32, #tpu.memory_space<vmem_shared>> -> memref<10240x128xf32, #tpu.memory_space<vmem_shared>>
      tpu.wait_indirect_dma semaphore(%arg13 : memref<!tpu.dma_semaphore, #tpu.memory_space<semaphore_mem>>) src(%arg8 : memref<40x128xf32, #tpu.memory_space<vmem>>) dst(%dma_wait3A_49 : memref<10240x128xf32, #tpu.memory_space<vmem_shared>>)
      %dma_wait3A_50 = arith.constant 0 : i32
      %dma_wait3A_51 = arith.constant 0 : i32
      %dma_wait3A_52 = tpu.memref_slice %arg10[%dma_wait3A_50, %dma_wait3A_51] : memref<10240x128xf32, #tpu.memory_space<vmem_shared>> -> memref<10240x128xf32, #tpu.memory_space<vmem_shared>>
      tpu.wait_indirect_dma semaphore(%arg14 : memref<!tpu.dma_semaphore, #tpu.memory_space<semaphore_mem>>) src(%arg9 : memref<40x128xf32, #tpu.memory_space<vmem>>) dst(%dma_wait3A_52 : memref<10240x128xf32, #tpu.memory_space<vmem_shared>>)
      %scan3A_53 = arith.constant 0 : i32
      scf.yield %scan3A_53 : i32
    }
    %scan3A_12 = arith.constant 125 : i32
    %barrier3A_13 = arith.constant 0 : index
    tpu.barrier barrier_id(%barrier3A_13)
    %mul3A_14 = arith.constant 640 : i32
    %mul3A_15 = arith.muli %arg1, %mul3A_14 : i32
    %mul3A_16 = arith.constant 640 : i32
    %mul3A_17 = arith.muli %arg1, %mul3A_16 : i32
    "tpu.region"() ({
      %run_scoped3A = tpu.sem_alloc : memref<!tpu.dma_semaphore, #tpu.memory_space<semaphore_mem>>
      %dma_start3A = arith.constant 0 : i32
      %dma_start3A_18 = tpu.memref_slice %arg5[%arg0, %mul3A_17, %dma_start3A] : memref<2x10240x128xf32, #tpu.memory_space<hbm>> -> memref<1x640x128xf32, #tpu.memory_space<hbm>>
      %dma_start3A_19 = tpu.memref_squeeze %dma_start3A_18 : memref<1x640x128xf32, #tpu.memory_space<hbm>> -> memref<640x128xf32, #tpu.memory_space<hbm>>
      %dma_start3A_20 = arith.constant 0 : i32
      %dma_start3A_21 = tpu.memref_slice %arg10[%mul3A_15, %dma_start3A_20] : memref<10240x128xf32, #tpu.memory_space<vmem_shared>> -> memref<640x128xf32, #tpu.memory_space<vmem_shared>>
      tpu.enqueue_dma source(%dma_start3A_21 : memref<640x128xf32, #tpu.memory_space<vmem_shared>>) target(%dma_start3A_19 : memref<640x128xf32, #tpu.memory_space<hbm>>) target_semaphore(%run_scoped3A : memref<!tpu.dma_semaphore, #tpu.memory_space<semaphore_mem>>)
      %dma_wait3A = arith.constant 0 : i32
      %dma_wait3A_22 = tpu.memref_slice %arg5[%arg0, %mul3A_17, %dma_wait3A] : memref<2x10240x128xf32, #tpu.memory_space<hbm>> -> memref<1x640x128xf32, #tpu.memory_space<hbm>>
      %dma_wait3A_23 = tpu.memref_squeeze %dma_wait3A_22 : memref<1x640x128xf32, #tpu.memory_space<hbm>> -> memref<640x128xf32, #tpu.memory_space<hbm>>
      %dma_wait3A_24 = arith.constant 0 : i32
      %dma_wait3A_25 = tpu.memref_slice %arg10[%mul3A_15, %dma_wait3A_24] : memref<10240x128xf32, #tpu.memory_space<vmem_shared>> -> memref<640x128xf32, #tpu.memory_space<vmem_shared>>
      tpu.wait_dma2 semaphore(%run_scoped3A : memref<!tpu.dma_semaphore, #tpu.memory_space<semaphore_mem>>) src(%dma_wait3A_25 : memref<640x128xf32, #tpu.memory_space<vmem_shared>>) dst(%dma_wait3A_23 : memref<640x128xf32, #tpu.memory_space<hbm>>)
      tpu.yield
    }) : () -> ()
    return
  }
}

#map = affine_map<(d0, d1) -> (0, 0)>
#map1 = affine_map<(d0, d1) -> (0)>
module attributes {stable_mosaic.version = 14 : i64} {
  func.func @body(%arg0: i32, %arg1: i32, %arg2: memref<10000x128xf32, #tpu.memory_space<hbm>>, %arg3: memref<10000x128xf32, #tpu.memory_space<hbm>>, %arg4: memref<320000xi32, #tpu.memory_space<hbm>>, %arg5: memref<320000xi32, #tpu.memory_space<hbm>>, %arg6: memref<320000x128xf32, #tpu.memory_space<hbm>>, %arg7: memref<320000x128xf32, #tpu.memory_space<hbm>>, %arg8: memref<40xi32, #tpu.memory_space<vmem>>, %arg9: memref<40xi32, #tpu.memory_space<vmem>>, %arg10: memref<40xi32, #tpu.memory_space<vmem>>, %arg11: memref<40xi32, #tpu.memory_space<vmem>>, %arg12: memref<40x128xf32, #tpu.memory_space<vmem>>, %arg13: memref<40x128xf32, #tpu.memory_space<vmem>>, %arg14: memref<40x128xf32, #tpu.memory_space<vmem>>, %arg15: memref<40x128xf32, #tpu.memory_space<vmem>>, %arg16: memref<!tpu.dma_semaphore, #tpu.memory_space<semaphore_mem>>, %arg17: memref<!tpu.dma_semaphore, #tpu.memory_space<semaphore_mem>>, %arg18: memref<!tpu.dma_semaphore, #tpu.memory_space<semaphore_mem>>, %arg19: memref<!tpu.dma_semaphore, #tpu.memory_space<semaphore_mem>>, %arg20: memref<!tpu.dma_semaphore, #tpu.memory_space<semaphore_mem>>, %arg21: memref<!tpu.dma_semaphore, #tpu.memory_space<semaphore_mem>>, %arg22: memref<!tpu.dma_semaphore, #tpu.memory_space<semaphore_mem>>, %arg23: memref<!tpu.dma_semaphore, #tpu.memory_space<semaphore_mem>>) attributes {dimension_semantics = [#tpu.dimension_semantics<core_parallel>, #tpu.dimension_semantics<subcore_parallel>], iteration_bounds = array<i64: 2, 16>, scalar_prefetch = 0 : i64, scratch_operands = 16 : i64, tpu.core_type = #tpu.core_type<sc_vector_subcore>, window_params = [{transform_indices = #map}, {transform_indices = #map}, {transform_indices = #map1}, {transform_indices = #map1}, {transform_indices = #map}, {transform_indices = #map}]} {
    %mul3A = arith.constant 2 : i32
    %mul3A_0 = arith.muli %arg1, %mul3A : i32
    %add3A = arith.addi %mul3A_0, %arg0 : i32
    %mul3A_1 = arith.constant 10000 : i32
    %mul3A_2 = arith.muli %add3A, %mul3A_1 : i32
    %scan3A = arith.constant 0 : i32
    %scan3A_3 = arith.constant 0 : i32
    %scan3A_4 = arith.constant 125 : i32
    %scan3A_5 = arith.addi %scan3A_3, %scan3A_4 : i32
    %scan3A_6 = arith.constant 1 : i32
    %scan3A_7 = scf.for %scan3A_9 = %scan3A_3 to %scan3A_5 step %scan3A_6 iter_args(%scan3A_10 = %scan3A) -> (i32)  : i32 {
      %mul3A_11 = arith.constant 2 : i32
      %mul3A_12 = arith.muli %mul3A_11, %scan3A_9 : i32
      %mul3A_13 = arith.constant 40 : i32
      %mul3A_14 = arith.muli %mul3A_12, %mul3A_13 : i32
      %add3A_15 = arith.addi %mul3A_2, %mul3A_14 : i32
      %add3A_16 = arith.constant 40 : i32
      %add3A_17 = arith.addi %add3A_15, %add3A_16 : i32
      "tpu.region"() ({
        %run_scoped3A = tpu.sem_alloc : memref<!tpu.dma_semaphore, #tpu.memory_space<semaphore_mem>>
        %dma_start3A_73 = tpu.memref_slice %arg4[%add3A_15] : memref<320000xi32, #tpu.memory_space<hbm>> -> memref<40xi32, #tpu.memory_space<hbm>>
        %dma_start3A_74 = tpu.memref_slice %arg4[%add3A_15] : memref<320000xi32, #tpu.memory_space<hbm>> -> memref<40xi32, #tpu.memory_space<hbm>>
        tpu.enqueue_dma source(%dma_start3A_74 : memref<40xi32, #tpu.memory_space<hbm>>) target(%arg8 : memref<40xi32, #tpu.memory_space<vmem>>) target_semaphore(%run_scoped3A : memref<!tpu.dma_semaphore, #tpu.memory_space<semaphore_mem>>)
        %dma_wait3A_75 = tpu.memref_slice %arg4[%add3A_15] : memref<320000xi32, #tpu.memory_space<hbm>> -> memref<40xi32, #tpu.memory_space<hbm>>
        %dma_wait3A_76 = tpu.memref_slice %arg4[%add3A_15] : memref<320000xi32, #tpu.memory_space<hbm>> -> memref<40xi32, #tpu.memory_space<hbm>>
        tpu.wait_dma2 semaphore(%run_scoped3A : memref<!tpu.dma_semaphore, #tpu.memory_space<semaphore_mem>>) src(%dma_wait3A_76 : memref<40xi32, #tpu.memory_space<hbm>>) dst(%arg8 : memref<40xi32, #tpu.memory_space<vmem>>)
        tpu.yield
      }) : () -> ()
      "tpu.region"() ({
        %run_scoped3A = tpu.sem_alloc : memref<!tpu.dma_semaphore, #tpu.memory_space<semaphore_mem>>
        %dma_start3A_73 = tpu.memref_slice %arg5[%add3A_15] : memref<320000xi32, #tpu.memory_space<hbm>> -> memref<40xi32, #tpu.memory_space<hbm>>
        %dma_start3A_74 = tpu.memref_slice %arg5[%add3A_15] : memref<320000xi32, #tpu.memory_space<hbm>> -> memref<40xi32, #tpu.memory_space<hbm>>
        tpu.enqueue_dma source(%dma_start3A_74 : memref<40xi32, #tpu.memory_space<hbm>>) target(%arg9 : memref<40xi32, #tpu.memory_space<vmem>>) target_semaphore(%run_scoped3A : memref<!tpu.dma_semaphore, #tpu.memory_space<semaphore_mem>>)
        %dma_wait3A_75 = tpu.memref_slice %arg5[%add3A_15] : memref<320000xi32, #tpu.memory_space<hbm>> -> memref<40xi32, #tpu.memory_space<hbm>>
        %dma_wait3A_76 = tpu.memref_slice %arg5[%add3A_15] : memref<320000xi32, #tpu.memory_space<hbm>> -> memref<40xi32, #tpu.memory_space<hbm>>
        tpu.wait_dma2 semaphore(%run_scoped3A : memref<!tpu.dma_semaphore, #tpu.memory_space<semaphore_mem>>) src(%dma_wait3A_76 : memref<40xi32, #tpu.memory_space<hbm>>) dst(%arg9 : memref<40xi32, #tpu.memory_space<vmem>>)
        tpu.yield
      }) : () -> ()
      "tpu.region"() ({
        %run_scoped3A = tpu.sem_alloc : memref<!tpu.dma_semaphore, #tpu.memory_space<semaphore_mem>>
        %dma_start3A_73 = tpu.memref_slice %arg4[%add3A_17] : memref<320000xi32, #tpu.memory_space<hbm>> -> memref<40xi32, #tpu.memory_space<hbm>>
        %dma_start3A_74 = tpu.memref_slice %arg4[%add3A_17] : memref<320000xi32, #tpu.memory_space<hbm>> -> memref<40xi32, #tpu.memory_space<hbm>>
        tpu.enqueue_dma source(%dma_start3A_74 : memref<40xi32, #tpu.memory_space<hbm>>) target(%arg10 : memref<40xi32, #tpu.memory_space<vmem>>) target_semaphore(%run_scoped3A : memref<!tpu.dma_semaphore, #tpu.memory_space<semaphore_mem>>)
        %dma_wait3A_75 = tpu.memref_slice %arg4[%add3A_17] : memref<320000xi32, #tpu.memory_space<hbm>> -> memref<40xi32, #tpu.memory_space<hbm>>
        %dma_wait3A_76 = tpu.memref_slice %arg4[%add3A_17] : memref<320000xi32, #tpu.memory_space<hbm>> -> memref<40xi32, #tpu.memory_space<hbm>>
        tpu.wait_dma2 semaphore(%run_scoped3A : memref<!tpu.dma_semaphore, #tpu.memory_space<semaphore_mem>>) src(%dma_wait3A_76 : memref<40xi32, #tpu.memory_space<hbm>>) dst(%arg10 : memref<40xi32, #tpu.memory_space<vmem>>)
        tpu.yield
      }) : () -> ()
      "tpu.region"() ({
        %run_scoped3A = tpu.sem_alloc : memref<!tpu.dma_semaphore, #tpu.memory_space<semaphore_mem>>
        %dma_start3A_73 = tpu.memref_slice %arg5[%add3A_17] : memref<320000xi32, #tpu.memory_space<hbm>> -> memref<40xi32, #tpu.memory_space<hbm>>
        %dma_start3A_74 = tpu.memref_slice %arg5[%add3A_17] : memref<320000xi32, #tpu.memory_space<hbm>> -> memref<40xi32, #tpu.memory_space<hbm>>
        tpu.enqueue_dma source(%dma_start3A_74 : memref<40xi32, #tpu.memory_space<hbm>>) target(%arg11 : memref<40xi32, #tpu.memory_space<vmem>>) target_semaphore(%run_scoped3A : memref<!tpu.dma_semaphore, #tpu.memory_space<semaphore_mem>>)
        %dma_wait3A_75 = tpu.memref_slice %arg5[%add3A_17] : memref<320000xi32, #tpu.memory_space<hbm>> -> memref<40xi32, #tpu.memory_space<hbm>>
        %dma_wait3A_76 = tpu.memref_slice %arg5[%add3A_17] : memref<320000xi32, #tpu.memory_space<hbm>> -> memref<40xi32, #tpu.memory_space<hbm>>
        tpu.wait_dma2 semaphore(%run_scoped3A : memref<!tpu.dma_semaphore, #tpu.memory_space<semaphore_mem>>) src(%dma_wait3A_76 : memref<40xi32, #tpu.memory_space<hbm>>) dst(%arg11 : memref<40xi32, #tpu.memory_space<vmem>>)
        tpu.yield
      }) : () -> ()
      %dma_start3A = arith.constant 0 : i32
      %dma_start3A_18 = arith.constant 0 : i32
      %dma_start3A_19 = tpu.memref_slice %arg2[%dma_start3A, %dma_start3A_18] : memref<10000x128xf32, #tpu.memory_space<hbm>> -> memref<10000x128xf32, #tpu.memory_space<hbm>>
      tpu.enqueue_indirect_dma source(%dma_start3A_19 : memref<10000x128xf32, #tpu.memory_space<hbm>>) target(%arg12 : memref<40x128xf32, #tpu.memory_space<vmem>>) offsets(%arg8 : memref<40xi32, #tpu.memory_space<vmem>>) semaphore(%arg16 : memref<!tpu.dma_semaphore, #tpu.memory_space<semaphore_mem>>)
      %dma_start3A_20 = arith.constant 0 : i32
      %dma_start3A_21 = arith.constant 0 : i32
      %dma_start3A_22 = tpu.memref_slice %arg3[%dma_start3A_20, %dma_start3A_21] : memref<10000x128xf32, #tpu.memory_space<hbm>> -> memref<10000x128xf32, #tpu.memory_space<hbm>>
      tpu.enqueue_indirect_dma source(%dma_start3A_22 : memref<10000x128xf32, #tpu.memory_space<hbm>>) target(%arg13 : memref<40x128xf32, #tpu.memory_space<vmem>>) offsets(%arg9 : memref<40xi32, #tpu.memory_space<vmem>>) semaphore(%arg17 : memref<!tpu.dma_semaphore, #tpu.memory_space<semaphore_mem>>)
      %dma_start3A_23 = arith.constant 0 : i32
      %dma_start3A_24 = arith.constant 0 : i32
      %dma_start3A_25 = tpu.memref_slice %arg2[%dma_start3A_23, %dma_start3A_24] : memref<10000x128xf32, #tpu.memory_space<hbm>> -> memref<10000x128xf32, #tpu.memory_space<hbm>>
      tpu.enqueue_indirect_dma source(%dma_start3A_25 : memref<10000x128xf32, #tpu.memory_space<hbm>>) target(%arg14 : memref<40x128xf32, #tpu.memory_space<vmem>>) offsets(%arg10 : memref<40xi32, #tpu.memory_space<vmem>>) semaphore(%arg18 : memref<!tpu.dma_semaphore, #tpu.memory_space<semaphore_mem>>)
      %dma_start3A_26 = arith.constant 0 : i32
      %dma_start3A_27 = arith.constant 0 : i32
      %dma_start3A_28 = tpu.memref_slice %arg3[%dma_start3A_26, %dma_start3A_27] : memref<10000x128xf32, #tpu.memory_space<hbm>> -> memref<10000x128xf32, #tpu.memory_space<hbm>>
      tpu.enqueue_indirect_dma source(%dma_start3A_28 : memref<10000x128xf32, #tpu.memory_space<hbm>>) target(%arg15 : memref<40x128xf32, #tpu.memory_space<vmem>>) offsets(%arg11 : memref<40xi32, #tpu.memory_space<vmem>>) semaphore(%arg19 : memref<!tpu.dma_semaphore, #tpu.memory_space<semaphore_mem>>)
      %dma_wait3A = arith.constant 0 : i32
      %dma_wait3A_29 = arith.constant 0 : i32
      %dma_wait3A_30 = tpu.memref_slice %arg2[%dma_wait3A, %dma_wait3A_29] : memref<10000x128xf32, #tpu.memory_space<hbm>> -> memref<10000x128xf32, #tpu.memory_space<hbm>>
      tpu.wait_indirect_dma semaphore(%arg16 : memref<!tpu.dma_semaphore, #tpu.memory_space<semaphore_mem>>) src(%dma_wait3A_30 : memref<10000x128xf32, #tpu.memory_space<hbm>>) dst(%arg12 : memref<40x128xf32, #tpu.memory_space<vmem>>)
      %dma_wait3A_31 = arith.constant 0 : i32
      %dma_wait3A_32 = arith.constant 0 : i32
      %dma_wait3A_33 = tpu.memref_slice %arg3[%dma_wait3A_31, %dma_wait3A_32] : memref<10000x128xf32, #tpu.memory_space<hbm>> -> memref<10000x128xf32, #tpu.memory_space<hbm>>
      tpu.wait_indirect_dma semaphore(%arg17 : memref<!tpu.dma_semaphore, #tpu.memory_space<semaphore_mem>>) src(%dma_wait3A_33 : memref<10000x128xf32, #tpu.memory_space<hbm>>) dst(%arg13 : memref<40x128xf32, #tpu.memory_space<vmem>>)
      %dma_start3A_34 = arith.constant 0 : i32
      %dma_start3A_35 = tpu.memref_slice %arg6[%add3A_15, %dma_start3A_34] : memref<320000x128xf32, #tpu.memory_space<hbm>> -> memref<40x128xf32, #tpu.memory_space<hbm>>
      %dma_start3A_36 = arith.constant 0 : i32
      %dma_start3A_37 = tpu.memref_slice %arg6[%add3A_15, %dma_start3A_36] : memref<320000x128xf32, #tpu.memory_space<hbm>> -> memref<40x128xf32, #tpu.memory_space<hbm>>
      tpu.enqueue_dma source(%arg12 : memref<40x128xf32, #tpu.memory_space<vmem>>) target(%dma_start3A_37 : memref<40x128xf32, #tpu.memory_space<hbm>>) target_semaphore(%arg20 : memref<!tpu.dma_semaphore, #tpu.memory_space<semaphore_mem>>)
      %dma_start3A_38 = arith.constant 0 : i32
      %dma_start3A_39 = tpu.memref_slice %arg7[%add3A_15, %dma_start3A_38] : memref<320000x128xf32, #tpu.memory_space<hbm>> -> memref<40x128xf32, #tpu.memory_space<hbm>>
      %dma_start3A_40 = arith.constant 0 : i32
      %dma_start3A_41 = tpu.memref_slice %arg7[%add3A_15, %dma_start3A_40] : memref<320000x128xf32, #tpu.memory_space<hbm>> -> memref<40x128xf32, #tpu.memory_space<hbm>>
      tpu.enqueue_dma source(%arg13 : memref<40x128xf32, #tpu.memory_space<vmem>>) target(%dma_start3A_41 : memref<40x128xf32, #tpu.memory_space<hbm>>) target_semaphore(%arg21 : memref<!tpu.dma_semaphore, #tpu.memory_space<semaphore_mem>>)
      %dma_wait3A_42 = arith.constant 0 : i32
      %dma_wait3A_43 = arith.constant 0 : i32
      %dma_wait3A_44 = tpu.memref_slice %arg2[%dma_wait3A_42, %dma_wait3A_43] : memref<10000x128xf32, #tpu.memory_space<hbm>> -> memref<10000x128xf32, #tpu.memory_space<hbm>>
      tpu.wait_indirect_dma semaphore(%arg18 : memref<!tpu.dma_semaphore, #tpu.memory_space<semaphore_mem>>) src(%dma_wait3A_44 : memref<10000x128xf32, #tpu.memory_space<hbm>>) dst(%arg14 : memref<40x128xf32, #tpu.memory_space<vmem>>)
      %dma_wait3A_45 = arith.constant 0 : i32
      %dma_wait3A_46 = arith.constant 0 : i32
      %dma_wait3A_47 = tpu.memref_slice %arg3[%dma_wait3A_45, %dma_wait3A_46] : memref<10000x128xf32, #tpu.memory_space<hbm>> -> memref<10000x128xf32, #tpu.memory_space<hbm>>
      tpu.wait_indirect_dma semaphore(%arg19 : memref<!tpu.dma_semaphore, #tpu.memory_space<semaphore_mem>>) src(%dma_wait3A_47 : memref<10000x128xf32, #tpu.memory_space<hbm>>) dst(%arg15 : memref<40x128xf32, #tpu.memory_space<vmem>>)
      %dma_start3A_48 = arith.constant 0 : i32
      %dma_start3A_49 = tpu.memref_slice %arg6[%add3A_17, %dma_start3A_48] : memref<320000x128xf32, #tpu.memory_space<hbm>> -> memref<40x128xf32, #tpu.memory_space<hbm>>
      %dma_start3A_50 = arith.constant 0 : i32
      %dma_start3A_51 = tpu.memref_slice %arg6[%add3A_17, %dma_start3A_50] : memref<320000x128xf32, #tpu.memory_space<hbm>> -> memref<40x128xf32, #tpu.memory_space<hbm>>
      tpu.enqueue_dma source(%arg14 : memref<40x128xf32, #tpu.memory_space<vmem>>) target(%dma_start3A_51 : memref<40x128xf32, #tpu.memory_space<hbm>>) target_semaphore(%arg22 : memref<!tpu.dma_semaphore, #tpu.memory_space<semaphore_mem>>)
      %dma_start3A_52 = arith.constant 0 : i32
      %dma_start3A_53 = tpu.memref_slice %arg7[%add3A_17, %dma_start3A_52] : memref<320000x128xf32, #tpu.memory_space<hbm>> -> memref<40x128xf32, #tpu.memory_space<hbm>>
      %dma_start3A_54 = arith.constant 0 : i32
      %dma_start3A_55 = tpu.memref_slice %arg7[%add3A_17, %dma_start3A_54] : memref<320000x128xf32, #tpu.memory_space<hbm>> -> memref<40x128xf32, #tpu.memory_space<hbm>>
      tpu.enqueue_dma source(%arg15 : memref<40x128xf32, #tpu.memory_space<vmem>>) target(%dma_start3A_55 : memref<40x128xf32, #tpu.memory_space<hbm>>) target_semaphore(%arg23 : memref<!tpu.dma_semaphore, #tpu.memory_space<semaphore_mem>>)
      %dma_wait3A_56 = arith.constant 0 : i32
      %dma_wait3A_57 = tpu.memref_slice %arg6[%add3A_15, %dma_wait3A_56] : memref<320000x128xf32, #tpu.memory_space<hbm>> -> memref<40x128xf32, #tpu.memory_space<hbm>>
      %dma_wait3A_58 = arith.constant 0 : i32
      %dma_wait3A_59 = tpu.memref_slice %arg6[%add3A_15, %dma_wait3A_58] : memref<320000x128xf32, #tpu.memory_space<hbm>> -> memref<40x128xf32, #tpu.memory_space<hbm>>
      tpu.wait_dma2 semaphore(%arg20 : memref<!tpu.dma_semaphore, #tpu.memory_space<semaphore_mem>>) src(%arg12 : memref<40x128xf32, #tpu.memory_space<vmem>>) dst(%dma_wait3A_59 : memref<40x128xf32, #tpu.memory_space<hbm>>)
      %dma_wait3A_60 = arith.constant 0 : i32
      %dma_wait3A_61 = tpu.memref_slice %arg7[%add3A_15, %dma_wait3A_60] : memref<320000x128xf32, #tpu.memory_space<hbm>> -> memref<40x128xf32, #tpu.memory_space<hbm>>
      %dma_wait3A_62 = arith.constant 0 : i32
      %dma_wait3A_63 = tpu.memref_slice %arg7[%add3A_15, %dma_wait3A_62] : memref<320000x128xf32, #tpu.memory_space<hbm>> -> memref<40x128xf32, #tpu.memory_space<hbm>>
      tpu.wait_dma2 semaphore(%arg21 : memref<!tpu.dma_semaphore, #tpu.memory_space<semaphore_mem>>) src(%arg13 : memref<40x128xf32, #tpu.memory_space<vmem>>) dst(%dma_wait3A_63 : memref<40x128xf32, #tpu.memory_space<hbm>>)
      %dma_wait3A_64 = arith.constant 0 : i32
      %dma_wait3A_65 = tpu.memref_slice %arg6[%add3A_17, %dma_wait3A_64] : memref<320000x128xf32, #tpu.memory_space<hbm>> -> memref<40x128xf32, #tpu.memory_space<hbm>>
      %dma_wait3A_66 = arith.constant 0 : i32
      %dma_wait3A_67 = tpu.memref_slice %arg6[%add3A_17, %dma_wait3A_66] : memref<320000x128xf32, #tpu.memory_space<hbm>> -> memref<40x128xf32, #tpu.memory_space<hbm>>
      tpu.wait_dma2 semaphore(%arg22 : memref<!tpu.dma_semaphore, #tpu.memory_space<semaphore_mem>>) src(%arg14 : memref<40x128xf32, #tpu.memory_space<vmem>>) dst(%dma_wait3A_67 : memref<40x128xf32, #tpu.memory_space<hbm>>)
      %dma_wait3A_68 = arith.constant 0 : i32
      %dma_wait3A_69 = tpu.memref_slice %arg7[%add3A_17, %dma_wait3A_68] : memref<320000x128xf32, #tpu.memory_space<hbm>> -> memref<40x128xf32, #tpu.memory_space<hbm>>
      %dma_wait3A_70 = arith.constant 0 : i32
      %dma_wait3A_71 = tpu.memref_slice %arg7[%add3A_17, %dma_wait3A_70] : memref<320000x128xf32, #tpu.memory_space<hbm>> -> memref<40x128xf32, #tpu.memory_space<hbm>>
      tpu.wait_dma2 semaphore(%arg23 : memref<!tpu.dma_semaphore, #tpu.memory_space<semaphore_mem>>) src(%arg15 : memref<40x128xf32, #tpu.memory_space<vmem>>) dst(%dma_wait3A_71 : memref<40x128xf32, #tpu.memory_space<hbm>>)
      %scan3A_72 = arith.constant 0 : i32
      scf.yield %scan3A_72 : i32
    }
    %scan3A_8 = arith.constant 125 : i32
    return
  }
}

#map = affine_map<(d0, d1) -> (0, 0)>
#map1 = affine_map<(d0, d1) -> (0)>
#map2 = affine_map<(d0, d1) -> (0, 0, 0)>
module attributes {stable_mosaic.version = 14 : i64} {
  func.func @body(%arg0: i32, %arg1: i32, %arg2: memref<320000x128xf32, #tpu.memory_space<hbm>>, %arg3: memref<320000xi32, #tpu.memory_space<hbm>>, %arg4: memref<10240x128xf32, #tpu.memory_space<hbm>>, %arg5: memref<2x10240x128xf32, #tpu.memory_space<hbm>>, %arg6: memref<40xi32, #tpu.memory_space<vmem>>, %arg7: memref<40xi32, #tpu.memory_space<vmem>>, %arg8: memref<40x128xf32, #tpu.memory_space<vmem>>, %arg9: memref<40x128xf32, #tpu.memory_space<vmem>>, %arg10: memref<10240x128xf32, #tpu.memory_space<vmem_shared>>, %arg11: memref<!tpu.dma_semaphore, #tpu.memory_space<semaphore_mem>>, %arg12: memref<!tpu.dma_semaphore, #tpu.memory_space<semaphore_mem>>, %arg13: memref<!tpu.dma_semaphore, #tpu.memory_space<semaphore_mem>>, %arg14: memref<!tpu.dma_semaphore, #tpu.memory_space<semaphore_mem>>) attributes {dimension_semantics = [#tpu.dimension_semantics<core_parallel>, #tpu.dimension_semantics<subcore_parallel>], iteration_bounds = array<i64: 2, 16>, scalar_prefetch = 0 : i64, scratch_operands = 9 : i64, tpu.core_type = #tpu.core_type<sc_vector_subcore>, window_params = [{transform_indices = #map}, {transform_indices = #map1}, {transform_indices = #map}, {transform_indices = #map2}]} {
    %mul3A = arith.constant 2 : i32
    %mul3A_0 = arith.muli %arg1, %mul3A : i32
    %add3A = arith.addi %mul3A_0, %arg0 : i32
    %mul3A_1 = arith.constant 10000 : i32
    %mul3A_2 = arith.muli %add3A, %mul3A_1 : i32
    %mul3A_3 = arith.constant 640 : i32
    %mul3A_4 = arith.muli %arg1, %mul3A_3 : i32
    %mul3A_5 = arith.constant 640 : i32
    %mul3A_6 = arith.muli %arg1, %mul3A_5 : i32
    "tpu.region"() ({
      %run_scoped3A = tpu.sem_alloc : memref<!tpu.dma_semaphore, #tpu.memory_space<semaphore_mem>>
      %dma_start3A = arith.constant 0 : i32
      %dma_start3A_18 = tpu.memref_slice %arg10[%mul3A_6, %dma_start3A] : memref<10240x128xf32, #tpu.memory_space<vmem_shared>> -> memref<640x128xf32, #tpu.memory_space<vmem_shared>>
      %dma_start3A_19 = arith.constant 0 : i32
      %dma_start3A_20 = tpu.memref_slice %arg4[%mul3A_4, %dma_start3A_19] : memref<10240x128xf32, #tpu.memory_space<hbm>> -> memref<640x128xf32, #tpu.memory_space<hbm>>
      tpu.enqueue_dma source(%dma_start3A_20 : memref<640x128xf32, #tpu.memory_space<hbm>>) target(%dma_start3A_18 : memref<640x128xf32, #tpu.memory_space<vmem_shared>>) target_semaphore(%run_scoped3A : memref<!tpu.dma_semaphore, #tpu.memory_space<semaphore_mem>>)
      %dma_wait3A = arith.constant 0 : i32
      %dma_wait3A_21 = tpu.memref_slice %arg10[%mul3A_6, %dma_wait3A] : memref<10240x128xf32, #tpu.memory_space<vmem_shared>> -> memref<640x128xf32, #tpu.memory_space<vmem_shared>>
      %dma_wait3A_22 = arith.constant 0 : i32
      %dma_wait3A_23 = tpu.memref_slice %arg4[%mul3A_4, %dma_wait3A_22] : memref<10240x128xf32, #tpu.memory_space<hbm>> -> memref<640x128xf32, #tpu.memory_space<hbm>>
      tpu.wait_dma2 semaphore(%run_scoped3A : memref<!tpu.dma_semaphore, #tpu.memory_space<semaphore_mem>>) src(%dma_wait3A_23 : memref<640x128xf32, #tpu.memory_space<hbm>>) dst(%dma_wait3A_21 : memref<640x128xf32, #tpu.memory_space<vmem_shared>>)
      tpu.yield
    }) : () -> ()
    %barrier3A = arith.constant 0 : index
    tpu.barrier barrier_id(%barrier3A)
    %scan3A = arith.constant 0 : i32
    %scan3A_7 = arith.constant 0 : i32
    %scan3A_8 = arith.constant 125 : i32
    %scan3A_9 = arith.addi %scan3A_7, %scan3A_8 : i32
    %scan3A_10 = arith.constant 1 : i32
    %scan3A_11 = scf.for %scan3A_18 = %scan3A_7 to %scan3A_9 step %scan3A_10 iter_args(%scan3A_19 = %scan3A) -> (i32)  : i32 {
      %mul3A_20 = arith.constant 2 : i32
      %mul3A_21 = arith.muli %mul3A_20, %scan3A_18 : i32
      %mul3A_22 = arith.constant 40 : i32
      %mul3A_23 = arith.muli %mul3A_21, %mul3A_22 : i32
      %add3A_24 = arith.addi %mul3A_2, %mul3A_23 : i32
      %add3A_25 = arith.constant 40 : i32
      %add3A_26 = arith.addi %add3A_24, %add3A_25 : i32
      "tpu.region"() ({
        %run_scoped3A = tpu.sem_alloc : memref<!tpu.dma_semaphore, #tpu.memory_space<semaphore_mem>>
        %dma_start3A_54 = tpu.memref_slice %arg3[%add3A_24] : memref<320000xi32, #tpu.memory_space<hbm>> -> memref<40xi32, #tpu.memory_space<hbm>>
        %dma_start3A_55 = tpu.memref_slice %arg3[%add3A_24] : memref<320000xi32, #tpu.memory_space<hbm>> -> memref<40xi32, #tpu.memory_space<hbm>>
        tpu.enqueue_dma source(%dma_start3A_55 : memref<40xi32, #tpu.memory_space<hbm>>) target(%arg6 : memref<40xi32, #tpu.memory_space<vmem>>) target_semaphore(%run_scoped3A : memref<!tpu.dma_semaphore, #tpu.memory_space<semaphore_mem>>)
        %dma_wait3A_56 = tpu.memref_slice %arg3[%add3A_24] : memref<320000xi32, #tpu.memory_space<hbm>> -> memref<40xi32, #tpu.memory_space<hbm>>
        %dma_wait3A_57 = tpu.memref_slice %arg3[%add3A_24] : memref<320000xi32, #tpu.memory_space<hbm>> -> memref<40xi32, #tpu.memory_space<hbm>>
        tpu.wait_dma2 semaphore(%run_scoped3A : memref<!tpu.dma_semaphore, #tpu.memory_space<semaphore_mem>>) src(%dma_wait3A_57 : memref<40xi32, #tpu.memory_space<hbm>>) dst(%arg6 : memref<40xi32, #tpu.memory_space<vmem>>)
        tpu.yield
      }) : () -> ()
      %dma_start3A = arith.constant 0 : i32
      %dma_start3A_27 = tpu.memref_slice %arg2[%add3A_24, %dma_start3A] : memref<320000x128xf32, #tpu.memory_space<hbm>> -> memref<40x128xf32, #tpu.memory_space<hbm>>
      %dma_start3A_28 = arith.constant 0 : i32
      %dma_start3A_29 = tpu.memref_slice %arg2[%add3A_24, %dma_start3A_28] : memref<320000x128xf32, #tpu.memory_space<hbm>> -> memref<40x128xf32, #tpu.memory_space<hbm>>
      tpu.enqueue_dma source(%dma_start3A_29 : memref<40x128xf32, #tpu.memory_space<hbm>>) target(%arg8 : memref<40x128xf32, #tpu.memory_space<vmem>>) target_semaphore(%arg11 : memref<!tpu.dma_semaphore, #tpu.memory_space<semaphore_mem>>)
      "tpu.region"() ({
        %run_scoped3A = tpu.sem_alloc : memref<!tpu.dma_semaphore, #tpu.memory_space<semaphore_mem>>
        %dma_start3A_54 = tpu.memref_slice %arg3[%add3A_26] : memref<320000xi32, #tpu.memory_space<hbm>> -> memref<40xi32, #tpu.memory_space<hbm>>
        %dma_start3A_55 = tpu.memref_slice %arg3[%add3A_26] : memref<320000xi32, #tpu.memory_space<hbm>> -> memref<40xi32, #tpu.memory_space<hbm>>
        tpu.enqueue_dma source(%dma_start3A_55 : memref<40xi32, #tpu.memory_space<hbm>>) target(%arg7 : memref<40xi32, #tpu.memory_space<vmem>>) target_semaphore(%run_scoped3A : memref<!tpu.dma_semaphore, #tpu.memory_space<semaphore_mem>>)
        %dma_wait3A_56 = tpu.memref_slice %arg3[%add3A_26] : memref<320000xi32, #tpu.memory_space<hbm>> -> memref<40xi32, #tpu.memory_space<hbm>>
        %dma_wait3A_57 = tpu.memref_slice %arg3[%add3A_26] : memref<320000xi32, #tpu.memory_space<hbm>> -> memref<40xi32, #tpu.memory_space<hbm>>
        tpu.wait_dma2 semaphore(%run_scoped3A : memref<!tpu.dma_semaphore, #tpu.memory_space<semaphore_mem>>) src(%dma_wait3A_57 : memref<40xi32, #tpu.memory_space<hbm>>) dst(%arg7 : memref<40xi32, #tpu.memory_space<vmem>>)
        tpu.yield
      }) : () -> ()
      %dma_start3A_30 = arith.constant 0 : i32
      %dma_start3A_31 = tpu.memref_slice %arg2[%add3A_26, %dma_start3A_30] : memref<320000x128xf32, #tpu.memory_space<hbm>> -> memref<40x128xf32, #tpu.memory_space<hbm>>
      %dma_start3A_32 = arith.constant 0 : i32
      %dma_start3A_33 = tpu.memref_slice %arg2[%add3A_26, %dma_start3A_32] : memref<320000x128xf32, #tpu.memory_space<hbm>> -> memref<40x128xf32, #tpu.memory_space<hbm>>
      tpu.enqueue_dma source(%dma_start3A_33 : memref<40x128xf32, #tpu.memory_space<hbm>>) target(%arg9 : memref<40x128xf32, #tpu.memory_space<vmem>>) target_semaphore(%arg12 : memref<!tpu.dma_semaphore, #tpu.memory_space<semaphore_mem>>)
      %dma_wait3A = arith.constant 0 : i32
      %dma_wait3A_34 = tpu.memref_slice %arg2[%add3A_24, %dma_wait3A] : memref<320000x128xf32, #tpu.memory_space<hbm>> -> memref<40x128xf32, #tpu.memory_space<hbm>>
      %dma_wait3A_35 = arith.constant 0 : i32
      %dma_wait3A_36 = tpu.memref_slice %arg2[%add3A_24, %dma_wait3A_35] : memref<320000x128xf32, #tpu.memory_space<hbm>> -> memref<40x128xf32, #tpu.memory_space<hbm>>
      tpu.wait_dma2 semaphore(%arg11 : memref<!tpu.dma_semaphore, #tpu.memory_space<semaphore_mem>>) src(%dma_wait3A_36 : memref<40x128xf32, #tpu.memory_space<hbm>>) dst(%arg8 : memref<40x128xf32, #tpu.memory_space<vmem>>)
      %dma_start3A_37 = arith.constant 0 : i32
      %dma_start3A_38 = arith.constant 0 : i32
      %dma_start3A_39 = tpu.memref_slice %arg10[%dma_start3A_37, %dma_start3A_38] : memref<10240x128xf32, #tpu.memory_space<vmem_shared>> -> memref<10240x128xf32, #tpu.memory_space<vmem_shared>>
      tpu.enqueue_indirect_dma source(%arg8 : memref<40x128xf32, #tpu.memory_space<vmem>>) target(%dma_start3A_39 : memref<10240x128xf32, #tpu.memory_space<vmem_shared>>) offsets(%arg6 : memref<40xi32, #tpu.memory_space<vmem>>) semaphore(%arg13 : memref<!tpu.dma_semaphore, #tpu.memory_space<semaphore_mem>>) {add = true}
      %dma_wait3A_40 = arith.constant 0 : i32
      %dma_wait3A_41 = tpu.memref_slice %arg2[%add3A_26, %dma_wait3A_40] : memref<320000x128xf32, #tpu.memory_space<hbm>> -> memref<40x128xf32, #tpu.memory_space<hbm>>
      %dma_wait3A_42 = arith.constant 0 : i32
      %dma_wait3A_43 = tpu.memref_slice %arg2[%add3A_26, %dma_wait3A_42] : memref<320000x128xf32, #tpu.memory_space<hbm>> -> memref<40x128xf32, #tpu.memory_space<hbm>>
      tpu.wait_dma2 semaphore(%arg12 : memref<!tpu.dma_semaphore, #tpu.memory_space<semaphore_mem>>) src(%dma_wait3A_43 : memref<40x128xf32, #tpu.memory_space<hbm>>) dst(%arg9 : memref<40x128xf32, #tpu.memory_space<vmem>>)
      %dma_start3A_44 = arith.constant 0 : i32
      %dma_start3A_45 = arith.constant 0 : i32
      %dma_start3A_46 = tpu.memref_slice %arg10[%dma_start3A_44, %dma_start3A_45] : memref<10240x128xf32, #tpu.memory_space<vmem_shared>> -> memref<10240x128xf32, #tpu.memory_space<vmem_shared>>
      tpu.enqueue_indirect_dma source(%arg9 : memref<40x128xf32, #tpu.memory_space<vmem>>) target(%dma_start3A_46 : memref<10240x128xf32, #tpu.memory_space<vmem_shared>>) offsets(%arg7 : memref<40xi32, #tpu.memory_space<vmem>>) semaphore(%arg14 : memref<!tpu.dma_semaphore, #tpu.memory_space<semaphore_mem>>) {add = true}
      %dma_wait3A_47 = arith.constant 0 : i32
      %dma_wait3A_48 = arith.constant 0 : i32
      %dma_wait3A_49 = tpu.memref_slice %arg10[%dma_wait3A_47, %dma_wait3A_48] : memref<10240x128xf32, #tpu.memory_space<vmem_shared>> -> memref<10240x128xf32, #tpu.memory_space<vmem_shared>>
      tpu.wait_indirect_dma semaphore(%arg13 : memref<!tpu.dma_semaphore, #tpu.memory_space<semaphore_mem>>) src(%arg8 : memref<40x128xf32, #tpu.memory_space<vmem>>) dst(%dma_wait3A_49 : memref<10240x128xf32, #tpu.memory_space<vmem_shared>>)
      %dma_wait3A_50 = arith.constant 0 : i32
      %dma_wait3A_51 = arith.constant 0 : i32
      %dma_wait3A_52 = tpu.memref_slice %arg10[%dma_wait3A_50, %dma_wait3A_51] : memref<10240x128xf32, #tpu.memory_space<vmem_shared>> -> memref<10240x128xf32, #tpu.memory_space<vmem_shared>>
      tpu.wait_indirect_dma semaphore(%arg14 : memref<!tpu.dma_semaphore, #tpu.memory_space<semaphore_mem>>) src(%arg9 : memref<40x128xf32, #tpu.memory_space<vmem>>) dst(%dma_wait3A_52 : memref<10240x128xf32, #tpu.memory_space<vmem_shared>>)
      %scan3A_53 = arith.constant 0 : i32
      scf.yield %scan3A_53 : i32
    }
    %scan3A_12 = arith.constant 125 : i32
    %barrier3A_13 = arith.constant 0 : index
    tpu.barrier barrier_id(%barrier3A_13)
    %mul3A_14 = arith.constant 640 : i32
    %mul3A_15 = arith.muli %arg1, %mul3A_14 : i32
    %mul3A_16 = arith.constant 640 : i32
    %mul3A_17 = arith.muli %arg1, %mul3A_16 : i32
    "tpu.region"() ({
      %run_scoped3A = tpu.sem_alloc : memref<!tpu.dma_semaphore, #tpu.memory_space<semaphore_mem>>
      %dma_start3A = arith.constant 0 : i32
      %dma_start3A_18 = tpu.memref_slice %arg5[%arg0, %mul3A_17, %dma_start3A] : memref<2x10240x128xf32, #tpu.memory_space<hbm>> -> memref<1x640x128xf32, #tpu.memory_space<hbm>>
      %dma_start3A_19 = tpu.memref_squeeze %dma_start3A_18 : memref<1x640x128xf32, #tpu.memory_space<hbm>> -> memref<640x128xf32, #tpu.memory_space<hbm>>
      %dma_start3A_20 = arith.constant 0 : i32
      %dma_start3A_21 = tpu.memref_slice %arg10[%mul3A_15, %dma_start3A_20] : memref<10240x128xf32, #tpu.memory_space<vmem_shared>> -> memref<640x128xf32, #tpu.memory_space<vmem_shared>>
      tpu.enqueue_dma source(%dma_start3A_21 : memref<640x128xf32, #tpu.memory_space<vmem_shared>>) target(%dma_start3A_19 : memref<640x128xf32, #tpu.memory_space<hbm>>) target_semaphore(%run_scoped3A : memref<!tpu.dma_semaphore, #tpu.memory_space<semaphore_mem>>)
      %dma_wait3A = arith.constant 0 : i32
      %dma_wait3A_22 = tpu.memref_slice %arg5[%arg0, %mul3A_17, %dma_wait3A] : memref<2x10240x128xf32, #tpu.memory_space<hbm>> -> memref<1x640x128xf32, #tpu.memory_space<hbm>>
      %dma_wait3A_23 = tpu.memref_squeeze %dma_wait3A_22 : memref<1x640x128xf32, #tpu.memory_space<hbm>> -> memref<640x128xf32, #tpu.memory_space<hbm>>
      %dma_wait3A_24 = arith.constant 0 : i32
      %dma_wait3A_25 = tpu.memref_slice %arg10[%mul3A_15, %dma_wait3A_24] : memref<10240x128xf32, #tpu.memory_space<vmem_shared>> -> memref<640x128xf32, #tpu.memory_space<vmem_shared>>
      tpu.wait_dma2 semaphore(%run_scoped3A : memref<!tpu.dma_semaphore, #tpu.memory_space<semaphore_mem>>) src(%dma_wait3A_25 : memref<640x128xf32, #tpu.memory_space<vmem_shared>>) dst(%dma_wait3A_23 : memref<640x128xf32, #tpu.memory_space<hbm>>)
      tpu.yield
    }) : () -> ()
    return
  }
}

module attributes {stable_mosaic.version = 14 : i64} {
  func.func @_time_body(%arg0: memref<64x1xf32, #tpu.memory_space<vmem>>, %arg1: memref<64x128xf32, #tpu.memory_space<vmem>>, %arg2: memref<128x128xf32, #tpu.memory_space<vmem>>, %arg3: memref<8x128xf32, #tpu.memory_space<vmem>>, %arg4: memref<64x128xf32, #tpu.memory_space<vmem>>) attributes {dimension_semantics = [], scalar_prefetch = 0 : i64, scratch_operands = 0 : i64, tpu.core_type = #tpu.core_type<tc>} {
    %iota3A = tpu.iota {dimensions = array<i32: 1>} : vector<1x32xi32>
    %convert_element_type3A = arith.sitofp %iota3A : vector<1x32xi32> to vector<1x32xf32>
    %mul3A = arith.constant -0.297107756 : f32
    %mul3A_0 = vector.broadcast %mul3A : f32 to vector<1x32xf32>
    %mul3A_1 = arith.mulf %mul3A_0, %convert_element_type3A : vector<1x32xf32>
    %exp3A = math.exp %mul3A_1 : vector<1x32xf32>
    %get3A = arith.constant 0 : index
    %get3A_2 = arith.constant 0 : index
    %get3A_3 = vector.load %arg0[%get3A, %get3A_2] : memref<64x1xf32, #tpu.memory_space<vmem>>, vector<64x1xf32>
    %mul3A_4 = vector.broadcast %get3A_3 : vector<64x1xf32> to vector<64x32xf32>
    %mul3A_5 = vector.broadcast %exp3A : vector<1x32xf32> to vector<64x32xf32>
    %mul3A_6 = arith.mulf %mul3A_4, %mul3A_5 : vector<64x32xf32>
    %sin3A = math.sin %mul3A_6 : vector<64x32xf32>
    %cos3A = math.cos %mul3A_6 : vector<64x32xf32>
    %concatenate3A = tpu.concatenate %sin3A, %cos3A in 1 : vector<64x32xf32>, vector<64x32xf32> -> vector<64x64xf32>
    %get3A_7 = arith.constant 0 : index
    %get3A_8 = arith.constant 0 : index
    %get3A_9 = vector.load %arg1[%get3A_7, %get3A_8] : memref<64x128xf32, #tpu.memory_space<vmem>>, vector<64x128xf32>
    %dot_general3A = arith.constant dense<0.000000e+00> : vector<64x128xf32>
    %dot_general3A_10 = tpu.matmul %concatenate3A, %get3A_9, %dot_general3A {dimension_numbers = #tpu.dot_dimension_numbers<[1], [0], [0], [1], [0, 0, 1, 1], [], []>, transpose_lhs_hint = false} : vector<64x64xf32>, vector<64x128xf32>, vector<64x128xf32> -> vector<64x128xf32>
    %get3A_11 = arith.constant 0 : index
    %get3A_12 = arith.constant 0 : index
    %get3A_13 = vector.load %arg3[%get3A_11, %get3A_12] : memref<8x128xf32, #tpu.memory_space<vmem>>, vector<1x128xf32>
    %add3A = vector.broadcast %get3A_13 : vector<1x128xf32> to vector<64x128xf32>
    %add3A_14 = arith.addf %dot_general3A_10, %add3A : vector<64x128xf32>
    %logistic3A = arith.negf %add3A_14 : vector<64x128xf32>
    %logistic3A_15 = math.exp %logistic3A : vector<64x128xf32>
    %logistic3A_16 = arith.constant 1.000000e+00 : f32
    %logistic3A_17 = vector.broadcast %logistic3A_16 : f32 to vector<64x128xf32>
    %logistic3A_18 = arith.addf %logistic3A_17, %logistic3A_15 : vector<64x128xf32>
    %logistic3A_19 = arith.divf %logistic3A_17, %logistic3A_18 : vector<64x128xf32>
    %mul3A_20 = arith.mulf %add3A_14, %logistic3A_19 : vector<64x128xf32>
    %get3A_21 = arith.constant 0 : index
    %get3A_22 = arith.constant 0 : index
    %get3A_23 = vector.load %arg2[%get3A_21, %get3A_22] : memref<128x128xf32, #tpu.memory_space<vmem>>, vector<128x128xf32>
    %dot_general3A_24 = arith.constant dense<0.000000e+00> : vector<64x128xf32>
    %dot_general3A_25 = tpu.matmul %mul3A_20, %get3A_23, %dot_general3A_24 {dimension_numbers = #tpu.dot_dimension_numbers<[1], [0], [0], [1], [0, 0, 1, 1], [], []>, transpose_lhs_hint = false} : vector<64x128xf32>, vector<128x128xf32>, vector<64x128xf32> -> vector<64x128xf32>
    %get3A_26 = arith.constant 1 : index
    %get3A_27 = arith.constant 0 : index
    %get3A_28 = vector.load %arg3[%get3A_26, %get3A_27] : memref<8x128xf32, #tpu.memory_space<vmem>>, vector<1x128xf32>
    %add3A_29 = vector.broadcast %get3A_28 : vector<1x128xf32> to vector<64x128xf32>
    %add3A_30 = arith.addf %dot_general3A_25, %add3A_29 : vector<64x128xf32>
    %swap3A = arith.constant 0 : index
    %swap3A_31 = arith.constant 0 : index
    %swap3A_32 = vector.load %arg4[%swap3A, %swap3A_31] : memref<64x128xf32, #tpu.memory_space<vmem>>, vector<64x128xf32>
    tpu.vector_store %arg4[%swap3A, %swap3A_31], %add3A_30 {strides = array<i32>} : memref<64x128xf32, #tpu.memory_space<vmem>>, vector<64x128xf32>,
    return
  }
}

module attributes {stable_mosaic.version = 14 : i64} {
  func.func @_node_body(%arg0: i32, %arg1: memref<1000x1xi32, #tpu.memory_space<vmem>>, %arg2: memref<1000x1xi32, #tpu.memory_space<vmem>>, %arg3: memref<1000x1xi32, #tpu.memory_space<vmem>>, %arg4: memref<128x128xf32, #tpu.memory_space<vmem>>, %arg5: memref<64x128xf32, #tpu.memory_space<vmem>>, %arg6: memref<8x128xf32, #tpu.memory_space<vmem>>, %arg7: memref<1000x128xf32, #tpu.memory_space<vmem>>) attributes {dimension_semantics = [#tpu.dimension_semantics<arbitrary>], iteration_bounds = array<i64: 10>, scalar_prefetch = 0 : i64, scratch_operands = 0 : i64, tpu.core_type = #tpu.core_type<tc>, window_params = [{transform_indices = @transform_0, window_bounds = array<i64: 1000, 1>}, {transform_indices = @transform_1, window_bounds = array<i64: 1000, 1>}, {transform_indices = @transform_2, window_bounds = array<i64: 1000, 1>}, {pipeline_mode = #tpu.pipeline_mode<synchronous>, transform_indices = @transform_3, window_bounds = array<i64: 128, 128>}, {pipeline_mode = #tpu.pipeline_mode<synchronous>, transform_indices = @transform_4, window_bounds = array<i64: 64, 128>}, {pipeline_mode = #tpu.pipeline_mode<synchronous>, transform_indices = @transform_5, window_bounds = array<i64: 8, 128>}, {transform_indices = @transform_6, window_bounds = array<i64: 1000, 128>}]} {
    %get3A = arith.constant 0 : index
    %get3A_0 = arith.constant 0 : index
    %get3A_1 = vector.load %arg1[%get3A, %get3A_0] : memref<1000x1xi32, #tpu.memory_space<vmem>>, vector<1000x1xi32>
    %iota3A = tpu.iota {dimensions = array<i32: 1>} : vector<1000x128xi32>
    %eq3A = vector.broadcast %get3A_1 : vector<1000x1xi32> to vector<1000x128xi32>
    %eq3A_2 = arith.cmpi eq, %iota3A, %eq3A : vector<1000x128xi32>
    %convert_element_type3A = arith.extui %eq3A_2 : vector<1000x128xi1> to vector<1000x128xi32>
    %convert_element_type3A_3 = arith.sitofp %convert_element_type3A : vector<1000x128xi32> to vector<1000x128xf32>
    %get3A_4 = arith.constant 0 : index
    %get3A_5 = arith.constant 0 : index
    %get3A_6 = vector.load %arg4[%get3A_4, %get3A_5] : memref<128x128xf32, #tpu.memory_space<vmem>>, vector<128x128xf32>
    %dot_general3A = arith.constant dense<0.000000e+00> : vector<1000x128xf32>
    %dot_general3A_7 = tpu.matmul %convert_element_type3A_3, %get3A_6, %dot_general3A {dimension_numbers = #tpu.dot_dimension_numbers<[1], [0], [0], [1], [0, 0, 1, 1], [], []>, transpose_lhs_hint = false} : vector<1000x128xf32>, vector<128x128xf32>, vector<1000x128xf32> -> vector<1000x128xf32>
    %iota3A_8 = tpu.iota {dimensions = array<i32: 1>} : vector<1000x64xi32>
    %get3A_9 = arith.constant 0 : index
    %get3A_10 = arith.constant 0 : index
    %get3A_11 = vector.load %arg3[%get3A_9, %get3A_10] : memref<1000x1xi32, #tpu.memory_space<vmem>>, vector<1000x1xi32>
    %eq3A_12 = vector.broadcast %get3A_11 : vector<1000x1xi32> to vector<1000x64xi32>
    %eq3A_13 = arith.cmpi eq, %iota3A_8, %eq3A_12 : vector<1000x64xi32>
    %convert_element_type3A_14 = arith.extui %eq3A_13 : vector<1000x64xi1> to vector<1000x64xi32>
    %convert_element_type3A_15 = arith.sitofp %convert_element_type3A_14 : vector<1000x64xi32> to vector<1000x64xf32>
    %get3A_16 = arith.constant 0 : index
    %get3A_17 = arith.constant 0 : index
    %get3A_18 = vector.load %arg5[%get3A_16, %get3A_17] : memref<64x128xf32, #tpu.memory_space<vmem>>, vector<64x128xf32>
    %dot_general3A_19 = arith.constant dense<0.000000e+00> : vector<1000x128xf32>
    %dot_general3A_20 = tpu.matmul %convert_element_type3A_15, %get3A_18, %dot_general3A_19 {dimension_numbers = #tpu.dot_dimension_numbers<[1], [0], [0], [1], [0, 0, 1, 1], [], []>, transpose_lhs_hint = false} : vector<1000x64xf32>, vector<64x128xf32>, vector<1000x128xf32> -> vector<1000x128xf32>
    %add3A = arith.addf %dot_general3A_7, %dot_general3A_20 : vector<1000x128xf32>
    %get3A_21 = arith.constant 0 : index
    %get3A_22 = arith.constant 0 : index
    %get3A_23 = vector.load %arg2[%get3A_21, %get3A_22] : memref<1000x1xi32, #tpu.memory_space<vmem>>, vector<1000x1xi32>
    %convert_element_type3A_24 = arith.sitofp %get3A_23 : vector<1000x1xi32> to vector<1000x1xf32>
    %get3A_25 = arith.constant 0 : index
    %get3A_26 = arith.constant 0 : index
    %get3A_27 = vector.load %arg6[%get3A_25, %get3A_26] : memref<8x128xf32, #tpu.memory_space<vmem>>, vector<1x128xf32>
    %add3A_28 = vector.broadcast %get3A_27 : vector<1x128xf32> to vector<1000x128xf32>
    %add3A_29 = arith.addf %add3A, %add3A_28 : vector<1000x128xf32>
    %get3A_30 = arith.constant 1 : index
    %get3A_31 = arith.constant 0 : index
    %get3A_32 = vector.load %arg6[%get3A_30, %get3A_31] : memref<8x128xf32, #tpu.memory_space<vmem>>, vector<1x128xf32>
    %mul3A = vector.broadcast %convert_element_type3A_24 : vector<1000x1xf32> to vector<1000x128xf32>
    %mul3A_33 = vector.broadcast %get3A_32 : vector<1x128xf32> to vector<1000x128xf32>
    %mul3A_34 = arith.mulf %mul3A, %mul3A_33 : vector<1000x128xf32>
    %add3A_35 = arith.addf %add3A_29, %mul3A_34 : vector<1000x128xf32>
    %get3A_36 = arith.constant 2 : index
    %get3A_37 = arith.constant 0 : index
    %get3A_38 = vector.load %arg6[%get3A_36, %get3A_37] : memref<8x128xf32, #tpu.memory_space<vmem>>, vector<1x128xf32>
    %get3A_39 = arith.constant 3 : index
    %get3A_40 = arith.constant 0 : index
    %get3A_41 = vector.load %arg6[%get3A_39, %get3A_40] : memref<8x128xf32, #tpu.memory_space<vmem>>, vector<1x128xf32>
    %reduce_sum3A = arith.constant dense<0.000000e+00> : vector<1000xf32>
    %reduce_sum3A_42 = vector.multi_reduction <add>, %add3A_35, %reduce_sum3A [1] : vector<1000x128xf32> to vector<1000xf32>
    %broadcast_in_dim3A = vector.shape_cast %reduce_sum3A_42 : vector<1000xf32> to vector<1000x1xf32>
    %div3A = arith.constant 1.280000e+02 : f32
    %div3A_43 = vector.broadcast %div3A : f32 to vector<1000x1xf32>
    %div3A_44 = arith.divf %broadcast_in_dim3A, %div3A_43 : vector<1000x1xf32>
    %sub3A = vector.broadcast %div3A_44 : vector<1000x1xf32> to vector<1000x128xf32>
    %sub3A_45 = arith.subf %add3A_35, %sub3A : vector<1000x128xf32>
    %integer_pow3A = arith.mulf %sub3A_45, %sub3A_45 : vector<1000x128xf32>
    %reduce_sum3A_46 = arith.constant dense<0.000000e+00> : vector<1000xf32>
    %reduce_sum3A_47 = vector.multi_reduction <add>, %integer_pow3A, %reduce_sum3A_46 [1] : vector<1000x128xf32> to vector<1000xf32>
    %broadcast_in_dim3A_48 = vector.shape_cast %reduce_sum3A_47 : vector<1000xf32> to vector<1000x1xf32>
    %div3A_49 = arith.constant 1.280000e+02 : f32
    %div3A_50 = vector.broadcast %div3A_49 : f32 to vector<1000x1xf32>
    %div3A_51 = arith.divf %broadcast_in_dim3A_48, %div3A_50 : vector<1000x1xf32>
    %sub3A_52 = vector.broadcast %div3A_44 : vector<1000x1xf32> to vector<1000x128xf32>
    %sub3A_53 = arith.subf %add3A_35, %sub3A_52 : vector<1000x128xf32>
    %add3A_54 = arith.constant 9.99999974E-6 : f32
    %add3A_55 = vector.broadcast %add3A_54 : f32 to vector<1000x1xf32>
    %add3A_56 = arith.addf %div3A_51, %add3A_55 : vector<1000x1xf32>
    %sqrt3A = math.sqrt %add3A_56 : vector<1000x1xf32>
    %div3A_57 = vector.broadcast %sqrt3A : vector<1000x1xf32> to vector<1000x128xf32>
    %div3A_58 = arith.divf %sub3A_53, %div3A_57 : vector<1000x128xf32>
    %mul3A_59 = vector.broadcast %get3A_38 : vector<1x128xf32> to vector<1000x128xf32>
    %mul3A_60 = arith.mulf %div3A_58, %mul3A_59 : vector<1000x128xf32>
    %add3A_61 = vector.broadcast %get3A_41 : vector<1x128xf32> to vector<1000x128xf32>
    %add3A_62 = arith.addf %mul3A_60, %add3A_61 : vector<1000x128xf32>
    %swap3A = arith.constant 0 : index
    %swap3A_63 = arith.constant 0 : index
    %swap3A_64 = vector.load %arg7[%swap3A, %swap3A_63] : memref<1000x128xf32, #tpu.memory_space<vmem>>, vector<1000x128xf32>
    tpu.vector_store %arg7[%swap3A, %swap3A_63], %add3A_62 {strides = array<i32>} : memref<1000x128xf32, #tpu.memory_space<vmem>>, vector<1000x128xf32>,
    return
  }
  func.func @transform_0(%arg0: i32) -> (i32, i32) {
    %c0_i32 = arith.constant 0 : i32
    %c0_i32_0 = arith.constant 0 : i32
    return %arg0, %c0_i32 : i32, i32
  }
  func.func @transform_1(%arg0: i32) -> (i32, i32) {
    %c0_i32 = arith.constant 0 : i32
    %c0_i32_0 = arith.constant 0 : i32
    return %arg0, %c0_i32 : i32, i32
  }
  func.func @transform_2(%arg0: i32) -> (i32, i32) {
    %c0_i32 = arith.constant 0 : i32
    %c0_i32_0 = arith.constant 0 : i32
    return %arg0, %c0_i32 : i32, i32
  }
  func.func @transform_3(%arg0: i32) -> (i32, i32) {
    %c0_i32 = arith.constant 0 : i32
    %c0_i32_0 = arith.constant 0 : i32
    %c0_i32_1 = arith.constant 0 : i32
    return %c0_i32, %c0_i32_0 : i32, i32
  }
  func.func @transform_4(%arg0: i32) -> (i32, i32) {
    %c0_i32 = arith.constant 0 : i32
    %c0_i32_0 = arith.constant 0 : i32
    %c0_i32_1 = arith.constant 0 : i32
    return %c0_i32, %c0_i32_0 : i32, i32
  }
  func.func @transform_5(%arg0: i32) -> (i32, i32) {
    %c0_i32 = arith.constant 0 : i32
    %c0_i32_0 = arith.constant 0 : i32
    %c0_i32_1 = arith.constant 0 : i32
    return %c0_i32, %c0_i32_0 : i32, i32
  }
  func.func @transform_6(%arg0: i32) -> (i32, i32) {
    %c0_i32 = arith.constant 0 : i32
    %c0_i32_0 = arith.constant 0 : i32
    return %arg0, %c0_i32 : i32, i32
  }
}

module attributes {stable_mosaic.version = 14 : i64} {
  func.func @_proj_body(%arg0: i32, %arg1: memref<1000x128xf32, #tpu.memory_space<vmem>>, %arg2: memref<128x128xf32, #tpu.memory_space<vmem>>, %arg3: memref<128x128xf32, #tpu.memory_space<vmem>>, %arg4: memref<1000x128xf32, #tpu.memory_space<vmem>>, %arg5: memref<1000x128xf32, #tpu.memory_space<vmem>>) attributes {dimension_semantics = [#tpu.dimension_semantics<arbitrary>], iteration_bounds = array<i64: 10>, scalar_prefetch = 0 : i64, scratch_operands = 0 : i64, tpu.core_type = #tpu.core_type<tc>, window_params = [{transform_indices = @transform_0, window_bounds = array<i64: 1000, 128>}, {pipeline_mode = #tpu.pipeline_mode<synchronous>, transform_indices = @transform_1, window_bounds = array<i64: 128, 128>}, {pipeline_mode = #tpu.pipeline_mode<synchronous>, transform_indices = @transform_2, window_bounds = array<i64: 128, 128>}, {transform_indices = @transform_3, window_bounds = array<i64: 1000, 128>}, {transform_indices = @transform_4, window_bounds = array<i64: 1000, 128>}]} {
    %get3A = arith.constant 0 : index
    %get3A_0 = arith.constant 0 : index
    %get3A_1 = vector.load %arg1[%get3A, %get3A_0] : memref<1000x128xf32, #tpu.memory_space<vmem>>, vector<1000x128xf32>
    %get3A_2 = arith.constant 0 : index
    %get3A_3 = arith.constant 0 : index
    %get3A_4 = vector.load %arg2[%get3A_2, %get3A_3] : memref<128x128xf32, #tpu.memory_space<vmem>>, vector<128x128xf32>
    %dot_general3A = arith.constant dense<0.000000e+00> : vector<1000x128xf32>
    %dot_general3A_5 = tpu.matmul %get3A_1, %get3A_4, %dot_general3A {dimension_numbers = #tpu.dot_dimension_numbers<[1], [0], [0], [1], [0, 0, 1, 1], [], []>, transpose_lhs_hint = false} : vector<1000x128xf32>, vector<128x128xf32>, vector<1000x128xf32> -> vector<1000x128xf32>
    %swap3A = arith.constant 0 : index
    %swap3A_6 = arith.constant 0 : index
    %swap3A_7 = vector.load %arg4[%swap3A, %swap3A_6] : memref<1000x128xf32, #tpu.memory_space<vmem>>, vector<1000x128xf32>
    tpu.vector_store %arg4[%swap3A, %swap3A_6], %dot_general3A_5 {strides = array<i32>} : memref<1000x128xf32, #tpu.memory_space<vmem>>, vector<1000x128xf32>,
    %get3A_8 = arith.constant 0 : index
    %get3A_9 = arith.constant 0 : index
    %get3A_10 = vector.load %arg3[%get3A_8, %get3A_9] : memref<128x128xf32, #tpu.memory_space<vmem>>, vector<128x128xf32>
    %dot_general3A_11 = arith.constant dense<0.000000e+00> : vector<1000x128xf32>
    %dot_general3A_12 = tpu.matmul %get3A_1, %get3A_10, %dot_general3A_11 {dimension_numbers = #tpu.dot_dimension_numbers<[1], [0], [0], [1], [0, 0, 1, 1], [], []>, transpose_lhs_hint = false} : vector<1000x128xf32>, vector<128x128xf32>, vector<1000x128xf32> -> vector<1000x128xf32>
    %swap3A_13 = arith.constant 0 : index
    %swap3A_14 = arith.constant 0 : index
    %swap3A_15 = vector.load %arg5[%swap3A_13, %swap3A_14] : memref<1000x128xf32, #tpu.memory_space<vmem>>, vector<1000x128xf32>
    tpu.vector_store %arg5[%swap3A_13, %swap3A_14], %dot_general3A_12 {strides = array<i32>} : memref<1000x128xf32, #tpu.memory_space<vmem>>, vector<1000x128xf32>,
    return
  }
  func.func @transform_0(%arg0: i32) -> (i32, i32) {
    %c0_i32 = arith.constant 0 : i32
    %c0_i32_0 = arith.constant 0 : i32
    return %arg0, %c0_i32 : i32, i32
  }
  func.func @transform_1(%arg0: i32) -> (i32, i32) {
    %c0_i32 = arith.constant 0 : i32
    %c0_i32_0 = arith.constant 0 : i32
    %c0_i32_1 = arith.constant 0 : i32
    return %c0_i32, %c0_i32_0 : i32, i32
  }
  func.func @transform_2(%arg0: i32) -> (i32, i32) {
    %c0_i32 = arith.constant 0 : i32
    %c0_i32_0 = arith.constant 0 : i32
    %c0_i32_1 = arith.constant 0 : i32
    return %c0_i32, %c0_i32_0 : i32, i32
  }
  func.func @transform_3(%arg0: i32) -> (i32, i32) {
    %c0_i32 = arith.constant 0 : i32
    %c0_i32_0 = arith.constant 0 : i32
    return %arg0, %c0_i32 : i32, i32
  }
  func.func @transform_4(%arg0: i32) -> (i32, i32) {
    %c0_i32 = arith.constant 0 : i32
    %c0_i32_0 = arith.constant 0 : i32
    return %arg0, %c0_i32 : i32, i32
  }
}

module attributes {stable_mosaic.version = 14 : i64} {
  func.func @_d2_body(%arg0: i32, %arg1: memref<2000x128xf32, #tpu.memory_space<vmem>>, %arg2: memref<2000x128xf32, #tpu.memory_space<vmem>>, %arg3: memref<2000x1xf32, #tpu.memory_space<vmem>>) attributes {dimension_semantics = [#tpu.dimension_semantics<arbitrary>], iteration_bounds = array<i64: 160>, scalar_prefetch = 0 : i64, scratch_operands = 0 : i64, tpu.core_type = #tpu.core_type<tc>, window_params = [{transform_indices = @transform_0, window_bounds = array<i64: 2000, 128>}, {transform_indices = @transform_1, window_bounds = array<i64: 2000, 128>}, {transform_indices = @transform_2, window_bounds = array<i64: 2000, 1>}]} {
    %get3A = arith.constant 0 : index
    %get3A_0 = arith.constant 0 : index
    %get3A_1 = vector.load %arg1[%get3A, %get3A_0] : memref<2000x128xf32, #tpu.memory_space<vmem>>, vector<2000x128xf32>
    %get3A_2 = arith.constant 0 : index
    %get3A_3 = arith.constant 0 : index
    %get3A_4 = vector.load %arg2[%get3A_2, %get3A_3] : memref<2000x128xf32, #tpu.memory_space<vmem>>, vector<2000x128xf32>
    %sub3A = arith.subf %get3A_1, %get3A_4 : vector<2000x128xf32>
    %mul3A = arith.mulf %sub3A, %sub3A : vector<2000x128xf32>
    %reduce_sum3A = arith.constant dense<0.000000e+00> : vector<2000xf32>
    %reduce_sum3A_5 = vector.multi_reduction <add>, %mul3A, %reduce_sum3A [1] : vector<2000x128xf32> to vector<2000xf32>
    %broadcast_in_dim3A = vector.shape_cast %reduce_sum3A_5 : vector<2000xf32> to vector<2000x1xf32>
    %swap3A = arith.constant 0 : index
    %swap3A_6 = arith.constant 0 : index
    %swap3A_7 = vector.load %arg3[%swap3A, %swap3A_6] : memref<2000x1xf32, #tpu.memory_space<vmem>>, vector<2000x1xf32>
    tpu.vector_store %arg3[%swap3A, %swap3A_6], %broadcast_in_dim3A {strides = array<i32>} : memref<2000x1xf32, #tpu.memory_space<vmem>>, vector<2000x1xf32>,
    return
  }
  func.func @transform_0(%arg0: i32) -> (i32, i32) {
    %c0_i32 = arith.constant 0 : i32
    %c0_i32_0 = arith.constant 0 : i32
    return %arg0, %c0_i32 : i32, i32
  }
  func.func @transform_1(%arg0: i32) -> (i32, i32) {
    %c0_i32 = arith.constant 0 : i32
    %c0_i32_0 = arith.constant 0 : i32
    return %arg0, %c0_i32 : i32, i32
  }
  func.func @transform_2(%arg0: i32) -> (i32, i32) {
    %c0_i32 = arith.constant 0 : i32
    %c0_i32_0 = arith.constant 0 : i32
    return %arg0, %c0_i32 : i32, i32
  }
}

module attributes {stable_mosaic.version = 14 : i64} {
  func.func @_msg_body(%arg0: i32, %arg1: memref<2000x128xf32, #tpu.memory_space<vmem>>, %arg2: memref<2000x128xf32, #tpu.memory_space<vmem>>, %arg3: memref<2000x1xf32, #tpu.memory_space<vmem>>, %arg4: memref<2000x1xi32, #tpu.memory_space<vmem>>, %arg5: memref<32x128xf32, #tpu.memory_space<vmem>>, %arg6: memref<128x128xf32, #tpu.memory_space<vmem>>, %arg7: memref<8x128xf32, #tpu.memory_space<vmem>>, %arg8: memref<2000x128xf32, #tpu.memory_space<vmem>>) attributes {dimension_semantics = [#tpu.dimension_semantics<arbitrary>], iteration_bounds = array<i64: 160>, scalar_prefetch = 0 : i64, scratch_operands = 0 : i64, tpu.core_type = #tpu.core_type<tc>, window_params = [{transform_indices = @transform_0, window_bounds = array<i64: 2000, 128>}, {transform_indices = @transform_1, window_bounds = array<i64: 2000, 128>}, {transform_indices = @transform_2, window_bounds = array<i64: 2000, 1>}, {transform_indices = @transform_3, window_bounds = array<i64: 2000, 1>}, {pipeline_mode = #tpu.pipeline_mode<synchronous>, transform_indices = @transform_4, window_bounds = array<i64: 32, 128>}, {pipeline_mode = #tpu.pipeline_mode<synchronous>, transform_indices = @transform_5, window_bounds = array<i64: 128, 128>}, {pipeline_mode = #tpu.pipeline_mode<synchronous>, transform_indices = @transform_6, window_bounds = array<i64: 8, 128>}, {transform_indices = @transform_7, window_bounds = array<i64: 2000, 128>}]} {
    %get3A = arith.constant 0 : index
    %get3A_0 = arith.constant 0 : index
    %get3A_1 = vector.load %arg3[%get3A, %get3A_0] : memref<2000x1xf32, #tpu.memory_space<vmem>>, vector<2000x1xf32>
    %sqrt3A = math.sqrt %get3A_1 : vector<2000x1xf32>
    %iota3A = tpu.iota {dimensions = array<i32: 1>} : vector<1x32xi32>
    %convert_element_type3A = arith.sitofp %iota3A : vector<1x32xi32> to vector<1x32xf32>
    %mul3A = arith.constant 0.193548381 : f32
    %mul3A_2 = vector.broadcast %mul3A : f32 to vector<1x32xf32>
    %mul3A_3 = arith.mulf %convert_element_type3A, %mul3A_2 : vector<1x32xf32>
    %sub3A = vector.broadcast %sqrt3A : vector<2000x1xf32> to vector<2000x32xf32>
    %sub3A_4 = vector.broadcast %mul3A_3 : vector<1x32xf32> to vector<2000x32xf32>
    %sub3A_5 = arith.subf %sub3A, %sub3A_4 : vector<2000x32xf32>
    %integer_pow3A = arith.mulf %sub3A_5, %sub3A_5 : vector<2000x32xf32>
    %mul3A_6 = arith.constant -26.6944466 : f32
    %mul3A_7 = vector.broadcast %mul3A_6 : f32 to vector<2000x32xf32>
    %mul3A_8 = arith.mulf %mul3A_7, %integer_pow3A : vector<2000x32xf32>
    %exp3A = math.exp %mul3A_8 : vector<2000x32xf32>
    %get3A_9 = arith.constant 0 : index
    %get3A_10 = arith.constant 0 : index
    %get3A_11 = vector.load %arg4[%get3A_9, %get3A_10] : memref<2000x1xi32, #tpu.memory_space<vmem>>, vector<2000x1xi32>
    %convert_element_type3A_12 = arith.sitofp %get3A_11 : vector<2000x1xi32> to vector<2000x1xf32>
    %get3A_13 = arith.constant 0 : index
    %get3A_14 = arith.constant 0 : index
    %get3A_15 = vector.load %arg1[%get3A_13, %get3A_14] : memref<2000x128xf32, #tpu.memory_space<vmem>>, vector<2000x128xf32>
    %get3A_16 = arith.constant 0 : index
    %get3A_17 = arith.constant 0 : index
    %get3A_18 = vector.load %arg2[%get3A_16, %get3A_17] : memref<2000x128xf32, #tpu.memory_space<vmem>>, vector<2000x128xf32>
    %add3A = arith.addf %get3A_15, %get3A_18 : vector<2000x128xf32>
    %get3A_19 = arith.constant 0 : index
    %get3A_20 = arith.constant 0 : index
    %get3A_21 = vector.load %arg7[%get3A_19, %get3A_20] : memref<8x128xf32, #tpu.memory_space<vmem>>, vector<1x128xf32>
    %add3A_22 = vector.broadcast %get3A_21 : vector<1x128xf32> to vector<2000x128xf32>
    %add3A_23 = arith.addf %add3A, %add3A_22 : vector<2000x128xf32>
    %get3A_24 = arith.constant 1 : index
    %get3A_25 = arith.constant 0 : index
    %get3A_26 = vector.load %arg7[%get3A_24, %get3A_25] : memref<8x128xf32, #tpu.memory_space<vmem>>, vector<1x128xf32>
    %mul3A_27 = vector.broadcast %convert_element_type3A_12 : vector<2000x1xf32> to vector<2000x128xf32>
    %mul3A_28 = vector.broadcast %get3A_26 : vector<1x128xf32> to vector<2000x128xf32>
    %mul3A_29 = arith.mulf %mul3A_27, %mul3A_28 : vector<2000x128xf32>
    %add3A_30 = arith.addf %add3A_23, %mul3A_29 : vector<2000x128xf32>
    %get3A_31 = arith.constant 2 : index
    %get3A_32 = arith.constant 0 : index
    %get3A_33 = vector.load %arg7[%get3A_31, %get3A_32] : memref<8x128xf32, #tpu.memory_space<vmem>>, vector<1x128xf32>
    %mul3A_34 = vector.broadcast %sqrt3A : vector<2000x1xf32> to vector<2000x128xf32>
    %mul3A_35 = vector.broadcast %get3A_33 : vector<1x128xf32> to vector<2000x128xf32>
    %mul3A_36 = arith.mulf %mul3A_34, %mul3A_35 : vector<2000x128xf32>
    %add3A_37 = arith.addf %add3A_30, %mul3A_36 : vector<2000x128xf32>
    %get3A_38 = arith.constant 0 : index
    %get3A_39 = arith.constant 0 : index
    %get3A_40 = vector.load %arg5[%get3A_38, %get3A_39] : memref<32x128xf32, #tpu.memory_space<vmem>>, vector<32x128xf32>
    %dot_general3A = arith.constant dense<0.000000e+00> : vector<2000x128xf32>
    %dot_general3A_41 = tpu.matmul %exp3A, %get3A_40, %dot_general3A {dimension_numbers = #tpu.dot_dimension_numbers<[1], [0], [0], [1], [0, 0, 1, 1], [], []>, transpose_lhs_hint = false} : vector<2000x32xf32>, vector<32x128xf32>, vector<2000x128xf32> -> vector<2000x128xf32>
    %add3A_42 = arith.addf %add3A_37, %dot_general3A_41 : vector<2000x128xf32>
    %logistic3A = arith.negf %add3A_42 : vector<2000x128xf32>
    %logistic3A_43 = math.exp %logistic3A : vector<2000x128xf32>
    %logistic3A_44 = arith.constant 1.000000e+00 : f32
    %logistic3A_45 = vector.broadcast %logistic3A_44 : f32 to vector<2000x128xf32>
    %logistic3A_46 = arith.addf %logistic3A_45, %logistic3A_43 : vector<2000x128xf32>
    %logistic3A_47 = arith.divf %logistic3A_45, %logistic3A_46 : vector<2000x128xf32>
    %mul3A_48 = arith.mulf %add3A_42, %logistic3A_47 : vector<2000x128xf32>
    %get3A_49 = arith.constant 0 : index
    %get3A_50 = arith.constant 0 : index
    %get3A_51 = vector.load %arg6[%get3A_49, %get3A_50] : memref<128x128xf32, #tpu.memory_space<vmem>>, vector<128x128xf32>
    %dot_general3A_52 = arith.constant dense<0.000000e+00> : vector<2000x128xf32>
    %dot_general3A_53 = tpu.matmul %mul3A_48, %get3A_51, %dot_general3A_52 {dimension_numbers = #tpu.dot_dimension_numbers<[1], [0], [0], [1], [0, 0, 1, 1], [], []>, transpose_lhs_hint = false} : vector<2000x128xf32>, vector<128x128xf32>, vector<2000x128xf32> -> vector<2000x128xf32>
    %get3A_54 = arith.constant 3 : index
    %get3A_55 = arith.constant 0 : index
    %get3A_56 = vector.load %arg7[%get3A_54, %get3A_55] : memref<8x128xf32, #tpu.memory_space<vmem>>, vector<1x128xf32>
    %add3A_57 = vector.broadcast %get3A_56 : vector<1x128xf32> to vector<2000x128xf32>
    %add3A_58 = arith.addf %dot_general3A_53, %add3A_57 : vector<2000x128xf32>
    %logistic3A_59 = arith.negf %add3A_58 : vector<2000x128xf32>
    %logistic3A_60 = math.exp %logistic3A_59 : vector<2000x128xf32>
    %logistic3A_61 = arith.constant 1.000000e+00 : f32
    %logistic3A_62 = vector.broadcast %logistic3A_61 : f32 to vector<2000x128xf32>
    %logistic3A_63 = arith.addf %logistic3A_62, %logistic3A_60 : vector<2000x128xf32>
    %logistic3A_64 = arith.divf %logistic3A_62, %logistic3A_63 : vector<2000x128xf32>
    %mul3A_65 = arith.mulf %add3A_58, %logistic3A_64 : vector<2000x128xf32>
    %swap3A = arith.constant 0 : index
    %swap3A_66 = arith.constant 0 : index
    %swap3A_67 = vector.load %arg8[%swap3A, %swap3A_66] : memref<2000x128xf32, #tpu.memory_space<vmem>>, vector<2000x128xf32>
    tpu.vector_store %arg8[%swap3A, %swap3A_66], %mul3A_65 {strides = array<i32>} : memref<2000x128xf32, #tpu.memory_space<vmem>>, vector<2000x128xf32>,
    return
  }
  func.func @transform_0(%arg0: i32) -> (i32, i32) {
    %c0_i32 = arith.constant 0 : i32
    %c0_i32_0 = arith.constant 0 : i32
    return %arg0, %c0_i32 : i32, i32
  }
  func.func @transform_1(%arg0: i32) -> (i32, i32) {
    %c0_i32 = arith.constant 0 : i32
    %c0_i32_0 = arith.constant 0 : i32
    return %arg0, %c0_i32 : i32, i32
  }
  func.func @transform_2(%arg0: i32) -> (i32, i32) {
    %c0_i32 = arith.constant 0 : i32
    %c0_i32_0 = arith.constant 0 : i32
    return %arg0, %c0_i32 : i32, i32
  }
  func.func @transform_3(%arg0: i32) -> (i32, i32) {
    %c0_i32 = arith.constant 0 : i32
    %c0_i32_0 = arith.constant 0 : i32
    return %arg0, %c0_i32 : i32, i32
  }
  func.func @transform_4(%arg0: i32) -> (i32, i32) {
    %c0_i32 = arith.constant 0 : i32
    %c0_i32_0 = arith.constant 0 : i32
    %c0_i32_1 = arith.constant 0 : i32
    return %c0_i32, %c0_i32_0 : i32, i32
  }
  func.func @transform_5(%arg0: i32) -> (i32, i32) {
    %c0_i32 = arith.constant 0 : i32
    %c0_i32_0 = arith.constant 0 : i32
    %c0_i32_1 = arith.constant 0 : i32
    return %c0_i32, %c0_i32_0 : i32, i32
  }
  func.func @transform_6(%arg0: i32) -> (i32, i32) {
    %c0_i32 = arith.constant 0 : i32
    %c0_i32_0 = arith.constant 0 : i32
    %c0_i32_1 = arith.constant 0 : i32
    return %c0_i32, %c0_i32_0 : i32, i32
  }
  func.func @transform_7(%arg0: i32) -> (i32, i32) {
    %c0_i32 = arith.constant 0 : i32
    %c0_i32_0 = arith.constant 0 : i32
    return %arg0, %c0_i32 : i32, i32
  }
}

module attributes {stable_mosaic.version = 14 : i64} {
  func.func @_upd_body(%arg0: i32, %arg1: memref<1000x128xf32, #tpu.memory_space<vmem>>, %arg2: memref<1000x128xf32, #tpu.memory_space<vmem>>, %arg3: memref<1000x128xf32, #tpu.memory_space<vmem>>, %arg4: memref<1000x128xf32, #tpu.memory_space<vmem>>, %arg5: memref<1000x128xf32, #tpu.memory_space<vmem>>, %arg6: memref<1000x1xi32, #tpu.memory_space<vmem>>, %arg7: memref<128x128xf32, #tpu.memory_space<vmem>>, %arg8: memref<128x128xf32, #tpu.memory_space<vmem>>, %arg9: memref<128x128xf32, #tpu.memory_space<vmem>>, %arg10: memref<8x128xf32, #tpu.memory_space<vmem>>, %arg11: memref<1000x128xf32, #tpu.memory_space<vmem>>) attributes {dimension_semantics = [#tpu.dimension_semantics<arbitrary>], iteration_bounds = array<i64: 10>, scalar_prefetch = 0 : i64, scratch_operands = 0 : i64, tpu.core_type = #tpu.core_type<tc>, window_params = [{transform_indices = @transform_0, window_bounds = array<i64: 1000, 128>}, {transform_indices = @transform_1, window_bounds = array<i64: 1000, 128>}, {transform_indices = @transform_2, window_bounds = array<i64: 1000, 128>}, {transform_indices = @transform_3, window_bounds = array<i64: 1000, 128>}, {transform_indices = @transform_4, window_bounds = array<i64: 1000, 128>}, {transform_indices = @transform_5, window_bounds = array<i64: 1000, 1>}, {pipeline_mode = #tpu.pipeline_mode<synchronous>, transform_indices = @transform_6, window_bounds = array<i64: 128, 128>}, {pipeline_mode = #tpu.pipeline_mode<synchronous>, transform_indices = @transform_7, window_bounds = array<i64: 128, 128>}, {pipeline_mode = #tpu.pipeline_mode<synchronous>, transform_indices = @transform_8, window_bounds = array<i64: 128, 128>}, {pipeline_mode = #tpu.pipeline_mode<synchronous>, transform_indices = @transform_9, window_bounds = array<i64: 8, 128>}, {transform_indices = @transform_10, window_bounds = array<i64: 1000, 128>}]} {
    %get3A = arith.constant 0 : index
    %get3A_0 = arith.constant 0 : index
    %get3A_1 = vector.load %arg1[%get3A, %get3A_0] : memref<1000x128xf32, #tpu.memory_space<vmem>>, vector<1000x128xf32>
    %get3A_2 = arith.constant 0 : index
    %get3A_3 = arith.constant 0 : index
    %get3A_4 = vector.load %arg4[%get3A_2, %get3A_3] : memref<1000x128xf32, #tpu.memory_space<vmem>>, vector<1000x128xf32>
    %slice3A = vector.extract_strided_slice %get3A_4 {offsets = [0, 0], sizes = [1000, 1], strides = [1, 1]} : vector<1000x128xf32> to vector<1000x1xf32>
    %get3A_5 = arith.constant 0 : index
    %get3A_6 = arith.constant 0 : index
    %get3A_7 = vector.load %arg5[%get3A_5, %get3A_6] : memref<1000x128xf32, #tpu.memory_space<vmem>>, vector<1000x128xf32>
    %slice3A_8 = vector.extract_strided_slice %get3A_7 {offsets = [0, 0], sizes = [1000, 1], strides = [1, 1]} : vector<1000x128xf32> to vector<1000x1xf32>
    %add3A = arith.addf %slice3A, %slice3A_8 : vector<1000x1xf32>
    %get3A_9 = arith.constant 0 : index
    %get3A_10 = arith.constant 0 : index
    %get3A_11 = vector.load %arg2[%get3A_9, %get3A_10] : memref<1000x128xf32, #tpu.memory_space<vmem>>, vector<1000x128xf32>
    %get3A_12 = arith.constant 0 : index
    %get3A_13 = arith.constant 0 : index
    %get3A_14 = vector.load %arg3[%get3A_12, %get3A_13] : memref<1000x128xf32, #tpu.memory_space<vmem>>, vector<1000x128xf32>
    %add3A_15 = arith.addf %get3A_11, %get3A_14 : vector<1000x128xf32>
    %max3A = arith.constant 1.000000e+00 : f32
    %max3A_16 = vector.broadcast %max3A : f32 to vector<1000x1xf32>
    %max3A_17 = arith.maximumf %add3A, %max3A_16 : vector<1000x1xf32>
    %div3A = vector.broadcast %max3A_17 : vector<1000x1xf32> to vector<1000x128xf32>
    %div3A_18 = arith.divf %add3A_15, %div3A : vector<1000x128xf32>
    %get3A_19 = arith.constant 0 : index
    %get3A_20 = arith.constant 0 : index
    %get3A_21 = vector.load %arg7[%get3A_19, %get3A_20] : memref<128x128xf32, #tpu.memory_space<vmem>>, vector<128x128xf32>
    %dot_general3A = arith.constant dense<0.000000e+00> : vector<1000x128xf32>
    %dot_general3A_22 = tpu.matmul %get3A_1, %get3A_21, %dot_general3A {dimension_numbers = #tpu.dot_dimension_numbers<[1], [0], [0], [1], [0, 0, 1, 1], [], []>, transpose_lhs_hint = false} : vector<1000x128xf32>, vector<128x128xf32>, vector<1000x128xf32> -> vector<1000x128xf32>
    %get3A_23 = arith.constant 0 : index
    %get3A_24 = arith.constant 0 : index
    %get3A_25 = vector.load %arg8[%get3A_23, %get3A_24] : memref<128x128xf32, #tpu.memory_space<vmem>>, vector<128x128xf32>
    %dot_general3A_26 = arith.constant dense<0.000000e+00> : vector<1000x128xf32>
    %dot_general3A_27 = tpu.matmul %div3A_18, %get3A_25, %dot_general3A_26 {dimension_numbers = #tpu.dot_dimension_numbers<[1], [0], [0], [1], [0, 0, 1, 1], [], []>, transpose_lhs_hint = false} : vector<1000x128xf32>, vector<128x128xf32>, vector<1000x128xf32> -> vector<1000x128xf32>
    %add3A_28 = arith.addf %dot_general3A_22, %dot_general3A_27 : vector<1000x128xf32>
    %get3A_29 = arith.constant 0 : index
    %get3A_30 = arith.constant 0 : index
    %get3A_31 = vector.load %arg10[%get3A_29, %get3A_30] : memref<8x128xf32, #tpu.memory_space<vmem>>, vector<1x128xf32>
    %add3A_32 = vector.broadcast %get3A_31 : vector<1x128xf32> to vector<1000x128xf32>
    %add3A_33 = arith.addf %add3A_28, %add3A_32 : vector<1000x128xf32>
    %logistic3A = arith.negf %add3A_33 : vector<1000x128xf32>
    %logistic3A_34 = math.exp %logistic3A : vector<1000x128xf32>
    %logistic3A_35 = arith.constant 1.000000e+00 : f32
    %logistic3A_36 = vector.broadcast %logistic3A_35 : f32 to vector<1000x128xf32>
    %logistic3A_37 = arith.addf %logistic3A_36, %logistic3A_34 : vector<1000x128xf32>
    %logistic3A_38 = arith.divf %logistic3A_36, %logistic3A_37 : vector<1000x128xf32>
    %mul3A = arith.mulf %add3A_33, %logistic3A_38 : vector<1000x128xf32>
    %get3A_39 = arith.constant 0 : index
    %get3A_40 = arith.constant 0 : index
    %get3A_41 = vector.load %arg9[%get3A_39, %get3A_40] : memref<128x128xf32, #tpu.memory_space<vmem>>, vector<128x128xf32>
    %dot_general3A_42 = arith.constant dense<0.000000e+00> : vector<1000x128xf32>
    %dot_general3A_43 = tpu.matmul %mul3A, %get3A_41, %dot_general3A_42 {dimension_numbers = #tpu.dot_dimension_numbers<[1], [0], [0], [1], [0, 0, 1, 1], [], []>, transpose_lhs_hint = false} : vector<1000x128xf32>, vector<128x128xf32>, vector<1000x128xf32> -> vector<1000x128xf32>
    %get3A_44 = arith.constant 1 : index
    %get3A_45 = arith.constant 0 : index
    %get3A_46 = vector.load %arg10[%get3A_44, %get3A_45] : memref<8x128xf32, #tpu.memory_space<vmem>>, vector<1x128xf32>
    %add3A_47 = vector.broadcast %get3A_46 : vector<1x128xf32> to vector<1000x128xf32>
    %add3A_48 = arith.addf %dot_general3A_43, %add3A_47 : vector<1000x128xf32>
    %add3A_49 = arith.addf %get3A_1, %add3A_48 : vector<1000x128xf32>
    %get3A_50 = arith.constant 2 : index
    %get3A_51 = arith.constant 0 : index
    %get3A_52 = vector.load %arg10[%get3A_50, %get3A_51] : memref<8x128xf32, #tpu.memory_space<vmem>>, vector<1x128xf32>
    %get3A_53 = arith.constant 3 : index
    %get3A_54 = arith.constant 0 : index
    %get3A_55 = vector.load %arg10[%get3A_53, %get3A_54] : memref<8x128xf32, #tpu.memory_space<vmem>>, vector<1x128xf32>
    %reduce_sum3A = arith.constant dense<0.000000e+00> : vector<1000xf32>
    %reduce_sum3A_56 = vector.multi_reduction <add>, %add3A_49, %reduce_sum3A [1] : vector<1000x128xf32> to vector<1000xf32>
    %broadcast_in_dim3A = vector.shape_cast %reduce_sum3A_56 : vector<1000xf32> to vector<1000x1xf32>
    %div3A_57 = arith.constant 1.280000e+02 : f32
    %div3A_58 = vector.broadcast %div3A_57 : f32 to vector<1000x1xf32>
    %div3A_59 = arith.divf %broadcast_in_dim3A, %div3A_58 : vector<1000x1xf32>
    %sub3A = vector.broadcast %div3A_59 : vector<1000x1xf32> to vector<1000x128xf32>
    %sub3A_60 = arith.subf %add3A_49, %sub3A : vector<1000x128xf32>
    %integer_pow3A = arith.mulf %sub3A_60, %sub3A_60 : vector<1000x128xf32>
    %reduce_sum3A_61 = arith.constant dense<0.000000e+00> : vector<1000xf32>
    %reduce_sum3A_62 = vector.multi_reduction <add>, %integer_pow3A, %reduce_sum3A_61 [1] : vector<1000x128xf32> to vector<1000xf32>
    %broadcast_in_dim3A_63 = vector.shape_cast %reduce_sum3A_62 : vector<1000xf32> to vector<1000x1xf32>
    %div3A_64 = arith.constant 1.280000e+02 : f32
    %div3A_65 = vector.broadcast %div3A_64 : f32 to vector<1000x1xf32>
    %div3A_66 = arith.divf %broadcast_in_dim3A_63, %div3A_65 : vector<1000x1xf32>
    %sub3A_67 = vector.broadcast %div3A_59 : vector<1000x1xf32> to vector<1000x128xf32>
    %sub3A_68 = arith.subf %add3A_49, %sub3A_67 : vector<1000x128xf32>
    %add3A_69 = arith.constant 9.99999974E-6 : f32
    %add3A_70 = vector.broadcast %add3A_69 : f32 to vector<1000x1xf32>
    %add3A_71 = arith.addf %div3A_66, %add3A_70 : vector<1000x1xf32>
    %sqrt3A = math.sqrt %add3A_71 : vector<1000x1xf32>
    %div3A_72 = vector.broadcast %sqrt3A : vector<1000x1xf32> to vector<1000x128xf32>
    %div3A_73 = arith.divf %sub3A_68, %div3A_72 : vector<1000x128xf32>
    %mul3A_74 = vector.broadcast %get3A_52 : vector<1x128xf32> to vector<1000x128xf32>
    %mul3A_75 = arith.mulf %div3A_73, %mul3A_74 : vector<1000x128xf32>
    %add3A_76 = vector.broadcast %get3A_55 : vector<1x128xf32> to vector<1000x128xf32>
    %add3A_77 = arith.addf %mul3A_75, %add3A_76 : vector<1000x128xf32>
    %get3A_78 = arith.constant 0 : index
    %get3A_79 = arith.constant 0 : index
    %get3A_80 = vector.load %arg6[%get3A_78, %get3A_79] : memref<1000x1xi32, #tpu.memory_space<vmem>>, vector<1000x1xi32>
    %eq3A = arith.constant 1 : i32
    %eq3A_81 = vector.broadcast %eq3A : i32 to vector<1000x1xi32>
    %eq3A_82 = arith.cmpi eq, %get3A_80, %eq3A_81 : vector<1000x1xi32>
    %broadcast_in_dim3A_83 = vector.shape_cast %eq3A_82 : vector<1000x1xi1> to vector<1000x1xi1>
    %broadcast_in_dim3A_84 = vector.broadcast %broadcast_in_dim3A_83 : vector<1000x1xi1> to vector<1000x128xi1>
    %select_n3A = arith.select %broadcast_in_dim3A_84, %add3A_77, %get3A_1 : vector<1000x128xi1>, vector<1000x128xf32>
    %swap3A = arith.constant 0 : index
    %swap3A_85 = arith.constant 0 : index
    %swap3A_86 = vector.load %arg11[%swap3A, %swap3A_85] : memref<1000x128xf32, #tpu.memory_space<vmem>>, vector<1000x128xf32>
    tpu.vector_store %arg11[%swap3A, %swap3A_85], %select_n3A {strides = array<i32>} : memref<1000x128xf32, #tpu.memory_space<vmem>>, vector<1000x128xf32>,
    return
  }
  func.func @transform_0(%arg0: i32) -> (i32, i32) {
    %c0_i32 = arith.constant 0 : i32
    %c0_i32_0 = arith.constant 0 : i32
    return %arg0, %c0_i32 : i32, i32
  }
  func.func @transform_1(%arg0: i32) -> (i32, i32) {
    %c0_i32 = arith.constant 0 : i32
    %c0_i32_0 = arith.constant 0 : i32
    return %arg0, %c0_i32 : i32, i32
  }
  func.func @transform_2(%arg0: i32) -> (i32, i32) {
    %c0_i32 = arith.constant 0 : i32
    %c0_i32_0 = arith.constant 0 : i32
    return %arg0, %c0_i32 : i32, i32
  }
  func.func @transform_3(%arg0: i32) -> (i32, i32) {
    %c0_i32 = arith.constant 0 : i32
    %c0_i32_0 = arith.constant 0 : i32
    return %arg0, %c0_i32 : i32, i32
  }
  func.func @transform_4(%arg0: i32) -> (i32, i32) {
    %c0_i32 = arith.constant 0 : i32
    %c0_i32_0 = arith.constant 0 : i32
    return %arg0, %c0_i32 : i32, i32
  }
  func.func @transform_5(%arg0: i32) -> (i32, i32) {
    %c0_i32 = arith.constant 0 : i32
    %c0_i32_0 = arith.constant 0 : i32
    return %arg0, %c0_i32 : i32, i32
  }
  func.func @transform_6(%arg0: i32) -> (i32, i32) {
    %c0_i32 = arith.constant 0 : i32
    %c0_i32_0 = arith.constant 0 : i32
    %c0_i32_1 = arith.constant 0 : i32
    return %c0_i32, %c0_i32_0 : i32, i32
  }
  func.func @transform_7(%arg0: i32) -> (i32, i32) {
    %c0_i32 = arith.constant 0 : i32
    %c0_i32_0 = arith.constant 0 : i32
    %c0_i32_1 = arith.constant 0 : i32
    return %c0_i32, %c0_i32_0 : i32, i32
  }
  func.func @transform_8(%arg0: i32) -> (i32, i32) {
    %c0_i32 = arith.constant 0 : i32
    %c0_i32_0 = arith.constant 0 : i32
    %c0_i32_1 = arith.constant 0 : i32
    return %c0_i32, %c0_i32_0 : i32, i32
  }
  func.func @transform_9(%arg0: i32) -> (i32, i32) {
    %c0_i32 = arith.constant 0 : i32
    %c0_i32_0 = arith.constant 0 : i32
    %c0_i32_1 = arith.constant 0 : i32
    return %c0_i32, %c0_i32_0 : i32, i32
  }
  func.func @transform_10(%arg0: i32) -> (i32, i32) {
    %c0_i32 = arith.constant 0 : i32
    %c0_i32_0 = arith.constant 0 : i32
    return %arg0, %c0_i32 : i32, i32
  }
}

module attributes {stable_mosaic.version = 14 : i64} {
  func.func @_pool_body(%arg0: i32, %arg1: memref<1000x128xf32, #tpu.memory_space<vmem>>, %arg2: memref<1000x1xi32, #tpu.memory_space<vmem>>, %arg3: memref<1000x1xi32, #tpu.memory_space<vmem>>, %arg4: memref<64x128xf32, #tpu.memory_space<vmem>>, %arg5: memref<64x1xf32, #tpu.memory_space<vmem>>) attributes {dimension_semantics = [#tpu.dimension_semantics<arbitrary>], iteration_bounds = array<i64: 10>, scalar_prefetch = 0 : i64, scratch_operands = 0 : i64, tpu.core_type = #tpu.core_type<tc>, window_params = [{transform_indices = @transform_0, window_bounds = array<i64: 1000, 128>}, {transform_indices = @transform_1, window_bounds = array<i64: 1000, 1>}, {transform_indices = @transform_2, window_bounds = array<i64: 1000, 1>}, {pipeline_mode = #tpu.pipeline_mode<synchronous>, transform_indices = @transform_3, window_bounds = array<i64: 64, 128>}, {pipeline_mode = #tpu.pipeline_mode<synchronous>, transform_indices = @transform_4, window_bounds = array<i64: 64, 1>}]} {
    %eq3A = arith.constant 0 : i32
    %eq3A_0 = arith.cmpi eq, %arg0, %eq3A : i32
    %convert_element_type3A = arith.extui %eq3A_0 : i1 to i32
    %cond3A = arith.constant 0 : i32
    %cond3A_1 = arith.cmpi ne, %convert_element_type3A, %cond3A : i32
    scf.if %cond3A_1 {
      %broadcast_in_dim3A = arith.constant 0.000000e+00 : f32
      %broadcast_in_dim3A_35 = vector.broadcast %broadcast_in_dim3A : f32 to vector<64x128xf32>
      %swap3A_36 = arith.constant 0 : index
      %swap3A_37 = arith.constant 0 : index
      %swap3A_38 = vector.load %arg4[%swap3A_36, %swap3A_37] : memref<64x128xf32, #tpu.memory_space<vmem>>, vector<64x128xf32>
      tpu.vector_store %arg4[%swap3A_36, %swap3A_37], %broadcast_in_dim3A_35 {strides = array<i32>} : memref<64x128xf32, #tpu.memory_space<vmem>>, vector<64x128xf32>,
      %broadcast_in_dim3A_39 = arith.constant 0.000000e+00 : f32
      %broadcast_in_dim3A_40 = vector.broadcast %broadcast_in_dim3A_39 : f32 to vector<64x1xf32>
      %swap3A_41 = arith.constant 0 : index
      %swap3A_42 = arith.constant 0 : index
      %swap3A_43 = vector.load %arg5[%swap3A_41, %swap3A_42] : memref<64x1xf32, #tpu.memory_space<vmem>>, vector<64x1xf32>
      tpu.vector_store %arg5[%swap3A_41, %swap3A_42], %broadcast_in_dim3A_40 {strides = array<i32>} : memref<64x1xf32, #tpu.memory_space<vmem>>, vector<64x1xf32>,
    } else {
    }
    %get3A = arith.constant 0 : index
    %get3A_2 = arith.constant 0 : index
    %get3A_3 = vector.load %arg2[%get3A, %get3A_2] : memref<1000x1xi32, #tpu.memory_space<vmem>>, vector<1000x1xi32>
    %eq3A_4 = arith.constant 1 : i32
    %eq3A_5 = vector.broadcast %eq3A_4 : i32 to vector<1000x1xi32>
    %eq3A_6 = arith.cmpi eq, %get3A_3, %eq3A_5 : vector<1000x1xi32>
    %convert_element_type3A_7 = arith.extui %eq3A_6 : vector<1000x1xi1> to vector<1000x1xi32>
    %convert_element_type3A_8 = arith.sitofp %convert_element_type3A_7 : vector<1000x1xi32> to vector<1000x1xf32>
    %get3A_9 = arith.constant 0 : index
    %get3A_10 = arith.constant 0 : index
    %get3A_11 = vector.load %arg1[%get3A_9, %get3A_10] : memref<1000x128xf32, #tpu.memory_space<vmem>>, vector<1000x128xf32>
    %mul3A = vector.broadcast %convert_element_type3A_8 : vector<1000x1xf32> to vector<1000x128xf32>
    %mul3A_12 = arith.mulf %get3A_11, %mul3A : vector<1000x128xf32>
    %iota3A = tpu.iota {dimensions = array<i32: 1>} : vector<1000x64xi32>
    %get3A_13 = arith.constant 0 : index
    %get3A_14 = arith.constant 0 : index
    %get3A_15 = vector.load %arg3[%get3A_13, %get3A_14] : memref<1000x1xi32, #tpu.memory_space<vmem>>, vector<1000x1xi32>
    %eq3A_16 = vector.broadcast %get3A_15 : vector<1000x1xi32> to vector<1000x64xi32>
    %eq3A_17 = arith.cmpi eq, %iota3A, %eq3A_16 : vector<1000x64xi32>
    %convert_element_type3A_18 = arith.extui %eq3A_17 : vector<1000x64xi1> to vector<1000x64xi32>
    %convert_element_type3A_19 = arith.sitofp %convert_element_type3A_18 : vector<1000x64xi32> to vector<1000x64xf32>
    %get3A_20 = arith.constant 0 : index
    %get3A_21 = arith.constant 0 : index
    %get3A_22 = vector.load %arg4[%get3A_20, %get3A_21] : memref<64x128xf32, #tpu.memory_space<vmem>>, vector<64x128xf32>
    %dot_general3A = arith.constant dense<0.000000e+00> : vector<64x128xf32>
    %dot_general3A_23 = tpu.matmul %convert_element_type3A_19, %mul3A_12, %dot_general3A {dimension_numbers = #tpu.dot_dimension_numbers<[0], [0], [1], [1], [0, 1, 1, 1], [], []>, transpose_lhs_hint = false} : vector<1000x64xf32>, vector<1000x128xf32>, vector<64x128xf32> -> vector<64x128xf32>
    %add3A = arith.addf %get3A_22, %dot_general3A_23 : vector<64x128xf32>
    %swap3A = arith.constant 0 : index
    %swap3A_24 = arith.constant 0 : index
    %swap3A_25 = vector.load %arg4[%swap3A, %swap3A_24] : memref<64x128xf32, #tpu.memory_space<vmem>>, vector<64x128xf32>
    tpu.vector_store %arg4[%swap3A, %swap3A_24], %add3A {strides = array<i32>} : memref<64x128xf32, #tpu.memory_space<vmem>>, vector<64x128xf32>,
    %get3A_26 = arith.constant 0 : index
    %get3A_27 = arith.constant 0 : index
    %get3A_28 = vector.load %arg5[%get3A_26, %get3A_27] : memref<64x1xf32, #tpu.memory_space<vmem>>, vector<64x1xf32>
    %dot_general3A_29 = arith.constant dense<0.000000e+00> : vector<64x1xf32>
    %dot_general3A_30 = tpu.matmul %convert_element_type3A_19, %convert_element_type3A_8, %dot_general3A_29 {dimension_numbers = #tpu.dot_dimension_numbers<[0], [0], [1], [1], [0, 1, 1, 1], [], []>, transpose_lhs_hint = false} : vector<1000x64xf32>, vector<1000x1xf32>, vector<64x1xf32> -> vector<64x1xf32>
    %add3A_31 = arith.addf %get3A_28, %dot_general3A_30 : vector<64x1xf32>
    %swap3A_32 = arith.constant 0 : index
    %swap3A_33 = arith.constant 0 : index
    %swap3A_34 = vector.load %arg5[%swap3A_32, %swap3A_33] : memref<64x1xf32, #tpu.memory_space<vmem>>, vector<64x1xf32>
    tpu.vector_store %arg5[%swap3A_32, %swap3A_33], %add3A_31 {strides = array<i32>} : memref<64x1xf32, #tpu.memory_space<vmem>>, vector<64x1xf32>,
    return
  }
  func.func @transform_0(%arg0: i32) -> (i32, i32) {
    %c0_i32 = arith.constant 0 : i32
    %c0_i32_0 = arith.constant 0 : i32
    return %arg0, %c0_i32 : i32, i32
  }
  func.func @transform_1(%arg0: i32) -> (i32, i32) {
    %c0_i32 = arith.constant 0 : i32
    %c0_i32_0 = arith.constant 0 : i32
    return %arg0, %c0_i32 : i32, i32
  }
  func.func @transform_2(%arg0: i32) -> (i32, i32) {
    %c0_i32 = arith.constant 0 : i32
    %c0_i32_0 = arith.constant 0 : i32
    return %arg0, %c0_i32 : i32, i32
  }
  func.func @transform_3(%arg0: i32) -> (i32, i32) {
    %c0_i32 = arith.constant 0 : i32
    %c0_i32_0 = arith.constant 0 : i32
    %c0_i32_1 = arith.constant 0 : i32
    return %c0_i32, %c0_i32_0 : i32, i32
  }
  func.func @transform_4(%arg0: i32) -> (i32, i32) {
    %c0_i32 = arith.constant 0 : i32
    %c0_i32_0 = arith.constant 0 : i32
    %c0_i32_1 = arith.constant 0 : i32
    return %c0_i32, %c0_i32_0 : i32, i32
  }
}

module attributes {stable_mosaic.version = 14 : i64} {
  func.func @_fin_body(%arg0: memref<64x128xf32, #tpu.memory_space<vmem>>, %arg1: memref<64x1xf32, #tpu.memory_space<vmem>>, %arg2: memref<128x128xf32, #tpu.memory_space<vmem>>, %arg3: memref<8x128xf32, #tpu.memory_space<vmem>>, %arg4: memref<64x1xf32, #tpu.memory_space<vmem>>) attributes {dimension_semantics = [], scalar_prefetch = 0 : i64, scratch_operands = 0 : i64, tpu.core_type = #tpu.core_type<tc>} {
    %get3A = arith.constant 0 : index
    %get3A_0 = arith.constant 0 : index
    %get3A_1 = vector.load %arg0[%get3A, %get3A_0] : memref<64x128xf32, #tpu.memory_space<vmem>>, vector<64x128xf32>
    %get3A_2 = arith.constant 0 : index
    %get3A_3 = arith.constant 0 : index
    %get3A_4 = vector.load %arg1[%get3A_2, %get3A_3] : memref<64x1xf32, #tpu.memory_space<vmem>>, vector<64x1xf32>
    %max3A = arith.constant 1.000000e+00 : f32
    %max3A_5 = vector.broadcast %max3A : f32 to vector<64x1xf32>
    %max3A_6 = arith.maximumf %get3A_4, %max3A_5 : vector<64x1xf32>
    %div3A = vector.broadcast %max3A_6 : vector<64x1xf32> to vector<64x128xf32>
    %div3A_7 = arith.divf %get3A_1, %div3A : vector<64x128xf32>
    %get3A_8 = arith.constant 0 : index
    %get3A_9 = arith.constant 0 : index
    %get3A_10 = vector.load %arg2[%get3A_8, %get3A_9] : memref<128x128xf32, #tpu.memory_space<vmem>>, vector<128x128xf32>
    %dot_general3A = arith.constant dense<0.000000e+00> : vector<64x128xf32>
    %dot_general3A_11 = tpu.matmul %div3A_7, %get3A_10, %dot_general3A {dimension_numbers = #tpu.dot_dimension_numbers<[1], [0], [0], [1], [0, 0, 1, 1], [], []>, transpose_lhs_hint = false} : vector<64x128xf32>, vector<128x128xf32>, vector<64x128xf32> -> vector<64x128xf32>
    %get3A_12 = arith.constant 0 : index
    %get3A_13 = arith.constant 0 : index
    %get3A_14 = vector.load %arg3[%get3A_12, %get3A_13] : memref<8x128xf32, #tpu.memory_space<vmem>>, vector<1x128xf32>
    %add3A = vector.broadcast %get3A_14 : vector<1x128xf32> to vector<64x128xf32>
    %add3A_15 = arith.addf %dot_general3A_11, %add3A : vector<64x128xf32>
    %logistic3A = arith.negf %add3A_15 : vector<64x128xf32>
    %logistic3A_16 = math.exp %logistic3A : vector<64x128xf32>
    %logistic3A_17 = arith.constant 1.000000e+00 : f32
    %logistic3A_18 = vector.broadcast %logistic3A_17 : f32 to vector<64x128xf32>
    %logistic3A_19 = arith.addf %logistic3A_18, %logistic3A_16 : vector<64x128xf32>
    %logistic3A_20 = arith.divf %logistic3A_18, %logistic3A_19 : vector<64x128xf32>
    %mul3A = arith.mulf %add3A_15, %logistic3A_20 : vector<64x128xf32>
    %get3A_21 = arith.constant 1 : index
    %get3A_22 = arith.constant 0 : index
    %get3A_23 = vector.load %arg3[%get3A_21, %get3A_22] : memref<8x128xf32, #tpu.memory_space<vmem>>, vector<1x128xf32>
    %mul3A_24 = vector.broadcast %get3A_23 : vector<1x128xf32> to vector<64x128xf32>
    %mul3A_25 = arith.mulf %mul3A, %mul3A_24 : vector<64x128xf32>
    %get3A_26 = arith.constant 2 : index
    %get3A_27 = arith.constant 0 : index
    %get3A_28 = vector.load %arg3[%get3A_26, %get3A_27] : memref<8x128xf32, #tpu.memory_space<vmem>>, vector<1x128xf32>
    %mul3A_29 = arith.constant 7.812500e-03 : f32
    %mul3A_30 = vector.broadcast %mul3A_29 : f32 to vector<1x128xf32>
    %mul3A_31 = arith.mulf %get3A_28, %mul3A_30 : vector<1x128xf32>
    %add3A_32 = vector.broadcast %mul3A_31 : vector<1x128xf32> to vector<64x128xf32>
    %add3A_33 = arith.addf %mul3A_25, %add3A_32 : vector<64x128xf32>
    %reduce_sum3A = arith.constant dense<0.000000e+00> : vector<64xf32>
    %reduce_sum3A_34 = vector.multi_reduction <add>, %add3A_33, %reduce_sum3A [1] : vector<64x128xf32> to vector<64xf32>
    %broadcast_in_dim3A = vector.shape_cast %reduce_sum3A_34 : vector<64xf32> to vector<64x1xf32>
    %swap3A = arith.constant 0 : index
    %swap3A_35 = arith.constant 0 : index
    %swap3A_36 = vector.load %arg4[%swap3A, %swap3A_35] : memref<64x1xf32, #tpu.memory_space<vmem>>, vector<64x1xf32>
    tpu.vector_store %arg4[%swap3A, %swap3A_35], %broadcast_in_dim3A {strides = array<i32>} : memref<64x1xf32, #tpu.memory_space<vmem>>, vector<64x1xf32>,
    return
  }
}

</mosaic_0001>

<sc_bundles>
// kernel: kernel.29.cloned.1.call-start
scs
__scs_entry_jumppad:
0x0: {  	(pc) =	sbr.rel $0x88, $3  }
0x1: {  	(tag) =	ssettag $0x0;
	lr =	simm.s32 $0x1  }
0x2: {  	[smem:$0x3F62] =	sst lr;
	_ =	strace $0xD0000000  }
0x3: {  	_ = 	snop  }
0x4: {  	_ = 	snop  }
0x5: {  	_ = 	snop  }
0x6: {  	_ = 	snop  }
0x7: {  	_ = 	snop  }
__scs_overlays_trampoline_lowered:
0x8: {  	[smem:$0x3F71] =	sst s0  }
0x9: {  	[smem:$0x3F72] =	sst s1  }
0xa: {  	[smem:$0x3F73] =	sst s2  }
0xb: {  	[smem:$0x3F74] =	sst s3  }
0xc: {  	[smem:$0x3F75] =	sst s4  }
0xd: {  	[smem:$0x3F76] =	sst s5  }
0xe: {  	[smem:$0x3F77] =	sst s6  }
0xf: {  	[smem:$0x3F78] =	sst s7  }
0x10: {  	[smem:$0x3F79] =	sst s8  }
0x11: {  	[smem:$0x3F7A] =	sst s9;
	s0 =	simm.s32 @!p0 $0x0  }
0x12: {  	s1 =	sld [smem:$0x3F60];
	s0 =	simm.s32 @p0 $0x1  }
0x13: {  	[smem:$0x3F7B] =	sst s0;
	s0 =	simm.s32 @!p1 $0x0  }
0x14: {  	s2 =	sld [smem:$0x3F5F];
	s0 =	simm.s32 @p1 $0x1  }
0x15: {  	[smem:$0x3F7C] =	sst s0;
	s0 =	simm.s32 @!p2 $0x0  }
0x16: {  	s3 =	sld [smem:$0x3FDB];
	s0 =	simm.s32 @p2 $0x1  }
0x17: {  	s4 =	simm.s32 $0x1BF5;
	[smem:$0x3F7E] =	sst s0  }
0x18: {  	s0 =	sld [smem:$0x3F61];
	_ =	swait.ge [sflag:s4], $0x0  }
0x19: {  	s7 =	sld [smem:$0x3F62]  }
0x1a: {  	s8 =	sadd.s32 $0xFFFFE003, lr  }
0x1b: {  	s9 =	sadd.s32 $0xFFFFFEF7, lr;
	s5 =	simm.s32 $0xFFFFFFFF;
	p2 =	slt.u32 s8, $0xFFFFF086  }
0x1c: {  	p1 =	slt.u32 s9, $0xF7A;
	s5 =	simm.s32 @!p2 $0x0  }
0x1d: {  	s5 =	simm.s32 @p1 $0x1;
	p0 =	seq.s32 s7, s2  }
0x1e: {  	s7 =	smul.u32 @!p0 $0xF7A, s2;
	p2 =	seq.s32 @!p0 s5, $0x0  }
0x1f: {  	s9 =	smul.u32 $0xF7A, s1;
	s8 =	simm.s32 @!p0 $0x1BF5;
	p2 =	por !p2, p0  }
0x20: {  	[sflag:s8] =	ssyncset.s32 @!p0 $0xFFFFF086;
	s6 =	sadd.s32 @!p0 s3, s7;
	s7 =	simm.s32 @!p0 $0x108  }
0x21: {  	s3 =	sadd.s32 s3, s9;
	s6 =	sadd.s32 @!p0 $0x88, s6;
	s7 =	simm.s32 @p2 $0x1082  }
0x22: {  	[simem:s7], [sflag:s8] =	dma.local @!p0 [hbm:s6], $0xF7A  }
0x23: {  	s9 =	sor.u32 $0xD0000000, s2;
	s6 =	simm.s32 $0x108;
	_ =	swait.ge @!p0 [sflag:s8], $0x0  }
0x24: {  	s3 =	sadd.s32 $0x88, s3;
	s6 =	simm.s32 @!p1 $0x1082;
	[sflag:s4] =	ssyncset.s32 $0xFFFFF086  }
0x25: {  	[simem:s6], [sflag:s4] =	dma.local [hbm:s3], $0xF7A  }
0x26: {  	[smem:$0x3F62] =	sst s1;
	(tag) =	ssettag s2;
	_ =	strace s9  }
0x27: {  	s1 =	sld [smem:$0x3F72]  }
0x28: {  	s2 =	sld [smem:$0x3F73]  }
0x29: {  	s4 =	sld [smem:$0x3F75]  }
0x2a: {  	p0 =	seq.s32 s5, $0x0;
	s5 =	sld [smem:$0x3F76]  }
0x2b: {  	s6 =	sld [smem:$0x3F77]  }
0x2c: {  	s7 =	sld [smem:$0x3F78]  }
0x2d: {  	s3 =	simm.s32 $0x108;
	s8 =	sld [smem:$0x3F79]  }
0x2e: {  	s3 =	simm.s32 @!p0 $0x1082;
	s9 =	sld [smem:$0x3F7A]  }
0x2f: {  	lr =	sadd.s32 s0, s3;
	s0 =	sld [smem:$0x3F71]  }
0x30: {  	s3 =	sld [smem:$0x3F74]  }
0x31: {  	[smem:$0x3F7D] =	sst s10  }
0x32: {  	s10 =	sld [smem:$0x3F7B];
	_ =	sdelay $0x3  }
0x33: {  	p0 =	seq.s32 s10, $0x1;
	s10 =	sld [smem:$0x3F7D];
	_ =	sdelay $0x3  }
0x34: {  	[smem:$0x3F7D] =	sst s10  }
0x35: {  	s10 =	sld [smem:$0x3F7C];
	_ =	sdelay $0x3  }
0x36: {  	p1 =	seq.s32 s10, $0x1;
	s10 =	sld [smem:$0x3F7D];
	_ =	sdelay $0x3  }
0x37: {  	[smem:$0x3F7D] =	sst s10  }
0x38: {  	s10 =	sld [smem:$0x3F7E]  }
0x39: {  	_ = 	snop;
	(pc) =	sbr.ind lr, $3  }
0x3a: {  	_ = 	snop  }
0x3b: {  	_ = 	snop  }
0x3c: {  	p2 =	seq.s32 s10, $0x1;
	s10 =	sld [smem:$0x3F7D]  }
0x3d: {  	_ =	shalt  }
0x3e: {  	_ =	shalt  }
0x3f: {  	_ =	shalt  }
0x40: {  	_ =	shalt  }
0x41: {  	_ =	shalt  }
0x42: {  	_ =	shalt  }
0x43: {  	_ =	shalt  }
0x44: {  	_ =	shalt  }
0x45: {  	_ =	shalt  }
0x46: {  	_ =	shalt  }
0x47: {  	_ =	shalt  }
0x48: {  	_ =	shalt  }
0x49: {  	_ =	shalt  }
0x4a: {  	_ =	shalt  }
0x4b: {  	_ =	shalt  }
0x4c: {  	_ =	shalt  }
0x4d: {  	_ =	shalt  }
0x4e: {  	_ =	shalt  }
0x4f: {  	_ =	shalt  }
0x50: {  	_ =	shalt  }
0x51: {  	_ =	shalt  }
0x52: {  	_ =	shalt  }
0x53: {  	_ =	shalt  }
0x54: {  	_ =	shalt  }
0x55: {  	_ =	shalt  }
0x56: {  	_ =	shalt  }
0x57: {  	_ =	shalt  }
0x58: {  	_ =	shalt  }
0x59: {  	_ =	shalt  }
0x5a: {  	_ =	shalt  }
0x5b: {  	_ =	shalt  }
0x5c: {  	_ =	shalt  }
0x5d: {  	_ =	shalt  }
0x5e: {  	_ =	shalt  }
0x5f: {  	_ =	shalt  }
0x60: {  	_ =	shalt  }
0x61: {  	_ =	shalt  }
0x62: {  	_ =	shalt  }
0x63: {  	_ =	shalt  }
0x64: {  	_ =	shalt  }
0x65: {  	_ =	shalt  }
0x66: {  	_ =	shalt  }
0x67: {  	_ =	shalt  }
0x68: {  	_ =	shalt  }
0x69: {  	_ =	shalt  }
0x6a: {  	_ =	shalt  }
0x6b: {  	_ =	shalt  }
0x6c: {  	_ =	shalt  }
0x6d: {  	_ =	shalt  }
0x6e: {  	_ =	shalt  }
0x6f: {  	_ =	shalt  }
0x70: {  	_ =	shalt  }
0x71: {  	_ =	shalt  }
0x72: {  	_ =	shalt  }
0x73: {  	_ =	shalt  }
0x74: {  	_ =	shalt  }
0x75: {  	_ =	shalt  }
0x76: {  	_ =	shalt  }
0x77: {  	_ =	shalt  }
0x78: {  	_ =	shalt  }
0x79: {  	_ =	shalt  }
0x7a: {  	_ =	shalt  }
0x7b: {  	_ =	shalt  }
0x7c: {  	_ =	shalt  }
0x7d: {  	_ =	shalt  }
0x7e: {  	_ =	shalt  }
0x7f: {  	_ =	shalt  }
0x80: {  	_ =	shalt  }
0x81: {  	_ =	shalt  }
0x82: {  	_ =	shalt  }
0x83: {  	_ =	shalt  }
0x84: {  	_ =	shalt  }
0x85: {  	_ =	shalt  }
0x86: {  	_ =	shalt  }
0x87: {  	_ =	shalt  }
.Lfunc_end0:
.L_simem_size_0:
called_computation_lowered:
.L_overlay_start_0:
0x88: {  	s2 =	sld [smem:$0x3FD9]  }
0x89: {  	s3 =	sld [smem:$0x3FFE];
	_ =	sdelay $0x1  }
0x8a: {  	s1 =	srdreg.scid  }
0x8b: {  	s0 =	sand.u32 $0x1, s1  }
0x8c: {  	s16 =	sshll.u32 s0, $0xA;
	s2 =	sadd.s32 s3, s2  }
0x8d: {  	s2 =	sadd.s32 s2, s16  }
0x8e: {  	[smem:$0x3F89] =	sst s2  }
0x8f: {  	_ = 	snop  }
0x90: {  	(tm) =	ssettm $0x1  }
0x91: {  	s17 =	sld [smem:$0x3FFB];
	_ =	sdelay $0x3  }
0x92: {  	_ =	strace s17  }
0x93: {  	s2 =	sld [smem:$0x3FFC];
	_ =	sdelay $0x3  }
0x94: {  	_ =	strace s2  }
0x95: {  	s2 =	sld [smem:$0x3FFD];
	_ =	sdelay $0x3  }
0x96: {  	_ =	strace s2  }
0x97: {  	_ =	strace $0x8FFFFFFF  }
0x98: {  	s18 =	sld [smem:$0x3FDB];
	_ =	sdelay $0x1  }
0x99: {  	s19 =	simm.s32 $_scs_section_size  }
0x9a: {  	s4 =	simm.s32 $_size__tile_overlayer_lowered;
	s5 =	simm.s32 $_tile_overlayer_lowered  }
0x9b: {  	s22 =	simm.s32 $0x1BFF;
	s21 =	sshll.u32 s5, $0x1;
	s2 =	sadd.s32 s19, s18  }
0x9c: {  	s6 =	simm.s32 $0x0;
	s20 =	sshll.u32 s4, $0x1;
	s4 =	sadd.s32 s21, s2  }
0x9d: {  	[timem:s6], [sflag:s22] =	dma.local [hbm:s4], s20  }
0x9e: {  	_ =	swait.ge [sflag:s22], s20  }
0x9f: {  	s3 =	ssub.s32 $0x0, s20;
	[sflag:s22] =	ssyncset.done $0x0  }
0xa0: {  	[sflag:s22] =	ssyncadd.s32 s3;
	_ =	sdelay $0x1  }
0xa1: {  	s23 =	simm.s32 $0x1B8B  }
0xa2: {  	_ =	swait.ge [sflag:s23], $0x1  }
0xa3: {  	[sflag:s23] =	ssyncset.done $0x0  }
0xa4: {  	s25 =	simm.s32 $0x1B8E;
	s24 =	sld [smem:$0x3FFE];
	[sflag:s23] =	ssyncadd.s32 $0xFFFFFFFF  }
0xa5: {  	s26 =	simm.s32 $execute0_lowered;
	[smem:$0x3FD2] =	sst s25  }
0xa6: {  	s4 =	sshll.u32 s26, $0x1;
	_ =	strace $0x80000046;
	[dreg:$0x1] =	wrdreg $0xFFFFFFFF  }
0xa7: {  	s28 =	simm.s32 $_size_execute0_lowered;
	s2 =	sadd.s32 s2, s4;
	[dreg:$0x0] =	wrdreg $0x0  }
0xa8: {  	s4 =	sshll.u32 s28, $0x1;
	[dreg:$0x2] =	wrdreg s2  }
0xa9: {  	[dreg:$0x3] =	wrdreg s4  }
0xaa: {  	[dreg:$0x4] =	wrdreg $0xC0  }
0xab: {  	_ =	task [dreg:s6], $0x5FFFF  }
0xac: {  	[dreg:$0x1] =	wrdreg $0xFFFFFFFF  }
0xad: {  	[dreg:$0x0] =	wrdreg $0x60  }
0xae: {  	[dreg:$0x2] =	wrdreg s24  }
0xaf: {  	[dreg:$0x3] =	wrdreg $0xA  }
0xb0: {  	_ =	task.clear_ibuf [dreg:s6], $0x4FFFF;
	_ =	strace $0x90000046  }
0xb1: {  	s29 =	simm.s32 $0xA;
	_ =	strace $0x80000048  }
0xb2: {  	_ =	swait.ge [sflag:s29], $0x1  }
0xb3: {  	[sflag:s29] =	ssyncadd.s32 $0xFFFFFFFF  }
0xb4: {  	_ =	strace $0x90000048  }
0xb5: {  	_ =	sfence  }
0xb6: {  	s30 =	sld [smem:$0x0];
	_ =	sdelay $0x2  }
0xb7: {  	s31 =	sshll.u32 s1, $0xD;
	s1 =	sshrl.u32 s1, $0x2  }
0xb8: {  	s3 =	sand.u32 $0x4000, s31;
	s1 =	sadd.s32 s1, s30  }
0xb9: {  	s0 =	sor.u32 s3, s0;
	s1 =	sshll.u32 s1, $0x11  }
0xba: {  	s0 =	sor.u32 s1, s0  }
0xbb: {  	s0 =	sadd.s32 $0x8F2B, s0  }
0xbc: {  	[sflag:s0] =	ssyncadd.remote.s32 $0x1  }
0xbd: {  	_ =	sfence.sel $0xFFFF  }
0xbe: {  	[dreg:$0x0] =	wrdreg $0xFFFFFFFF;
	(pc) =	sbr.abs _section_cstart, $3  }
0xbf: {  	[dreg:$0x1] =	wrdreg $0xFFFFFFFF  }
0xc0: {  	_ =	task.clear_ibuf [dreg:s6], $0x2FFFF;
	_ =	strace $0x9FFFFFFF  }
0xc1: {  	(tm) =	ssettm $0x7FFFFFFF  }
tec
execute0_lowered:
.L_overlay_start_1:
0x0: {  	(tag) =	ssettag $0x1  }
0x1: {  	s0 =	rddreg [dreg:$0x0];
	s2 =	simm.s32 $0x0  }
0x2: {  	s1 =	stileid.u32;
	s3 =	srdreg.scid;
	s13 =	simm.s32 $0x28  }
0x3: {  	s14 =	simm.s32 $0x200;
	s15 =	simm.s32 $0x1600;
	s16 =	simm.s32 $0x2A00  }
0x4: {  	s17 =	simm.s32 $0x3E00;
	s18 =	simm.s32 $0x1;
	s19 =	simm.s32 $0x2  }
0x5: {  	s20 =	simm.s32 $0x3;
	s21 =	simm.s32 $0x4;
	s22 =	simm.s32 $0x5  }
0x6: {  	s23 =	simm.s32 $0x6;
	s24 =	simm.s32 $0x7;
	s25 =	simm.s32 $0x8  }
0x7: {  	s26 =	simm.s32 $0x0;
	[smem:$0x7FF] =	sst s2;
	s5 =	smul.u32 $0x4E200, s1  }
0x8: {  	s6 =	sand.u32 $0x1, s3;
	s3 =	sadd.s32 $0x26600, s0;
	s9 =	smul.u32 $0x4E20, s1  }
0x9: {  	s4 =	sadd.s32 $0x12A00, s0;
	s7 =	smul.u32 $0x27100, s6;
	s8 =	ssub.s32 $0x2, s6  }
0xa: {  	_ =	strace $0x80000047;
	s12 =	smul.u32 $0x2710, s6;
	s11 =	sshrl.u32 s8, $0x1  }
0xb: {  	s10 =	sadd.s32 s5, s0;
	s5 =	sadd.s32 $0x1C800, s0;
	s28 =	ssub.s32 s8, s11  }
0xc: {  	s7 =	sadd.s32 s7, s10;
	s30 =	sadd.s32 s12, s9;
	s10 =	simm.s32 $0x80  }
0xd: {  	s11 =	simm.s32 $0x100;
	s12 =	simm.s32 $0x180;
	s0 =	smax.u32 s28, $0x1  }
0xe: {  	s29 =	sadd.s32 $0x4D800, s7;
	s31 =	sadd.s32 $0x52F800, s7;
	[dreg:$0x4] =	wrdreg s0  }
0xf: {  	s9 =	sadd.s32 $0x28, s30;
	s7 =	sshrl.u32 s30, $0x3;
	[dreg:$0x2] =	wrdreg s29  }
0x10: {  	[dreg:$0x3] =	wrdreg s31;
	s8 =	sshrl.u32 s9, $0x3;
	s9 =	simm.s32 $0x9  }
.LBB2_1:
0x11: {  	s0 =	sadd.s32 s4, s7  }
0x12: {  	[tilespmem:s2], [sflag:$0x9] =	stream.linear.gather [hbm4b:s0+s2], $0x28, $0x38;
	[tilespmem:$0x5200] =	vst v63  }
0x13: {  	_ =	swait.ge [sflag:s9], $0x28  }
0x14: {  	[sflag:s9] =	ssyncset.done $0x0  }
0x15: {  	s6 =	sadd.s32 s5, s7;
	[sflag:s9] =	ssyncadd.s32 $0xFFFFFFD8  }
0x16: {  	[tilespmem:s10], [sflag:$0x9] =	stream.linear.gather [hbm4b:s6+s2], $0x28, $0x38;
	[tilespmem:$0x5200] =	vst v63  }
0x17: {  	_ =	swait.ge [sflag:s9], $0x28  }
0x18: {  	[sflag:s9] =	ssyncset.done $0x0  }
0x19: {  	s1 =	sadd.s32 s4, s8;
	[sflag:s9] =	ssyncadd.s32 $0xFFFFFFD8  }
0x1a: {  	[tilespmem:s11], [sflag:$0x9] =	stream.linear.gather [hbm4b:s1+s2], $0x28, $0x38;
	[tilespmem:$0x5200] =	vst v63  }
0x1b: {  	_ =	swait.ge [sflag:s9], $0x28  }
0x1c: {  	[sflag:s9] =	ssyncset.done $0x0  }
0x1d: {  	s6 =	sadd.s32 s5, s8;
	[sflag:s9] =	ssyncadd.s32 $0xFFFFFFD8  }
0x1e: {  	[tilespmem:s12], [sflag:$0x9] =	stream.linear.gather [hbm4b:s6+s2], $0x28, $0x38;
	[tilespmem:$0x5200] =	vst v63  }
0x1f: {  	_ =	swait.ge [sflag:s9], $0x28  }
0x20: {  	[sflag:s9] =	ssyncset.done $0x0  }
0x21: {  	[sflag:s9] =	ssyncadd.s32 $0xFFFFFFD8  }
0x22: {  	[tilespmem:s14], [sflag:$0x1] =	stream.indirect.gather [hbm4b:s3+s13], $0x80, s2, s13, $0xb8;
	[tilespmem:$0x5200] =	vst v63  }
0x23: {  	_ = 	snop  }
0x24: {  	[tilespmem:s15], [sflag:$0x2] =	stream.indirect.gather [hbm4b:s3+s13], $0x80, s10, s13, $0xb8;
	[tilespmem:$0x5200] =	vst v63  }
0x25: {  	_ = 	snop  }
0x26: {  	[tilespmem:s16], [sflag:$0x3] =	stream.indirect.gather [hbm4b:s3+s13], $0x80, s11, s13, $0xb8;
	[tilespmem:$0x5200] =	vst v63  }
0x27: {  	_ = 	snop  }
0x28: {  	[tilespmem:s17], [sflag:$0x4] =	stream.indirect.gather [hbm4b:s3+s13], $0x80, s12, s13, $0xb8;
	[tilespmem:$0x5200] =	vst v63  }
0x29: {  	_ =	swait.ge [sflag:s18], $0x1400  }
0x2a: {  	[sflag:s18] =	ssyncset.done $0x0  }
0x2b: {  	[sflag:s18] =	ssyncadd.s32 $0xFFFFEC00  }
0x2c: {  	_ =	swait.ge [sflag:s19], $0x1400  }
0x2d: {  	s1 =	rddreg [dreg:$0x2];
	[sflag:s19] =	ssyncset.done $0x0  }
0x2e: {  	s28 =	rddreg [dreg:$0x3];
	[sflag:s19] =	ssyncadd.s32 $0xFFFFEC00;
	s0 =	sadd.s32 $0x0, s1  }
0x2f: {  	[hbm4b:s0+s2] =	stream.linear.scatter [tilespmem:s14], [sflag:$0x5], $0x1400, $0x38;
	[tilespmem:$0x5200] =	vst v63  }
0x30: {  	s28 =	sadd.s32 $0x0, s28  }
0x31: {  	[hbm4b:s28+s2] =	stream.linear.scatter [tilespmem:s15], [sflag:$0x6], $0x1400, $0x38;
	[tilespmem:$0x5200] =	vst v63  }
0x32: {  	_ =	swait.ge [sflag:s20], $0x1400  }
0x33: {  	[sflag:s20] =	ssyncset.done $0x0  }
0x34: {  	[sflag:s20] =	ssyncadd.s32 $0xFFFFEC00  }
0x35: {  	_ =	swait.ge [sflag:s21], $0x1400  }
0x36: {  	[sflag:s21] =	ssyncset.done $0x0  }
0x37: {  	s0 =	sadd.s32 $0x280, s0;
	[sflag:s21] =	ssyncadd.s32 $0xFFFFEC00  }
0x38: {  	[hbm4b:s0+s2] =	stream.linear.scatter [tilespmem:s16], [sflag:$0x7], $0x1400, $0x38;
	[tilespmem:$0x5200] =	vst v63  }
0x39: {  	s6 =	sadd.s32 $0x280, s28  }
0x3a: {  	[hbm4b:s6+s2] =	stream.linear.scatter [tilespmem:s17], [sflag:$0x8], $0x1400, $0x38;
	[tilespmem:$0x5200] =	vst v63  }
0x3b: {  	_ =	swait.ge [sflag:s22], $0x1400  }
0x3c: {  	[sflag:s22] =	ssyncset.done $0x0  }
0x3d: {  	[sflag:s22] =	ssyncadd.s32 $0xFFFFEC00  }
0x3e: {  	_ =	swait.ge [sflag:s23], $0x1400  }
0x3f: {  	[sflag:s23] =	ssyncset.done $0x0  }
0x40: {  	[sflag:s23] =	ssyncadd.s32 $0xFFFFEC00  }
0x41: {  	_ =	swait.ge [sflag:s24], $0x1400  }
0x42: {  	[sflag:s24] =	ssyncset.done $0x0  }
0x43: {  	[sflag:s24] =	ssyncadd.s32 $0xFFFFEC00  }
0x44: {  	s31 =	simm.s32 $0xA00;
	s29 =	sadd.s32 $0xA, s4;
	_ =	swait.ge [sflag:s25], $0x1400  }
0x45: {  	s30 =	smov.u32 s5;
	s28 =	simm.s32 $0x500;
	[sflag:s25] =	ssyncset.done $0x0  }
.LBB2_2:
0x46: {  	s1 =	sadd.s32 s29, s7;
	[sflag:s25] =	ssyncadd.s32 $0xFFFFEC00  }
0x47: {  	[tilespmem:s2], [sflag:$0x9] =	stream.linear.gather [hbm4b:s1+s2], $0x28, $0x38;
	[tilespmem:$0x5200] =	vst v63  }
0x48: {  	_ =	swait.ge [sflag:s9], $0x28  }
0x49: {  	s30 =	sadd.s32 $0xA, s30;
	[sflag:s9] =	ssyncset.done $0x0  }
0x4a: {  	s6 =	sadd.s32 s30, s7;
	[sflag:s9] =	ssyncadd.s32 $0xFFFFFFD8  }
0x4b: {  	[tilespmem:s10], [sflag:$0x9] =	stream.linear.gather [hbm4b:s6+s2], $0x28, $0x38;
	[tilespmem:$0x5200] =	vst v63  }
0x4c: {  	_ =	swait.ge [sflag:s9], $0x28  }
0x4d: {  	[sflag:s9] =	ssyncset.done $0x0  }
0x4e: {  	s6 =	sadd.s32 s29, s8;
	[sflag:s9] =	ssyncadd.s32 $0xFFFFFFD8  }
0x4f: {  	[tilespmem:s11], [sflag:$0x9] =	stream.linear.gather [hbm4b:s6+s2], $0x28, $0x38;
	[tilespmem:$0x5200] =	vst v63  }
0x50: {  	_ =	swait.ge [sflag:s9], $0x28  }
0x51: {  	[sflag:s9] =	ssyncset.done $0x0  }
0x52: {  	s6 =	sadd.s32 s30, s8;
	[sflag:s9] =	ssyncadd.s32 $0xFFFFFFD8  }
0x53: {  	[tilespmem:s12], [sflag:$0x9] =	stream.linear.gather [hbm4b:s6+s2], $0x28, $0x38;
	[tilespmem:$0x5200] =	vst v63  }
0x54: {  	_ =	swait.ge [sflag:s9], $0x28  }
0x55: {  	[sflag:s9] =	ssyncset.done $0x0  }
0x56: {  	[sflag:s9] =	ssyncadd.s32 $0xFFFFFFD8  }
0x57: {  	[tilespmem:s14], [sflag:$0x1] =	stream.indirect.gather [hbm4b:s3+s13], $0x80, s2, s13, $0xb8;
	[tilespmem:$0x5200] =	vst v63  }
0x58: {  	_ = 	snop  }
0x59: {  	[tilespmem:s15], [sflag:$0x2] =	stream.indirect.gather [hbm4b:s3+s13], $0x80, s10, s13, $0xb8;
	[tilespmem:$0x5200] =	vst v63  }
0x5a: {  	_ = 	snop  }
0x5b: {  	[tilespmem:s16], [sflag:$0x3] =	stream.indirect.gather [hbm4b:s3+s13], $0x80, s11, s13, $0xb8;
	[tilespmem:$0x5200] =	vst v63  }
0x5c: {  	_ = 	snop  }
0x5d: {  	[tilespmem:s17], [sflag:$0x4] =	stream.indirect.gather [hbm4b:s3+s13], $0x80, s12, s13, $0xb8;
	[tilespmem:$0x5200] =	vst v63  }
0x5e: {  	_ =	swait.ge [sflag:s18], $0x1400  }
0x5f: {  	[sflag:s18] =	ssyncset.done $0x0  }
0x60: {  	[sflag:s18] =	ssyncadd.s32 $0xFFFFEC00  }
0x61: {  	_ =	swait.ge [sflag:s19], $0x1400  }
0x62: {  	s1 =	rddreg [dreg:$0x2];
	[sflag:s19] =	ssyncset.done $0x0  }
0x63: {  	s6 =	rddreg [dreg:$0x3];
	[sflag:s19] =	ssyncadd.s32 $0xFFFFEC00;
	s1 =	sadd.s32 s28, s1  }
0x64: {  	[hbm4b:s1+s2] =	stream.linear.scatter [tilespmem:s14], [sflag:$0x5], $0x1400, $0x38;
	[tilespmem:$0x5200] =	vst v63  }
0x65: {  	s6 =	sadd.s32 s28, s6  }
0x66: {  	[hbm4b:s6+s2] =	stream.linear.scatter [tilespmem:s15], [sflag:$0x6], $0x1400, $0x38;
	[tilespmem:$0x5200] =	vst v63  }
0x67: {  	_ =	swait.ge [sflag:s20], $0x1400  }
0x68: {  	[sflag:s20] =	ssyncset.done $0x0  }
0x69: {  	[sflag:s20] =	ssyncadd.s32 $0xFFFFEC00  }
0x6a: {  	_ =	swait.ge [sflag:s21], $0x1400  }
0x6b: {  	[sflag:s21] =	ssyncset.done $0x0  }
0x6c: {  	s1 =	sadd.s32 $0x280, s1;
	[sflag:s21] =	ssyncadd.s32 $0xFFFFEC00  }
0x6d: {  	[hbm4b:s1+s2] =	stream.linear.scatter [tilespmem:s16], [sflag:$0x7], $0x1400, $0x38;
	[tilespmem:$0x5200] =	vst v63  }
0x6e: {  	s6 =	sadd.s32 $0x280, s6  }
0x6f: {  	[hbm4b:s6+s2] =	stream.linear.scatter [tilespmem:s17], [sflag:$0x8], $0x1400, $0x38;
	[tilespmem:$0x5200] =	vst v63  }
0x70: {  	_ =	swait.ge [sflag:s22], $0x1400  }
0x71: {  	[sflag:s22] =	ssyncset.done $0x0  }
0x72: {  	[sflag:s22] =	ssyncadd.s32 $0xFFFFEC00  }
0x73: {  	_ =	swait.ge [sflag:s23], $0x1400  }
0x74: {  	[sflag:s23] =	ssyncset.done $0x0  }
0x75: {  	p0 =	sne.s32 s31, $0x26C00;
	[sflag:s23] =	ssyncadd.s32 $0xFFFFEC00  }
.Ltmp0:
0x76: {  	_ =	swait.ge [sflag:s24], $0x1400;
	(pc) =	sbr.rel @p0 .LBB2_2-.Ltmp0, $4  }
0x77: {  	[sflag:s24] =	ssyncset.done $0x0  }
0x78: {  	[sflag:s24] =	ssyncadd.s32 $0xFFFFEC00  }
0x79: {  	s0 =	smov.u32 s31;
	s31 =	sadd.s32 $0x500, s31;
	_ =	swait.ge [sflag:s25], $0x1400  }
0x7a: {  	s29 =	sadd.s32 $0xA, s29;
	s28 =	smov.u32 s0;
	[sflag:s25] =	ssyncset.done $0x0  }
0x7b: {  	s0 =	sadd.s32 s29, s7;
	[sflag:s25] =	ssyncadd.s32 $0xFFFFEC00  }
0x7c: {  	[tilespmem:s2], [sflag:$0x9] =	stream.linear.gather [hbm4b:s0+s2], $0x28, $0x38;
	[tilespmem:$0x5200] =	vst v63  }
0x7d: {  	_ =	swait.ge [sflag:s9], $0x28  }
0x7e: {  	s30 =	sadd.s32 $0xA, s30;
	[sflag:s9] =	ssyncset.done $0x0  }
0x7f: {  	s1 =	sadd.s32 s30, s7;
	[sflag:s9] =	ssyncadd.s32 $0xFFFFFFD8  }
0x80: {  	[tilespmem:s10], [sflag:$0x9] =	stream.linear.gather [hbm4b:s1+s2], $0x28, $0x38;
	[tilespmem:$0x5200] =	vst v63  }
0x81: {  	_ =	swait.ge [sflag:s9], $0x28  }
0x82: {  	[sflag:s9] =	ssyncset.done $0x0  }
0x83: {  	s31 =	sadd.s32 s29, s8;
	[sflag:s9] =	ssyncadd.s32 $0xFFFFFFD8  }
0x84: {  	[tilespmem:s11], [sflag:$0x9] =	stream.linear.gather [hbm4b:s31+s2], $0x28, $0x38;
	[tilespmem:$0x5200] =	vst v63  }
0x85: {  	_ =	swait.ge [sflag:s9], $0x28  }
0x86: {  	[sflag:s9] =	ssyncset.done $0x0  }
0x87: {  	s0 =	sadd.s32 s30, s8;
	[sflag:s9] =	ssyncadd.s32 $0xFFFFFFD8  }
0x88: {  	[tilespmem:s12], [sflag:$0x9] =	stream.linear.gather [hbm4b:s0+s2], $0x28, $0x38;
	[tilespmem:$0x5200] =	vst v63  }
0x89: {  	_ =	swait.ge [sflag:s9], $0x28  }
0x8a: {  	[sflag:s9] =	ssyncset.done $0x0  }
0x8b: {  	[sflag:s9] =	ssyncadd.s32 $0xFFFFFFD8  }
0x8c: {  	[tilespmem:s14], [sflag:$0x1] =	stream.indirect.gather [hbm4b:s3+s13], $0x80, s2, s13, $0xb8;
	[tilespmem:$0x5200] =	vst v63  }
0x8d: {  	_ = 	snop  }
0x8e: {  	[tilespmem:s15], [sflag:$0x2] =	stream.indirect.gather [hbm4b:s3+s13], $0x80, s10, s13, $0xb8;
	[tilespmem:$0x5200] =	vst v63  }
0x8f: {  	_ = 	snop  }
0x90: {  	[tilespmem:s16], [sflag:$0x3] =	stream.indirect.gather [hbm4b:s3+s13], $0x80, s11, s13, $0xb8;
	[tilespmem:$0x5200] =	vst v63  }
0x91: {  	_ = 	snop  }
0x92: {  	[tilespmem:s17], [sflag:$0x4] =	stream.indirect.gather [hbm4b:s3+s13], $0x80, s12, s13, $0xb8;
	[tilespmem:$0x5200] =	vst v63  }
0x93: {  	_ =	swait.ge [sflag:s18], $0x1400  }
0x94: {  	[sflag:s18] =	ssyncset.done $0x0  }
0x95: {  	[sflag:s18] =	ssyncadd.s32 $0xFFFFEC00  }
0x96: {  	_ =	swait.ge [sflag:s19], $0x1400  }
0x97: {  	s6 =	rddreg [dreg:$0x2];
	[sflag:s19] =	ssyncset.done $0x0  }
0x98: {  	s29 =	rddreg [dreg:$0x3];
	[sflag:s19] =	ssyncadd.s32 $0xFFFFEC00;
	s0 =	sadd.s32 s28, s6  }
0x99: {  	[hbm4b:s0+s2] =	stream.linear.scatter [tilespmem:s14], [sflag:$0x5], $0x1400, $0x38;
	[tilespmem:$0x5200] =	vst v63  }
0x9a: {  	s1 =	sadd.s32 s28, s29  }
0x9b: {  	[hbm4b:s1+s2] =	stream.linear.scatter [tilespmem:s15], [sflag:$0x6], $0x1400, $0x38;
	[tilespmem:$0x5200] =	vst v63  }
0x9c: {  	_ =	swait.ge [sflag:s20], $0x1400  }
0x9d: {  	[sflag:s20] =	ssyncset.done $0x0  }
0x9e: {  	[sflag:s20] =	ssyncadd.s32 $0xFFFFEC00  }
0x9f: {  	_ =	swait.ge [sflag:s21], $0x1400  }
0xa0: {  	[sflag:s21] =	ssyncset.done $0x0  }
0xa1: {  	s0 =	sadd.s32 $0x280, s0;
	[sflag:s21] =	ssyncadd.s32 $0xFFFFEC00  }
0xa2: {  	[hbm4b:s0+s2] =	stream.linear.scatter [tilespmem:s16], [sflag:$0x7], $0x1400, $0x38;
	[tilespmem:$0x5200] =	vst v63  }
0xa3: {  	s30 =	sadd.s32 $0x280, s1  }
0xa4: {  	[hbm4b:s30+s2] =	stream.linear.scatter [tilespmem:s17], [sflag:$0x8], $0x1400, $0x38;
	[tilespmem:$0x5200] =	vst v63  }
0xa5: {  	_ =	swait.ge [sflag:s22], $0x1400  }
0xa6: {  	[sflag:s22] =	ssyncset.done $0x0  }
0xa7: {  	[sflag:s22] =	ssyncadd.s32 $0xFFFFEC00  }
0xa8: {  	_ =	swait.ge [sflag:s23], $0x1400  }
0xa9: {  	[sflag:s23] =	ssyncset.done $0x0  }
0xaa: {  	[sflag:s23] =	ssyncadd.s32 $0xFFFFEC00  }
0xab: {  	_ =	swait.ge [sflag:s24], $0x1400  }
0xac: {  	[sflag:s24] =	ssyncset.done $0x0  }
0xad: {  	[sflag:s24] =	ssyncadd.s32 $0xFFFFEC00  }
0xae: {  	_ =	swait.ge [sflag:s25], $0x1400  }
0xaf: {  	s26 =	sadd.s32 $0x1, s26;
	s31 =	rddreg [dreg:$0x4]  }
0xb0: {  	p0 =	sne.s32 s26, s31  }
.Ltmp1:
0xb1: {  	_ = 	snop;
	(pc) =	sbr.rel @p0 .LBB2_1-.Ltmp1, $3  }
0xb2: {  	_ =	sdelay $0x1  }
0xb3: {  	[sflag:s25] =	ssyncset.done $0x0  }
0xb4: {  	[sflag:s25] =	ssyncadd.s32 $0xFFFFEC00  }
0xb5: {  	_ =	sfence.sel $0x180000  }
0xb6: {  	[bflag:$0x0] =	sbarrier.arrive $0xFFFF  }
0xb7: {  	_ =	strace $0x90000047  }
0xb8: {  	s0 =	stileid.u32;
	[bflag:$0x2] =	sbarrier.arrive $0xFFFF  }
0xb9: {  	p0 =	sne.s32 s0, $0x0;
	s0 =	rddreg [dreg:$0x1]  }
0xba: {  	s0 =	sadd.s32 @!p0 $0x100000, s0  }
0xbb: {  	[sflag:s0] =	ssyncadd.tile.s32 @!p0 $0x1;
	_ =	shalt  }
.Lfunc_end2:
_tile_overlayer_lowered:
.L_overlay_start_2:
0xbc: {  	(tag) =	ssettag $0x2  }
0xbd: {  	s0 =	rddreg [dreg:$0x0];
	s2 =	stileid.u32  }
0xbe: {  	s1 =	rddreg [dreg:$0x1];
	p0 =	sne.s32 s2, $0x0  }
0xbf: {  	s3 =	rddreg [dreg:$0x2];
	[bflag:$0x3] =	sbarrier.arrive $0xFFFF;
	s2 =	simm.s32 @!p0 $0x1C09  }
0xc0: {  	[timem:s3], [sflag:s2] =	dma.local @!p0 [hbm:s0], s1  }
0xc1: {  	s0 =	simm.s32 @!p0 $0x9  }
0xc2: {  	_ =	swait.ge @!p0 [sflag:s0], s1  }
0xc3: {  	s1 =	ssub.s32 @!p0 $0x0, s1;
	[sflag:s0] =	ssyncset.done @!p0 $0x0  }
0xc4: {  	[sflag:s0] =	ssyncadd.s32 @!p0 s1  }
0xc5: {  	[bflag:$0x3] =	sbarrier.arrive $0xFFFF  }
0xc6: {  	_ =	shalt  }

// kernel: kernel.32.cloned.1.call-start
scs
__scs_entry_jumppad:
0x0: {  	(pc) =	sbr.rel $0x88, $3  }
0x1: {  	(tag) =	ssettag $0x0;
	lr =	simm.s32 $0x1  }
0x2: {  	[smem:$0x3F62] =	sst lr;
	_ =	strace $0xD0000000  }
0x3: {  	_ = 	snop  }
0x4: {  	_ = 	snop  }
0x5: {  	_ = 	snop  }
0x6: {  	_ = 	snop  }
0x7: {  	_ = 	snop  }
__scs_overlays_trampoline_lowered:
0x8: {  	[smem:$0x3F71] =	sst s0  }
0x9: {  	[smem:$0x3F72] =	sst s1  }
0xa: {  	[smem:$0x3F73] =	sst s2  }
0xb: {  	[smem:$0x3F74] =	sst s3  }
0xc: {  	[smem:$0x3F75] =	sst s4  }
0xd: {  	[smem:$0x3F76] =	sst s5  }
0xe: {  	[smem:$0x3F77] =	sst s6  }
0xf: {  	[smem:$0x3F78] =	sst s7  }
0x10: {  	[smem:$0x3F79] =	sst s8  }
0x11: {  	[smem:$0x3F7A] =	sst s9;
	s0 =	simm.s32 @!p0 $0x0  }
0x12: {  	s1 =	sld [smem:$0x3F60];
	s0 =	simm.s32 @p0 $0x1  }
0x13: {  	[smem:$0x3F7B] =	sst s0;
	s0 =	simm.s32 @!p1 $0x0  }
0x14: {  	s2 =	sld [smem:$0x3F5F];
	s0 =	simm.s32 @p1 $0x1  }
0x15: {  	[smem:$0x3F7C] =	sst s0;
	s0 =	simm.s32 @!p2 $0x0  }
0x16: {  	s3 =	sld [smem:$0x3FDB];
	s0 =	simm.s32 @p2 $0x1  }
0x17: {  	s4 =	simm.s32 $0x1BF5;
	[smem:$0x3F7E] =	sst s0  }
0x18: {  	s0 =	sld [smem:$0x3F61];
	_ =	swait.ge [sflag:s4], $0x0  }
0x19: {  	s7 =	sld [smem:$0x3F62]  }
0x1a: {  	s8 =	sadd.s32 $0xFFFFE003, lr  }
0x1b: {  	s9 =	sadd.s32 $0xFFFFFEF7, lr;
	s5 =	simm.s32 $0xFFFFFFFF;
	p2 =	slt.u32 s8, $0xFFFFF086  }
0x1c: {  	p1 =	slt.u32 s9, $0xF7A;
	s5 =	simm.s32 @!p2 $0x0  }
0x1d: {  	s5 =	simm.s32 @p1 $0x1;
	p0 =	seq.s32 s7, s2  }
0x1e: {  	s7 =	smul.u32 @!p0 $0xF7A, s2;
	p2 =	seq.s32 @!p0 s5, $0x0  }
0x1f: {  	s9 =	smul.u32 $0xF7A, s1;
	s8 =	simm.s32 @!p0 $0x1BF5;
	p2 =	por !p2, p0  }
0x20: {  	[sflag:s8] =	ssyncset.s32 @!p0 $0xFFFFF086;
	s6 =	sadd.s32 @!p0 s3, s7;
	s7 =	simm.s32 @!p0 $0x108  }
0x21: {  	s3 =	sadd.s32 s3, s9;
	s6 =	sadd.s32 @!p0 $0x88, s6;
	s7 =	simm.s32 @p2 $0x1082  }
0x22: {  	[simem:s7], [sflag:s8] =	dma.local @!p0 [hbm:s6], $0xF7A  }
0x23: {  	s9 =	sor.u32 $0xD0000000, s2;
	s6 =	simm.s32 $0x108;
	_ =	swait.ge @!p0 [sflag:s8], $0x0  }
0x24: {  	s3 =	sadd.s32 $0x88, s3;
	s6 =	simm.s32 @!p1 $0x1082;
	[sflag:s4] =	ssyncset.s32 $0xFFFFF086  }
0x25: {  	[simem:s6], [sflag:s4] =	dma.local [hbm:s3], $0xF7A  }
0x26: {  	[smem:$0x3F62] =	sst s1;
	(tag) =	ssettag s2;
	_ =	strace s9  }
0x27: {  	s1 =	sld [smem:$0x3F72]  }
0x28: {  	s2 =	sld [smem:$0x3F73]  }
0x29: {  	s4 =	sld [smem:$0x3F75]  }
0x2a: {  	p0 =	seq.s32 s5, $0x0;
	s5 =	sld [smem:$0x3F76]  }
0x2b: {  	s6 =	sld [smem:$0x3F77]  }
0x2c: {  	s7 =	sld [smem:$0x3F78]  }
0x2d: {  	s3 =	simm.s32 $0x108;
	s8 =	sld [smem:$0x3F79]  }
0x2e: {  	s3 =	simm.s32 @!p0 $0x1082;
	s9 =	sld [smem:$0x3F7A]  }
0x2f: {  	lr =	sadd.s32 s0, s3;
	s0 =	sld [smem:$0x3F71]  }
0x30: {  	s3 =	sld [smem:$0x3F74]  }
0x31: {  	[smem:$0x3F7D] =	sst s10  }
0x32: {  	s10 =	sld [smem:$0x3F7B];
	_ =	sdelay $0x3  }
0x33: {  	p0 =	seq.s32 s10, $0x1;
	s10 =	sld [smem:$0x3F7D];
	_ =	sdelay $0x3  }
0x34: {  	[smem:$0x3F7D] =	sst s10  }
0x35: {  	s10 =	sld [smem:$0x3F7C];
	_ =	sdelay $0x3  }
0x36: {  	p1 =	seq.s32 s10, $0x1;
	s10 =	sld [smem:$0x3F7D];
	_ =	sdelay $0x3  }
0x37: {  	[smem:$0x3F7D] =	sst s10  }
0x38: {  	s10 =	sld [smem:$0x3F7E]  }
0x39: {  	_ = 	snop;
	(pc) =	sbr.ind lr, $3  }
0x3a: {  	_ = 	snop  }
0x3b: {  	_ = 	snop  }
0x3c: {  	p2 =	seq.s32 s10, $0x1;
	s10 =	sld [smem:$0x3F7D]  }
0x3d: {  	_ =	shalt  }
0x3e: {  	_ =	shalt  }
0x3f: {  	_ =	shalt  }
0x40: {  	_ =	shalt  }
0x41: {  	_ =	shalt  }
0x42: {  	_ =	shalt  }
0x43: {  	_ =	shalt  }
0x44: {  	_ =	shalt  }
0x45: {  	_ =	shalt  }
0x46: {  	_ =	shalt  }
0x47: {  	_ =	shalt  }
0x48: {  	_ =	shalt  }
0x49: {  	_ =	shalt  }
0x4a: {  	_ =	shalt  }
0x4b: {  	_ =	shalt  }
0x4c: {  	_ =	shalt  }
0x4d: {  	_ =	shalt  }
0x4e: {  	_ =	shalt  }
0x4f: {  	_ =	shalt  }
0x50: {  	_ =	shalt  }
0x51: {  	_ =	shalt  }
0x52: {  	_ =	shalt  }
0x53: {  	_ =	shalt  }
0x54: {  	_ =	shalt  }
0x55: {  	_ =	shalt  }
0x56: {  	_ =	shalt  }
0x57: {  	_ =	shalt  }
0x58: {  	_ =	shalt  }
0x59: {  	_ =	shalt  }
0x5a: {  	_ =	shalt  }
0x5b: {  	_ =	shalt  }
0x5c: {  	_ =	shalt  }
0x5d: {  	_ =	shalt  }
0x5e: {  	_ =	shalt  }
0x5f: {  	_ =	shalt  }
0x60: {  	_ =	shalt  }
0x61: {  	_ =	shalt  }
0x62: {  	_ =	shalt  }
0x63: {  	_ =	shalt  }
0x64: {  	_ =	shalt  }
0x65: {  	_ =	shalt  }
0x66: {  	_ =	shalt  }
0x67: {  	_ =	shalt  }
0x68: {  	_ =	shalt  }
0x69: {  	_ =	shalt  }
0x6a: {  	_ =	shalt  }
0x6b: {  	_ =	shalt  }
0x6c: {  	_ =	shalt  }
0x6d: {  	_ =	shalt  }
0x6e: {  	_ =	shalt  }
0x6f: {  	_ =	shalt  }
0x70: {  	_ =	shalt  }
0x71: {  	_ =	shalt  }
0x72: {  	_ =	shalt  }
0x73: {  	_ =	shalt  }
0x74: {  	_ =	shalt  }
0x75: {  	_ =	shalt  }
0x76: {  	_ =	shalt  }
0x77: {  	_ =	shalt  }
0x78: {  	_ =	shalt  }
0x79: {  	_ =	shalt  }
0x7a: {  	_ =	shalt  }
0x7b: {  	_ =	shalt  }
0x7c: {  	_ =	shalt  }
0x7d: {  	_ =	shalt  }
0x7e: {  	_ =	shalt  }
0x7f: {  	_ =	shalt  }
0x80: {  	_ =	shalt  }
0x81: {  	_ =	shalt  }
0x82: {  	_ =	shalt  }
0x83: {  	_ =	shalt  }
0x84: {  	_ =	shalt  }
0x85: {  	_ =	shalt  }
0x86: {  	_ =	shalt  }
0x87: {  	_ =	shalt  }
.Lfunc_end0:
.L_simem_size_0:
called_computation.1_lowered:
.L_overlay_start_0:
0x88: {  	s2 =	sld [smem:$0x3FD9]  }
0x89: {  	s3 =	sld [smem:$0x3FFE];
	_ =	sdelay $0x1  }
0x8a: {  	s1 =	srdreg.scid  }
0x8b: {  	s0 =	sand.u32 $0x1, s1  }
0x8c: {  	s17 =	sshll.u32 s0, $0xA;
	s2 =	sadd.s32 s3, s2  }
0x8d: {  	s2 =	sadd.s32 s2, s17  }
0x8e: {  	[smem:$0x3F89] =	sst s2  }
0x8f: {  	_ = 	snop  }
0x90: {  	(tm) =	ssettm $0x1  }
0x91: {  	s18 =	sld [smem:$0x3FFB];
	_ =	sdelay $0x3  }
0x92: {  	_ =	strace s18  }
0x93: {  	s2 =	sld [smem:$0x3FFC];
	_ =	sdelay $0x3  }
0x94: {  	_ =	strace s2  }
0x95: {  	s2 =	sld [smem:$0x3FFD];
	_ =	sdelay $0x3  }
0x96: {  	_ =	strace s2  }
0x97: {  	_ =	strace $0x8FFFFFFF  }
0x98: {  	s19 =	sld [smem:$0x3FDB];
	_ =	sdelay $0x1  }
0x99: {  	s20 =	simm.s32 $_scs_section_size  }
0x9a: {  	s4 =	simm.s32 $_size__tile_overlayer_lowered;
	s5 =	simm.s32 $_tile_overlayer_lowered  }
0x9b: {  	s6 =	simm.s32 $0x1BFF;
	s21 =	sshll.u32 s5, $0x1;
	s3 =	sadd.s32 s20, s19  }
0x9c: {  	s22 =	simm.s32 $0x0;
	s4 =	sshll.u32 s4, $0x1;
	s5 =	sadd.s32 s21, s3  }
0x9d: {  	[timem:s22], [sflag:s6] =	dma.local [hbm:s5], s4  }
0x9e: {  	_ =	swait.ge [sflag:s6], s4  }
0x9f: {  	s4 =	ssub.s32 $0x0, s4;
	[sflag:s6] =	ssyncset.done $0x0  }
0xa0: {  	[sflag:s6] =	ssyncadd.s32 s4;
	_ =	sdelay $0x1  }
0xa1: {  	s23 =	simm.s32 $0x1B8B  }
0xa2: {  	_ =	swait.ge [sflag:s23], $0x1  }
0xa3: {  	[sflag:s23] =	ssyncset.done $0x0  }
0xa4: {  	[sflag:s23] =	ssyncadd.s32 $0xFFFFFFFF  }
0xa5: {  	s4 =	sld [smem:$0x0]  }
0xa6: {  	s5 =	sand.u32 $0xFFFFFFFE, s1  }
0xa7: {  	p0 =	sne.s32 s1, s5  }
0xa8: {  	s5 =	sshll.u32 @p0 s5, $0xE  }
0xa9: {  	s5 =	sadd.s32 @p0 $0x11B8D, s5;
	s6 =	sshll.u32 @p0 s4, $0x11  }
0xaa: {  	s5 =	sor.u32 @p0 s6, s5  }
0xab: {  	[sflag:s5] =	ssyncadd.remote.s32 @p0 $0x1;
	_ =	sdelay $0x1  }
0xac: {  	s5 =	simm.s32 @p0 $0x1B8D  }
0xad: {  	_ =	swait.eq @p0 [sflag:s5], $0x1  }
0xae: {  	[sflag:s5] =	ssyncadd.s32 @p0 $0xFFFFFFFF  }
0xaf: {  	s6 =	sshll.u32 @!p0 s1, $0xE  }
0xb0: {  	s6 =	sor.u32 @!p0 $0x4000, s6;
	s5 =	simm.s32 @!p0 $0x1B8D  }
0xb1: {  	s4 =	sshll.u32 @!p0 s4, $0x11;
	s6 =	sadd.s32 @!p0 $0x11B8D, s6;
	_ =	swait.eq @!p0 [sflag:s5], $0x1  }
0xb2: {  	s4 =	sor.u32 @!p0 s4, s6;
	[sflag:s5] =	ssyncadd.s32 @!p0 $0xFFFFFFFF  }
0xb3: {  	s25 =	simm.s32 $0x1B8E;
	s24 =	sld [smem:$0x3FFE];
	[sflag:s4] =	ssyncadd.remote.s32 @!p0 $0x1  }
0xb4: {  	s26 =	simm.s32 $execute0_lowered;
	[smem:$0x3FD2] =	sst s25  }
0xb5: {  	s5 =	sshll.u32 s26, $0x1;
	_ =	strace $0x8000004C;
	[dreg:$0x1] =	wrdreg $0xFFFFFFFF  }
0xb6: {  	s28 =	simm.s32 $_size_execute0_lowered;
	s3 =	sadd.s32 s3, s5;
	[dreg:$0x0] =	wrdreg $0x0  }
0xb7: {  	s5 =	sshll.u32 s28, $0x1;
	[dreg:$0x2] =	wrdreg s3  }
0xb8: {  	[dreg:$0x3] =	wrdreg s5  }
0xb9: {  	[dreg:$0x4] =	wrdreg $0xC0  }
0xba: {  	_ =	task [dreg:s22], $0x5FFFF  }
0xbb: {  	[dreg:$0x1] =	wrdreg $0xFFFFFFFF  }
0xbc: {  	[dreg:$0x0] =	wrdreg $0x60  }
0xbd: {  	[dreg:$0x2] =	wrdreg s24  }
0xbe: {  	[dreg:$0x3] =	wrdreg $0x29000  }
0xbf: {  	[dreg:$0x4] =	wrdreg $0x9  }
0xc0: {  	_ =	task.clear_ibuf [dreg:s22], $0x5FFFF;
	_ =	strace $0x9000004C  }
0xc1: {  	s29 =	simm.s32 $0x9;
	_ =	strace $0x8000004E  }
0xc2: {  	_ =	swait.ge [sflag:s29], $0x1  }
0xc3: {  	[sflag:s29] =	ssyncadd.s32 $0xFFFFFFFF  }
0xc4: {  	_ =	strace $0x9000004E  }
0xc5: {  	_ =	sfence  }
0xc6: {  	s30 =	sld [smem:$0x0];
	_ =	sdelay $0x2  }
0xc7: {  	s31 =	sshll.u32 s1, $0xD;
	s1 =	sshrl.u32 s1, $0x2  }
0xc8: {  	s4 =	sand.u32 $0x4000, s31;
	s1 =	sadd.s32 s1, s30  }
0xc9: {  	s0 =	sor.u32 s4, s0;
	s1 =	sshll.u32 s1, $0x11  }
0xca: {  	s0 =	sor.u32 s1, s0  }
0xcb: {  	s0 =	sadd.s32 $0x8F2B, s0  }
0xcc: {  	[sflag:s0] =	ssyncadd.remote.s32 $0x1  }
0xcd: {  	_ =	sfence.sel $0xFFFF  }
0xce: {  	[dreg:$0x0] =	wrdreg $0xFFFFFFFF;
	(pc) =	sbr.abs _section_cstart, $3  }
0xcf: {  	[dreg:$0x1] =	wrdreg $0xFFFFFFFF  }
0xd0: {  	_ =	task.clear_ibuf [dreg:s22], $0x2FFFF;
	_ =	strace $0x9FFFFFFF  }
0xd1: {  	(tm) =	ssettm $0x7FFFFFFF  }
tec
execute0_lowered:
.L_overlay_start_1:
0x0: {  	(tag) =	ssettag $0x1  }
0x1: {  	s4 =	rddreg [dreg:$0x0]  }
0x2: {  	s2 =	rddreg [dreg:$0x1]  }
0x3: {  	s0 =	rddreg [dreg:$0x2];
	s1 =	stileid.u32  }
0x4: {  	s6 =	srdreg.scid;
	s3 =	simm.s32 $0x0;
	s15 =	simm.s32 $0x1500  }
0x5: {  	s16 =	simm.s32 $0x1;
	s17 =	simm.s32 $0x28;
	s5 =	smul.u32 $0x4E200, s1  }
0x6: {  	s18 =	simm.s32 $0x2;
	s19 =	simm.s32 $0x3;
	s7 =	smul.u32 $0x14000, s1  }
0x7: {  	s20 =	simm.s32 $0x4;
	s21 =	simm.s32 $0x0;
	s11 =	smul.u32 $0x50000, s1  }
0x8: {  	s6 =	sand.u32 $0x1, s6;
	[smem:$0x7FF] =	sst s3;
	s26 =	smul.u32 $0x4E20, s1  }
0x9: {  	s10 =	sadd.s32 $0x1C800, s4;
	s13 =	sshll.u32 s1, $0x6;
	s8 =	smul.u32 $0x140000, s6  }
0xa: {  	_ =	strace $0x8000004D;
	s23 =	ssub.s32 $0x2, s6;
	s14 =	smul.u32 $0x2710, s6  }
0xb: {  	s28 =	smul.u32 $0x27100, s6;
	s9 =	sadd.s32 s5, s4;
	s22 =	sshrl.u32 s7, $0x3  }
0xc: {  	s24 =	sshrl.u32 s23, $0x1;
	s25 =	sshrl.u32 s11, $0x2;
	s7 =	sadd.s32 s7, s8  }
0xd: {  	s5 =	sadd.s32 s22, s4;
	s8 =	ssub.s32 s23, s24;
	s12 =	sadd.s32 s25, s2  }
0xe: {  	s29 =	sadd.s32 s14, s26;
	s9 =	sadd.s32 s28, s9;
	s14 =	simm.s32 $0x80  }
0xf: {  	s7 =	sshrl.u32 s7, $0x3;
	s11 =	sshrl.u32 s29, $0x3;
	s30 =	sadd.s32 $0x28, s29  }
0x10: {  	s7 =	sadd.s32 s7, s4;
	s4 =	sadd.s32 $0x1499200, s5;
	s5 =	sor.u32 $0x1C05, s13  }
0x11: {  	s31 =	sshrl.u32 s30, $0x3;
	s13 =	simm.s32 $0x100;
	s6 =	sadd.s32 $0x19A3200, s7  }
0x12: {  	s7 =	smax.u32 s8, $0x1;
	s8 =	sadd.s32 $0x14C1200, s9;
	s9 =	sadd.s32 s11, s10  }
0x13: {  	s10 =	sadd.s32 s31, s10;
	s11 =	sshrl.u32 s12, $0x3;
	s12 =	simm.s32 $0x5  }
.LBB2_1:
0x14: {  	[spmem:s11], [sflag:s5] =	dma.local [hbm:s4], $0x2800  }
0x15: {  	_ =	swait.ge [sflag:s12], $0x2800  }
0x16: {  	[sflag:s12] =	ssyncset.done $0x0  }
0x17: {  	[sflag:s12] =	ssyncadd.s32 $0xFFFFD800  }
0x18: {  	s22 =	sadd.s32 $0x0, s9;
	[bflag:$0x0] =	sbarrier.arrive $0xFFFF  }
0x19: {  	[tilespmem:s3], [sflag:$0x5] =	stream.linear.gather [hbm4b:s22+s3], $0x28, $0x38;
	[tilespmem:$0x16900] =	vst v63  }
0x1a: {  	_ =	swait.ge [sflag:s12], $0x28  }
0x1b: {  	[sflag:s12] =	ssyncset.done $0x0  }
0x1c: {  	[sflag:s12] =	ssyncadd.s32 $0xFFFFFFD8  }
0x1d: {  	[tilespmem:s13], [sflag:$0x1] =	stream.linear.gather [hbm4b:s8+s3], $0x1400, $0x38;
	[tilespmem:$0x16900] =	vst v63  }
0x1e: {  	s30 =	sadd.s32 $0x0, s10  }
0x1f: {  	[tilespmem:s14], [sflag:$0x5] =	stream.linear.gather [hbm4b:s30+s3], $0x28, $0x38;
	[tilespmem:$0x16900] =	vst v63  }
0x20: {  	_ =	swait.ge [sflag:s12], $0x28  }
0x21: {  	[sflag:s12] =	ssyncset.done $0x0  }
0x22: {  	s31 =	sadd.s32 $0x280, s8;
	[sflag:s12] =	ssyncadd.s32 $0xFFFFFFD8  }
0x23: {  	[tilespmem:s15], [sflag:$0x2] =	stream.linear.gather [hbm4b:s31+s3], $0x1400, $0x38;
	[tilespmem:$0x16900] =	vst v63  }
0x24: {  	_ =	swait.ge [sflag:s16], $0x1400  }
0x25: {  	[sflag:s16] =	ssyncset.done $0x0  }
0x26: {  	[sflag:s16] =	ssyncadd.s32 $0xFFFFEC00  }
0x27: {  	[spmem:s2] =	stream.indirect.scatter.add.f32 [tilespmem:s13], [sflag:$0x3], $0x80, s3, s17, $0xb8;
	[tilespmem:$0x16900] =	vst v63  }
0x28: {  	_ =	swait.ge [sflag:s18], $0x1400  }
0x29: {  	[sflag:s18] =	ssyncset.done $0x0  }
0x2a: {  	[sflag:s18] =	ssyncadd.s32 $0xFFFFEC00  }
0x2b: {  	[spmem:s2] =	stream.indirect.scatter.add.f32 [tilespmem:s15], [sflag:$0x4], $0x80, s14, s17, $0xb8;
	[tilespmem:$0x16900] =	vst v63  }
0x2c: {  	_ =	swait.ge [sflag:s19], $0x1400  }
0x2d: {  	[sflag:s19] =	ssyncset.done $0x0  }
0x2e: {  	[sflag:s19] =	ssyncadd.s32 $0xFFFFEC00  }
0x2f: {  	s23 =	simm.s32 $0xA;
	_ =	swait.ge [sflag:s20], $0x1400  }
0x30: {  	s24 =	simm.s32 $0x14;
	s22 =	sadd.s32 $0x500, s8;
	[sflag:s20] =	ssyncset.done $0x0  }
.LBB2_2:
0x31: {  	s25 =	sadd.s32 s23, s9  }
0x32: {  	[sflag:s20] =	ssyncadd.s32 $0xFFFFEC00;
	s26 =	smov.u32 s24;
	s28 =	sadd.s32 $0xA, s24  }
0x33: {  	[tilespmem:s3], [sflag:$0x5] =	stream.linear.gather [hbm4b:s25+s3], $0x28, $0x38;
	[tilespmem:$0x16900] =	vst v63  }
0x34: {  	p0 =	sne.s32 s24, $0x4D8;
	_ =	swait.ge [sflag:s12], $0x28  }
0x35: {  	[sflag:s12] =	ssyncset.done $0x0  }
0x36: {  	[sflag:s12] =	ssyncadd.s32 $0xFFFFFFD8  }
0x37: {  	[tilespmem:s13], [sflag:$0x1] =	stream.linear.gather [hbm4b:s22+s3], $0x1400, $0x38;
	[tilespmem:$0x16900] =	vst v63  }
0x38: {  	s24 =	sadd.s32 s23, s10;
	s23 =	smov.u32 s26  }
0x39: {  	[tilespmem:s14], [sflag:$0x5] =	stream.linear.gather [hbm4b:s24+s3], $0x28, $0x38;
	[tilespmem:$0x16900] =	vst v63  }
0x3a: {  	_ =	swait.ge [sflag:s12], $0x28  }
0x3b: {  	[sflag:s12] =	ssyncset.done $0x0  }
0x3c: {  	s24 =	sadd.s32 $0x280, s22;
	[sflag:s12] =	ssyncadd.s32 $0xFFFFFFD8  }
0x3d: {  	[tilespmem:s15], [sflag:$0x2] =	stream.linear.gather [hbm4b:s24+s3], $0x1400, $0x38;
	[tilespmem:$0x16900] =	vst v63  }
0x3e: {  	_ =	swait.ge [sflag:s16], $0x1400  }
0x3f: {  	[sflag:s16] =	ssyncset.done $0x0  }
0x40: {  	[sflag:s16] =	ssyncadd.s32 $0xFFFFEC00  }
0x41: {  	[spmem:s2] =	stream.indirect.scatter.add.f32 [tilespmem:s13], [sflag:$0x3], $0x80, s3, s17, $0xb8;
	[tilespmem:$0x16900] =	vst v63  }
0x42: {  	_ =	swait.ge [sflag:s18], $0x1400  }
0x43: {  	[sflag:s18] =	ssyncset.done $0x0  }
0x44: {  	[sflag:s18] =	ssyncadd.s32 $0xFFFFEC00  }
0x45: {  	[spmem:s2] =	stream.indirect.scatter.add.f32 [tilespmem:s15], [sflag:$0x4], $0x80, s14, s17, $0xb8;
	[tilespmem:$0x16900] =	vst v63  }
.Ltmp0:
0x46: {  	_ =	swait.ge [sflag:s19], $0x1400;
	(pc) =	sbr.rel @p0 .LBB2_2-.Ltmp0, $4  }
0x47: {  	[sflag:s19] =	ssyncset.done $0x0  }
0x48: {  	[sflag:s19] =	ssyncadd.s32 $0xFFFFEC00  }
0x49: {  	_ =	swait.ge [sflag:s20], $0x1400  }
0x4a: {  	s22 =	sadd.s32 $0x500, s22;
	s24 =	smov.u32 s28;
	[sflag:s20] =	ssyncset.done $0x0  }
0x4b: {  	s24 =	sadd.s32 s23, s9;
	[sflag:s20] =	ssyncadd.s32 $0xFFFFEC00  }
0x4c: {  	[tilespmem:s3], [sflag:$0x5] =	stream.linear.gather [hbm4b:s24+s3], $0x28, $0x38;
	[tilespmem:$0x16900] =	vst v63  }
0x4d: {  	_ =	swait.ge [sflag:s12], $0x28  }
0x4e: {  	[sflag:s12] =	ssyncset.done $0x0  }
0x4f: {  	[sflag:s12] =	ssyncadd.s32 $0xFFFFFFD8  }
0x50: {  	[tilespmem:s13], [sflag:$0x1] =	stream.linear.gather [hbm4b:s22+s3], $0x1400, $0x38;
	[tilespmem:$0x16900] =	vst v63  }
0x51: {  	s30 =	sadd.s32 s23, s10  }
0x52: {  	[tilespmem:s14], [sflag:$0x5] =	stream.linear.gather [hbm4b:s30+s3], $0x28, $0x38;
	[tilespmem:$0x16900] =	vst v63  }
0x53: {  	_ =	swait.ge [sflag:s12], $0x28  }
0x54: {  	[sflag:s12] =	ssyncset.done $0x0  }
0x55: {  	s31 =	sadd.s32 $0x280, s22;
	[sflag:s12] =	ssyncadd.s32 $0xFFFFFFD8  }
0x56: {  	[tilespmem:s15], [sflag:$0x2] =	stream.linear.gather [hbm4b:s31+s3], $0x1400, $0x38;
	[tilespmem:$0x16900] =	vst v63  }
0x57: {  	_ =	swait.ge [sflag:s16], $0x1400  }
0x58: {  	[sflag:s16] =	ssyncset.done $0x0  }
0x59: {  	[sflag:s16] =	ssyncadd.s32 $0xFFFFEC00  }
0x5a: {  	[spmem:s2] =	stream.indirect.scatter.add.f32 [tilespmem:s13], [sflag:$0x3], $0x80, s3, s17, $0xb8;
	[tilespmem:$0x16900] =	vst v63  }
0x5b: {  	_ =	swait.ge [sflag:s18], $0x1400  }
0x5c: {  	[sflag:s18] =	ssyncset.done $0x0  }
0x5d: {  	[sflag:s18] =	ssyncadd.s32 $0xFFFFEC00  }
0x5e: {  	[spmem:s2] =	stream.indirect.scatter.add.f32 [tilespmem:s15], [sflag:$0x4], $0x80, s14, s17, $0xb8;
	[tilespmem:$0x16900] =	vst v63  }
0x5f: {  	_ =	swait.ge [sflag:s19], $0x1400  }
0x60: {  	[sflag:s19] =	ssyncset.done $0x0  }
0x61: {  	[sflag:s19] =	ssyncadd.s32 $0xFFFFEC00  }
0x62: {  	_ =	swait.ge [sflag:s20], $0x1400  }
0x63: {  	s21 =	sadd.s32 $0x1, s21;
	[sflag:s20] =	ssyncset.done $0x0  }
0x64: {  	p0 =	sne.s32 s21, s7;
	[sflag:s20] =	ssyncadd.s32 $0xFFFFEC00  }
.Ltmp1:
0x65: {  	[bflag:$0x0] =	sbarrier.arrive $0xFFFF;
	(pc) =	sbr.rel @p0 .LBB2_1-.Ltmp1, $4  }
0x66: {  	[hbm:s6], [sflag:s5] =	dma.local [spmem:s11], $0x2800  }
0x67: {  	_ =	swait.ge [sflag:s12], $0x2800  }
0x68: {  	[sflag:s12] =	ssyncset.done $0x0  }
0x69: {  	[sflag:s12] =	ssyncadd.s32 $0xFFFFD800  }
0x6a: {  	_ =	sfence.sel $0x180000  }
0x6b: {  	[bflag:$0x0] =	sbarrier.arrive $0xFFFF  }
0x6c: {  	p0 =	sne.s32 s1, $0x0;
	_ =	strace $0x9000004D  }
0x6d: {  	s0 =	sadd.s32 @!p0 $0x100000, s0;
	[bflag:$0x2] =	sbarrier.arrive $0xFFFF  }
0x6e: {  	[sflag:s0] =	ssyncadd.tile.s32 @!p0 $0x1;
	_ =	shalt  }
.Lfunc_end2:
_tile_overlayer_lowered:
.L_overlay_start_2:
0x6f: {  	(tag) =	ssettag $0x2  }
0x70: {  	s0 =	rddreg [dreg:$0x0];
	s2 =	stileid.u32  }
0x71: {  	s1 =	rddreg [dreg:$0x1];
	p0 =	sne.s32 s2, $0x0  }
0x72: {  	s3 =	rddreg [dreg:$0x2];
	[bflag:$0x3] =	sbarrier.arrive $0xFFFF;
	s2 =	simm.s32 @!p0 $0x1C05  }
0x73: {  	[timem:s3], [sflag:s2] =	dma.local @!p0 [hbm:s0], s1  }
0x74: {  	s0 =	simm.s32 @!p0 $0x5  }
0x75: {  	_ =	swait.ge @!p0 [sflag:s0], s1  }
0x76: {  	s1 =	ssub.s32 @!p0 $0x0, s1;
	[sflag:s0] =	ssyncset.done @!p0 $0x0  }
0x77: {  	[sflag:s0] =	ssyncadd.s32 @!p0 s1  }
0x78: {  	[bflag:$0x3] =	sbarrier.arrive $0xFFFF  }
0x79: {  	_ =	shalt  }

// kernel: kernel.35.cloned.1.call-start
scs
__scs_entry_jumppad:
0x0: {  	(pc) =	sbr.rel $0x88, $3  }
0x1: {  	(tag) =	ssettag $0x0;
	lr =	simm.s32 $0x1  }
0x2: {  	[smem:$0x3F62] =	sst lr;
	_ =	strace $0xD0000000  }
0x3: {  	_ = 	snop  }
0x4: {  	_ = 	snop  }
0x5: {  	_ = 	snop  }
0x6: {  	_ = 	snop  }
0x7: {  	_ = 	snop  }
__scs_overlays_trampoline_lowered:
0x8: {  	[smem:$0x3F71] =	sst s0  }
0x9: {  	[smem:$0x3F72] =	sst s1  }
0xa: {  	[smem:$0x3F73] =	sst s2  }
0xb: {  	[smem:$0x3F74] =	sst s3  }
0xc: {  	[smem:$0x3F75] =	sst s4  }
0xd: {  	[smem:$0x3F76] =	sst s5  }
0xe: {  	[smem:$0x3F77] =	sst s6  }
0xf: {  	[smem:$0x3F78] =	sst s7  }
0x10: {  	[smem:$0x3F79] =	sst s8  }
0x11: {  	[smem:$0x3F7A] =	sst s9;
	s0 =	simm.s32 @!p0 $0x0  }
0x12: {  	s1 =	sld [smem:$0x3F60];
	s0 =	simm.s32 @p0 $0x1  }
0x13: {  	[smem:$0x3F7B] =	sst s0;
	s0 =	simm.s32 @!p1 $0x0  }
0x14: {  	s2 =	sld [smem:$0x3F5F];
	s0 =	simm.s32 @p1 $0x1  }
0x15: {  	[smem:$0x3F7C] =	sst s0;
	s0 =	simm.s32 @!p2 $0x0  }
0x16: {  	s3 =	sld [smem:$0x3FDB];
	s0 =	simm.s32 @p2 $0x1  }
0x17: {  	s4 =	simm.s32 $0x1BF5;
	[smem:$0x3F7E] =	sst s0  }
0x18: {  	s0 =	sld [smem:$0x3F61];
	_ =	swait.ge [sflag:s4], $0x0  }
0x19: {  	s7 =	sld [smem:$0x3F62]  }
0x1a: {  	s8 =	sadd.s32 $0xFFFFE003, lr  }
0x1b: {  	s9 =	sadd.s32 $0xFFFFFEF7, lr;
	s5 =	simm.s32 $0xFFFFFFFF;
	p2 =	slt.u32 s8, $0xFFFFF086  }
0x1c: {  	p1 =	slt.u32 s9, $0xF7A;
	s5 =	simm.s32 @!p2 $0x0  }
0x1d: {  	s5 =	simm.s32 @p1 $0x1;
	p0 =	seq.s32 s7, s2  }
0x1e: {  	s7 =	smul.u32 @!p0 $0xF7A, s2;
	p2 =	seq.s32 @!p0 s5, $0x0  }
0x1f: {  	s9 =	smul.u32 $0xF7A, s1;
	s8 =	simm.s32 @!p0 $0x1BF5;
	p2 =	por !p2, p0  }
0x20: {  	[sflag:s8] =	ssyncset.s32 @!p0 $0xFFFFF086;
	s6 =	sadd.s32 @!p0 s3, s7;
	s7 =	simm.s32 @!p0 $0x108  }
0x21: {  	s3 =	sadd.s32 s3, s9;
	s6 =	sadd.s32 @!p0 $0x88, s6;
	s7 =	simm.s32 @p2 $0x1082  }
0x22: {  	[simem:s7], [sflag:s8] =	dma.local @!p0 [hbm:s6], $0xF7A  }
0x23: {  	s9 =	sor.u32 $0xD0000000, s2;
	s6 =	simm.s32 $0x108;
	_ =	swait.ge @!p0 [sflag:s8], $0x0  }
0x24: {  	s3 =	sadd.s32 $0x88, s3;
	s6 =	simm.s32 @!p1 $0x1082;
	[sflag:s4] =	ssyncset.s32 $0xFFFFF086  }
0x25: {  	[simem:s6], [sflag:s4] =	dma.local [hbm:s3], $0xF7A  }
0x26: {  	[smem:$0x3F62] =	sst s1;
	(tag) =	ssettag s2;
	_ =	strace s9  }
0x27: {  	s1 =	sld [smem:$0x3F72]  }
0x28: {  	s2 =	sld [smem:$0x3F73]  }
0x29: {  	s4 =	sld [smem:$0x3F75]  }
0x2a: {  	p0 =	seq.s32 s5, $0x0;
	s5 =	sld [smem:$0x3F76]  }
0x2b: {  	s6 =	sld [smem:$0x3F77]  }
0x2c: {  	s7 =	sld [smem:$0x3F78]  }
0x2d: {  	s3 =	simm.s32 $0x108;
	s8 =	sld [smem:$0x3F79]  }
0x2e: {  	s3 =	simm.s32 @!p0 $0x1082;
	s9 =	sld [smem:$0x3F7A]  }
0x2f: {  	lr =	sadd.s32 s0, s3;
	s0 =	sld [smem:$0x3F71]  }
0x30: {  	s3 =	sld [smem:$0x3F74]  }
0x31: {  	[smem:$0x3F7D] =	sst s10  }
0x32: {  	s10 =	sld [smem:$0x3F7B];
	_ =	sdelay $0x3  }
0x33: {  	p0 =	seq.s32 s10, $0x1;
	s10 =	sld [smem:$0x3F7D];
	_ =	sdelay $0x3  }
0x34: {  	[smem:$0x3F7D] =	sst s10  }
0x35: {  	s10 =	sld [smem:$0x3F7C];
	_ =	sdelay $0x3  }
0x36: {  	p1 =	seq.s32 s10, $0x1;
	s10 =	sld [smem:$0x3F7D];
	_ =	sdelay $0x3  }
0x37: {  	[smem:$0x3F7D] =	sst s10  }
0x38: {  	s10 =	sld [smem:$0x3F7E]  }
0x39: {  	_ = 	snop;
	(pc) =	sbr.ind lr, $3  }
0x3a: {  	_ = 	snop  }
0x3b: {  	_ = 	snop  }
0x3c: {  	p2 =	seq.s32 s10, $0x1;
	s10 =	sld [smem:$0x3F7D]  }
0x3d: {  	_ =	shalt  }
0x3e: {  	_ =	shalt  }
0x3f: {  	_ =	shalt  }
0x40: {  	_ =	shalt  }
0x41: {  	_ =	shalt  }
0x42: {  	_ =	shalt  }
0x43: {  	_ =	shalt  }
0x44: {  	_ =	shalt  }
0x45: {  	_ =	shalt  }
0x46: {  	_ =	shalt  }
0x47: {  	_ =	shalt  }
0x48: {  	_ =	shalt  }
0x49: {  	_ =	shalt  }
0x4a: {  	_ =	shalt  }
0x4b: {  	_ =	shalt  }
0x4c: {  	_ =	shalt  }
0x4d: {  	_ =	shalt  }
0x4e: {  	_ =	shalt  }
0x4f: {  	_ =	shalt  }
0x50: {  	_ =	shalt  }
0x51: {  	_ =	shalt  }
0x52: {  	_ =	shalt  }
0x53: {  	_ =	shalt  }
0x54: {  	_ =	shalt  }
0x55: {  	_ =	shalt  }
0x56: {  	_ =	shalt  }
0x57: {  	_ =	shalt  }
0x58: {  	_ =	shalt  }
0x59: {  	_ =	shalt  }
0x5a: {  	_ =	shalt  }
0x5b: {  	_ =	shalt  }
0x5c: {  	_ =	shalt  }
0x5d: {  	_ =	shalt  }
0x5e: {  	_ =	shalt  }
0x5f: {  	_ =	shalt  }
0x60: {  	_ =	shalt  }
0x61: {  	_ =	shalt  }
0x62: {  	_ =	shalt  }
0x63: {  	_ =	shalt  }
0x64: {  	_ =	shalt  }
0x65: {  	_ =	shalt  }
0x66: {  	_ =	shalt  }
0x67: {  	_ =	shalt  }
0x68: {  	_ =	shalt  }
0x69: {  	_ =	shalt  }
0x6a: {  	_ =	shalt  }
0x6b: {  	_ =	shalt  }
0x6c: {  	_ =	shalt  }
0x6d: {  	_ =	shalt  }
0x6e: {  	_ =	shalt  }
0x6f: {  	_ =	shalt  }
0x70: {  	_ =	shalt  }
0x71: {  	_ =	shalt  }
0x72: {  	_ =	shalt  }
0x73: {  	_ =	shalt  }
0x74: {  	_ =	shalt  }
0x75: {  	_ =	shalt  }
0x76: {  	_ =	shalt  }
0x77: {  	_ =	shalt  }
0x78: {  	_ =	shalt  }
0x79: {  	_ =	shalt  }
0x7a: {  	_ =	shalt  }
0x7b: {  	_ =	shalt  }
0x7c: {  	_ =	shalt  }
0x7d: {  	_ =	shalt  }
0x7e: {  	_ =	shalt  }
0x7f: {  	_ =	shalt  }
0x80: {  	_ =	shalt  }
0x81: {  	_ =	shalt  }
0x82: {  	_ =	shalt  }
0x83: {  	_ =	shalt  }
0x84: {  	_ =	shalt  }
0x85: {  	_ =	shalt  }
0x86: {  	_ =	shalt  }
0x87: {  	_ =	shalt  }
.Lfunc_end0:
.L_simem_size_0:
called_computation.2_lowered:
.L_overlay_start_0:
0x88: {  	s2 =	sld [smem:$0x3FD9]  }
0x89: {  	s3 =	sld [smem:$0x3FFE];
	_ =	sdelay $0x1  }
0x8a: {  	s1 =	srdreg.scid  }
0x8b: {  	s0 =	sand.u32 $0x1, s1  }
0x8c: {  	s17 =	sshll.u32 s0, $0xA;
	s2 =	sadd.s32 s3, s2  }
0x8d: {  	s2 =	sadd.s32 s2, s17  }
0x8e: {  	[smem:$0x3F89] =	sst s2  }
0x8f: {  	_ = 	snop  }
0x90: {  	(tm) =	ssettm $0x1  }
0x91: {  	s18 =	sld [smem:$0x3FFB];
	_ =	sdelay $0x3  }
0x92: {  	_ =	strace s18  }
0x93: {  	s2 =	sld [smem:$0x3FFC];
	_ =	sdelay $0x3  }
0x94: {  	_ =	strace s2  }
0x95: {  	s2 =	sld [smem:$0x3FFD];
	_ =	sdelay $0x3  }
0x96: {  	_ =	strace s2  }
0x97: {  	_ =	strace $0x8FFFFFFF  }
0x98: {  	s19 =	sld [smem:$0x3FDB];
	_ =	sdelay $0x1  }
0x99: {  	s20 =	simm.s32 $_scs_section_size  }
0x9a: {  	s4 =	simm.s32 $_size__tile_overlayer_lowered;
	s5 =	simm.s32 $_tile_overlayer_lowered  }
0x9b: {  	s6 =	simm.s32 $0x1BFF;
	s21 =	sshll.u32 s5, $0x1;
	s3 =	sadd.s32 s20, s19  }
0x9c: {  	s22 =	simm.s32 $0x0;
	s4 =	sshll.u32 s4, $0x1;
	s5 =	sadd.s32 s21, s3  }
0x9d: {  	[timem:s22], [sflag:s6] =	dma.local [hbm:s5], s4  }
0x9e: {  	_ =	swait.ge [sflag:s6], s4  }
0x9f: {  	s4 =	ssub.s32 $0x0, s4;
	[sflag:s6] =	ssyncset.done $0x0  }
0xa0: {  	[sflag:s6] =	ssyncadd.s32 s4;
	_ =	sdelay $0x1  }
0xa1: {  	s23 =	simm.s32 $0x1B8B  }
0xa2: {  	_ =	swait.ge [sflag:s23], $0x1  }
0xa3: {  	[sflag:s23] =	ssyncset.done $0x0  }
0xa4: {  	[sflag:s23] =	ssyncadd.s32 $0xFFFFFFFF  }
0xa5: {  	s4 =	sld [smem:$0x0]  }
0xa6: {  	s5 =	sand.u32 $0xFFFFFFFE, s1  }
0xa7: {  	p0 =	sne.s32 s1, s5  }
0xa8: {  	s5 =	sshll.u32 @p0 s5, $0xE  }
0xa9: {  	s5 =	sadd.s32 @p0 $0x11B8D, s5;
	s6 =	sshll.u32 @p0 s4, $0x11  }
0xaa: {  	s5 =	sor.u32 @p0 s6, s5  }
0xab: {  	[sflag:s5] =	ssyncadd.remote.s32 @p0 $0x1;
	_ =	sdelay $0x1  }
0xac: {  	s5 =	simm.s32 @p0 $0x1B8D  }
0xad: {  	_ =	swait.eq @p0 [sflag:s5], $0x1  }
0xae: {  	[sflag:s5] =	ssyncadd.s32 @p0 $0xFFFFFFFF  }
0xaf: {  	s6 =	sshll.u32 @!p0 s1, $0xE  }
0xb0: {  	s6 =	sor.u32 @!p0 $0x4000, s6;
	s5 =	simm.s32 @!p0 $0x1B8D  }
0xb1: {  	s4 =	sshll.u32 @!p0 s4, $0x11;
	s6 =	sadd.s32 @!p0 $0x11B8D, s6;
	_ =	swait.eq @!p0 [sflag:s5], $0x1  }
0xb2: {  	s4 =	sor.u32 @!p0 s4, s6;
	[sflag:s5] =	ssyncadd.s32 @!p0 $0xFFFFFFFF  }
0xb3: {  	s25 =	simm.s32 $0x1B8E;
	s24 =	sld [smem:$0x3FFE];
	[sflag:s4] =	ssyncadd.remote.s32 @!p0 $0x1  }
0xb4: {  	s26 =	simm.s32 $execute0_lowered;
	[smem:$0x3FD2] =	sst s25  }
0xb5: {  	s5 =	sshll.u32 s26, $0x1;
	_ =	strace $0x80000049;
	[dreg:$0x1] =	wrdreg $0xFFFFFFFF  }
0xb6: {  	s28 =	simm.s32 $_size_execute0_lowered;
	s3 =	sadd.s32 s3, s5;
	[dreg:$0x0] =	wrdreg $0x0  }
0xb7: {  	s5 =	sshll.u32 s28, $0x1;
	[dreg:$0x2] =	wrdreg s3  }
0xb8: {  	[dreg:$0x3] =	wrdreg s5  }
0xb9: {  	[dreg:$0x4] =	wrdreg $0xC0  }
0xba: {  	_ =	task [dreg:s22], $0x5FFFF  }
0xbb: {  	[dreg:$0x1] =	wrdreg $0xFFFFFFFF  }
0xbc: {  	[dreg:$0x0] =	wrdreg $0x60  }
0xbd: {  	[dreg:$0x2] =	wrdreg s24  }
0xbe: {  	[dreg:$0x3] =	wrdreg $0xB  }
0xbf: {  	_ =	task.clear_ibuf [dreg:s22], $0x4FFFF;
	_ =	strace $0x90000049  }
0xc0: {  	s29 =	simm.s32 $0xB;
	_ =	strace $0x8000004B  }
0xc1: {  	_ =	swait.ge [sflag:s29], $0x1  }
0xc2: {  	[sflag:s29] =	ssyncadd.s32 $0xFFFFFFFF  }
0xc3: {  	_ =	strace $0x9000004B  }
0xc4: {  	_ =	sfence  }
0xc5: {  	s30 =	sld [smem:$0x0];
	_ =	sdelay $0x2  }
0xc6: {  	s31 =	sshll.u32 s1, $0xD;
	s1 =	sshrl.u32 s1, $0x2  }
0xc7: {  	s4 =	sand.u32 $0x4000, s31;
	s1 =	sadd.s32 s1, s30  }
0xc8: {  	s0 =	sor.u32 s4, s0;
	s1 =	sshll.u32 s1, $0x11  }
0xc9: {  	s0 =	sor.u32 s1, s0  }
0xca: {  	s0 =	sadd.s32 $0x8F2B, s0  }
0xcb: {  	[sflag:s0] =	ssyncadd.remote.s32 $0x1  }
0xcc: {  	_ =	sfence.sel $0xFFFF  }
0xcd: {  	[dreg:$0x0] =	wrdreg $0xFFFFFFFF;
	(pc) =	sbr.abs _section_cstart, $3  }
0xce: {  	[dreg:$0x1] =	wrdreg $0xFFFFFFFF  }
0xcf: {  	_ =	task.clear_ibuf [dreg:s22], $0x2FFFF;
	_ =	strace $0x9FFFFFFF  }
0xd0: {  	(tm) =	ssettm $0x7FFFFFFF  }
0xd1: {  	_ =	shalt  }
tec
execute0_lowered:
.L_overlay_start_1:
0x0: {  	(tag) =	ssettag $0x1  }
0x1: {  	s0 =	rddreg [dreg:$0x0]  }
0x2: {  	s2 =	simm.s32 $0x0;
	s5 =	stileid.u32;
	s1 =	srdreg.scid  }
0x3: {  	s12 =	simm.s32 $0x100;
	s13 =	simm.s32 $0x180;
	s14 =	simm.s32 $0x28  }
0x4: {  	s15 =	simm.s32 $0x200;
	s16 =	simm.s32 $0x1600;
	s17 =	simm.s32 $0x2A00  }
0x5: {  	s18 =	simm.s32 $0x3E00;
	s19 =	simm.s32 $0x1;
	s20 =	simm.s32 $0x2  }
0x6: {  	s21 =	simm.s32 $0x3;
	s22 =	simm.s32 $0x4;
	s23 =	simm.s32 $0x5  }
0x7: {  	s24 =	simm.s32 $0x6;
	s28 =	simm.s32 $0x0;
	[smem:$0x7FF] =	sst s2  }
0x8: {  	s6 =	smul.u32 $0x4E200, s5;
	s1 =	sand.u32 $0x1, s1;
	s3 =	sadd.s32 $0xA86E00, s0  }
0x9: {  	s4 =	sadd.s32 $0xAAE000, s0;
	s8 =	sadd.s32 $0x12A00, s0;
	s9 =	smul.u32 $0x4E20, s5  }
0xa: {  	_ =	strace $0x8000004A;
	s7 =	smul.u32 $0x27100, s1;
	s25 =	ssub.s32 $0x2, s1  }
0xb: {  	[dreg:$0x4] =	wrdreg s8;
	s1 =	smul.u32 $0x2710, s1;
	s11 =	sshrl.u32 s25, $0x1  }
0xc: {  	s10 =	sadd.s32 s6, s0;
	s6 =	sadd.s32 $0x1C800, s0;
	s26 =	ssub.s32 s25, s11  }
0xd: {  	s29 =	sadd.s32 s7, s10;
	s1 =	sadd.s32 s1, s9;
	s10 =	simm.s32 $0x9  }
0xe: {  	s11 =	simm.s32 $0x80;
	s25 =	simm.s32 $0x7;
	s0 =	smax.u32 s26, $0x1  }
0xf: {  	s30 =	sadd.s32 $0xAD5200, s29;
	s31 =	sadd.s32 $0xFB7200, s29;
	[dreg:$0x5] =	wrdreg s0  }
0x10: {  	s9 =	sadd.s32 $0x28, s1;
	s8 =	sshrl.u32 s1, $0x3;
	[dreg:$0x2] =	wrdreg s30  }
0x11: {  	s26 =	simm.s32 $0x8;
	[dreg:$0x3] =	wrdreg s31;
	s9 =	sshrl.u32 s9, $0x3  }
.LBB2_1:
0x12: {  	s5 =	rddreg [dreg:$0x4]  }
0x13: {  	s0 =	sadd.s32 s5, s8  }
0x14: {  	[tilespmem:s2], [sflag:$0x9] =	stream.linear.gather [hbm4b:s0+s2], $0x28, $0x38;
	[tilespmem:$0x5200] =	vst v63  }
0x15: {  	_ =	swait.ge [sflag:s10], $0x28  }
0x16: {  	[sflag:s10] =	ssyncset.done $0x0  }
0x17: {  	s1 =	sadd.s32 s6, s8;
	[sflag:s10] =	ssyncadd.s32 $0xFFFFFFD8  }
0x18: {  	[tilespmem:s11], [sflag:$0x9] =	stream.linear.gather [hbm4b:s1+s2], $0x28, $0x38;
	[tilespmem:$0x5200] =	vst v63  }
0x19: {  	_ =	swait.ge [sflag:s10], $0x28  }
0x1a: {  	[sflag:s10] =	ssyncset.done $0x0  }
0x1b: {  	s7 =	sadd.s32 s5, s9;
	[sflag:s10] =	ssyncadd.s32 $0xFFFFFFD8  }
0x1c: {  	[tilespmem:s12], [sflag:$0x9] =	stream.linear.gather [hbm4b:s7+s2], $0x28, $0x38;
	[tilespmem:$0x5200] =	vst v63  }
0x1d: {  	_ =	swait.ge [sflag:s10], $0x28  }
0x1e: {  	[sflag:s10] =	ssyncset.done $0x0  }
0x1f: {  	s1 =	sadd.s32 s6, s9;
	[sflag:s10] =	ssyncadd.s32 $0xFFFFFFD8  }
0x20: {  	[tilespmem:s13], [sflag:$0x9] =	stream.linear.gather [hbm4b:s1+s2], $0x28, $0x38;
	[tilespmem:$0x5200] =	vst v63  }
0x21: {  	_ =	swait.ge [sflag:s10], $0x28  }
0x22: {  	[sflag:s10] =	ssyncset.done $0x0  }
0x23: {  	[sflag:s10] =	ssyncadd.s32 $0xFFFFFFD8  }
0x24: {  	[tilespmem:s15], [sflag:$0x1] =	stream.indirect.gather [hbm4b:s3+s14], $0x80, s2, s14, $0xb8;
	[tilespmem:$0x5200] =	vst v63  }
0x25: {  	_ = 	snop  }
0x26: {  	[tilespmem:s16], [sflag:$0x2] =	stream.indirect.gather [hbm4b:s4+s14], $0x80, s11, s14, $0xb8;
	[tilespmem:$0x5200] =	vst v63  }
0x27: {  	_ = 	snop  }
0x28: {  	[tilespmem:s17], [sflag:$0x3] =	stream.indirect.gather [hbm4b:s3+s14], $0x80, s12, s14, $0xb8;
	[tilespmem:$0x5200] =	vst v63  }
0x29: {  	_ = 	snop  }
0x2a: {  	[tilespmem:s18], [sflag:$0x4] =	stream.indirect.gather [hbm4b:s4+s14], $0x80, s13, s14, $0xb8;
	[tilespmem:$0x5200] =	vst v63  }
0x2b: {  	_ =	swait.ge [sflag:s19], $0x1400  }
0x2c: {  	[sflag:s19] =	ssyncset.done $0x0  }
0x2d: {  	[sflag:s19] =	ssyncadd.s32 $0xFFFFEC00  }
0x2e: {  	_ =	swait.ge [sflag:s20], $0x1400  }
0x2f: {  	s7 =	rddreg [dreg:$0x2];
	[sflag:s20] =	ssyncset.done $0x0  }
0x30: {  	s1 =	rddreg [dreg:$0x3];
	[sflag:s20] =	ssyncadd.s32 $0xFFFFEC00;
	s0 =	sadd.s32 $0x0, s7  }
0x31: {  	[hbm4b:s0+s2] =	stream.linear.scatter [tilespmem:s15], [sflag:$0x5], $0x1400, $0x38;
	[tilespmem:$0x5200] =	vst v63  }
0x32: {  	s1 =	sadd.s32 $0x0, s1  }
0x33: {  	[hbm4b:s1+s2] =	stream.linear.scatter [tilespmem:s16], [sflag:$0x6], $0x1400, $0x38;
	[tilespmem:$0x5200] =	vst v63  }
0x34: {  	_ =	swait.ge [sflag:s21], $0x1400  }
0x35: {  	[sflag:s21] =	ssyncset.done $0x0  }
0x36: {  	[sflag:s21] =	ssyncadd.s32 $0xFFFFEC00  }
0x37: {  	_ =	swait.ge [sflag:s22], $0x1400  }
0x38: {  	[sflag:s22] =	ssyncset.done $0x0  }
0x39: {  	s0 =	sadd.s32 $0x280, s0;
	[sflag:s22] =	ssyncadd.s32 $0xFFFFEC00  }
0x3a: {  	[hbm4b:s0+s2] =	stream.linear.scatter [tilespmem:s17], [sflag:$0x7], $0x1400, $0x38;
	[tilespmem:$0x5200] =	vst v63  }
0x3b: {  	s7 =	sadd.s32 $0x280, s1  }
0x3c: {  	[hbm4b:s7+s2] =	stream.linear.scatter [tilespmem:s18], [sflag:$0x8], $0x1400, $0x38;
	[tilespmem:$0x5200] =	vst v63  }
0x3d: {  	_ =	swait.ge [sflag:s23], $0x1400  }
0x3e: {  	[sflag:s23] =	ssyncset.done $0x0  }
0x3f: {  	[sflag:s23] =	ssyncadd.s32 $0xFFFFEC00  }
0x40: {  	_ =	swait.ge [sflag:s24], $0x1400  }
0x41: {  	[sflag:s24] =	ssyncset.done $0x0  }
0x42: {  	[sflag:s24] =	ssyncadd.s32 $0xFFFFEC00  }
0x43: {  	_ =	swait.ge [sflag:s25], $0x1400  }
0x44: {  	[sflag:s25] =	ssyncset.done $0x0  }
0x45: {  	[sflag:s25] =	ssyncadd.s32 $0xFFFFEC00  }
0x46: {  	s29 =	simm.s32 $0x500;
	s31 =	smov.u32 s6;
	_ =	swait.ge [sflag:s26], $0x1400  }
0x47: {  	s30 =	sadd.s32 $0xA, s5;
	s0 =	simm.s32 $0xA00;
	[sflag:s26] =	ssyncset.done $0x0  }
.LBB2_2:
0x48: {  	s7 =	sadd.s32 s30, s8;
	[sflag:s26] =	ssyncadd.s32 $0xFFFFEC00  }
0x49: {  	[tilespmem:s2], [sflag:$0x9] =	stream.linear.gather [hbm4b:s7+s2], $0x28, $0x38;
	[tilespmem:$0x5200] =	vst v63  }
0x4a: {  	_ =	swait.ge [sflag:s10], $0x28  }
0x4b: {  	s31 =	sadd.s32 $0xA, s31;
	[sflag:s10] =	ssyncset.done $0x0  }
0x4c: {  	s5 =	sadd.s32 s31, s8;
	[sflag:s10] =	ssyncadd.s32 $0xFFFFFFD8  }
0x4d: {  	[tilespmem:s11], [sflag:$0x9] =	stream.linear.gather [hbm4b:s5+s2], $0x28, $0x38;
	[tilespmem:$0x5200] =	vst v63  }
0x4e: {  	_ =	swait.ge [sflag:s10], $0x28  }
0x4f: {  	[sflag:s10] =	ssyncset.done $0x0  }
0x50: {  	s5 =	sadd.s32 s30, s9;
	[sflag:s10] =	ssyncadd.s32 $0xFFFFFFD8  }
0x51: {  	[tilespmem:s12], [sflag:$0x9] =	stream.linear.gather [hbm4b:s5+s2], $0x28, $0x38;
	[tilespmem:$0x5200] =	vst v63  }
0x52: {  	_ =	swait.ge [sflag:s10], $0x28  }
0x53: {  	[sflag:s10] =	ssyncset.done $0x0  }
0x54: {  	s5 =	sadd.s32 s31, s9;
	[sflag:s10] =	ssyncadd.s32 $0xFFFFFFD8  }
0x55: {  	[tilespmem:s13], [sflag:$0x9] =	stream.linear.gather [hbm4b:s5+s2], $0x28, $0x38;
	[tilespmem:$0x5200] =	vst v63  }
0x56: {  	_ =	swait.ge [sflag:s10], $0x28  }
0x57: {  	[sflag:s10] =	ssyncset.done $0x0  }
0x58: {  	[sflag:s10] =	ssyncadd.s32 $0xFFFFFFD8  }
0x59: {  	[tilespmem:s15], [sflag:$0x1] =	stream.indirect.gather [hbm4b:s3+s14], $0x80, s2, s14, $0xb8;
	[tilespmem:$0x5200] =	vst v63  }
0x5a: {  	_ = 	snop  }
0x5b: {  	[tilespmem:s16], [sflag:$0x2] =	stream.indirect.gather [hbm4b:s4+s14], $0x80, s11, s14, $0xb8;
	[tilespmem:$0x5200] =	vst v63  }
0x5c: {  	_ = 	snop  }
0x5d: {  	[tilespmem:s17], [sflag:$0x3] =	stream.indirect.gather [hbm4b:s3+s14], $0x80, s12, s14, $0xb8;
	[tilespmem:$0x5200] =	vst v63  }
0x5e: {  	_ = 	snop  }
0x5f: {  	[tilespmem:s18], [sflag:$0x4] =	stream.indirect.gather [hbm4b:s4+s14], $0x80, s13, s14, $0xb8;
	[tilespmem:$0x5200] =	vst v63  }
0x60: {  	_ =	swait.ge [sflag:s19], $0x1400  }
0x61: {  	[sflag:s19] =	ssyncset.done $0x0  }
0x62: {  	[sflag:s19] =	ssyncadd.s32 $0xFFFFEC00  }
0x63: {  	_ =	swait.ge [sflag:s20], $0x1400  }
0x64: {  	s7 =	rddreg [dreg:$0x2];
	[sflag:s20] =	ssyncset.done $0x0  }
0x65: {  	s5 =	rddreg [dreg:$0x3];
	[sflag:s20] =	ssyncadd.s32 $0xFFFFEC00;
	s7 =	sadd.s32 s29, s7  }
0x66: {  	[hbm4b:s7+s2] =	stream.linear.scatter [tilespmem:s15], [sflag:$0x5], $0x1400, $0x38;
	[tilespmem:$0x5200] =	vst v63  }
0x67: {  	s5 =	sadd.s32 s29, s5  }
0x68: {  	[hbm4b:s5+s2] =	stream.linear.scatter [tilespmem:s16], [sflag:$0x6], $0x1400, $0x38;
	[tilespmem:$0x5200] =	vst v63  }
0x69: {  	_ =	swait.ge [sflag:s21], $0x1400  }
0x6a: {  	[sflag:s21] =	ssyncset.done $0x0  }
0x6b: {  	[sflag:s21] =	ssyncadd.s32 $0xFFFFEC00  }
0x6c: {  	_ =	swait.ge [sflag:s22], $0x1400  }
0x6d: {  	[sflag:s22] =	ssyncset.done $0x0  }
0x6e: {  	s7 =	sadd.s32 $0x280, s7;
	[sflag:s22] =	ssyncadd.s32 $0xFFFFEC00  }
0x6f: {  	[hbm4b:s7+s2] =	stream.linear.scatter [tilespmem:s17], [sflag:$0x7], $0x1400, $0x38;
	[tilespmem:$0x5200] =	vst v63  }
0x70: {  	s7 =	sadd.s32 $0x280, s5  }
0x71: {  	[hbm4b:s7+s2] =	stream.linear.scatter [tilespmem:s18], [sflag:$0x8], $0x1400, $0x38;
	[tilespmem:$0x5200] =	vst v63  }
0x72: {  	_ =	swait.ge [sflag:s23], $0x1400  }
0x73: {  	[sflag:s23] =	ssyncset.done $0x0  }
0x74: {  	[sflag:s23] =	ssyncadd.s32 $0xFFFFEC00  }
0x75: {  	_ =	swait.ge [sflag:s24], $0x1400  }
0x76: {  	[sflag:s24] =	ssyncset.done $0x0  }
0x77: {  	p0 =	sne.s32 s0, $0x26C00;
	[sflag:s24] =	ssyncadd.s32 $0xFFFFEC00  }
.Ltmp0:
0x78: {  	_ =	swait.ge [sflag:s25], $0x1400;
	(pc) =	sbr.rel @p0 .LBB2_2-.Ltmp0, $4  }
0x79: {  	[sflag:s25] =	ssyncset.done $0x0  }
0x7a: {  	[sflag:s25] =	ssyncadd.s32 $0xFFFFEC00  }
0x7b: {  	s1 =	smov.u32 s0;
	s0 =	sadd.s32 $0x500, s0;
	_ =	swait.ge [sflag:s26], $0x1400  }
0x7c: {  	s30 =	sadd.s32 $0xA, s30;
	s29 =	smov.u32 s1;
	[sflag:s26] =	ssyncset.done $0x0  }
0x7d: {  	s0 =	sadd.s32 s30, s8;
	[sflag:s26] =	ssyncadd.s32 $0xFFFFEC00  }
0x7e: {  	[tilespmem:s2], [sflag:$0x9] =	stream.linear.gather [hbm4b:s0+s2], $0x28, $0x38;
	[tilespmem:$0x5200] =	vst v63  }
0x7f: {  	_ =	swait.ge [sflag:s10], $0x28  }
0x80: {  	s7 =	sadd.s32 $0xA, s31;
	[sflag:s10] =	ssyncset.done $0x0  }
0x81: {  	s1 =	sadd.s32 s7, s8;
	[sflag:s10] =	ssyncadd.s32 $0xFFFFFFD8  }
0x82: {  	[tilespmem:s11], [sflag:$0x9] =	stream.linear.gather [hbm4b:s1+s2], $0x28, $0x38;
	[tilespmem:$0x5200] =	vst v63  }
0x83: {  	_ =	swait.ge [sflag:s10], $0x28  }
0x84: {  	[sflag:s10] =	ssyncset.done $0x0  }
0x85: {  	s31 =	sadd.s32 s30, s9;
	[sflag:s10] =	ssyncadd.s32 $0xFFFFFFD8  }
0x86: {  	[tilespmem:s12], [sflag:$0x9] =	stream.linear.gather [hbm4b:s31+s2], $0x28, $0x38;
	[tilespmem:$0x5200] =	vst v63  }
0x87: {  	_ =	swait.ge [sflag:s10], $0x28  }
0x88: {  	[sflag:s10] =	ssyncset.done $0x0  }
0x89: {  	s0 =	sadd.s32 s7, s9;
	[sflag:s10] =	ssyncadd.s32 $0xFFFFFFD8  }
0x8a: {  	[tilespmem:s13], [sflag:$0x9] =	stream.linear.gather [hbm4b:s0+s2], $0x28, $0x38;
	[tilespmem:$0x5200] =	vst v63  }
0x8b: {  	_ =	swait.ge [sflag:s10], $0x28  }
0x8c: {  	[sflag:s10] =	ssyncset.done $0x0  }
0x8d: {  	[sflag:s10] =	ssyncadd.s32 $0xFFFFFFD8  }
0x8e: {  	[tilespmem:s15], [sflag:$0x1] =	stream.indirect.gather [hbm4b:s3+s14], $0x80, s2, s14, $0xb8;
	[tilespmem:$0x5200] =	vst v63  }
0x8f: {  	_ = 	snop  }
0x90: {  	[tilespmem:s16], [sflag:$0x2] =	stream.indirect.gather [hbm4b:s4+s14], $0x80, s11, s14, $0xb8;
	[tilespmem:$0x5200] =	vst v63  }
0x91: {  	_ = 	snop  }
0x92: {  	[tilespmem:s17], [sflag:$0x3] =	stream.indirect.gather [hbm4b:s3+s14], $0x80, s12, s14, $0xb8;
	[tilespmem:$0x5200] =	vst v63  }
0x93: {  	_ = 	snop  }
0x94: {  	[tilespmem:s18], [sflag:$0x4] =	stream.indirect.gather [hbm4b:s4+s14], $0x80, s13, s14, $0xb8;
	[tilespmem:$0x5200] =	vst v63  }
0x95: {  	_ =	swait.ge [sflag:s19], $0x1400  }
0x96: {  	[sflag:s19] =	ssyncset.done $0x0  }
0x97: {  	[sflag:s19] =	ssyncadd.s32 $0xFFFFEC00  }
0x98: {  	_ =	swait.ge [sflag:s20], $0x1400  }
0x99: {  	s5 =	rddreg [dreg:$0x2];
	[sflag:s20] =	ssyncset.done $0x0  }
0x9a: {  	s7 =	rddreg [dreg:$0x3];
	[sflag:s20] =	ssyncadd.s32 $0xFFFFEC00;
	s0 =	sadd.s32 s29, s5  }
0x9b: {  	[hbm4b:s0+s2] =	stream.linear.scatter [tilespmem:s15], [sflag:$0x5], $0x1400, $0x38;
	[tilespmem:$0x5200] =	vst v63  }
0x9c: {  	s1 =	sadd.s32 s29, s7  }
0x9d: {  	[hbm4b:s1+s2] =	stream.linear.scatter [tilespmem:s16], [sflag:$0x6], $0x1400, $0x38;
	[tilespmem:$0x5200] =	vst v63  }
0x9e: {  	_ =	swait.ge [sflag:s21], $0x1400  }
0x9f: {  	[sflag:s21] =	ssyncset.done $0x0  }
0xa0: {  	[sflag:s21] =	ssyncadd.s32 $0xFFFFEC00  }
0xa1: {  	_ =	swait.ge [sflag:s22], $0x1400  }
0xa2: {  	[sflag:s22] =	ssyncset.done $0x0  }
0xa3: {  	s0 =	sadd.s32 $0x280, s0;
	[sflag:s22] =	ssyncadd.s32 $0xFFFFEC00  }
0xa4: {  	[hbm4b:s0+s2] =	stream.linear.scatter [tilespmem:s17], [sflag:$0x7], $0x1400, $0x38;
	[tilespmem:$0x5200] =	vst v63  }
0xa5: {  	s30 =	sadd.s32 $0x280, s1  }
0xa6: {  	[hbm4b:s30+s2] =	stream.linear.scatter [tilespmem:s18], [sflag:$0x8], $0x1400, $0x38;
	[tilespmem:$0x5200] =	vst v63  }
0xa7: {  	_ =	swait.ge [sflag:s23], $0x1400  }
0xa8: {  	[sflag:s23] =	ssyncset.done $0x0  }
0xa9: {  	[sflag:s23] =	ssyncadd.s32 $0xFFFFEC00  }
0xaa: {  	_ =	swait.ge [sflag:s24], $0x1400  }
0xab: {  	[sflag:s24] =	ssyncset.done $0x0  }
0xac: {  	[sflag:s24] =	ssyncadd.s32 $0xFFFFEC00  }
0xad: {  	_ =	swait.ge [sflag:s25], $0x1400  }
0xae: {  	[sflag:s25] =	ssyncset.done $0x0  }
0xaf: {  	[sflag:s25] =	ssyncadd.s32 $0xFFFFEC00  }
0xb0: {  	_ =	swait.ge [sflag:s26], $0x1400  }
0xb1: {  	s28 =	sadd.s32 $0x1, s28;
	s31 =	rddreg [dreg:$0x5]  }
0xb2: {  	p0 =	sne.s32 s28, s31  }
.Ltmp1:
0xb3: {  	_ = 	snop;
	(pc) =	sbr.rel @p0 .LBB2_1-.Ltmp1, $3  }
0xb4: {  	_ =	sdelay $0x1  }
0xb5: {  	[sflag:s26] =	ssyncset.done $0x0  }
0xb6: {  	[sflag:s26] =	ssyncadd.s32 $0xFFFFEC00  }
0xb7: {  	_ =	sfence.sel $0x180000  }
0xb8: {  	[bflag:$0x0] =	sbarrier.arrive $0xFFFF  }
0xb9: {  	_ =	strace $0x9000004A  }
0xba: {  	s0 =	stileid.u32;
	[bflag:$0x2] =	sbarrier.arrive $0xFFFF  }
0xbb: {  	p0 =	sne.s32 s0, $0x0;
	s0 =	rddreg [dreg:$0x1]  }
0xbc: {  	s0 =	sadd.s32 @!p0 $0x100000, s0  }
0xbd: {  	[sflag:s0] =	ssyncadd.tile.s32 @!p0 $0x1;
	_ =	shalt  }
.Lfunc_end2:
_tile_overlayer_lowered:
.L_overlay_start_2:
0xbe: {  	(tag) =	ssettag $0x2  }
0xbf: {  	s0 =	rddreg [dreg:$0x0];
	s2 =	stileid.u32  }
0xc0: {  	s1 =	rddreg [dreg:$0x1];
	p0 =	sne.s32 s2, $0x0  }
0xc1: {  	s3 =	rddreg [dreg:$0x2];
	[bflag:$0x3] =	sbarrier.arrive $0xFFFF;
	s2 =	simm.s32 @!p0 $0x1C09  }
0xc2: {  	[timem:s3], [sflag:s2] =	dma.local @!p0 [hbm:s0], s1  }
0xc3: {  	s0 =	simm.s32 @!p0 $0x9  }
0xc4: {  	_ =	swait.ge @!p0 [sflag:s0], s1  }
0xc5: {  	s1 =	ssub.s32 @!p0 $0x0, s1;
	[sflag:s0] =	ssyncset.done @!p0 $0x0  }
0xc6: {  	[sflag:s0] =	ssyncadd.s32 @!p0 s1  }
0xc7: {  	[bflag:$0x3] =	sbarrier.arrive $0xFFFF  }
0xc8: {  	_ =	shalt  }

// kernel: kernel.38.cloned.1.call-start
scs
__scs_entry_jumppad:
0x0: {  	(pc) =	sbr.rel $0x88, $3  }
0x1: {  	(tag) =	ssettag $0x0;
	lr =	simm.s32 $0x1  }
0x2: {  	[smem:$0x3F62] =	sst lr;
	_ =	strace $0xD0000000  }
0x3: {  	_ = 	snop  }
0x4: {  	_ = 	snop  }
0x5: {  	_ = 	snop  }
0x6: {  	_ = 	snop  }
0x7: {  	_ = 	snop  }
__scs_overlays_trampoline_lowered:
0x8: {  	[smem:$0x3F71] =	sst s0  }
0x9: {  	[smem:$0x3F72] =	sst s1  }
0xa: {  	[smem:$0x3F73] =	sst s2  }
0xb: {  	[smem:$0x3F74] =	sst s3  }
0xc: {  	[smem:$0x3F75] =	sst s4  }
0xd: {  	[smem:$0x3F76] =	sst s5  }
0xe: {  	[smem:$0x3F77] =	sst s6  }
0xf: {  	[smem:$0x3F78] =	sst s7  }
0x10: {  	[smem:$0x3F79] =	sst s8  }
0x11: {  	[smem:$0x3F7A] =	sst s9;
	s0 =	simm.s32 @!p0 $0x0  }
0x12: {  	s1 =	sld [smem:$0x3F60];
	s0 =	simm.s32 @p0 $0x1  }
0x13: {  	[smem:$0x3F7B] =	sst s0;
	s0 =	simm.s32 @!p1 $0x0  }
0x14: {  	s2 =	sld [smem:$0x3F5F];
	s0 =	simm.s32 @p1 $0x1  }
0x15: {  	[smem:$0x3F7C] =	sst s0;
	s0 =	simm.s32 @!p2 $0x0  }
0x16: {  	s3 =	sld [smem:$0x3FDB];
	s0 =	simm.s32 @p2 $0x1  }
0x17: {  	s4 =	simm.s32 $0x1BF5;
	[smem:$0x3F7E] =	sst s0  }
0x18: {  	s0 =	sld [smem:$0x3F61];
	_ =	swait.ge [sflag:s4], $0x0  }
0x19: {  	s7 =	sld [smem:$0x3F62]  }
0x1a: {  	s8 =	sadd.s32 $0xFFFFE003, lr  }
0x1b: {  	s9 =	sadd.s32 $0xFFFFFEF7, lr;
	s5 =	simm.s32 $0xFFFFFFFF;
	p2 =	slt.u32 s8, $0xFFFFF086  }
0x1c: {  	p1 =	slt.u32 s9, $0xF7A;
	s5 =	simm.s32 @!p2 $0x0  }
0x1d: {  	s5 =	simm.s32 @p1 $0x1;
	p0 =	seq.s32 s7, s2  }
0x1e: {  	s7 =	smul.u32 @!p0 $0xF7A, s2;
	p2 =	seq.s32 @!p0 s5, $0x0  }
0x1f: {  	s9 =	smul.u32 $0xF7A, s1;
	s8 =	simm.s32 @!p0 $0x1BF5;
	p2 =	por !p2, p0  }
0x20: {  	[sflag:s8] =	ssyncset.s32 @!p0 $0xFFFFF086;
	s6 =	sadd.s32 @!p0 s3, s7;
	s7 =	simm.s32 @!p0 $0x108  }
0x21: {  	s3 =	sadd.s32 s3, s9;
	s6 =	sadd.s32 @!p0 $0x88, s6;
	s7 =	simm.s32 @p2 $0x1082  }
0x22: {  	[simem:s7], [sflag:s8] =	dma.local @!p0 [hbm:s6], $0xF7A  }
0x23: {  	s9 =	sor.u32 $0xD0000000, s2;
	s6 =	simm.s32 $0x108;
	_ =	swait.ge @!p0 [sflag:s8], $0x0  }
0x24: {  	s3 =	sadd.s32 $0x88, s3;
	s6 =	simm.s32 @!p1 $0x1082;
	[sflag:s4] =	ssyncset.s32 $0xFFFFF086  }
0x25: {  	[simem:s6], [sflag:s4] =	dma.local [hbm:s3], $0xF7A  }
0x26: {  	[smem:$0x3F62] =	sst s1;
	(tag) =	ssettag s2;
	_ =	strace s9  }
0x27: {  	s1 =	sld [smem:$0x3F72]  }
0x28: {  	s2 =	sld [smem:$0x3F73]  }
0x29: {  	s4 =	sld [smem:$0x3F75]  }
0x2a: {  	p0 =	seq.s32 s5, $0x0;
	s5 =	sld [smem:$0x3F76]  }
0x2b: {  	s6 =	sld [smem:$0x3F77]  }
0x2c: {  	s7 =	sld [smem:$0x3F78]  }
0x2d: {  	s3 =	simm.s32 $0x108;
	s8 =	sld [smem:$0x3F79]  }
0x2e: {  	s3 =	simm.s32 @!p0 $0x1082;
	s9 =	sld [smem:$0x3F7A]  }
0x2f: {  	lr =	sadd.s32 s0, s3;
	s0 =	sld [smem:$0x3F71]  }
0x30: {  	s3 =	sld [smem:$0x3F74]  }
0x31: {  	[smem:$0x3F7D] =	sst s10  }
0x32: {  	s10 =	sld [smem:$0x3F7B];
	_ =	sdelay $0x3  }
0x33: {  	p0 =	seq.s32 s10, $0x1;
	s10 =	sld [smem:$0x3F7D];
	_ =	sdelay $0x3  }
0x34: {  	[smem:$0x3F7D] =	sst s10  }
0x35: {  	s10 =	sld [smem:$0x3F7C];
	_ =	sdelay $0x3  }
0x36: {  	p1 =	seq.s32 s10, $0x1;
	s10 =	sld [smem:$0x3F7D];
	_ =	sdelay $0x3  }
0x37: {  	[smem:$0x3F7D] =	sst s10  }
0x38: {  	s10 =	sld [smem:$0x3F7E]  }
0x39: {  	_ = 	snop;
	(pc) =	sbr.ind lr, $3  }
0x3a: {  	_ = 	snop  }
0x3b: {  	_ = 	snop  }
0x3c: {  	p2 =	seq.s32 s10, $0x1;
	s10 =	sld [smem:$0x3F7D]  }
0x3d: {  	_ =	shalt  }
0x3e: {  	_ =	shalt  }
0x3f: {  	_ =	shalt  }
0x40: {  	_ =	shalt  }
0x41: {  	_ =	shalt  }
0x42: {  	_ =	shalt  }
0x43: {  	_ =	shalt  }
0x44: {  	_ =	shalt  }
0x45: {  	_ =	shalt  }
0x46: {  	_ =	shalt  }
0x47: {  	_ =	shalt  }
0x48: {  	_ =	shalt  }
0x49: {  	_ =	shalt  }
0x4a: {  	_ =	shalt  }
0x4b: {  	_ =	shalt  }
0x4c: {  	_ =	shalt  }
0x4d: {  	_ =	shalt  }
0x4e: {  	_ =	shalt  }
0x4f: {  	_ =	shalt  }
0x50: {  	_ =	shalt  }
0x51: {  	_ =	shalt  }
0x52: {  	_ =	shalt  }
0x53: {  	_ =	shalt  }
0x54: {  	_ =	shalt  }
0x55: {  	_ =	shalt  }
0x56: {  	_ =	shalt  }
0x57: {  	_ =	shalt  }
0x58: {  	_ =	shalt  }
0x59: {  	_ =	shalt  }
0x5a: {  	_ =	shalt  }
0x5b: {  	_ =	shalt  }
0x5c: {  	_ =	shalt  }
0x5d: {  	_ =	shalt  }
0x5e: {  	_ =	shalt  }
0x5f: {  	_ =	shalt  }
0x60: {  	_ =	shalt  }
0x61: {  	_ =	shalt  }
0x62: {  	_ =	shalt  }
0x63: {  	_ =	shalt  }
0x64: {  	_ =	shalt  }
0x65: {  	_ =	shalt  }
0x66: {  	_ =	shalt  }
0x67: {  	_ =	shalt  }
0x68: {  	_ =	shalt  }
0x69: {  	_ =	shalt  }
0x6a: {  	_ =	shalt  }
0x6b: {  	_ =	shalt  }
0x6c: {  	_ =	shalt  }
0x6d: {  	_ =	shalt  }
0x6e: {  	_ =	shalt  }
0x6f: {  	_ =	shalt  }
0x70: {  	_ =	shalt  }
0x71: {  	_ =	shalt  }
0x72: {  	_ =	shalt  }
0x73: {  	_ =	shalt  }
0x74: {  	_ =	shalt  }
0x75: {  	_ =	shalt  }
0x76: {  	_ =	shalt  }
0x77: {  	_ =	shalt  }
0x78: {  	_ =	shalt  }
0x79: {  	_ =	shalt  }
0x7a: {  	_ =	shalt  }
0x7b: {  	_ =	shalt  }
0x7c: {  	_ =	shalt  }
0x7d: {  	_ =	shalt  }
0x7e: {  	_ =	shalt  }
0x7f: {  	_ =	shalt  }
0x80: {  	_ =	shalt  }
0x81: {  	_ =	shalt  }
0x82: {  	_ =	shalt  }
0x83: {  	_ =	shalt  }
0x84: {  	_ =	shalt  }
0x85: {  	_ =	shalt  }
0x86: {  	_ =	shalt  }
0x87: {  	_ =	shalt  }
.Lfunc_end0:
.L_simem_size_0:
called_computation.3_lowered:
.L_overlay_start_0:
0x88: {  	s2 =	sld [smem:$0x3FD9]  }
0x89: {  	s3 =	sld [smem:$0x3FFE];
	_ =	sdelay $0x1  }
0x8a: {  	s1 =	srdreg.scid  }
0x8b: {  	s0 =	sand.u32 $0x1, s1  }
0x8c: {  	s17 =	sshll.u32 s0, $0xA;
	s2 =	sadd.s32 s3, s2  }
0x8d: {  	s2 =	sadd.s32 s2, s17  }
0x8e: {  	[smem:$0x3F89] =	sst s2  }
0x8f: {  	_ = 	snop  }
0x90: {  	(tm) =	ssettm $0x1  }
0x91: {  	s18 =	sld [smem:$0x3FFB];
	_ =	sdelay $0x3  }
0x92: {  	_ =	strace s18  }
0x93: {  	s2 =	sld [smem:$0x3FFC];
	_ =	sdelay $0x3  }
0x94: {  	_ =	strace s2  }
0x95: {  	s2 =	sld [smem:$0x3FFD];
	_ =	sdelay $0x3  }
0x96: {  	_ =	strace s2  }
0x97: {  	_ =	strace $0x8FFFFFFF  }
0x98: {  	s19 =	sld [smem:$0x3FDB];
	_ =	sdelay $0x1  }
0x99: {  	s20 =	simm.s32 $_scs_section_size  }
0x9a: {  	s4 =	simm.s32 $_size__tile_overlayer_lowered;
	s5 =	simm.s32 $_tile_overlayer_lowered  }
0x9b: {  	s6 =	simm.s32 $0x1BFF;
	s21 =	sshll.u32 s5, $0x1;
	s3 =	sadd.s32 s20, s19  }
0x9c: {  	s22 =	simm.s32 $0x0;
	s4 =	sshll.u32 s4, $0x1;
	s5 =	sadd.s32 s21, s3  }
0x9d: {  	[timem:s22], [sflag:s6] =	dma.local [hbm:s5], s4  }
0x9e: {  	_ =	swait.ge [sflag:s6], s4  }
0x9f: {  	s4 =	ssub.s32 $0x0, s4;
	[sflag:s6] =	ssyncset.done $0x0  }
0xa0: {  	[sflag:s6] =	ssyncadd.s32 s4;
	_ =	sdelay $0x1  }
0xa1: {  	s23 =	simm.s32 $0x1B8B  }
0xa2: {  	_ =	swait.ge [sflag:s23], $0x1  }
0xa3: {  	[sflag:s23] =	ssyncset.done $0x0  }
0xa4: {  	[sflag:s23] =	ssyncadd.s32 $0xFFFFFFFF  }
0xa5: {  	s4 =	sld [smem:$0x0]  }
0xa6: {  	s5 =	sand.u32 $0xFFFFFFFE, s1  }
0xa7: {  	p0 =	sne.s32 s1, s5  }
0xa8: {  	s5 =	sshll.u32 @p0 s5, $0xE  }
0xa9: {  	s5 =	sadd.s32 @p0 $0x11B8D, s5;
	s6 =	sshll.u32 @p0 s4, $0x11  }
0xaa: {  	s5 =	sor.u32 @p0 s6, s5  }
0xab: {  	[sflag:s5] =	ssyncadd.remote.s32 @p0 $0x1;
	_ =	sdelay $0x1  }
0xac: {  	s5 =	simm.s32 @p0 $0x1B8D  }
0xad: {  	_ =	swait.eq @p0 [sflag:s5], $0x1  }
0xae: {  	[sflag:s5] =	ssyncadd.s32 @p0 $0xFFFFFFFF  }
0xaf: {  	s6 =	sshll.u32 @!p0 s1, $0xE  }
0xb0: {  	s6 =	sor.u32 @!p0 $0x4000, s6;
	s5 =	simm.s32 @!p0 $0x1B8D  }
0xb1: {  	s4 =	sshll.u32 @!p0 s4, $0x11;
	s6 =	sadd.s32 @!p0 $0x11B8D, s6;
	_ =	swait.eq @!p0 [sflag:s5], $0x1  }
0xb2: {  	s4 =	sor.u32 @!p0 s4, s6;
	[sflag:s5] =	ssyncadd.s32 @!p0 $0xFFFFFFFF  }
0xb3: {  	s25 =	simm.s32 $0x1B8E;
	s24 =	sld [smem:$0x3FFE];
	[sflag:s4] =	ssyncadd.remote.s32 @!p0 $0x1  }
0xb4: {  	s26 =	simm.s32 $execute0_lowered;
	[smem:$0x3FD2] =	sst s25  }
0xb5: {  	s5 =	sshll.u32 s26, $0x1;
	_ =	strace $0x8000004F;
	[dreg:$0x1] =	wrdreg $0xFFFFFFFF  }
0xb6: {  	s28 =	simm.s32 $_size_execute0_lowered;
	s3 =	sadd.s32 s3, s5;
	[dreg:$0x0] =	wrdreg $0x0  }
0xb7: {  	s5 =	sshll.u32 s28, $0x1;
	[dreg:$0x2] =	wrdreg s3  }
0xb8: {  	[dreg:$0x3] =	wrdreg s5  }
0xb9: {  	[dreg:$0x4] =	wrdreg $0xC0  }
0xba: {  	_ =	task [dreg:s22], $0x5FFFF  }
0xbb: {  	[dreg:$0x1] =	wrdreg $0xFFFFFFFF  }
0xbc: {  	[dreg:$0x0] =	wrdreg $0x60  }
0xbd: {  	[dreg:$0x2] =	wrdreg s24  }
0xbe: {  	[dreg:$0x3] =	wrdreg $0x29000  }
0xbf: {  	[dreg:$0x4] =	wrdreg $0xA  }
0xc0: {  	_ =	task.clear_ibuf [dreg:s22], $0x5FFFF;
	_ =	strace $0x9000004F  }
0xc1: {  	s29 =	simm.s32 $0xA;
	_ =	strace $0x80000051  }
0xc2: {  	_ =	swait.ge [sflag:s29], $0x1  }
0xc3: {  	[sflag:s29] =	ssyncadd.s32 $0xFFFFFFFF  }
0xc4: {  	_ =	strace $0x90000051  }
0xc5: {  	_ =	sfence  }
0xc6: {  	s30 =	sld [smem:$0x0];
	_ =	sdelay $0x2  }
0xc7: {  	s31 =	sshll.u32 s1, $0xD;
	s1 =	sshrl.u32 s1, $0x2  }
0xc8: {  	s4 =	sand.u32 $0x4000, s31;
	s1 =	sadd.s32 s1, s30  }
0xc9: {  	s0 =	sor.u32 s4, s0;
	s1 =	sshll.u32 s1, $0x11  }
0xca: {  	s0 =	sor.u32 s1, s0  }
0xcb: {  	s0 =	sadd.s32 $0x8F2B, s0  }
0xcc: {  	[sflag:s0] =	ssyncadd.remote.s32 $0x1  }
0xcd: {  	_ =	sfence.sel $0xFFFF  }
0xce: {  	[dreg:$0x0] =	wrdreg $0xFFFFFFFF;
	(pc) =	sbr.abs _section_cstart, $3  }
0xcf: {  	[dreg:$0x1] =	wrdreg $0xFFFFFFFF  }
0xd0: {  	_ =	task.clear_ibuf [dreg:s22], $0x2FFFF;
	_ =	strace $0x9FFFFFFF  }
0xd1: {  	(tm) =	ssettm $0x7FFFFFFF  }
tec
execute0_lowered:
.L_overlay_start_1:
0x0: {  	(tag) =	ssettag $0x1  }
0x1: {  	s4 =	rddreg [dreg:$0x0]  }
0x2: {  	s2 =	rddreg [dreg:$0x1]  }
0x3: {  	s0 =	rddreg [dreg:$0x2];
	s1 =	stileid.u32  }
0x4: {  	s6 =	srdreg.scid;
	s3 =	simm.s32 $0x0;
	s15 =	simm.s32 $0x1500  }
0x5: {  	s16 =	simm.s32 $0x1;
	s17 =	simm.s32 $0x28;
	s5 =	smul.u32 $0x4E200, s1  }
0x6: {  	s18 =	simm.s32 $0x2;
	s19 =	simm.s32 $0x3;
	s7 =	smul.u32 $0x14000, s1  }
0x7: {  	s20 =	simm.s32 $0x4;
	s21 =	simm.s32 $0x0;
	s11 =	smul.u32 $0x50000, s1  }
0x8: {  	s6 =	sand.u32 $0x1, s6;
	[smem:$0x7FF] =	sst s3;
	s26 =	smul.u32 $0x4E20, s1  }
0x9: {  	s10 =	sadd.s32 $0x1C800, s4;
	s13 =	sshll.u32 s1, $0x6;
	s8 =	smul.u32 $0x140000, s6  }
0xa: {  	_ =	strace $0x80000050;
	s23 =	ssub.s32 $0x2, s6;
	s14 =	smul.u32 $0x2710, s6  }
0xb: {  	s28 =	smul.u32 $0x27100, s6;
	s9 =	sadd.s32 s5, s4;
	s22 =	sshrl.u32 s7, $0x3  }
0xc: {  	s24 =	sshrl.u32 s23, $0x1;
	s25 =	sshrl.u32 s11, $0x2;
	s7 =	sadd.s32 s7, s8  }
0xd: {  	s5 =	sadd.s32 s22, s4;
	s8 =	ssub.s32 s23, s24;
	s12 =	sadd.s32 s25, s2  }
0xe: {  	s29 =	sadd.s32 s14, s26;
	s9 =	sadd.s32 s28, s9;
	s14 =	simm.s32 $0x80  }
0xf: {  	s7 =	sshrl.u32 s7, $0x3;
	s11 =	sshrl.u32 s29, $0x3;
	s30 =	sadd.s32 $0x28, s29  }
0x10: {  	s7 =	sadd.s32 s7, s4;
	s4 =	sadd.s32 $0x1499200, s5;
	s5 =	sor.u32 $0x1C05, s13  }
0x11: {  	s31 =	sshrl.u32 s30, $0x3;
	s13 =	simm.s32 $0x100;
	s6 =	sadd.s32 $0x508600, s7  }
0x12: {  	s7 =	smax.u32 s8, $0x1;
	s8 =	sadd.s32 $0x26600, s9;
	s9 =	sadd.s32 s11, s10  }
0x13: {  	s10 =	sadd.s32 s31, s10;
	s11 =	sshrl.u32 s12, $0x3;
	s12 =	simm.s32 $0x5  }
.LBB2_1:
0x14: {  	[spmem:s11], [sflag:s5] =	dma.local [hbm:s4], $0x2800  }
0x15: {  	_ =	swait.ge [sflag:s12], $0x2800  }
0x16: {  	[sflag:s12] =	ssyncset.done $0x0  }
0x17: {  	[sflag:s12] =	ssyncadd.s32 $0xFFFFD800  }
0x18: {  	s22 =	sadd.s32 $0x0, s9;
	[bflag:$0x0] =	sbarrier.arrive $0xFFFF  }
0x19: {  	[tilespmem:s3], [sflag:$0x5] =	stream.linear.gather [hbm4b:s22+s3], $0x28, $0x38;
	[tilespmem:$0x16900] =	vst v63  }
0x1a: {  	_ =	swait.ge [sflag:s12], $0x28  }
0x1b: {  	[sflag:s12] =	ssyncset.done $0x0  }
0x1c: {  	[sflag:s12] =	ssyncadd.s32 $0xFFFFFFD8  }
0x1d: {  	[tilespmem:s13], [sflag:$0x1] =	stream.linear.gather [hbm4b:s8+s3], $0x1400, $0x38;
	[tilespmem:$0x16900] =	vst v63  }
0x1e: {  	s30 =	sadd.s32 $0x0, s10  }
0x1f: {  	[tilespmem:s14], [sflag:$0x5] =	stream.linear.gather [hbm4b:s30+s3], $0x28, $0x38;
	[tilespmem:$0x16900] =	vst v63  }
0x20: {  	_ =	swait.ge [sflag:s12], $0x28  }
0x21: {  	[sflag:s12] =	ssyncset.done $0x0  }
0x22: {  	s31 =	sadd.s32 $0x280, s8;
	[sflag:s12] =	ssyncadd.s32 $0xFFFFFFD8  }
0x23: {  	[tilespmem:s15], [sflag:$0x2] =	stream.linear.gather [hbm4b:s31+s3], $0x1400, $0x38;
	[tilespmem:$0x16900] =	vst v63  }
0x24: {  	_ =	swait.ge [sflag:s16], $0x1400  }
0x25: {  	[sflag:s16] =	ssyncset.done $0x0  }
0x26: {  	[sflag:s16] =	ssyncadd.s32 $0xFFFFEC00  }
0x27: {  	[spmem:s2] =	stream.indirect.scatter.add.f32 [tilespmem:s13], [sflag:$0x3], $0x80, s3, s17, $0xb8;
	[tilespmem:$0x16900] =	vst v63  }
0x28: {  	_ =	swait.ge [sflag:s18], $0x1400  }
0x29: {  	[sflag:s18] =	ssyncset.done $0x0  }
0x2a: {  	[sflag:s18] =	ssyncadd.s32 $0xFFFFEC00  }
0x2b: {  	[spmem:s2] =	stream.indirect.scatter.add.f32 [tilespmem:s15], [sflag:$0x4], $0x80, s14, s17, $0xb8;
	[tilespmem:$0x16900] =	vst v63  }
0x2c: {  	_ =	swait.ge [sflag:s19], $0x1400  }
0x2d: {  	[sflag:s19] =	ssyncset.done $0x0  }
0x2e: {  	[sflag:s19] =	ssyncadd.s32 $0xFFFFEC00  }
0x2f: {  	s23 =	simm.s32 $0xA;
	_ =	swait.ge [sflag:s20], $0x1400  }
0x30: {  	s24 =	simm.s32 $0x14;
	s22 =	sadd.s32 $0x500, s8;
	[sflag:s20] =	ssyncset.done $0x0  }
.LBB2_2:
0x31: {  	s25 =	sadd.s32 s23, s9  }
0x32: {  	[sflag:s20] =	ssyncadd.s32 $0xFFFFEC00;
	s26 =	smov.u32 s24;
	s28 =	sadd.s32 $0xA, s24  }
0x33: {  	[tilespmem:s3], [sflag:$0x5] =	stream.linear.gather [hbm4b:s25+s3], $0x28, $0x38;
	[tilespmem:$0x16900] =	vst v63  }
0x34: {  	p0 =	sne.s32 s24, $0x4D8;
	_ =	swait.ge [sflag:s12], $0x28  }
0x35: {  	[sflag:s12] =	ssyncset.done $0x0  }
0x36: {  	[sflag:s12] =	ssyncadd.s32 $0xFFFFFFD8  }
0x37: {  	[tilespmem:s13], [sflag:$0x1] =	stream.linear.gather [hbm4b:s22+s3], $0x1400, $0x38;
	[tilespmem:$0x16900] =	vst v63  }
0x38: {  	s24 =	sadd.s32 s23, s10;
	s23 =	smov.u32 s26  }
0x39: {  	[tilespmem:s14], [sflag:$0x5] =	stream.linear.gather [hbm4b:s24+s3], $0x28, $0x38;
	[tilespmem:$0x16900] =	vst v63  }
0x3a: {  	_ =	swait.ge [sflag:s12], $0x28  }
0x3b: {  	[sflag:s12] =	ssyncset.done $0x0  }
0x3c: {  	s24 =	sadd.s32 $0x280, s22;
	[sflag:s12] =	ssyncadd.s32 $0xFFFFFFD8  }
0x3d: {  	[tilespmem:s15], [sflag:$0x2] =	stream.linear.gather [hbm4b:s24+s3], $0x1400, $0x38;
	[tilespmem:$0x16900] =	vst v63  }
0x3e: {  	_ =	swait.ge [sflag:s16], $0x1400  }
0x3f: {  	[sflag:s16] =	ssyncset.done $0x0  }
0x40: {  	[sflag:s16] =	ssyncadd.s32 $0xFFFFEC00  }
0x41: {  	[spmem:s2] =	stream.indirect.scatter.add.f32 [tilespmem:s13], [sflag:$0x3], $0x80, s3, s17, $0xb8;
	[tilespmem:$0x16900] =	vst v63  }
0x42: {  	_ =	swait.ge [sflag:s18], $0x1400  }
0x43: {  	[sflag:s18] =	ssyncset.done $0x0  }
0x44: {  	[sflag:s18] =	ssyncadd.s32 $0xFFFFEC00  }
0x45: {  	[spmem:s2] =	stream.indirect.scatter.add.f32 [tilespmem:s15], [sflag:$0x4], $0x80, s14, s17, $0xb8;
	[tilespmem:$0x16900] =	vst v63  }
.Ltmp0:
0x46: {  	_ =	swait.ge [sflag:s19], $0x1400;
	(pc) =	sbr.rel @p0 .LBB2_2-.Ltmp0, $4  }
0x47: {  	[sflag:s19] =	ssyncset.done $0x0  }
0x48: {  	[sflag:s19] =	ssyncadd.s32 $0xFFFFEC00  }
0x49: {  	_ =	swait.ge [sflag:s20], $0x1400  }
0x4a: {  	s22 =	sadd.s32 $0x500, s22;
	s24 =	smov.u32 s28;
	[sflag:s20] =	ssyncset.done $0x0  }
0x4b: {  	s24 =	sadd.s32 s23, s9;
	[sflag:s20] =	ssyncadd.s32 $0xFFFFEC00  }
0x4c: {  	[tilespmem:s3], [sflag:$0x5] =	stream.linear.gather [hbm4b:s24+s3], $0x28, $0x38;
	[tilespmem:$0x16900] =	vst v63  }
0x4d: {  	_ =	swait.ge [sflag:s12], $0x28  }
0x4e: {  	[sflag:s12] =	ssyncset.done $0x0  }
0x4f: {  	[sflag:s12] =	ssyncadd.s32 $0xFFFFFFD8  }
0x50: {  	[tilespmem:s13], [sflag:$0x1] =	stream.linear.gather [hbm4b:s22+s3], $0x1400, $0x38;
	[tilespmem:$0x16900] =	vst v63  }
0x51: {  	s30 =	sadd.s32 s23, s10  }
0x52: {  	[tilespmem:s14], [sflag:$0x5] =	stream.linear.gather [hbm4b:s30+s3], $0x28, $0x38;
	[tilespmem:$0x16900] =	vst v63  }
0x53: {  	_ =	swait.ge [sflag:s12], $0x28  }
0x54: {  	[sflag:s12] =	ssyncset.done $0x0  }
0x55: {  	s31 =	sadd.s32 $0x280, s22;
	[sflag:s12] =	ssyncadd.s32 $0xFFFFFFD8  }
0x56: {  	[tilespmem:s15], [sflag:$0x2] =	stream.linear.gather [hbm4b:s31+s3], $0x1400, $0x38;
	[tilespmem:$0x16900] =	vst v63  }
0x57: {  	_ =	swait.ge [sflag:s16], $0x1400  }
0x58: {  	[sflag:s16] =	ssyncset.done $0x0  }
0x59: {  	[sflag:s16] =	ssyncadd.s32 $0xFFFFEC00  }
0x5a: {  	[spmem:s2] =	stream.indirect.scatter.add.f32 [tilespmem:s13], [sflag:$0x3], $0x80, s3, s17, $0xb8;
	[tilespmem:$0x16900] =	vst v63  }
0x5b: {  	_ =	swait.ge [sflag:s18], $0x1400  }
0x5c: {  	[sflag:s18] =	ssyncset.done $0x0  }
0x5d: {  	[sflag:s18] =	ssyncadd.s32 $0xFFFFEC00  }
0x5e: {  	[spmem:s2] =	stream.indirect.scatter.add.f32 [tilespmem:s15], [sflag:$0x4], $0x80, s14, s17, $0xb8;
	[tilespmem:$0x16900] =	vst v63  }
0x5f: {  	_ =	swait.ge [sflag:s19], $0x1400  }
0x60: {  	[sflag:s19] =	ssyncset.done $0x0  }
0x61: {  	[sflag:s19] =	ssyncadd.s32 $0xFFFFEC00  }
0x62: {  	_ =	swait.ge [sflag:s20], $0x1400  }
0x63: {  	s21 =	sadd.s32 $0x1, s21;
	[sflag:s20] =	ssyncset.done $0x0  }
0x64: {  	p0 =	sne.s32 s21, s7;
	[sflag:s20] =	ssyncadd.s32 $0xFFFFEC00  }
.Ltmp1:
0x65: {  	[bflag:$0x0] =	sbarrier.arrive $0xFFFF;
	(pc) =	sbr.rel @p0 .LBB2_1-.Ltmp1, $4  }
0x66: {  	[hbm:s6], [sflag:s5] =	dma.local [spmem:s11], $0x2800  }
0x67: {  	_ =	swait.ge [sflag:s12], $0x2800  }
0x68: {  	[sflag:s12] =	ssyncset.done $0x0  }
0x69: {  	[sflag:s12] =	ssyncadd.s32 $0xFFFFD800  }
0x6a: {  	_ =	sfence.sel $0x180000  }
0x6b: {  	[bflag:$0x0] =	sbarrier.arrive $0xFFFF  }
0x6c: {  	p0 =	sne.s32 s1, $0x0;
	_ =	strace $0x90000050  }
0x6d: {  	s0 =	sadd.s32 @!p0 $0x100000, s0;
	[bflag:$0x2] =	sbarrier.arrive $0xFFFF  }
0x6e: {  	[sflag:s0] =	ssyncadd.tile.s32 @!p0 $0x1;
	_ =	shalt  }
.Lfunc_end2:
_tile_overlayer_lowered:
.L_overlay_start_2:
0x6f: {  	(tag) =	ssettag $0x2  }
0x70: {  	s0 =	rddreg [dreg:$0x0];
	s2 =	stileid.u32  }
0x71: {  	s1 =	rddreg [dreg:$0x1];
	p0 =	sne.s32 s2, $0x0  }
0x72: {  	s3 =	rddreg [dreg:$0x2];
	[bflag:$0x3] =	sbarrier.arrive $0xFFFF;
	s2 =	simm.s32 @!p0 $0x1C05  }
0x73: {  	[timem:s3], [sflag:s2] =	dma.local @!p0 [hbm:s0], s1  }
0x74: {  	s0 =	simm.s32 @!p0 $0x5  }
0x75: {  	_ =	swait.ge @!p0 [sflag:s0], s1  }
0x76: {  	s1 =	ssub.s32 @!p0 $0x0, s1;
	[sflag:s0] =	ssyncset.done @!p0 $0x0  }
0x77: {  	[sflag:s0] =	ssyncadd.s32 @!p0 s1  }
0x78: {  	[bflag:$0x3] =	sbarrier.arrive $0xFFFF  }
0x79: {  	_ =	shalt  }

// kernel: kernel.41.cloned.1.call-start
scs
__scs_entry_jumppad:
0x0: {  	(pc) =	sbr.rel $0x88, $3  }
0x1: {  	(tag) =	ssettag $0x0;
	lr =	simm.s32 $0x1  }
0x2: {  	[smem:$0x3F62] =	sst lr;
	_ =	strace $0xD0000000  }
0x3: {  	_ = 	snop  }
0x4: {  	_ = 	snop  }
0x5: {  	_ = 	snop  }
0x6: {  	_ = 	snop  }
0x7: {  	_ = 	snop  }
__scs_overlays_trampoline_lowered:
0x8: {  	[smem:$0x3F71] =	sst s0  }
0x9: {  	[smem:$0x3F72] =	sst s1  }
0xa: {  	[smem:$0x3F73] =	sst s2  }
0xb: {  	[smem:$0x3F74] =	sst s3  }
0xc: {  	[smem:$0x3F75] =	sst s4  }
0xd: {  	[smem:$0x3F76] =	sst s5  }
0xe: {  	[smem:$0x3F77] =	sst s6  }
0xf: {  	[smem:$0x3F78] =	sst s7  }
0x10: {  	[smem:$0x3F79] =	sst s8  }
0x11: {  	[smem:$0x3F7A] =	sst s9;
	s0 =	simm.s32 @!p0 $0x0  }
0x12: {  	s1 =	sld [smem:$0x3F60];
	s0 =	simm.s32 @p0 $0x1  }
0x13: {  	[smem:$0x3F7B] =	sst s0;
	s0 =	simm.s32 @!p1 $0x0  }
0x14: {  	s2 =	sld [smem:$0x3F5F];
	s0 =	simm.s32 @p1 $0x1  }
0x15: {  	[smem:$0x3F7C] =	sst s0;
	s0 =	simm.s32 @!p2 $0x0  }
0x16: {  	s3 =	sld [smem:$0x3FDB];
	s0 =	simm.s32 @p2 $0x1  }
0x17: {  	s4 =	simm.s32 $0x1BF5;
	[smem:$0x3F7E] =	sst s0  }
0x18: {  	s0 =	sld [smem:$0x3F61];
	_ =	swait.ge [sflag:s4], $0x0  }
0x19: {  	s7 =	sld [smem:$0x3F62]  }
0x1a: {  	s8 =	sadd.s32 $0xFFFFE003, lr  }
0x1b: {  	s9 =	sadd.s32 $0xFFFFFEF7, lr;
	s5 =	simm.s32 $0xFFFFFFFF;
	p2 =	slt.u32 s8, $0xFFFFF086  }
0x1c: {  	p1 =	slt.u32 s9, $0xF7A;
	s5 =	simm.s32 @!p2 $0x0  }
0x1d: {  	s5 =	simm.s32 @p1 $0x1;
	p0 =	seq.s32 s7, s2  }
0x1e: {  	s7 =	smul.u32 @!p0 $0xF7A, s2;
	p2 =	seq.s32 @!p0 s5, $0x0  }
0x1f: {  	s9 =	smul.u32 $0xF7A, s1;
	s8 =	simm.s32 @!p0 $0x1BF5;
	p2 =	por !p2, p0  }
0x20: {  	[sflag:s8] =	ssyncset.s32 @!p0 $0xFFFFF086;
	s6 =	sadd.s32 @!p0 s3, s7;
	s7 =	simm.s32 @!p0 $0x108  }
0x21: {  	s3 =	sadd.s32 s3, s9;
	s6 =	sadd.s32 @!p0 $0x88, s6;
	s7 =	simm.s32 @p2 $0x1082  }
0x22: {  	[simem:s7], [sflag:s8] =	dma.local @!p0 [hbm:s6], $0xF7A  }
0x23: {  	s9 =	sor.u32 $0xD0000000, s2;
	s6 =	simm.s32 $0x108;
	_ =	swait.ge @!p0 [sflag:s8], $0x0  }
0x24: {  	s3 =	sadd.s32 $0x88, s3;
	s6 =	simm.s32 @!p1 $0x1082;
	[sflag:s4] =	ssyncset.s32 $0xFFFFF086  }
0x25: {  	[simem:s6], [sflag:s4] =	dma.local [hbm:s3], $0xF7A  }
0x26: {  	[smem:$0x3F62] =	sst s1;
	(tag) =	ssettag s2;
	_ =	strace s9  }
0x27: {  	s1 =	sld [smem:$0x3F72]  }
0x28: {  	s2 =	sld [smem:$0x3F73]  }
0x29: {  	s4 =	sld [smem:$0x3F75]  }
0x2a: {  	p0 =	seq.s32 s5, $0x0;
	s5 =	sld [smem:$0x3F76]  }
0x2b: {  	s6 =	sld [smem:$0x3F77]  }
0x2c: {  	s7 =	sld [smem:$0x3F78]  }
0x2d: {  	s3 =	simm.s32 $0x108;
	s8 =	sld [smem:$0x3F79]  }
0x2e: {  	s3 =	simm.s32 @!p0 $0x1082;
	s9 =	sld [smem:$0x3F7A]  }
0x2f: {  	lr =	sadd.s32 s0, s3;
	s0 =	sld [smem:$0x3F71]  }
0x30: {  	s3 =	sld [smem:$0x3F74]  }
0x31: {  	[smem:$0x3F7D] =	sst s10  }
0x32: {  	s10 =	sld [smem:$0x3F7B];
	_ =	sdelay $0x3  }
0x33: {  	p0 =	seq.s32 s10, $0x1;
	s10 =	sld [smem:$0x3F7D];
	_ =	sdelay $0x3  }
0x34: {  	[smem:$0x3F7D] =	sst s10  }
0x35: {  	s10 =	sld [smem:$0x3F7C];
	_ =	sdelay $0x3  }
0x36: {  	p1 =	seq.s32 s10, $0x1;
	s10 =	sld [smem:$0x3F7D];
	_ =	sdelay $0x3  }
0x37: {  	[smem:$0x3F7D] =	sst s10  }
0x38: {  	s10 =	sld [smem:$0x3F7E]  }
0x39: {  	_ = 	snop;
	(pc) =	sbr.ind lr, $3  }
0x3a: {  	_ = 	snop  }
0x3b: {  	_ = 	snop  }
0x3c: {  	p2 =	seq.s32 s10, $0x1;
	s10 =	sld [smem:$0x3F7D]  }
0x3d: {  	_ =	shalt  }
0x3e: {  	_ =	shalt  }
0x3f: {  	_ =	shalt  }
0x40: {  	_ =	shalt  }
0x41: {  	_ =	shalt  }
0x42: {  	_ =	shalt  }
0x43: {  	_ =	shalt  }
0x44: {  	_ =	shalt  }
0x45: {  	_ =	shalt  }
0x46: {  	_ =	shalt  }
0x47: {  	_ =	shalt  }
0x48: {  	_ =	shalt  }
0x49: {  	_ =	shalt  }
0x4a: {  	_ =	shalt  }
0x4b: {  	_ =	shalt  }
0x4c: {  	_ =	shalt  }
0x4d: {  	_ =	shalt  }
0x4e: {  	_ =	shalt  }
0x4f: {  	_ =	shalt  }
0x50: {  	_ =	shalt  }
0x51: {  	_ =	shalt  }
0x52: {  	_ =	shalt  }
0x53: {  	_ =	shalt  }
0x54: {  	_ =	shalt  }
0x55: {  	_ =	shalt  }
0x56: {  	_ =	shalt  }
0x57: {  	_ =	shalt  }
0x58: {  	_ =	shalt  }
0x59: {  	_ =	shalt  }
0x5a: {  	_ =	shalt  }
0x5b: {  	_ =	shalt  }
0x5c: {  	_ =	shalt  }
0x5d: {  	_ =	shalt  }
0x5e: {  	_ =	shalt  }
0x5f: {  	_ =	shalt  }
0x60: {  	_ =	shalt  }
0x61: {  	_ =	shalt  }
0x62: {  	_ =	shalt  }
0x63: {  	_ =	shalt  }
0x64: {  	_ =	shalt  }
0x65: {  	_ =	shalt  }
0x66: {  	_ =	shalt  }
0x67: {  	_ =	shalt  }
0x68: {  	_ =	shalt  }
0x69: {  	_ =	shalt  }
0x6a: {  	_ =	shalt  }
0x6b: {  	_ =	shalt  }
0x6c: {  	_ =	shalt  }
0x6d: {  	_ =	shalt  }
0x6e: {  	_ =	shalt  }
0x6f: {  	_ =	shalt  }
0x70: {  	_ =	shalt  }
0x71: {  	_ =	shalt  }
0x72: {  	_ =	shalt  }
0x73: {  	_ =	shalt  }
0x74: {  	_ =	shalt  }
0x75: {  	_ =	shalt  }
0x76: {  	_ =	shalt  }
0x77: {  	_ =	shalt  }
0x78: {  	_ =	shalt  }
0x79: {  	_ =	shalt  }
0x7a: {  	_ =	shalt  }
0x7b: {  	_ =	shalt  }
0x7c: {  	_ =	shalt  }
0x7d: {  	_ =	shalt  }
0x7e: {  	_ =	shalt  }
0x7f: {  	_ =	shalt  }
0x80: {  	_ =	shalt  }
0x81: {  	_ =	shalt  }
0x82: {  	_ =	shalt  }
0x83: {  	_ =	shalt  }
0x84: {  	_ =	shalt  }
0x85: {  	_ =	shalt  }
0x86: {  	_ =	shalt  }
0x87: {  	_ =	shalt  }
.Lfunc_end0:
.L_simem_size_0:
called_computation.4_lowered:
.L_overlay_start_0:
0x88: {  	s2 =	sld [smem:$0x3FD9]  }
0x89: {  	s3 =	sld [smem:$0x3FFE];
	_ =	sdelay $0x1  }
0x8a: {  	s1 =	srdreg.scid  }
0x8b: {  	s0 =	sand.u32 $0x1, s1  }
0x8c: {  	s16 =	sshll.u32 s0, $0xA;
	s2 =	sadd.s32 s3, s2  }
0x8d: {  	s2 =	sadd.s32 s2, s16  }
0x8e: {  	[smem:$0x3F89] =	sst s2  }
0x8f: {  	_ = 	snop  }
0x90: {  	(tm) =	ssettm $0x1  }
0x91: {  	s17 =	sld [smem:$0x3FFB];
	_ =	sdelay $0x3  }
0x92: {  	_ =	strace s17  }
0x93: {  	s2 =	sld [smem:$0x3FFC];
	_ =	sdelay $0x3  }
0x94: {  	_ =	strace s2  }
0x95: {  	s2 =	sld [smem:$0x3FFD];
	_ =	sdelay $0x3  }
0x96: {  	_ =	strace s2  }
0x97: {  	_ =	strace $0x8FFFFFFF  }
0x98: {  	s18 =	sld [smem:$0x3FDB];
	_ =	sdelay $0x1  }
0x99: {  	s19 =	simm.s32 $_scs_section_size  }
0x9a: {  	s4 =	simm.s32 $_size__tile_overlayer_lowered;
	s5 =	simm.s32 $_tile_overlayer_lowered  }
0x9b: {  	s22 =	simm.s32 $0x1BFF;
	s21 =	sshll.u32 s5, $0x1;
	s2 =	sadd.s32 s19, s18  }
0x9c: {  	s6 =	simm.s32 $0x0;
	s20 =	sshll.u32 s4, $0x1;
	s4 =	sadd.s32 s21, s2  }
0x9d: {  	[timem:s6], [sflag:s22] =	dma.local [hbm:s4], s20  }
0x9e: {  	_ =	swait.ge [sflag:s22], s20  }
0x9f: {  	s3 =	ssub.s32 $0x0, s20;
	[sflag:s22] =	ssyncset.done $0x0  }
0xa0: {  	[sflag:s22] =	ssyncadd.s32 s3;
	_ =	sdelay $0x1  }
0xa1: {  	s23 =	simm.s32 $0x1B8B  }
0xa2: {  	_ =	swait.ge [sflag:s23], $0x1  }
0xa3: {  	[sflag:s23] =	ssyncset.done $0x0  }
0xa4: {  	s25 =	simm.s32 $0x1B8E;
	s24 =	sld [smem:$0x3FFE];
	[sflag:s23] =	ssyncadd.s32 $0xFFFFFFFF  }
0xa5: {  	s26 =	simm.s32 $execute0_lowered;
	[smem:$0x3FD2] =	sst s25  }
0xa6: {  	s4 =	sshll.u32 s26, $0x1;
	_ =	strace $0x80000052;
	[dreg:$0x1] =	wrdreg $0xFFFFFFFF  }
0xa7: {  	s28 =	simm.s32 $_size_execute0_lowered;
	s2 =	sadd.s32 s2, s4;
	[dreg:$0x0] =	wrdreg $0x0  }
0xa8: {  	s4 =	sshll.u32 s28, $0x1;
	[dreg:$0x2] =	wrdreg s2  }
0xa9: {  	[dreg:$0x3] =	wrdreg s4  }
0xaa: {  	[dreg:$0x4] =	wrdreg $0xC0  }
0xab: {  	_ =	task [dreg:s6], $0x5FFFF  }
0xac: {  	[dreg:$0x1] =	wrdreg $0xFFFFFFFF  }
0xad: {  	[dreg:$0x0] =	wrdreg $0x60  }
0xae: {  	[dreg:$0x2] =	wrdreg s24  }
0xaf: {  	[dreg:$0x3] =	wrdreg $0x9  }
0xb0: {  	_ =	task.clear_ibuf [dreg:s6], $0x4FFFF;
	_ =	strace $0x90000052  }
0xb1: {  	s29 =	simm.s32 $0x9;
	_ =	strace $0x80000054  }
0xb2: {  	_ =	swait.ge [sflag:s29], $0x1  }
0xb3: {  	[sflag:s29] =	ssyncadd.s32 $0xFFFFFFFF  }
0xb4: {  	_ =	strace $0x90000054  }
0xb5: {  	_ =	sfence  }
0xb6: {  	s30 =	sld [smem:$0x0];
	_ =	sdelay $0x2  }
0xb7: {  	s31 =	sshll.u32 s1, $0xD;
	s1 =	sshrl.u32 s1, $0x2  }
0xb8: {  	s3 =	sand.u32 $0x4000, s31;
	s1 =	sadd.s32 s1, s30  }
0xb9: {  	s0 =	sor.u32 s3, s0;
	s1 =	sshll.u32 s1, $0x11  }
0xba: {  	s0 =	sor.u32 s1, s0  }
0xbb: {  	s0 =	sadd.s32 $0x8F2B, s0  }
0xbc: {  	[sflag:s0] =	ssyncadd.remote.s32 $0x1  }
0xbd: {  	_ =	sfence.sel $0xFFFF  }
0xbe: {  	[dreg:$0x0] =	wrdreg $0xFFFFFFFF;
	(pc) =	sbr.abs _section_cstart, $3  }
0xbf: {  	[dreg:$0x1] =	wrdreg $0xFFFFFFFF  }
0xc0: {  	_ =	task.clear_ibuf [dreg:s6], $0x2FFFF;
	_ =	strace $0x9FFFFFFF  }
0xc1: {  	(tm) =	ssettm $0x7FFFFFFF  }
tec
execute0_lowered:
.L_overlay_start_1:
0x0: {  	(tag) =	ssettag $0x1  }
0x1: {  	s0 =	rddreg [dreg:$0x0]  }
0x2: {  	s2 =	simm.s32 $0x0;
	s5 =	stileid.u32;
	s1 =	srdreg.scid  }
0x3: {  	s12 =	simm.s32 $0x100;
	s13 =	simm.s32 $0x180;
	s14 =	simm.s32 $0x28  }
0x4: {  	s15 =	simm.s32 $0x200;
	s16 =	simm.s32 $0x1600;
	s17 =	simm.s32 $0x2A00  }
0x5: {  	s18 =	simm.s32 $0x3E00;
	s19 =	simm.s32 $0x1;
	s20 =	simm.s32 $0x2  }
0x6: {  	s21 =	simm.s32 $0x3;
	s22 =	simm.s32 $0x4;
	s23 =	simm.s32 $0x5  }
0x7: {  	s24 =	simm.s32 $0x6;
	s28 =	simm.s32 $0x0;
	[smem:$0x7FF] =	sst s2  }
0x8: {  	s3 =	sadd.s32 $0x5F7800, s0;
	s6 =	smul.u32 $0x4E200, s5;
	s1 =	sand.u32 $0x1, s1  }
0x9: {  	s4 =	sadd.s32 $0x61EA00, s0;
	s8 =	sadd.s32 $0x12A00, s0;
	s9 =	smul.u32 $0x4E20, s5  }
0xa: {  	_ =	strace $0x80000053;
	s7 =	smul.u32 $0x27100, s1;
	s25 =	ssub.s32 $0x2, s1  }
0xb: {  	[dreg:$0x4] =	wrdreg s8;
	s1 =	smul.u32 $0x2710, s1;
	s11 =	sshrl.u32 s25, $0x1  }
0xc: {  	s10 =	sadd.s32 s6, s0;
	s6 =	sadd.s32 $0x1C800, s0;
	s26 =	ssub.s32 s25, s11  }
0xd: {  	s29 =	sadd.s32 s7, s10;
	s1 =	sadd.s32 s1, s9;
	s10 =	simm.s32 $0x9  }
0xe: {  	s11 =	simm.s32 $0x80;
	s25 =	simm.s32 $0x7;
	s0 =	smax.u32 s26, $0x1  }
0xf: {  	s30 =	sadd.s32 $0x14C1200, s29;
	s31 =	sadd.s32 $0x26600, s29;
	[dreg:$0x5] =	wrdreg s0  }
0x10: {  	s9 =	sadd.s32 $0x28, s1;
	s8 =	sshrl.u32 s1, $0x3;
	[dreg:$0x2] =	wrdreg s30  }
0x11: {  	s26 =	simm.s32 $0x8;
	[dreg:$0x3] =	wrdreg s31;
	s9 =	sshrl.u32 s9, $0x3  }
.LBB2_1:
0x12: {  	s5 =	rddreg [dreg:$0x4]  }
0x13: {  	s0 =	sadd.s32 s5, s8  }
0x14: {  	[tilespmem:s2], [sflag:$0x9] =	stream.linear.gather [hbm4b:s0+s2], $0x28, $0x38;
	[tilespmem:$0x5200] =	vst v63  }
0x15: {  	_ =	swait.ge [sflag:s10], $0x28  }
0x16: {  	[sflag:s10] =	ssyncset.done $0x0  }
0x17: {  	s1 =	sadd.s32 s6, s8;
	[sflag:s10] =	ssyncadd.s32 $0xFFFFFFD8  }
0x18: {  	[tilespmem:s11], [sflag:$0x9] =	stream.linear.gather [hbm4b:s1+s2], $0x28, $0x38;
	[tilespmem:$0x5200] =	vst v63  }
0x19: {  	_ =	swait.ge [sflag:s10], $0x28  }
0x1a: {  	[sflag:s10] =	ssyncset.done $0x0  }
0x1b: {  	s7 =	sadd.s32 s5, s9;
	[sflag:s10] =	ssyncadd.s32 $0xFFFFFFD8  }
0x1c: {  	[tilespmem:s12], [sflag:$0x9] =	stream.linear.gather [hbm4b:s7+s2], $0x28, $0x38;
	[tilespmem:$0x5200] =	vst v63  }
0x1d: {  	_ =	swait.ge [sflag:s10], $0x28  }
0x1e: {  	[sflag:s10] =	ssyncset.done $0x0  }
0x1f: {  	s1 =	sadd.s32 s6, s9;
	[sflag:s10] =	ssyncadd.s32 $0xFFFFFFD8  }
0x20: {  	[tilespmem:s13], [sflag:$0x9] =	stream.linear.gather [hbm4b:s1+s2], $0x28, $0x38;
	[tilespmem:$0x5200] =	vst v63  }
0x21: {  	_ =	swait.ge [sflag:s10], $0x28  }
0x22: {  	[sflag:s10] =	ssyncset.done $0x0  }
0x23: {  	[sflag:s10] =	ssyncadd.s32 $0xFFFFFFD8  }
0x24: {  	[tilespmem:s15], [sflag:$0x1] =	stream.indirect.gather [hbm4b:s3+s14], $0x80, s2, s14, $0xb8;
	[tilespmem:$0x5200] =	vst v63  }
0x25: {  	_ = 	snop  }
0x26: {  	[tilespmem:s16], [sflag:$0x2] =	stream.indirect.gather [hbm4b:s4+s14], $0x80, s11, s14, $0xb8;
	[tilespmem:$0x5200] =	vst v63  }
0x27: {  	_ = 	snop  }
0x28: {  	[tilespmem:s17], [sflag:$0x3] =	stream.indirect.gather [hbm4b:s3+s14], $0x80, s12, s14, $0xb8;
	[tilespmem:$0x5200] =	vst v63  }
0x29: {  	_ = 	snop  }
0x2a: {  	[tilespmem:s18], [sflag:$0x4] =	stream.indirect.gather [hbm4b:s4+s14], $0x80, s13, s14, $0xb8;
	[tilespmem:$0x5200] =	vst v63  }
0x2b: {  	_ =	swait.ge [sflag:s19], $0x1400  }
0x2c: {  	[sflag:s19] =	ssyncset.done $0x0  }
0x2d: {  	[sflag:s19] =	ssyncadd.s32 $0xFFFFEC00  }
0x2e: {  	_ =	swait.ge [sflag:s20], $0x1400  }
0x2f: {  	s7 =	rddreg [dreg:$0x2];
	[sflag:s20] =	ssyncset.done $0x0  }
0x30: {  	s1 =	rddreg [dreg:$0x3];
	[sflag:s20] =	ssyncadd.s32 $0xFFFFEC00;
	s0 =	sadd.s32 $0x0, s7  }
0x31: {  	[hbm4b:s0+s2] =	stream.linear.scatter [tilespmem:s15], [sflag:$0x5], $0x1400, $0x38;
	[tilespmem:$0x5200] =	vst v63  }
0x32: {  	s1 =	sadd.s32 $0x0, s1  }
0x33: {  	[hbm4b:s1+s2] =	stream.linear.scatter [tilespmem:s16], [sflag:$0x6], $0x1400, $0x38;
	[tilespmem:$0x5200] =	vst v63  }
0x34: {  	_ =	swait.ge [sflag:s21], $0x1400  }
0x35: {  	[sflag:s21] =	ssyncset.done $0x0  }
0x36: {  	[sflag:s21] =	ssyncadd.s32 $0xFFFFEC00  }
0x37: {  	_ =	swait.ge [sflag:s22], $0x1400  }
0x38: {  	[sflag:s22] =	ssyncset.done $0x0  }
0x39: {  	s0 =	sadd.s32 $0x280, s0;
	[sflag:s22] =	ssyncadd.s32 $0xFFFFEC00  }
0x3a: {  	[hbm4b:s0+s2] =	stream.linear.scatter [tilespmem:s17], [sflag:$0x7], $0x1400, $0x38;
	[tilespmem:$0x5200] =	vst v63  }
0x3b: {  	s7 =	sadd.s32 $0x280, s1  }
0x3c: {  	[hbm4b:s7+s2] =	stream.linear.scatter [tilespmem:s18], [sflag:$0x8], $0x1400, $0x38;
	[tilespmem:$0x5200] =	vst v63  }
0x3d: {  	_ =	swait.ge [sflag:s23], $0x1400  }
0x3e: {  	[sflag:s23] =	ssyncset.done $0x0  }
0x3f: {  	[sflag:s23] =	ssyncadd.s32 $0xFFFFEC00  }
0x40: {  	_ =	swait.ge [sflag:s24], $0x1400  }
0x41: {  	[sflag:s24] =	ssyncset.done $0x0  }
0x42: {  	[sflag:s24] =	ssyncadd.s32 $0xFFFFEC00  }
0x43: {  	_ =	swait.ge [sflag:s25], $0x1400  }
0x44: {  	[sflag:s25] =	ssyncset.done $0x0  }
0x45: {  	[sflag:s25] =	ssyncadd.s32 $0xFFFFEC00  }
0x46: {  	s29 =	simm.s32 $0x500;
	s31 =	smov.u32 s6;
	_ =	swait.ge [sflag:s26], $0x1400  }
0x47: {  	s30 =	sadd.s32 $0xA, s5;
	s0 =	simm.s32 $0xA00;
	[sflag:s26] =	ssyncset.done $0x0  }
.LBB2_2:
0x48: {  	s7 =	sadd.s32 s30, s8;
	[sflag:s26] =	ssyncadd.s32 $0xFFFFEC00  }
0x49: {  	[tilespmem:s2], [sflag:$0x9] =	stream.linear.gather [hbm4b:s7+s2], $0x28, $0x38;
	[tilespmem:$0x5200] =	vst v63  }
0x4a: {  	_ =	swait.ge [sflag:s10], $0x28  }
0x4b: {  	s31 =	sadd.s32 $0xA, s31;
	[sflag:s10] =	ssyncset.done $0x0  }
0x4c: {  	s5 =	sadd.s32 s31, s8;
	[sflag:s10] =	ssyncadd.s32 $0xFFFFFFD8  }
0x4d: {  	[tilespmem:s11], [sflag:$0x9] =	stream.linear.gather [hbm4b:s5+s2], $0x28, $0x38;
	[tilespmem:$0x5200] =	vst v63  }
0x4e: {  	_ =	swait.ge [sflag:s10], $0x28  }
0x4f: {  	[sflag:s10] =	ssyncset.done $0x0  }
0x50: {  	s5 =	sadd.s32 s30, s9;
	[sflag:s10] =	ssyncadd.s32 $0xFFFFFFD8  }
0x51: {  	[tilespmem:s12], [sflag:$0x9] =	stream.linear.gather [hbm4b:s5+s2], $0x28, $0x38;
	[tilespmem:$0x5200] =	vst v63  }
0x52: {  	_ =	swait.ge [sflag:s10], $0x28  }
0x53: {  	[sflag:s10] =	ssyncset.done $0x0  }
0x54: {  	s5 =	sadd.s32 s31, s9;
	[sflag:s10] =	ssyncadd.s32 $0xFFFFFFD8  }
0x55: {  	[tilespmem:s13], [sflag:$0x9] =	stream.linear.gather [hbm4b:s5+s2], $0x28, $0x38;
	[tilespmem:$0x5200] =	vst v63  }
0x56: {  	_ =	swait.ge [sflag:s10], $0x28  }
0x57: {  	[sflag:s10] =	ssyncset.done $0x0  }
0x58: {  	[sflag:s10] =	ssyncadd.s32 $0xFFFFFFD8  }
0x59: {  	[tilespmem:s15], [sflag:$0x1] =	stream.indirect.gather [hbm4b:s3+s14], $0x80, s2, s14, $0xb8;
	[tilespmem:$0x5200] =	vst v63  }
0x5a: {  	_ = 	snop  }
0x5b: {  	[tilespmem:s16], [sflag:$0x2] =	stream.indirect.gather [hbm4b:s4+s14], $0x80, s11, s14, $0xb8;
	[tilespmem:$0x5200] =	vst v63  }
0x5c: {  	_ = 	snop  }
0x5d: {  	[tilespmem:s17], [sflag:$0x3] =	stream.indirect.gather [hbm4b:s3+s14], $0x80, s12, s14, $0xb8;
	[tilespmem:$0x5200] =	vst v63  }
0x5e: {  	_ = 	snop  }
0x5f: {  	[tilespmem:s18], [sflag:$0x4] =	stream.indirect.gather [hbm4b:s4+s14], $0x80, s13, s14, $0xb8;
	[tilespmem:$0x5200] =	vst v63  }
0x60: {  	_ =	swait.ge [sflag:s19], $0x1400  }
0x61: {  	[sflag:s19] =	ssyncset.done $0x0  }
0x62: {  	[sflag:s19] =	ssyncadd.s32 $0xFFFFEC00  }
0x63: {  	_ =	swait.ge [sflag:s20], $0x1400  }
0x64: {  	s7 =	rddreg [dreg:$0x2];
	[sflag:s20] =	ssyncset.done $0x0  }
0x65: {  	s5 =	rddreg [dreg:$0x3];
	[sflag:s20] =	ssyncadd.s32 $0xFFFFEC00;
	s7 =	sadd.s32 s29, s7  }
0x66: {  	[hbm4b:s7+s2] =	stream.linear.scatter [tilespmem:s15], [sflag:$0x5], $0x1400, $0x38;
	[tilespmem:$0x5200] =	vst v63  }
0x67: {  	s5 =	sadd.s32 s29, s5  }
0x68: {  	[hbm4b:s5+s2] =	stream.linear.scatter [tilespmem:s16], [sflag:$0x6], $0x1400, $0x38;
	[tilespmem:$0x5200] =	vst v63  }
0x69: {  	_ =	swait.ge [sflag:s21], $0x1400  }
0x6a: {  	[sflag:s21] =	ssyncset.done $0x0  }
0x6b: {  	[sflag:s21] =	ssyncadd.s32 $0xFFFFEC00  }
0x6c: {  	_ =	swait.ge [sflag:s22], $0x1400  }
0x6d: {  	[sflag:s22] =	ssyncset.done $0x0  }
0x6e: {  	s7 =	sadd.s32 $0x280, s7;
	[sflag:s22] =	ssyncadd.s32 $0xFFFFEC00  }
0x6f: {  	[hbm4b:s7+s2] =	stream.linear.scatter [tilespmem:s17], [sflag:$0x7], $0x1400, $0x38;
	[tilespmem:$0x5200] =	vst v63  }
0x70: {  	s7 =	sadd.s32 $0x280, s5  }
0x71: {  	[hbm4b:s7+s2] =	stream.linear.scatter [tilespmem:s18], [sflag:$0x8], $0x1400, $0x38;
	[tilespmem:$0x5200] =	vst v63  }
0x72: {  	_ =	swait.ge [sflag:s23], $0x1400  }
0x73: {  	[sflag:s23] =	ssyncset.done $0x0  }
0x74: {  	[sflag:s23] =	ssyncadd.s32 $0xFFFFEC00  }
0x75: {  	_ =	swait.ge [sflag:s24], $0x1400  }
0x76: {  	[sflag:s24] =	ssyncset.done $0x0  }
0x77: {  	p0 =	sne.s32 s0, $0x26C00;
	[sflag:s24] =	ssyncadd.s32 $0xFFFFEC00  }
.Ltmp0:
0x78: {  	_ =	swait.ge [sflag:s25], $0x1400;
	(pc) =	sbr.rel @p0 .LBB2_2-.Ltmp0, $4  }
0x79: {  	[sflag:s25] =	ssyncset.done $0x0  }
0x7a: {  	[sflag:s25] =	ssyncadd.s32 $0xFFFFEC00  }
0x7b: {  	s1 =	smov.u32 s0;
	s0 =	sadd.s32 $0x500, s0;
	_ =	swait.ge [sflag:s26], $0x1400  }
0x7c: {  	s30 =	sadd.s32 $0xA, s30;
	s29 =	smov.u32 s1;
	[sflag:s26] =	ssyncset.done $0x0  }
0x7d: {  	s0 =	sadd.s32 s30, s8;
	[sflag:s26] =	ssyncadd.s32 $0xFFFFEC00  }
0x7e: {  	[tilespmem:s2], [sflag:$0x9] =	stream.linear.gather [hbm4b:s0+s2], $0x28, $0x38;
	[tilespmem:$0x5200] =	vst v63  }
0x7f: {  	_ =	swait.ge [sflag:s10], $0x28  }
0x80: {  	s7 =	sadd.s32 $0xA, s31;
	[sflag:s10] =	ssyncset.done $0x0  }
0x81: {  	s1 =	sadd.s32 s7, s8;
	[sflag:s10] =	ssyncadd.s32 $0xFFFFFFD8  }
0x82: {  	[tilespmem:s11], [sflag:$0x9] =	stream.linear.gather [hbm4b:s1+s2], $0x28, $0x38;
	[tilespmem:$0x5200] =	vst v63  }
0x83: {  	_ =	swait.ge [sflag:s10], $0x28  }
0x84: {  	[sflag:s10] =	ssyncset.done $0x0  }
0x85: {  	s31 =	sadd.s32 s30, s9;
	[sflag:s10] =	ssyncadd.s32 $0xFFFFFFD8  }
0x86: {  	[tilespmem:s12], [sflag:$0x9] =	stream.linear.gather [hbm4b:s31+s2], $0x28, $0x38;
	[tilespmem:$0x5200] =	vst v63  }
0x87: {  	_ =	swait.ge [sflag:s10], $0x28  }
0x88: {  	[sflag:s10] =	ssyncset.done $0x0  }
0x89: {  	s0 =	sadd.s32 s7, s9;
	[sflag:s10] =	ssyncadd.s32 $0xFFFFFFD8  }
0x8a: {  	[tilespmem:s13], [sflag:$0x9] =	stream.linear.gather [hbm4b:s0+s2], $0x28, $0x38;
	[tilespmem:$0x5200] =	vst v63  }
0x8b: {  	_ =	swait.ge [sflag:s10], $0x28  }
0x8c: {  	[sflag:s10] =	ssyncset.done $0x0  }
0x8d: {  	[sflag:s10] =	ssyncadd.s32 $0xFFFFFFD8  }
0x8e: {  	[tilespmem:s15], [sflag:$0x1] =	stream.indirect.gather [hbm4b:s3+s14], $0x80, s2, s14, $0xb8;
	[tilespmem:$0x5200] =	vst v63  }
0x8f: {  	_ = 	snop  }
0x90: {  	[tilespmem:s16], [sflag:$0x2] =	stream.indirect.gather [hbm4b:s4+s14], $0x80, s11, s14, $0xb8;
	[tilespmem:$0x5200] =	vst v63  }
0x91: {  	_ = 	snop  }
0x92: {  	[tilespmem:s17], [sflag:$0x3] =	stream.indirect.gather [hbm4b:s3+s14], $0x80, s12, s14, $0xb8;
	[tilespmem:$0x5200] =	vst v63  }
0x93: {  	_ = 	snop  }
0x94: {  	[tilespmem:s18], [sflag:$0x4] =	stream.indirect.gather [hbm4b:s4+s14], $0x80, s13, s14, $0xb8;
	[tilespmem:$0x5200] =	vst v63  }
0x95: {  	_ =	swait.ge [sflag:s19], $0x1400  }
0x96: {  	[sflag:s19] =	ssyncset.done $0x0  }
0x97: {  	[sflag:s19] =	ssyncadd.s32 $0xFFFFEC00  }
0x98: {  	_ =	swait.ge [sflag:s20], $0x1400  }
0x99: {  	s5 =	rddreg [dreg:$0x2];
	[sflag:s20] =	ssyncset.done $0x0  }
0x9a: {  	s7 =	rddreg [dreg:$0x3];
	[sflag:s20] =	ssyncadd.s32 $0xFFFFEC00;
	s0 =	sadd.s32 s29, s5  }
0x9b: {  	[hbm4b:s0+s2] =	stream.linear.scatter [tilespmem:s15], [sflag:$0x5], $0x1400, $0x38;
	[tilespmem:$0x5200] =	vst v63  }
0x9c: {  	s1 =	sadd.s32 s29, s7  }
0x9d: {  	[hbm4b:s1+s2] =	stream.linear.scatter [tilespmem:s16], [sflag:$0x6], $0x1400, $0x38;
	[tilespmem:$0x5200] =	vst v63  }
0x9e: {  	_ =	swait.ge [sflag:s21], $0x1400  }
0x9f: {  	[sflag:s21] =	ssyncset.done $0x0  }
0xa0: {  	[sflag:s21] =	ssyncadd.s32 $0xFFFFEC00  }
0xa1: {  	_ =	swait.ge [sflag:s22], $0x1400  }
0xa2: {  	[sflag:s22] =	ssyncset.done $0x0  }
0xa3: {  	s0 =	sadd.s32 $0x280, s0;
	[sflag:s22] =	ssyncadd.s32 $0xFFFFEC00  }
0xa4: {  	[hbm4b:s0+s2] =	stream.linear.scatter [tilespmem:s17], [sflag:$0x7], $0x1400, $0x38;
	[tilespmem:$0x5200] =	vst v63  }
0xa5: {  	s30 =	sadd.s32 $0x280, s1  }
0xa6: {  	[hbm4b:s30+s2] =	stream.linear.scatter [tilespmem:s18], [sflag:$0x8], $0x1400, $0x38;
	[tilespmem:$0x5200] =	vst v63  }
0xa7: {  	_ =	swait.ge [sflag:s23], $0x1400  }
0xa8: {  	[sflag:s23] =	ssyncset.done $0x0  }
0xa9: {  	[sflag:s23] =	ssyncadd.s32 $0xFFFFEC00  }
0xaa: {  	_ =	swait.ge [sflag:s24], $0x1400  }
0xab: {  	[sflag:s24] =	ssyncset.done $0x0  }
0xac: {  	[sflag:s24] =	ssyncadd.s32 $0xFFFFEC00  }
0xad: {  	_ =	swait.ge [sflag:s25], $0x1400  }
0xae: {  	[sflag:s25] =	ssyncset.done $0x0  }
0xaf: {  	[sflag:s25] =	ssyncadd.s32 $0xFFFFEC00  }
0xb0: {  	_ =	swait.ge [sflag:s26], $0x1400  }
0xb1: {  	s28 =	sadd.s32 $0x1, s28;
	s31 =	rddreg [dreg:$0x5]  }
0xb2: {  	p0 =	sne.s32 s28, s31  }
.Ltmp1:
0xb3: {  	_ = 	snop;
	(pc) =	sbr.rel @p0 .LBB2_1-.Ltmp1, $3  }
0xb4: {  	_ =	sdelay $0x1  }
0xb5: {  	[sflag:s26] =	ssyncset.done $0x0  }
0xb6: {  	[sflag:s26] =	ssyncadd.s32 $0xFFFFEC00  }
0xb7: {  	_ =	sfence.sel $0x180000  }
0xb8: {  	[bflag:$0x0] =	sbarrier.arrive $0xFFFF  }
0xb9: {  	_ =	strace $0x90000053  }
0xba: {  	s0 =	stileid.u32;
	[bflag:$0x2] =	sbarrier.arrive $0xFFFF  }
0xbb: {  	p0 =	sne.s32 s0, $0x0;
	s0 =	rddreg [dreg:$0x1]  }
0xbc: {  	s0 =	sadd.s32 @!p0 $0x100000, s0  }
0xbd: {  	[sflag:s0] =	ssyncadd.tile.s32 @!p0 $0x1;
	_ =	shalt  }
.Lfunc_end2:
_tile_overlayer_lowered:
.L_overlay_start_2:
0xbe: {  	(tag) =	ssettag $0x2  }
0xbf: {  	s0 =	rddreg [dreg:$0x0];
	s2 =	stileid.u32  }
0xc0: {  	s1 =	rddreg [dreg:$0x1];
	p0 =	sne.s32 s2, $0x0  }
0xc1: {  	s3 =	rddreg [dreg:$0x2];
	[bflag:$0x3] =	sbarrier.arrive $0xFFFF;
	s2 =	simm.s32 @!p0 $0x1C09  }
0xc2: {  	[timem:s3], [sflag:s2] =	dma.local @!p0 [hbm:s0], s1  }
0xc3: {  	s0 =	simm.s32 @!p0 $0x9  }
0xc4: {  	_ =	swait.ge @!p0 [sflag:s0], s1  }
0xc5: {  	s1 =	ssub.s32 @!p0 $0x0, s1;
	[sflag:s0] =	ssyncset.done @!p0 $0x0  }
0xc6: {  	[sflag:s0] =	ssyncadd.s32 @!p0 s1  }
0xc7: {  	[bflag:$0x3] =	sbarrier.arrive $0xFFFF  }
0xc8: {  	_ =	shalt  }

// kernel: kernel.44.cloned.1.call-start
scs
__scs_entry_jumppad:
0x0: {  	(pc) =	sbr.rel $0x88, $3  }
0x1: {  	(tag) =	ssettag $0x0;
	lr =	simm.s32 $0x1  }
0x2: {  	[smem:$0x3F62] =	sst lr;
	_ =	strace $0xD0000000  }
0x3: {  	_ = 	snop  }
0x4: {  	_ = 	snop  }
0x5: {  	_ = 	snop  }
0x6: {  	_ = 	snop  }
0x7: {  	_ = 	snop  }
__scs_overlays_trampoline_lowered:
0x8: {  	[smem:$0x3F71] =	sst s0  }
0x9: {  	[smem:$0x3F72] =	sst s1  }
0xa: {  	[smem:$0x3F73] =	sst s2  }
0xb: {  	[smem:$0x3F74] =	sst s3  }
0xc: {  	[smem:$0x3F75] =	sst s4  }
0xd: {  	[smem:$0x3F76] =	sst s5  }
0xe: {  	[smem:$0x3F77] =	sst s6  }
0xf: {  	[smem:$0x3F78] =	sst s7  }
0x10: {  	[smem:$0x3F79] =	sst s8  }
0x11: {  	[smem:$0x3F7A] =	sst s9;
	s0 =	simm.s32 @!p0 $0x0  }
0x12: {  	s1 =	sld [smem:$0x3F60];
	s0 =	simm.s32 @p0 $0x1  }
0x13: {  	[smem:$0x3F7B] =	sst s0;
	s0 =	simm.s32 @!p1 $0x0  }
0x14: {  	s2 =	sld [smem:$0x3F5F];
	s0 =	simm.s32 @p1 $0x1  }
0x15: {  	[smem:$0x3F7C] =	sst s0;
	s0 =	simm.s32 @!p2 $0x0  }
0x16: {  	s3 =	sld [smem:$0x3FDB];
	s0 =	simm.s32 @p2 $0x1  }
0x17: {  	s4 =	simm.s32 $0x1BF5;
	[smem:$0x3F7E] =	sst s0  }
0x18: {  	s0 =	sld [smem:$0x3F61];
	_ =	swait.ge [sflag:s4], $0x0  }
0x19: {  	s7 =	sld [smem:$0x3F62]  }
0x1a: {  	s8 =	sadd.s32 $0xFFFFE003, lr  }
0x1b: {  	s9 =	sadd.s32 $0xFFFFFEF7, lr;
	s5 =	simm.s32 $0xFFFFFFFF;
	p2 =	slt.u32 s8, $0xFFFFF086  }
0x1c: {  	p1 =	slt.u32 s9, $0xF7A;
	s5 =	simm.s32 @!p2 $0x0  }
0x1d: {  	s5 =	simm.s32 @p1 $0x1;
	p0 =	seq.s32 s7, s2  }
0x1e: {  	s7 =	smul.u32 @!p0 $0xF7A, s2;
	p2 =	seq.s32 @!p0 s5, $0x0  }
0x1f: {  	s9 =	smul.u32 $0xF7A, s1;
	s8 =	simm.s32 @!p0 $0x1BF5;
	p2 =	por !p2, p0  }
0x20: {  	[sflag:s8] =	ssyncset.s32 @!p0 $0xFFFFF086;
	s6 =	sadd.s32 @!p0 s3, s7;
	s7 =	simm.s32 @!p0 $0x108  }
0x21: {  	s3 =	sadd.s32 s3, s9;
	s6 =	sadd.s32 @!p0 $0x88, s6;
	s7 =	simm.s32 @p2 $0x1082  }
0x22: {  	[simem:s7], [sflag:s8] =	dma.local @!p0 [hbm:s6], $0xF7A  }
0x23: {  	s9 =	sor.u32 $0xD0000000, s2;
	s6 =	simm.s32 $0x108;
	_ =	swait.ge @!p0 [sflag:s8], $0x0  }
0x24: {  	s3 =	sadd.s32 $0x88, s3;
	s6 =	simm.s32 @!p1 $0x1082;
	[sflag:s4] =	ssyncset.s32 $0xFFFFF086  }
0x25: {  	[simem:s6], [sflag:s4] =	dma.local [hbm:s3], $0xF7A  }
0x26: {  	[smem:$0x3F62] =	sst s1;
	(tag) =	ssettag s2;
	_ =	strace s9  }
0x27: {  	s1 =	sld [smem:$0x3F72]  }
0x28: {  	s2 =	sld [smem:$0x3F73]  }
0x29: {  	s4 =	sld [smem:$0x3F75]  }
0x2a: {  	p0 =	seq.s32 s5, $0x0;
	s5 =	sld [smem:$0x3F76]  }
0x2b: {  	s6 =	sld [smem:$0x3F77]  }
0x2c: {  	s7 =	sld [smem:$0x3F78]  }
0x2d: {  	s3 =	simm.s32 $0x108;
	s8 =	sld [smem:$0x3F79]  }
0x2e: {  	s3 =	simm.s32 @!p0 $0x1082;
	s9 =	sld [smem:$0x3F7A]  }
0x2f: {  	lr =	sadd.s32 s0, s3;
	s0 =	sld [smem:$0x3F71]  }
0x30: {  	s3 =	sld [smem:$0x3F74]  }
0x31: {  	[smem:$0x3F7D] =	sst s10  }
0x32: {  	s10 =	sld [smem:$0x3F7B];
	_ =	sdelay $0x3  }
0x33: {  	p0 =	seq.s32 s10, $0x1;
	s10 =	sld [smem:$0x3F7D];
	_ =	sdelay $0x3  }
0x34: {  	[smem:$0x3F7D] =	sst s10  }
0x35: {  	s10 =	sld [smem:$0x3F7C];
	_ =	sdelay $0x3  }
0x36: {  	p1 =	seq.s32 s10, $0x1;
	s10 =	sld [smem:$0x3F7D];
	_ =	sdelay $0x3  }
0x37: {  	[smem:$0x3F7D] =	sst s10  }
0x38: {  	s10 =	sld [smem:$0x3F7E]  }
0x39: {  	_ = 	snop;
	(pc) =	sbr.ind lr, $3  }
0x3a: {  	_ = 	snop  }
0x3b: {  	_ = 	snop  }
0x3c: {  	p2 =	seq.s32 s10, $0x1;
	s10 =	sld [smem:$0x3F7D]  }
0x3d: {  	_ =	shalt  }
0x3e: {  	_ =	shalt  }
0x3f: {  	_ =	shalt  }
0x40: {  	_ =	shalt  }
0x41: {  	_ =	shalt  }
0x42: {  	_ =	shalt  }
0x43: {  	_ =	shalt  }
0x44: {  	_ =	shalt  }
0x45: {  	_ =	shalt  }
0x46: {  	_ =	shalt  }
0x47: {  	_ =	shalt  }
0x48: {  	_ =	shalt  }
0x49: {  	_ =	shalt  }
0x4a: {  	_ =	shalt  }
0x4b: {  	_ =	shalt  }
0x4c: {  	_ =	shalt  }
0x4d: {  	_ =	shalt  }
0x4e: {  	_ =	shalt  }
0x4f: {  	_ =	shalt  }
0x50: {  	_ =	shalt  }
0x51: {  	_ =	shalt  }
0x52: {  	_ =	shalt  }
0x53: {  	_ =	shalt  }
0x54: {  	_ =	shalt  }
0x55: {  	_ =	shalt  }
0x56: {  	_ =	shalt  }
0x57: {  	_ =	shalt  }
0x58: {  	_ =	shalt  }
0x59: {  	_ =	shalt  }
0x5a: {  	_ =	shalt  }
0x5b: {  	_ =	shalt  }
0x5c: {  	_ =	shalt  }
0x5d: {  	_ =	shalt  }
0x5e: {  	_ =	shalt  }
0x5f: {  	_ =	shalt  }
0x60: {  	_ =	shalt  }
0x61: {  	_ =	shalt  }
0x62: {  	_ =	shalt  }
0x63: {  	_ =	shalt  }
0x64: {  	_ =	shalt  }
0x65: {  	_ =	shalt  }
0x66: {  	_ =	shalt  }
0x67: {  	_ =	shalt  }
0x68: {  	_ =	shalt  }
0x69: {  	_ =	shalt  }
0x6a: {  	_ =	shalt  }
0x6b: {  	_ =	shalt  }
0x6c: {  	_ =	shalt  }
0x6d: {  	_ =	shalt  }
0x6e: {  	_ =	shalt  }
0x6f: {  	_ =	shalt  }
0x70: {  	_ =	shalt  }
0x71: {  	_ =	shalt  }
0x72: {  	_ =	shalt  }
0x73: {  	_ =	shalt  }
0x74: {  	_ =	shalt  }
0x75: {  	_ =	shalt  }
0x76: {  	_ =	shalt  }
0x77: {  	_ =	shalt  }
0x78: {  	_ =	shalt  }
0x79: {  	_ =	shalt  }
0x7a: {  	_ =	shalt  }
0x7b: {  	_ =	shalt  }
0x7c: {  	_ =	shalt  }
0x7d: {  	_ =	shalt  }
0x7e: {  	_ =	shalt  }
0x7f: {  	_ =	shalt  }
0x80: {  	_ =	shalt  }
0x81: {  	_ =	shalt  }
0x82: {  	_ =	shalt  }
0x83: {  	_ =	shalt  }
0x84: {  	_ =	shalt  }
0x85: {  	_ =	shalt  }
0x86: {  	_ =	shalt  }
0x87: {  	_ =	shalt  }
.Lfunc_end0:
.L_simem_size_0:
called_computation.5_lowered:
.L_overlay_start_0:
0x88: {  	s2 =	sld [smem:$0x3FD9]  }
0x89: {  	s3 =	sld [smem:$0x3FFE];
	_ =	sdelay $0x1  }
0x8a: {  	s1 =	srdreg.scid  }
0x8b: {  	s0 =	sand.u32 $0x1, s1  }
0x8c: {  	s16 =	sshll.u32 s0, $0xA;
	s2 =	sadd.s32 s3, s2  }
0x8d: {  	s2 =	sadd.s32 s2, s16  }
0x8e: {  	[smem:$0x3F89] =	sst s2  }
0x8f: {  	_ = 	snop  }
0x90: {  	(tm) =	ssettm $0x1  }
0x91: {  	s17 =	sld [smem:$0x3FFB];
	_ =	sdelay $0x3  }
0x92: {  	_ =	strace s17  }
0x93: {  	s2 =	sld [smem:$0x3FFC];
	_ =	sdelay $0x3  }
0x94: {  	_ =	strace s2  }
0x95: {  	s2 =	sld [smem:$0x3FFD];
	_ =	sdelay $0x3  }
0x96: {  	_ =	strace s2  }
0x97: {  	_ =	strace $0x8FFFFFFF  }
0x98: {  	s18 =	sld [smem:$0x3FDB];
	_ =	sdelay $0x1  }
0x99: {  	s19 =	simm.s32 $_scs_section_size  }
0x9a: {  	s4 =	simm.s32 $_size__tile_overlayer_lowered;
	s5 =	simm.s32 $_tile_overlayer_lowered  }
0x9b: {  	s22 =	simm.s32 $0x1BFF;
	s21 =	sshll.u32 s5, $0x1;
	s2 =	sadd.s32 s19, s18  }
0x9c: {  	s6 =	simm.s32 $0x0;
	s20 =	sshll.u32 s4, $0x1;
	s4 =	sadd.s32 s21, s2  }
0x9d: {  	[timem:s6], [sflag:s22] =	dma.local [hbm:s4], s20  }
0x9e: {  	_ =	swait.ge [sflag:s22], s20  }
0x9f: {  	s3 =	ssub.s32 $0x0, s20;
	[sflag:s22] =	ssyncset.done $0x0  }
0xa0: {  	[sflag:s22] =	ssyncadd.s32 s3;
	_ =	sdelay $0x1  }
0xa1: {  	s23 =	simm.s32 $0x1B8B  }
0xa2: {  	_ =	swait.ge [sflag:s23], $0x1  }
0xa3: {  	[sflag:s23] =	ssyncset.done $0x0  }
0xa4: {  	s25 =	simm.s32 $0x1B8E;
	s24 =	sld [smem:$0x3FFE];
	[sflag:s23] =	ssyncadd.s32 $0xFFFFFFFF  }
0xa5: {  	s26 =	simm.s32 $execute0_lowered;
	[smem:$0x3FD2] =	sst s25  }
0xa6: {  	s4 =	sshll.u32 s26, $0x1;
	_ =	strace $0x80000055;
	[dreg:$0x1] =	wrdreg $0xFFFFFFFF  }
0xa7: {  	s28 =	simm.s32 $_size_execute0_lowered;
	s2 =	sadd.s32 s2, s4;
	[dreg:$0x0] =	wrdreg $0x0  }
0xa8: {  	s4 =	sshll.u32 s28, $0x1;
	[dreg:$0x2] =	wrdreg s2  }
0xa9: {  	[dreg:$0x3] =	wrdreg s4  }
0xaa: {  	[dreg:$0x4] =	wrdreg $0xC0  }
0xab: {  	_ =	task [dreg:s6], $0x5FFFF  }
0xac: {  	[dreg:$0x1] =	wrdreg $0xFFFFFFFF  }
0xad: {  	[dreg:$0x0] =	wrdreg $0x60  }
0xae: {  	[dreg:$0x2] =	wrdreg s24  }
0xaf: {  	[dreg:$0x3] =	wrdreg $0x29000  }
0xb0: {  	[dreg:$0x4] =	wrdreg $0x9  }
0xb1: {  	_ =	task.clear_ibuf [dreg:s6], $0x5FFFF;
	_ =	strace $0x90000055  }
0xb2: {  	s29 =	simm.s32 $0x9;
	_ =	strace $0x80000057  }
0xb3: {  	_ =	swait.ge [sflag:s29], $0x1  }
0xb4: {  	[sflag:s29] =	ssyncadd.s32 $0xFFFFFFFF  }
0xb5: {  	_ =	strace $0x90000057  }
0xb6: {  	_ =	sfence  }
0xb7: {  	s30 =	sld [smem:$0x0];
	_ =	sdelay $0x2  }
0xb8: {  	s31 =	sshll.u32 s1, $0xD;
	s1 =	sshrl.u32 s1, $0x2  }
0xb9: {  	s3 =	sand.u32 $0x4000, s31;
	s1 =	sadd.s32 s1, s30  }
0xba: {  	s0 =	sor.u32 s3, s0;
	s1 =	sshll.u32 s1, $0x11  }
0xbb: {  	s0 =	sor.u32 s1, s0  }
0xbc: {  	s0 =	sadd.s32 $0x8F2B, s0  }
0xbd: {  	[sflag:s0] =	ssyncadd.remote.s32 $0x1  }
0xbe: {  	_ =	sfence.sel $0xFFFF  }
0xbf: {  	[dreg:$0x0] =	wrdreg $0xFFFFFFFF;
	(pc) =	sbr.abs _section_cstart, $3  }
0xc0: {  	[dreg:$0x1] =	wrdreg $0xFFFFFFFF  }
0xc1: {  	_ =	task.clear_ibuf [dreg:s6], $0x2FFFF;
	_ =	strace $0x9FFFFFFF  }
0xc2: {  	(tm) =	ssettm $0x7FFFFFFF  }
0xc3: {  	_ =	shalt  }
tec
execute0_lowered:
.L_overlay_start_1:
0x0: {  	(tag) =	ssettag $0x1  }
0x1: {  	s4 =	rddreg [dreg:$0x0]  }
0x2: {  	s2 =	rddreg [dreg:$0x1]  }
0x3: {  	s0 =	rddreg [dreg:$0x2];
	s1 =	stileid.u32  }
0x4: {  	s6 =	srdreg.scid;
	s3 =	simm.s32 $0x0;
	s15 =	simm.s32 $0x1500  }
0x5: {  	s16 =	simm.s32 $0x1;
	s17 =	simm.s32 $0x28;
	s5 =	smul.u32 $0x4E200, s1  }
0x6: {  	s18 =	simm.s32 $0x2;
	s19 =	simm.s32 $0x3;
	s7 =	smul.u32 $0x14000, s1  }
0x7: {  	s20 =	simm.s32 $0x4;
	s21 =	simm.s32 $0x0;
	s11 =	smul.u32 $0x50000, s1  }
0x8: {  	s6 =	sand.u32 $0x1, s6;
	[smem:$0x7FF] =	sst s3;
	s26 =	smul.u32 $0x4E20, s1  }
0x9: {  	s10 =	sadd.s32 $0x1C800, s4;
	s13 =	sshll.u32 s1, $0x6;
	s8 =	smul.u32 $0x140000, s6  }
0xa: {  	_ =	strace $0x80000056;
	s23 =	ssub.s32 $0x2, s6;
	s14 =	smul.u32 $0x2710, s6  }
0xb: {  	s28 =	smul.u32 $0x27100, s6;
	s9 =	sadd.s32 s5, s4;
	s22 =	sshrl.u32 s7, $0x3  }
0xc: {  	s24 =	sshrl.u32 s23, $0x1;
	s25 =	sshrl.u32 s11, $0x2;
	s7 =	sadd.s32 s7, s8  }
0xd: {  	s5 =	sadd.s32 s22, s4;
	s8 =	ssub.s32 s23, s24;
	s12 =	sadd.s32 s25, s2  }
0xe: {  	s29 =	sadd.s32 s14, s26;
	s9 =	sadd.s32 s28, s9;
	s14 =	simm.s32 $0x80  }
0xf: {  	s7 =	sshrl.u32 s7, $0x3;
	s11 =	sshrl.u32 s29, $0x3;
	s30 =	sadd.s32 $0x28, s29  }
0x10: {  	s7 =	sadd.s32 s7, s4;
	s4 =	sadd.s32 $0x1499200, s5;
	s5 =	sor.u32 $0x1C05, s13  }
0x11: {  	s31 =	sshrl.u32 s30, $0x3;
	s13 =	simm.s32 $0x100;
	s6 =	sadd.s32 $0x5F7800, s7  }
0x12: {  	s7 =	smax.u32 s8, $0x1;
	s8 =	sadd.s32 $0xA5FC00, s9;
	s9 =	sadd.s32 s11, s10  }
0x13: {  	s10 =	sadd.s32 s31, s10;
	s11 =	sshrl.u32 s12, $0x3;
	s12 =	simm.s32 $0x5  }
.LBB2_1:
0x14: {  	[spmem:s11], [sflag:s5] =	dma.local [hbm:s4], $0x2800  }
0x15: {  	_ =	swait.ge [sflag:s12], $0x2800  }
0x16: {  	[sflag:s12] =	ssyncset.done $0x0  }
0x17: {  	[sflag:s12] =	ssyncadd.s32 $0xFFFFD800  }
0x18: {  	s22 =	sadd.s32 $0x0, s9;
	[bflag:$0x0] =	sbarrier.arrive $0xFFFF  }
0x19: {  	[tilespmem:s3], [sflag:$0x5] =	stream.linear.gather [hbm4b:s22+s3], $0x28, $0x38;
	[tilespmem:$0x16900] =	vst v63  }
0x1a: {  	_ =	swait.ge [sflag:s12], $0x28  }
0x1b: {  	[sflag:s12] =	ssyncset.done $0x0  }
0x1c: {  	[sflag:s12] =	ssyncadd.s32 $0xFFFFFFD8  }
0x1d: {  	[tilespmem:s13], [sflag:$0x1] =	stream.linear.gather [hbm4b:s8+s3], $0x1400, $0x38;
	[tilespmem:$0x16900] =	vst v63  }
0x1e: {  	s30 =	sadd.s32 $0x0, s10  }
0x1f: {  	[tilespmem:s14], [sflag:$0x5] =	stream.linear.gather [hbm4b:s30+s3], $0x28, $0x38;
	[tilespmem:$0x16900] =	vst v63  }
0x20: {  	_ =	swait.ge [sflag:s12], $0x28  }
0x21: {  	[sflag:s12] =	ssyncset.done $0x0  }
0x22: {  	s31 =	sadd.s32 $0x280, s8;
	[sflag:s12] =	ssyncadd.s32 $0xFFFFFFD8  }
0x23: {  	[tilespmem:s15], [sflag:$0x2] =	stream.linear.gather [hbm4b:s31+s3], $0x1400, $0x38;
	[tilespmem:$0x16900] =	vst v63  }
0x24: {  	_ =	swait.ge [sflag:s16], $0x1400  }
0x25: {  	[sflag:s16] =	ssyncset.done $0x0  }
0x26: {  	[sflag:s16] =	ssyncadd.s32 $0xFFFFEC00  }
0x27: {  	[spmem:s2] =	stream.indirect.scatter.add.f32 [tilespmem:s13], [sflag:$0x3], $0x80, s3, s17, $0xb8;
	[tilespmem:$0x16900] =	vst v63  }
0x28: {  	_ =	swait.ge [sflag:s18], $0x1400  }
0x29: {  	[sflag:s18] =	ssyncset.done $0x0  }
0x2a: {  	[sflag:s18] =	ssyncadd.s32 $0xFFFFEC00  }
0x2b: {  	[spmem:s2] =	stream.indirect.scatter.add.f32 [tilespmem:s15], [sflag:$0x4], $0x80, s14, s17, $0xb8;
	[tilespmem:$0x16900] =	vst v63  }
0x2c: {  	_ =	swait.ge [sflag:s19], $0x1400  }
0x2d: {  	[sflag:s19] =	ssyncset.done $0x0  }
0x2e: {  	[sflag:s19] =	ssyncadd.s32 $0xFFFFEC00  }
0x2f: {  	s23 =	simm.s32 $0xA;
	_ =	swait.ge [sflag:s20], $0x1400  }
0x30: {  	s24 =	simm.s32 $0x14;
	s22 =	sadd.s32 $0x500, s8;
	[sflag:s20] =	ssyncset.done $0x0  }
.LBB2_2:
0x31: {  	s25 =	sadd.s32 s23, s9  }
0x32: {  	[sflag:s20] =	ssyncadd.s32 $0xFFFFEC00;
	s26 =	smov.u32 s24;
	s28 =	sadd.s32 $0xA, s24  }
0x33: {  	[tilespmem:s3], [sflag:$0x5] =	stream.linear.gather [hbm4b:s25+s3], $0x28, $0x38;
	[tilespmem:$0x16900] =	vst v63  }
0x34: {  	p0 =	sne.s32 s24, $0x4D8;
	_ =	swait.ge [sflag:s12], $0x28  }
0x35: {  	[sflag:s12] =	ssyncset.done $0x0  }
0x36: {  	[sflag:s12] =	ssyncadd.s32 $0xFFFFFFD8  }
0x37: {  	[tilespmem:s13], [sflag:$0x1] =	stream.linear.gather [hbm4b:s22+s3], $0x1400, $0x38;
	[tilespmem:$0x16900] =	vst v63  }
0x38: {  	s24 =	sadd.s32 s23, s10;
	s23 =	smov.u32 s26  }
0x39: {  	[tilespmem:s14], [sflag:$0x5] =	stream.linear.gather [hbm4b:s24+s3], $0x28, $0x38;
	[tilespmem:$0x16900] =	vst v63  }
0x3a: {  	_ =	swait.ge [sflag:s12], $0x28  }
0x3b: {  	[sflag:s12] =	ssyncset.done $0x0  }
0x3c: {  	s24 =	sadd.s32 $0x280, s22;
	[sflag:s12] =	ssyncadd.s32 $0xFFFFFFD8  }
0x3d: {  	[tilespmem:s15], [sflag:$0x2] =	stream.linear.gather [hbm4b:s24+s3], $0x1400, $0x38;
	[tilespmem:$0x16900] =	vst v63  }
0x3e: {  	_ =	swait.ge [sflag:s16], $0x1400  }
0x3f: {  	[sflag:s16] =	ssyncset.done $0x0  }
0x40: {  	[sflag:s16] =	ssyncadd.s32 $0xFFFFEC00  }
0x41: {  	[spmem:s2] =	stream.indirect.scatter.add.f32 [tilespmem:s13], [sflag:$0x3], $0x80, s3, s17, $0xb8;
	[tilespmem:$0x16900] =	vst v63  }
0x42: {  	_ =	swait.ge [sflag:s18], $0x1400  }
0x43: {  	[sflag:s18] =	ssyncset.done $0x0  }
0x44: {  	[sflag:s18] =	ssyncadd.s32 $0xFFFFEC00  }
0x45: {  	[spmem:s2] =	stream.indirect.scatter.add.f32 [tilespmem:s15], [sflag:$0x4], $0x80, s14, s17, $0xb8;
	[tilespmem:$0x16900] =	vst v63  }
.Ltmp0:
0x46: {  	_ =	swait.ge [sflag:s19], $0x1400;
	(pc) =	sbr.rel @p0 .LBB2_2-.Ltmp0, $4  }
0x47: {  	[sflag:s19] =	ssyncset.done $0x0  }
0x48: {  	[sflag:s19] =	ssyncadd.s32 $0xFFFFEC00  }
0x49: {  	_ =	swait.ge [sflag:s20], $0x1400  }
0x4a: {  	s22 =	sadd.s32 $0x500, s22;
	s24 =	smov.u32 s28;
	[sflag:s20] =	ssyncset.done $0x0  }
0x4b: {  	s24 =	sadd.s32 s23, s9;
	[sflag:s20] =	ssyncadd.s32 $0xFFFFEC00  }
0x4c: {  	[tilespmem:s3], [sflag:$0x5] =	stream.linear.gather [hbm4b:s24+s3], $0x28, $0x38;
	[tilespmem:$0x16900] =	vst v63  }
0x4d: {  	_ =	swait.ge [sflag:s12], $0x28  }
0x4e: {  	[sflag:s12] =	ssyncset.done $0x0  }
0x4f: {  	[sflag:s12] =	ssyncadd.s32 $0xFFFFFFD8  }
0x50: {  	[tilespmem:s13], [sflag:$0x1] =	stream.linear.gather [hbm4b:s22+s3], $0x1400, $0x38;
	[tilespmem:$0x16900] =	vst v63  }
0x51: {  	s30 =	sadd.s32 s23, s10  }
0x52: {  	[tilespmem:s14], [sflag:$0x5] =	stream.linear.gather [hbm4b:s30+s3], $0x28, $0x38;
	[tilespmem:$0x16900] =	vst v63  }
0x53: {  	_ =	swait.ge [sflag:s12], $0x28  }
0x54: {  	[sflag:s12] =	ssyncset.done $0x0  }
0x55: {  	s31 =	sadd.s32 $0x280, s22;
	[sflag:s12] =	ssyncadd.s32 $0xFFFFFFD8  }
0x56: {  	[tilespmem:s15], [sflag:$0x2] =	stream.linear.gather [hbm4b:s31+s3], $0x1400, $0x38;
	[tilespmem:$0x16900] =	vst v63  }
0x57: {  	_ =	swait.ge [sflag:s16], $0x1400  }
0x58: {  	[sflag:s16] =	ssyncset.done $0x0  }
0x59: {  	[sflag:s16] =	ssyncadd.s32 $0xFFFFEC00  }
0x5a: {  	[spmem:s2] =	stream.indirect.scatter.add.f32 [tilespmem:s13], [sflag:$0x3], $0x80, s3, s17, $0xb8;
	[tilespmem:$0x16900] =	vst v63  }
0x5b: {  	_ =	swait.ge [sflag:s18], $0x1400  }
0x5c: {  	[sflag:s18] =	ssyncset.done $0x0  }
0x5d: {  	[sflag:s18] =	ssyncadd.s32 $0xFFFFEC00  }
0x5e: {  	[spmem:s2] =	stream.indirect.scatter.add.f32 [tilespmem:s15], [sflag:$0x4], $0x80, s14, s17, $0xb8;
	[tilespmem:$0x16900] =	vst v63  }
0x5f: {  	_ =	swait.ge [sflag:s19], $0x1400  }
0x60: {  	[sflag:s19] =	ssyncset.done $0x0  }
0x61: {  	[sflag:s19] =	ssyncadd.s32 $0xFFFFEC00  }
0x62: {  	_ =	swait.ge [sflag:s20], $0x1400  }
0x63: {  	s21 =	sadd.s32 $0x1, s21;
	[sflag:s20] =	ssyncset.done $0x0  }
0x64: {  	p0 =	sne.s32 s21, s7;
	[sflag:s20] =	ssyncadd.s32 $0xFFFFEC00  }
.Ltmp1:
0x65: {  	[bflag:$0x0] =	sbarrier.arrive $0xFFFF;
	(pc) =	sbr.rel @p0 .LBB2_1-.Ltmp1, $4  }
0x66: {  	[hbm:s6], [sflag:s5] =	dma.local [spmem:s11], $0x2800  }
0x67: {  	_ =	swait.ge [sflag:s12], $0x2800  }
0x68: {  	[sflag:s12] =	ssyncset.done $0x0  }
0x69: {  	[sflag:s12] =	ssyncadd.s32 $0xFFFFD800  }
0x6a: {  	_ =	sfence.sel $0x180000  }
0x6b: {  	[bflag:$0x0] =	sbarrier.arrive $0xFFFF  }
0x6c: {  	p0 =	sne.s32 s1, $0x0;
	_ =	strace $0x90000056  }
0x6d: {  	s0 =	sadd.s32 @!p0 $0x100000, s0;
	[bflag:$0x2] =	sbarrier.arrive $0xFFFF  }
0x6e: {  	[sflag:s0] =	ssyncadd.tile.s32 @!p0 $0x1;
	_ =	shalt  }
.Lfunc_end2:
_tile_overlayer_lowered:
.L_overlay_start_2:
0x6f: {  	(tag) =	ssettag $0x2  }
0x70: {  	s0 =	rddreg [dreg:$0x0];
	s2 =	stileid.u32  }
0x71: {  	s1 =	rddreg [dreg:$0x1];
	p0 =	sne.s32 s2, $0x0  }
0x72: {  	s3 =	rddreg [dreg:$0x2];
	[bflag:$0x3] =	sbarrier.arrive $0xFFFF;
	s2 =	simm.s32 @!p0 $0x1C05  }
0x73: {  	[timem:s3], [sflag:s2] =	dma.local @!p0 [hbm:s0], s1  }
0x74: {  	s0 =	simm.s32 @!p0 $0x5  }
0x75: {  	_ =	swait.ge @!p0 [sflag:s0], s1  }
0x76: {  	s1 =	ssub.s32 @!p0 $0x0, s1;
	[sflag:s0] =	ssyncset.done @!p0 $0x0  }
0x77: {  	[sflag:s0] =	ssyncadd.s32 @!p0 s1  }
0x78: {  	[bflag:$0x3] =	sbarrier.arrive $0xFFFF  }
0x79: {  	_ =	shalt  }

// kernel: kernel.47.cloned.1.call-start
scs
__scs_entry_jumppad:
0x0: {  	(pc) =	sbr.rel $0x88, $3  }
0x1: {  	(tag) =	ssettag $0x0;
	lr =	simm.s32 $0x1  }
0x2: {  	[smem:$0x3F62] =	sst lr;
	_ =	strace $0xD0000000  }
0x3: {  	_ = 	snop  }
0x4: {  	_ = 	snop  }
0x5: {  	_ = 	snop  }
0x6: {  	_ = 	snop  }
0x7: {  	_ = 	snop  }
__scs_overlays_trampoline_lowered:
0x8: {  	[smem:$0x3F71] =	sst s0  }
0x9: {  	[smem:$0x3F72] =	sst s1  }
0xa: {  	[smem:$0x3F73] =	sst s2  }
0xb: {  	[smem:$0x3F74] =	sst s3  }
0xc: {  	[smem:$0x3F75] =	sst s4  }
0xd: {  	[smem:$0x3F76] =	sst s5  }
0xe: {  	[smem:$0x3F77] =	sst s6  }
0xf: {  	[smem:$0x3F78] =	sst s7  }
0x10: {  	[smem:$0x3F79] =	sst s8  }
0x11: {  	[smem:$0x3F7A] =	sst s9;
	s0 =	simm.s32 @!p0 $0x0  }
0x12: {  	s1 =	sld [smem:$0x3F60];
	s0 =	simm.s32 @p0 $0x1  }
0x13: {  	[smem:$0x3F7B] =	sst s0;
	s0 =	simm.s32 @!p1 $0x0  }
0x14: {  	s2 =	sld [smem:$0x3F5F];
	s0 =	simm.s32 @p1 $0x1  }
0x15: {  	[smem:$0x3F7C] =	sst s0;
	s0 =	simm.s32 @!p2 $0x0  }
0x16: {  	s3 =	sld [smem:$0x3FDB];
	s0 =	simm.s32 @p2 $0x1  }
0x17: {  	s4 =	simm.s32 $0x1BF5;
	[smem:$0x3F7E] =	sst s0  }
0x18: {  	s0 =	sld [smem:$0x3F61];
	_ =	swait.ge [sflag:s4], $0x0  }
0x19: {  	s7 =	sld [smem:$0x3F62]  }
0x1a: {  	s8 =	sadd.s32 $0xFFFFE003, lr  }
0x1b: {  	s9 =	sadd.s32 $0xFFFFFEF7, lr;
	s5 =	simm.s32 $0xFFFFFFFF;
	p2 =	slt.u32 s8, $0xFFFFF086  }
0x1c: {  	p1 =	slt.u32 s9, $0xF7A;
	s5 =	simm.s32 @!p2 $0x0  }
0x1d: {  	s5 =	simm.s32 @p1 $0x1;
	p0 =	seq.s32 s7, s2  }
0x1e: {  	s7 =	smul.u32 @!p0 $0xF7A, s2;
	p2 =	seq.s32 @!p0 s5, $0x0  }
0x1f: {  	s9 =	smul.u32 $0xF7A, s1;
	s8 =	simm.s32 @!p0 $0x1BF5;
	p2 =	por !p2, p0  }
0x20: {  	[sflag:s8] =	ssyncset.s32 @!p0 $0xFFFFF086;
	s6 =	sadd.s32 @!p0 s3, s7;
	s7 =	simm.s32 @!p0 $0x108  }
0x21: {  	s3 =	sadd.s32 s3, s9;
	s6 =	sadd.s32 @!p0 $0x88, s6;
	s7 =	simm.s32 @p2 $0x1082  }
0x22: {  	[simem:s7], [sflag:s8] =	dma.local @!p0 [hbm:s6], $0xF7A  }
0x23: {  	s9 =	sor.u32 $0xD0000000, s2;
	s6 =	simm.s32 $0x108;
	_ =	swait.ge @!p0 [sflag:s8], $0x0  }
0x24: {  	s3 =	sadd.s32 $0x88, s3;
	s6 =	simm.s32 @!p1 $0x1082;
	[sflag:s4] =	ssyncset.s32 $0xFFFFF086  }
0x25: {  	[simem:s6], [sflag:s4] =	dma.local [hbm:s3], $0xF7A  }
0x26: {  	[smem:$0x3F62] =	sst s1;
	(tag) =	ssettag s2;
	_ =	strace s9  }
0x27: {  	s1 =	sld [smem:$0x3F72]  }
0x28: {  	s2 =	sld [smem:$0x3F73]  }
0x29: {  	s4 =	sld [smem:$0x3F75]  }
0x2a: {  	p0 =	seq.s32 s5, $0x0;
	s5 =	sld [smem:$0x3F76]  }
0x2b: {  	s6 =	sld [smem:$0x3F77]  }
0x2c: {  	s7 =	sld [smem:$0x3F78]  }
0x2d: {  	s3 =	simm.s32 $0x108;
	s8 =	sld [smem:$0x3F79]  }
0x2e: {  	s3 =	simm.s32 @!p0 $0x1082;
	s9 =	sld [smem:$0x3F7A]  }
0x2f: {  	lr =	sadd.s32 s0, s3;
	s0 =	sld [smem:$0x3F71]  }
0x30: {  	s3 =	sld [smem:$0x3F74]  }
0x31: {  	[smem:$0x3F7D] =	sst s10  }
0x32: {  	s10 =	sld [smem:$0x3F7B];
	_ =	sdelay $0x3  }
0x33: {  	p0 =	seq.s32 s10, $0x1;
	s10 =	sld [smem:$0x3F7D];
	_ =	sdelay $0x3  }
0x34: {  	[smem:$0x3F7D] =	sst s10  }
0x35: {  	s10 =	sld [smem:$0x3F7C];
	_ =	sdelay $0x3  }
0x36: {  	p1 =	seq.s32 s10, $0x1;
	s10 =	sld [smem:$0x3F7D];
	_ =	sdelay $0x3  }
0x37: {  	[smem:$0x3F7D] =	sst s10  }
0x38: {  	s10 =	sld [smem:$0x3F7E]  }
0x39: {  	_ = 	snop;
	(pc) =	sbr.ind lr, $3  }
0x3a: {  	_ = 	snop  }
0x3b: {  	_ = 	snop  }
0x3c: {  	p2 =	seq.s32 s10, $0x1;
	s10 =	sld [smem:$0x3F7D]  }
0x3d: {  	_ =	shalt  }
0x3e: {  	_ =	shalt  }
0x3f: {  	_ =	shalt  }
0x40: {  	_ =	shalt  }
0x41: {  	_ =	shalt  }
0x42: {  	_ =	shalt  }
0x43: {  	_ =	shalt  }
0x44: {  	_ =	shalt  }
0x45: {  	_ =	shalt  }
0x46: {  	_ =	shalt  }
0x47: {  	_ =	shalt  }
0x48: {  	_ =	shalt  }
0x49: {  	_ =	shalt  }
0x4a: {  	_ =	shalt  }
0x4b: {  	_ =	shalt  }
0x4c: {  	_ =	shalt  }
0x4d: {  	_ =	shalt  }
0x4e: {  	_ =	shalt  }
0x4f: {  	_ =	shalt  }
0x50: {  	_ =	shalt  }
0x51: {  	_ =	shalt  }
0x52: {  	_ =	shalt  }
0x53: {  	_ =	shalt  }
0x54: {  	_ =	shalt  }
0x55: {  	_ =	shalt  }
0x56: {  	_ =	shalt  }
0x57: {  	_ =	shalt  }
0x58: {  	_ =	shalt  }
0x59: {  	_ =	shalt  }
0x5a: {  	_ =	shalt  }
0x5b: {  	_ =	shalt  }
0x5c: {  	_ =	shalt  }
0x5d: {  	_ =	shalt  }
0x5e: {  	_ =	shalt  }
0x5f: {  	_ =	shalt  }
0x60: {  	_ =	shalt  }
0x61: {  	_ =	shalt  }
0x62: {  	_ =	shalt  }
0x63: {  	_ =	shalt  }
0x64: {  	_ =	shalt  }
0x65: {  	_ =	shalt  }
0x66: {  	_ =	shalt  }
0x67: {  	_ =	shalt  }
0x68: {  	_ =	shalt  }
0x69: {  	_ =	shalt  }
0x6a: {  	_ =	shalt  }
0x6b: {  	_ =	shalt  }
0x6c: {  	_ =	shalt  }
0x6d: {  	_ =	shalt  }
0x6e: {  	_ =	shalt  }
0x6f: {  	_ =	shalt  }
0x70: {  	_ =	shalt  }
0x71: {  	_ =	shalt  }
0x72: {  	_ =	shalt  }
0x73: {  	_ =	shalt  }
0x74: {  	_ =	shalt  }
0x75: {  	_ =	shalt  }
0x76: {  	_ =	shalt  }
0x77: {  	_ =	shalt  }
0x78: {  	_ =	shalt  }
0x79: {  	_ =	shalt  }
0x7a: {  	_ =	shalt  }
0x7b: {  	_ =	shalt  }
0x7c: {  	_ =	shalt  }
0x7d: {  	_ =	shalt  }
0x7e: {  	_ =	shalt  }
0x7f: {  	_ =	shalt  }
0x80: {  	_ =	shalt  }
0x81: {  	_ =	shalt  }
0x82: {  	_ =	shalt  }
0x83: {  	_ =	shalt  }
0x84: {  	_ =	shalt  }
0x85: {  	_ =	shalt  }
0x86: {  	_ =	shalt  }
0x87: {  	_ =	shalt  }
.Lfunc_end0:
.L_simem_size_0:
called_computation.6_lowered:
.L_overlay_start_0:
0x88: {  	s2 =	sld [smem:$0x3FD9]  }
0x89: {  	s3 =	sld [smem:$0x3FFE];
	_ =	sdelay $0x1  }
0x8a: {  	s1 =	srdreg.scid  }
0x8b: {  	s0 =	sand.u32 $0x1, s1  }
0x8c: {  	s16 =	sshll.u32 s0, $0xA;
	s2 =	sadd.s32 s3, s2  }
0x8d: {  	s2 =	sadd.s32 s2, s16  }
0x8e: {  	[smem:$0x3F89] =	sst s2  }
0x8f: {  	_ = 	snop  }
0x90: {  	(tm) =	ssettm $0x1  }
0x91: {  	s17 =	sld [smem:$0x3FFB];
	_ =	sdelay $0x3  }
0x92: {  	_ =	strace s17  }
0x93: {  	s2 =	sld [smem:$0x3FFC];
	_ =	sdelay $0x3  }
0x94: {  	_ =	strace s2  }
0x95: {  	s2 =	sld [smem:$0x3FFD];
	_ =	sdelay $0x3  }
0x96: {  	_ =	strace s2  }
0x97: {  	_ =	strace $0x8FFFFFFF  }
0x98: {  	s18 =	sld [smem:$0x3FDB];
	_ =	sdelay $0x1  }
0x99: {  	s19 =	simm.s32 $_scs_section_size  }
0x9a: {  	s4 =	simm.s32 $_size__tile_overlayer_lowered;
	s5 =	simm.s32 $_tile_overlayer_lowered  }
0x9b: {  	s22 =	simm.s32 $0x1BFF;
	s21 =	sshll.u32 s5, $0x1;
	s2 =	sadd.s32 s19, s18  }
0x9c: {  	s6 =	simm.s32 $0x0;
	s20 =	sshll.u32 s4, $0x1;
	s4 =	sadd.s32 s21, s2  }
0x9d: {  	[timem:s6], [sflag:s22] =	dma.local [hbm:s4], s20  }
0x9e: {  	_ =	swait.ge [sflag:s22], s20  }
0x9f: {  	s3 =	ssub.s32 $0x0, s20;
	[sflag:s22] =	ssyncset.done $0x0  }
0xa0: {  	[sflag:s22] =	ssyncadd.s32 s3;
	_ =	sdelay $0x1  }
0xa1: {  	s23 =	simm.s32 $0x1B8B  }
0xa2: {  	_ =	swait.ge [sflag:s23], $0x1  }
0xa3: {  	[sflag:s23] =	ssyncset.done $0x0  }
0xa4: {  	s25 =	simm.s32 $0x1B8E;
	s24 =	sld [smem:$0x3FFE];
	[sflag:s23] =	ssyncadd.s32 $0xFFFFFFFF  }
0xa5: {  	s26 =	simm.s32 $execute0_lowered;
	[smem:$0x3FD2] =	sst s25  }
0xa6: {  	s4 =	sshll.u32 s26, $0x1;
	_ =	strace $0x80000058;
	[dreg:$0x1] =	wrdreg $0xFFFFFFFF  }
0xa7: {  	s28 =	simm.s32 $_size_execute0_lowered;
	s2 =	sadd.s32 s2, s4;
	[dreg:$0x0] =	wrdreg $0x0  }
0xa8: {  	s4 =	sshll.u32 s28, $0x1;
	[dreg:$0x2] =	wrdreg s2  }
0xa9: {  	[dreg:$0x3] =	wrdreg s4  }
0xaa: {  	[dreg:$0x4] =	wrdreg $0xC0  }
0xab: {  	_ =	task [dreg:s6], $0x5FFFF  }
0xac: {  	[dreg:$0x1] =	wrdreg $0xFFFFFFFF  }
0xad: {  	[dreg:$0x0] =	wrdreg $0x60  }
0xae: {  	[dreg:$0x2] =	wrdreg s24  }
0xaf: {  	[dreg:$0x3] =	wrdreg $0x9  }
0xb0: {  	_ =	task.clear_ibuf [dreg:s6], $0x4FFFF;
	_ =	strace $0x90000058  }
0xb1: {  	s29 =	simm.s32 $0x9;
	_ =	strace $0x8000005A  }
0xb2: {  	_ =	swait.ge [sflag:s29], $0x1  }
0xb3: {  	[sflag:s29] =	ssyncadd.s32 $0xFFFFFFFF  }
0xb4: {  	_ =	strace $0x9000005A  }
0xb5: {  	_ =	sfence  }
0xb6: {  	s30 =	sld [smem:$0x0];
	_ =	sdelay $0x2  }
0xb7: {  	s31 =	sshll.u32 s1, $0xD;
	s1 =	sshrl.u32 s1, $0x2  }
0xb8: {  	s3 =	sand.u32 $0x4000, s31;
	s1 =	sadd.s32 s1, s30  }
0xb9: {  	s0 =	sor.u32 s3, s0;
	s1 =	sshll.u32 s1, $0x11  }
0xba: {  	s0 =	sor.u32 s1, s0  }
0xbb: {  	s0 =	sadd.s32 $0x8F2B, s0  }
0xbc: {  	[sflag:s0] =	ssyncadd.remote.s32 $0x1  }
0xbd: {  	_ =	sfence.sel $0xFFFF  }
0xbe: {  	[dreg:$0x0] =	wrdreg $0xFFFFFFFF;
	(pc) =	sbr.abs _section_cstart, $3  }
0xbf: {  	[dreg:$0x1] =	wrdreg $0xFFFFFFFF  }
0xc0: {  	_ =	task.clear_ibuf [dreg:s6], $0x2FFFF;
	_ =	strace $0x9FFFFFFF  }
0xc1: {  	(tm) =	ssettm $0x7FFFFFFF  }
tec
execute0_lowered:
.L_overlay_start_1:
0x0: {  	(tag) =	ssettag $0x1  }
0x1: {  	s0 =	rddreg [dreg:$0x0]  }
0x2: {  	s2 =	simm.s32 $0x0;
	s5 =	stileid.u32;
	s1 =	srdreg.scid  }
0x3: {  	s12 =	simm.s32 $0x100;
	s13 =	simm.s32 $0x180;
	s14 =	simm.s32 $0x28  }
0x4: {  	s15 =	simm.s32 $0x200;
	s16 =	simm.s32 $0x1600;
	s17 =	simm.s32 $0x2A00  }
0x5: {  	s18 =	simm.s32 $0x3E00;
	s19 =	simm.s32 $0x1;
	s20 =	simm.s32 $0x2  }
0x6: {  	s21 =	simm.s32 $0x3;
	s22 =	simm.s32 $0x4;
	s23 =	simm.s32 $0x5  }
0x7: {  	s24 =	simm.s32 $0x6;
	s28 =	simm.s32 $0x0;
	[smem:$0x7FF] =	sst s2  }
0x8: {  	s3 =	sadd.s32 $0x5F7800, s0;
	s6 =	smul.u32 $0x4E200, s5;
	s1 =	sand.u32 $0x1, s1  }
0x9: {  	s4 =	sadd.s32 $0x61EA00, s0;
	s8 =	sadd.s32 $0x12A00, s0;
	s9 =	smul.u32 $0x4E20, s5  }
0xa: {  	_ =	strace $0x80000059;
	s7 =	smul.u32 $0x27100, s1;
	s25 =	ssub.s32 $0x2, s1  }
0xb: {  	[dreg:$0x4] =	wrdreg s8;
	s1 =	smul.u32 $0x2710, s1;
	s11 =	sshrl.u32 s25, $0x1  }
0xc: {  	s10 =	sadd.s32 s6, s0;
	s6 =	sadd.s32 $0x1C800, s0;
	s26 =	ssub.s32 s25, s11  }
0xd: {  	s29 =	sadd.s32 s7, s10;
	s1 =	sadd.s32 s1, s9;
	s10 =	simm.s32 $0x9  }
0xe: {  	s11 =	simm.s32 $0x80;
	s25 =	simm.s32 $0x7;
	s0 =	smax.u32 s26, $0x1  }
0xf: {  	s30 =	sadd.s32 $0x14C1200, s29;
	s31 =	sadd.s32 $0x26600, s29;
	[dreg:$0x5] =	wrdreg s0  }
0x10: {  	s9 =	sadd.s32 $0x28, s1;
	s8 =	sshrl.u32 s1, $0x3;
	[dreg:$0x2] =	wrdreg s30  }
0x11: {  	s26 =	simm.s32 $0x8;
	[dreg:$0x3] =	wrdreg s31;
	s9 =	sshrl.u32 s9, $0x3  }
.LBB2_1:
0x12: {  	s5 =	rddreg [dreg:$0x4]  }
0x13: {  	s0 =	sadd.s32 s5, s8  }
0x14: {  	[tilespmem:s2], [sflag:$0x9] =	stream.linear.gather [hbm4b:s0+s2], $0x28, $0x38;
	[tilespmem:$0x5200] =	vst v63  }
0x15: {  	_ =	swait.ge [sflag:s10], $0x28  }
0x16: {  	[sflag:s10] =	ssyncset.done $0x0  }
0x17: {  	s1 =	sadd.s32 s6, s8;
	[sflag:s10] =	ssyncadd.s32 $0xFFFFFFD8  }
0x18: {  	[tilespmem:s11], [sflag:$0x9] =	stream.linear.gather [hbm4b:s1+s2], $0x28, $0x38;
	[tilespmem:$0x5200] =	vst v63  }
0x19: {  	_ =	swait.ge [sflag:s10], $0x28  }
0x1a: {  	[sflag:s10] =	ssyncset.done $0x0  }
0x1b: {  	s7 =	sadd.s32 s5, s9;
	[sflag:s10] =	ssyncadd.s32 $0xFFFFFFD8  }
0x1c: {  	[tilespmem:s12], [sflag:$0x9] =	stream.linear.gather [hbm4b:s7+s2], $0x28, $0x38;
	[tilespmem:$0x5200] =	vst v63  }
0x1d: {  	_ =	swait.ge [sflag:s10], $0x28  }
0x1e: {  	[sflag:s10] =	ssyncset.done $0x0  }
0x1f: {  	s1 =	sadd.s32 s6, s9;
	[sflag:s10] =	ssyncadd.s32 $0xFFFFFFD8  }
0x20: {  	[tilespmem:s13], [sflag:$0x9] =	stream.linear.gather [hbm4b:s1+s2], $0x28, $0x38;
	[tilespmem:$0x5200] =	vst v63  }
0x21: {  	_ =	swait.ge [sflag:s10], $0x28  }
0x22: {  	[sflag:s10] =	ssyncset.done $0x0  }
0x23: {  	[sflag:s10] =	ssyncadd.s32 $0xFFFFFFD8  }
0x24: {  	[tilespmem:s15], [sflag:$0x1] =	stream.indirect.gather [hbm4b:s3+s14], $0x80, s2, s14, $0xb8;
	[tilespmem:$0x5200] =	vst v63  }
0x25: {  	_ = 	snop  }
0x26: {  	[tilespmem:s16], [sflag:$0x2] =	stream.indirect.gather [hbm4b:s4+s14], $0x80, s11, s14, $0xb8;
	[tilespmem:$0x5200] =	vst v63  }
0x27: {  	_ = 	snop  }
0x28: {  	[tilespmem:s17], [sflag:$0x3] =	stream.indirect.gather [hbm4b:s3+s14], $0x80, s12, s14, $0xb8;
	[tilespmem:$0x5200] =	vst v63  }
0x29: {  	_ = 	snop  }
0x2a: {  	[tilespmem:s18], [sflag:$0x4] =	stream.indirect.gather [hbm4b:s4+s14], $0x80, s13, s14, $0xb8;
	[tilespmem:$0x5200] =	vst v63  }
0x2b: {  	_ =	swait.ge [sflag:s19], $0x1400  }
0x2c: {  	[sflag:s19] =	ssyncset.done $0x0  }
0x2d: {  	[sflag:s19] =	ssyncadd.s32 $0xFFFFEC00  }
0x2e: {  	_ =	swait.ge [sflag:s20], $0x1400  }
0x2f: {  	s7 =	rddreg [dreg:$0x2];
	[sflag:s20] =	ssyncset.done $0x0  }
0x30: {  	s1 =	rddreg [dreg:$0x3];
	[sflag:s20] =	ssyncadd.s32 $0xFFFFEC00;
	s0 =	sadd.s32 $0x0, s7  }
0x31: {  	[hbm4b:s0+s2] =	stream.linear.scatter [tilespmem:s15], [sflag:$0x5], $0x1400, $0x38;
	[tilespmem:$0x5200] =	vst v63  }
0x32: {  	s1 =	sadd.s32 $0x0, s1  }
0x33: {  	[hbm4b:s1+s2] =	stream.linear.scatter [tilespmem:s16], [sflag:$0x6], $0x1400, $0x38;
	[tilespmem:$0x5200] =	vst v63  }
0x34: {  	_ =	swait.ge [sflag:s21], $0x1400  }
0x35: {  	[sflag:s21] =	ssyncset.done $0x0  }
0x36: {  	[sflag:s21] =	ssyncadd.s32 $0xFFFFEC00  }
0x37: {  	_ =	swait.ge [sflag:s22], $0x1400  }
0x38: {  	[sflag:s22] =	ssyncset.done $0x0  }
0x39: {  	s0 =	sadd.s32 $0x280, s0;
	[sflag:s22] =	ssyncadd.s32 $0xFFFFEC00  }
0x3a: {  	[hbm4b:s0+s2] =	stream.linear.scatter [tilespmem:s17], [sflag:$0x7], $0x1400, $0x38;
	[tilespmem:$0x5200] =	vst v63  }
0x3b: {  	s7 =	sadd.s32 $0x280, s1  }
0x3c: {  	[hbm4b:s7+s2] =	stream.linear.scatter [tilespmem:s18], [sflag:$0x8], $0x1400, $0x38;
	[tilespmem:$0x5200] =	vst v63  }
0x3d: {  	_ =	swait.ge [sflag:s23], $0x1400  }
0x3e: {  	[sflag:s23] =	ssyncset.done $0x0  }
0x3f: {  	[sflag:s23] =	ssyncadd.s32 $0xFFFFEC00  }
0x40: {  	_ =	swait.ge [sflag:s24], $0x1400  }
0x41: {  	[sflag:s24] =	ssyncset.done $0x0  }
0x42: {  	[sflag:s24] =	ssyncadd.s32 $0xFFFFEC00  }
0x43: {  	_ =	swait.ge [sflag:s25], $0x1400  }
0x44: {  	[sflag:s25] =	ssyncset.done $0x0  }
0x45: {  	[sflag:s25] =	ssyncadd.s32 $0xFFFFEC00  }
0x46: {  	s29 =	simm.s32 $0x500;
	s31 =	smov.u32 s6;
	_ =	swait.ge [sflag:s26], $0x1400  }
0x47: {  	s30 =	sadd.s32 $0xA, s5;
	s0 =	simm.s32 $0xA00;
	[sflag:s26] =	ssyncset.done $0x0  }
.LBB2_2:
0x48: {  	s7 =	sadd.s32 s30, s8;
	[sflag:s26] =	ssyncadd.s32 $0xFFFFEC00  }
0x49: {  	[tilespmem:s2], [sflag:$0x9] =	stream.linear.gather [hbm4b:s7+s2], $0x28, $0x38;
	[tilespmem:$0x5200] =	vst v63  }
0x4a: {  	_ =	swait.ge [sflag:s10], $0x28  }
0x4b: {  	s31 =	sadd.s32 $0xA, s31;
	[sflag:s10] =	ssyncset.done $0x0  }
0x4c: {  	s5 =	sadd.s32 s31, s8;
	[sflag:s10] =	ssyncadd.s32 $0xFFFFFFD8  }
0x4d: {  	[tilespmem:s11], [sflag:$0x9] =	stream.linear.gather [hbm4b:s5+s2], $0x28, $0x38;
	[tilespmem:$0x5200] =	vst v63  }
0x4e: {  	_ =	swait.ge [sflag:s10], $0x28  }
0x4f: {  	[sflag:s10] =	ssyncset.done $0x0  }
0x50: {  	s5 =	sadd.s32 s30, s9;
	[sflag:s10] =	ssyncadd.s32 $0xFFFFFFD8  }
0x51: {  	[tilespmem:s12], [sflag:$0x9] =	stream.linear.gather [hbm4b:s5+s2], $0x28, $0x38;
	[tilespmem:$0x5200] =	vst v63  }
0x52: {  	_ =	swait.ge [sflag:s10], $0x28  }
0x53: {  	[sflag:s10] =	ssyncset.done $0x0  }
0x54: {  	s5 =	sadd.s32 s31, s9;
	[sflag:s10] =	ssyncadd.s32 $0xFFFFFFD8  }
0x55: {  	[tilespmem:s13], [sflag:$0x9] =	stream.linear.gather [hbm4b:s5+s2], $0x28, $0x38;
	[tilespmem:$0x5200] =	vst v63  }
0x56: {  	_ =	swait.ge [sflag:s10], $0x28  }
0x57: {  	[sflag:s10] =	ssyncset.done $0x0  }
0x58: {  	[sflag:s10] =	ssyncadd.s32 $0xFFFFFFD8  }
0x59: {  	[tilespmem:s15], [sflag:$0x1] =	stream.indirect.gather [hbm4b:s3+s14], $0x80, s2, s14, $0xb8;
	[tilespmem:$0x5200] =	vst v63  }
0x5a: {  	_ = 	snop  }
0x5b: {  	[tilespmem:s16], [sflag:$0x2] =	stream.indirect.gather [hbm4b:s4+s14], $0x80, s11, s14, $0xb8;
	[tilespmem:$0x5200] =	vst v63  }
0x5c: {  	_ = 	snop  }
0x5d: {  	[tilespmem:s17], [sflag:$0x3] =	stream.indirect.gather [hbm4b:s3+s14], $0x80, s12, s14, $0xb8;
	[tilespmem:$0x5200] =	vst v63  }
0x5e: {  	_ = 	snop  }
0x5f: {  	[tilespmem:s18], [sflag:$0x4] =	stream.indirect.gather [hbm4b:s4+s14], $0x80, s13, s14, $0xb8;
	[tilespmem:$0x5200] =	vst v63  }
0x60: {  	_ =	swait.ge [sflag:s19], $0x1400  }
0x61: {  	[sflag:s19] =	ssyncset.done $0x0  }
0x62: {  	[sflag:s19] =	ssyncadd.s32 $0xFFFFEC00  }
0x63: {  	_ =	swait.ge [sflag:s20], $0x1400  }
0x64: {  	s7 =	rddreg [dreg:$0x2];
	[sflag:s20] =	ssyncset.done $0x0  }
0x65: {  	s5 =	rddreg [dreg:$0x3];
	[sflag:s20] =	ssyncadd.s32 $0xFFFFEC00;
	s7 =	sadd.s32 s29, s7  }
0x66: {  	[hbm4b:s7+s2] =	stream.linear.scatter [tilespmem:s15], [sflag:$0x5], $0x1400, $0x38;
	[tilespmem:$0x5200] =	vst v63  }
0x67: {  	s5 =	sadd.s32 s29, s5  }
0x68: {  	[hbm4b:s5+s2] =	stream.linear.scatter [tilespmem:s16], [sflag:$0x6], $0x1400, $0x38;
	[tilespmem:$0x5200] =	vst v63  }
0x69: {  	_ =	swait.ge [sflag:s21], $0x1400  }
0x6a: {  	[sflag:s21] =	ssyncset.done $0x0  }
0x6b: {  	[sflag:s21] =	ssyncadd.s32 $0xFFFFEC00  }
0x6c: {  	_ =	swait.ge [sflag:s22], $0x1400  }
0x6d: {  	[sflag:s22] =	ssyncset.done $0x0  }
0x6e: {  	s7 =	sadd.s32 $0x280, s7;
	[sflag:s22] =	ssyncadd.s32 $0xFFFFEC00  }
0x6f: {  	[hbm4b:s7+s2] =	stream.linear.scatter [tilespmem:s17], [sflag:$0x7], $0x1400, $0x38;
	[tilespmem:$0x5200] =	vst v63  }
0x70: {  	s7 =	sadd.s32 $0x280, s5  }
0x71: {  	[hbm4b:s7+s2] =	stream.linear.scatter [tilespmem:s18], [sflag:$0x8], $0x1400, $0x38;
	[tilespmem:$0x5200] =	vst v63  }
0x72: {  	_ =	swait.ge [sflag:s23], $0x1400  }
0x73: {  	[sflag:s23] =	ssyncset.done $0x0  }
0x74: {  	[sflag:s23] =	ssyncadd.s32 $0xFFFFEC00  }
0x75: {  	_ =	swait.ge [sflag:s24], $0x1400  }
0x76: {  	[sflag:s24] =	ssyncset.done $0x0  }
0x77: {  	p0 =	sne.s32 s0, $0x26C00;
	[sflag:s24] =	ssyncadd.s32 $0xFFFFEC00  }
.Ltmp0:
0x78: {  	_ =	swait.ge [sflag:s25], $0x1400;
	(pc) =	sbr.rel @p0 .LBB2_2-.Ltmp0, $4  }
0x79: {  	[sflag:s25] =	ssyncset.done $0x0  }
0x7a: {  	[sflag:s25] =	ssyncadd.s32 $0xFFFFEC00  }
0x7b: {  	s1 =	smov.u32 s0;
	s0 =	sadd.s32 $0x500, s0;
	_ =	swait.ge [sflag:s26], $0x1400  }
0x7c: {  	s30 =	sadd.s32 $0xA, s30;
	s29 =	smov.u32 s1;
	[sflag:s26] =	ssyncset.done $0x0  }
0x7d: {  	s0 =	sadd.s32 s30, s8;
	[sflag:s26] =	ssyncadd.s32 $0xFFFFEC00  }
0x7e: {  	[tilespmem:s2], [sflag:$0x9] =	stream.linear.gather [hbm4b:s0+s2], $0x28, $0x38;
	[tilespmem:$0x5200] =	vst v63  }
0x7f: {  	_ =	swait.ge [sflag:s10], $0x28  }
0x80: {  	s7 =	sadd.s32 $0xA, s31;
	[sflag:s10] =	ssyncset.done $0x0  }
0x81: {  	s1 =	sadd.s32 s7, s8;
	[sflag:s10] =	ssyncadd.s32 $0xFFFFFFD8  }
0x82: {  	[tilespmem:s11], [sflag:$0x9] =	stream.linear.gather [hbm4b:s1+s2], $0x28, $0x38;
	[tilespmem:$0x5200] =	vst v63  }
0x83: {  	_ =	swait.ge [sflag:s10], $0x28  }
0x84: {  	[sflag:s10] =	ssyncset.done $0x0  }
0x85: {  	s31 =	sadd.s32 s30, s9;
	[sflag:s10] =	ssyncadd.s32 $0xFFFFFFD8  }
0x86: {  	[tilespmem:s12], [sflag:$0x9] =	stream.linear.gather [hbm4b:s31+s2], $0x28, $0x38;
	[tilespmem:$0x5200] =	vst v63  }
0x87: {  	_ =	swait.ge [sflag:s10], $0x28  }
0x88: {  	[sflag:s10] =	ssyncset.done $0x0  }
0x89: {  	s0 =	sadd.s32 s7, s9;
	[sflag:s10] =	ssyncadd.s32 $0xFFFFFFD8  }
0x8a: {  	[tilespmem:s13], [sflag:$0x9] =	stream.linear.gather [hbm4b:s0+s2], $0x28, $0x38;
	[tilespmem:$0x5200] =	vst v63  }
0x8b: {  	_ =	swait.ge [sflag:s10], $0x28  }
0x8c: {  	[sflag:s10] =	ssyncset.done $0x0  }
0x8d: {  	[sflag:s10] =	ssyncadd.s32 $0xFFFFFFD8  }
0x8e: {  	[tilespmem:s15], [sflag:$0x1] =	stream.indirect.gather [hbm4b:s3+s14], $0x80, s2, s14, $0xb8;
	[tilespmem:$0x5200] =	vst v63  }
0x8f: {  	_ = 	snop  }
0x90: {  	[tilespmem:s16], [sflag:$0x2] =	stream.indirect.gather [hbm4b:s4+s14], $0x80, s11, s14, $0xb8;
	[tilespmem:$0x5200] =	vst v63  }
0x91: {  	_ = 	snop  }
0x92: {  	[tilespmem:s17], [sflag:$0x3] =	stream.indirect.gather [hbm4b:s3+s14], $0x80, s12, s14, $0xb8;
	[tilespmem:$0x5200] =	vst v63  }
0x93: {  	_ = 	snop  }
0x94: {  	[tilespmem:s18], [sflag:$0x4] =	stream.indirect.gather [hbm4b:s4+s14], $0x80, s13, s14, $0xb8;
	[tilespmem:$0x5200] =	vst v63  }
0x95: {  	_ =	swait.ge [sflag:s19], $0x1400  }
0x96: {  	[sflag:s19] =	ssyncset.done $0x0  }
0x97: {  	[sflag:s19] =	ssyncadd.s32 $0xFFFFEC00  }
0x98: {  	_ =	swait.ge [sflag:s20], $0x1400  }
0x99: {  	s5 =	rddreg [dreg:$0x2];
	[sflag:s20] =	ssyncset.done $0x0  }
0x9a: {  	s7 =	rddreg [dreg:$0x3];
	[sflag:s20] =	ssyncadd.s32 $0xFFFFEC00;
	s0 =	sadd.s32 s29, s5  }
0x9b: {  	[hbm4b:s0+s2] =	stream.linear.scatter [tilespmem:s15], [sflag:$0x5], $0x1400, $0x38;
	[tilespmem:$0x5200] =	vst v63  }
0x9c: {  	s1 =	sadd.s32 s29, s7  }
0x9d: {  	[hbm4b:s1+s2] =	stream.linear.scatter [tilespmem:s16], [sflag:$0x6], $0x1400, $0x38;
	[tilespmem:$0x5200] =	vst v63  }
0x9e: {  	_ =	swait.ge [sflag:s21], $0x1400  }
0x9f: {  	[sflag:s21] =	ssyncset.done $0x0  }
0xa0: {  	[sflag:s21] =	ssyncadd.s32 $0xFFFFEC00  }
0xa1: {  	_ =	swait.ge [sflag:s22], $0x1400  }
0xa2: {  	[sflag:s22] =	ssyncset.done $0x0  }
0xa3: {  	s0 =	sadd.s32 $0x280, s0;
	[sflag:s22] =	ssyncadd.s32 $0xFFFFEC00  }
0xa4: {  	[hbm4b:s0+s2] =	stream.linear.scatter [tilespmem:s17], [sflag:$0x7], $0x1400, $0x38;
	[tilespmem:$0x5200] =	vst v63  }
0xa5: {  	s30 =	sadd.s32 $0x280, s1  }
0xa6: {  	[hbm4b:s30+s2] =	stream.linear.scatter [tilespmem:s18], [sflag:$0x8], $0x1400, $0x38;
	[tilespmem:$0x5200] =	vst v63  }
0xa7: {  	_ =	swait.ge [sflag:s23], $0x1400  }
0xa8: {  	[sflag:s23] =	ssyncset.done $0x0  }
0xa9: {  	[sflag:s23] =	ssyncadd.s32 $0xFFFFEC00  }
0xaa: {  	_ =	swait.ge [sflag:s24], $0x1400  }
0xab: {  	[sflag:s24] =	ssyncset.done $0x0  }
0xac: {  	[sflag:s24] =	ssyncadd.s32 $0xFFFFEC00  }
0xad: {  	_ =	swait.ge [sflag:s25], $0x1400  }
0xae: {  	[sflag:s25] =	ssyncset.done $0x0  }
0xaf: {  	[sflag:s25] =	ssyncadd.s32 $0xFFFFEC00  }
0xb0: {  	_ =	swait.ge [sflag:s26], $0x1400  }
0xb1: {  	s28 =	sadd.s32 $0x1, s28;
	s31 =	rddreg [dreg:$0x5]  }
0xb2: {  	p0 =	sne.s32 s28, s31  }
.Ltmp1:
0xb3: {  	_ = 	snop;
	(pc) =	sbr.rel @p0 .LBB2_1-.Ltmp1, $3  }
0xb4: {  	_ =	sdelay $0x1  }
0xb5: {  	[sflag:s26] =	ssyncset.done $0x0  }
0xb6: {  	[sflag:s26] =	ssyncadd.s32 $0xFFFFEC00  }
0xb7: {  	_ =	sfence.sel $0x180000  }
0xb8: {  	[bflag:$0x0] =	sbarrier.arrive $0xFFFF  }
0xb9: {  	_ =	strace $0x90000059  }
0xba: {  	s0 =	stileid.u32;
	[bflag:$0x2] =	sbarrier.arrive $0xFFFF  }
0xbb: {  	p0 =	sne.s32 s0, $0x0;
	s0 =	rddreg [dreg:$0x1]  }
0xbc: {  	s0 =	sadd.s32 @!p0 $0x100000, s0  }
0xbd: {  	[sflag:s0] =	ssyncadd.tile.s32 @!p0 $0x1;
	_ =	shalt  }
.Lfunc_end2:
_tile_overlayer_lowered:
.L_overlay_start_2:
0xbe: {  	(tag) =	ssettag $0x2  }
0xbf: {  	s0 =	rddreg [dreg:$0x0];
	s2 =	stileid.u32  }
0xc0: {  	s1 =	rddreg [dreg:$0x1];
	p0 =	sne.s32 s2, $0x0  }
0xc1: {  	s3 =	rddreg [dreg:$0x2];
	[bflag:$0x3] =	sbarrier.arrive $0xFFFF;
	s2 =	simm.s32 @!p0 $0x1C09  }
0xc2: {  	[timem:s3], [sflag:s2] =	dma.local @!p0 [hbm:s0], s1  }
0xc3: {  	s0 =	simm.s32 @!p0 $0x9  }
0xc4: {  	_ =	swait.ge @!p0 [sflag:s0], s1  }
0xc5: {  	s1 =	ssub.s32 @!p0 $0x0, s1;
	[sflag:s0] =	ssyncset.done @!p0 $0x0  }
0xc6: {  	[sflag:s0] =	ssyncadd.s32 @!p0 s1  }
0xc7: {  	[bflag:$0x3] =	sbarrier.arrive $0xFFFF  }
0xc8: {  	_ =	shalt  }

// kernel: kernel.50.cloned.1.call-start
scs
__scs_entry_jumppad:
0x0: {  	(pc) =	sbr.rel $0x88, $3  }
0x1: {  	(tag) =	ssettag $0x0;
	lr =	simm.s32 $0x1  }
0x2: {  	[smem:$0x3F62] =	sst lr;
	_ =	strace $0xD0000000  }
0x3: {  	_ = 	snop  }
0x4: {  	_ = 	snop  }
0x5: {  	_ = 	snop  }
0x6: {  	_ = 	snop  }
0x7: {  	_ = 	snop  }
__scs_overlays_trampoline_lowered:
0x8: {  	[smem:$0x3F71] =	sst s0  }
0x9: {  	[smem:$0x3F72] =	sst s1  }
0xa: {  	[smem:$0x3F73] =	sst s2  }
0xb: {  	[smem:$0x3F74] =	sst s3  }
0xc: {  	[smem:$0x3F75] =	sst s4  }
0xd: {  	[smem:$0x3F76] =	sst s5  }
0xe: {  	[smem:$0x3F77] =	sst s6  }
0xf: {  	[smem:$0x3F78] =	sst s7  }
0x10: {  	[smem:$0x3F79] =	sst s8  }
0x11: {  	[smem:$0x3F7A] =	sst s9;
	s0 =	simm.s32 @!p0 $0x0  }
0x12: {  	s1 =	sld [smem:$0x3F60];
	s0 =	simm.s32 @p0 $0x1  }
0x13: {  	[smem:$0x3F7B] =	sst s0;
	s0 =	simm.s32 @!p1 $0x0  }
0x14: {  	s2 =	sld [smem:$0x3F5F];
	s0 =	simm.s32 @p1 $0x1  }
0x15: {  	[smem:$0x3F7C] =	sst s0;
	s0 =	simm.s32 @!p2 $0x0  }
0x16: {  	s3 =	sld [smem:$0x3FDB];
	s0 =	simm.s32 @p2 $0x1  }
0x17: {  	s4 =	simm.s32 $0x1BF5;
	[smem:$0x3F7E] =	sst s0  }
0x18: {  	s0 =	sld [smem:$0x3F61];
	_ =	swait.ge [sflag:s4], $0x0  }
0x19: {  	s7 =	sld [smem:$0x3F62]  }
0x1a: {  	s8 =	sadd.s32 $0xFFFFE003, lr  }
0x1b: {  	s9 =	sadd.s32 $0xFFFFFEF7, lr;
	s5 =	simm.s32 $0xFFFFFFFF;
	p2 =	slt.u32 s8, $0xFFFFF086  }
0x1c: {  	p1 =	slt.u32 s9, $0xF7A;
	s5 =	simm.s32 @!p2 $0x0  }
0x1d: {  	s5 =	simm.s32 @p1 $0x1;
	p0 =	seq.s32 s7, s2  }
0x1e: {  	s7 =	smul.u32 @!p0 $0xF7A, s2;
	p2 =	seq.s32 @!p0 s5, $0x0  }
0x1f: {  	s9 =	smul.u32 $0xF7A, s1;
	s8 =	simm.s32 @!p0 $0x1BF5;
	p2 =	por !p2, p0  }
0x20: {  	[sflag:s8] =	ssyncset.s32 @!p0 $0xFFFFF086;
	s6 =	sadd.s32 @!p0 s3, s7;
	s7 =	simm.s32 @!p0 $0x108  }
0x21: {  	s3 =	sadd.s32 s3, s9;
	s6 =	sadd.s32 @!p0 $0x88, s6;
	s7 =	simm.s32 @p2 $0x1082  }
0x22: {  	[simem:s7], [sflag:s8] =	dma.local @!p0 [hbm:s6], $0xF7A  }
0x23: {  	s9 =	sor.u32 $0xD0000000, s2;
	s6 =	simm.s32 $0x108;
	_ =	swait.ge @!p0 [sflag:s8], $0x0  }
0x24: {  	s3 =	sadd.s32 $0x88, s3;
	s6 =	simm.s32 @!p1 $0x1082;
	[sflag:s4] =	ssyncset.s32 $0xFFFFF086  }
0x25: {  	[simem:s6], [sflag:s4] =	dma.local [hbm:s3], $0xF7A  }
0x26: {  	[smem:$0x3F62] =	sst s1;
	(tag) =	ssettag s2;
	_ =	strace s9  }
0x27: {  	s1 =	sld [smem:$0x3F72]  }
0x28: {  	s2 =	sld [smem:$0x3F73]  }
0x29: {  	s4 =	sld [smem:$0x3F75]  }
0x2a: {  	p0 =	seq.s32 s5, $0x0;
	s5 =	sld [smem:$0x3F76]  }
0x2b: {  	s6 =	sld [smem:$0x3F77]  }
0x2c: {  	s7 =	sld [smem:$0x3F78]  }
0x2d: {  	s3 =	simm.s32 $0x108;
	s8 =	sld [smem:$0x3F79]  }
0x2e: {  	s3 =	simm.s32 @!p0 $0x1082;
	s9 =	sld [smem:$0x3F7A]  }
0x2f: {  	lr =	sadd.s32 s0, s3;
	s0 =	sld [smem:$0x3F71]  }
0x30: {  	s3 =	sld [smem:$0x3F74]  }
0x31: {  	[smem:$0x3F7D] =	sst s10  }
0x32: {  	s10 =	sld [smem:$0x3F7B];
	_ =	sdelay $0x3  }
0x33: {  	p0 =	seq.s32 s10, $0x1;
	s10 =	sld [smem:$0x3F7D];
	_ =	sdelay $0x3  }
0x34: {  	[smem:$0x3F7D] =	sst s10  }
0x35: {  	s10 =	sld [smem:$0x3F7C];
	_ =	sdelay $0x3  }
0x36: {  	p1 =	seq.s32 s10, $0x1;
	s10 =	sld [smem:$0x3F7D];
	_ =	sdelay $0x3  }
0x37: {  	[smem:$0x3F7D] =	sst s10  }
0x38: {  	s10 =	sld [smem:$0x3F7E]  }
0x39: {  	_ = 	snop;
	(pc) =	sbr.ind lr, $3  }
0x3a: {  	_ = 	snop  }
0x3b: {  	_ = 	snop  }
0x3c: {  	p2 =	seq.s32 s10, $0x1;
	s10 =	sld [smem:$0x3F7D]  }
0x3d: {  	_ =	shalt  }
0x3e: {  	_ =	shalt  }
0x3f: {  	_ =	shalt  }
0x40: {  	_ =	shalt  }
0x41: {  	_ =	shalt  }
0x42: {  	_ =	shalt  }
0x43: {  	_ =	shalt  }
0x44: {  	_ =	shalt  }
0x45: {  	_ =	shalt  }
0x46: {  	_ =	shalt  }
0x47: {  	_ =	shalt  }
0x48: {  	_ =	shalt  }
0x49: {  	_ =	shalt  }
0x4a: {  	_ =	shalt  }
0x4b: {  	_ =	shalt  }
0x4c: {  	_ =	shalt  }
0x4d: {  	_ =	shalt  }
0x4e: {  	_ =	shalt  }
0x4f: {  	_ =	shalt  }
0x50: {  	_ =	shalt  }
0x51: {  	_ =	shalt  }
0x52: {  	_ =	shalt  }
0x53: {  	_ =	shalt  }
0x54: {  	_ =	shalt  }
0x55: {  	_ =	shalt  }
0x56: {  	_ =	shalt  }
0x57: {  	_ =	shalt  }
0x58: {  	_ =	shalt  }
0x59: {  	_ =	shalt  }
0x5a: {  	_ =	shalt  }
0x5b: {  	_ =	shalt  }
0x5c: {  	_ =	shalt  }
0x5d: {  	_ =	shalt  }
0x5e: {  	_ =	shalt  }
0x5f: {  	_ =	shalt  }
0x60: {  	_ =	shalt  }
0x61: {  	_ =	shalt  }
0x62: {  	_ =	shalt  }
0x63: {  	_ =	shalt  }
0x64: {  	_ =	shalt  }
0x65: {  	_ =	shalt  }
0x66: {  	_ =	shalt  }
0x67: {  	_ =	shalt  }
0x68: {  	_ =	shalt  }
0x69: {  	_ =	shalt  }
0x6a: {  	_ =	shalt  }
0x6b: {  	_ =	shalt  }
0x6c: {  	_ =	shalt  }
0x6d: {  	_ =	shalt  }
0x6e: {  	_ =	shalt  }
0x6f: {  	_ =	shalt  }
0x70: {  	_ =	shalt  }
0x71: {  	_ =	shalt  }
0x72: {  	_ =	shalt  }
0x73: {  	_ =	shalt  }
0x74: {  	_ =	shalt  }
0x75: {  	_ =	shalt  }
0x76: {  	_ =	shalt  }
0x77: {  	_ =	shalt  }
0x78: {  	_ =	shalt  }
0x79: {  	_ =	shalt  }
0x7a: {  	_ =	shalt  }
0x7b: {  	_ =	shalt  }
0x7c: {  	_ =	shalt  }
0x7d: {  	_ =	shalt  }
0x7e: {  	_ =	shalt  }
0x7f: {  	_ =	shalt  }
0x80: {  	_ =	shalt  }
0x81: {  	_ =	shalt  }
0x82: {  	_ =	shalt  }
0x83: {  	_ =	shalt  }
0x84: {  	_ =	shalt  }
0x85: {  	_ =	shalt  }
0x86: {  	_ =	shalt  }
0x87: {  	_ =	shalt  }
.Lfunc_end0:
.L_simem_size_0:
called_computation.7_lowered:
.L_overlay_start_0:
0x88: {  	s2 =	sld [smem:$0x3FD9]  }
0x89: {  	s3 =	sld [smem:$0x3FFE];
	_ =	sdelay $0x1  }
0x8a: {  	s1 =	srdreg.scid  }
0x8b: {  	s0 =	sand.u32 $0x1, s1  }
0x8c: {  	s16 =	sshll.u32 s0, $0xA;
	s2 =	sadd.s32 s3, s2  }
0x8d: {  	s2 =	sadd.s32 s2, s16  }
0x8e: {  	[smem:$0x3F89] =	sst s2  }
0x8f: {  	_ = 	snop  }
0x90: {  	(tm) =	ssettm $0x1  }
0x91: {  	s17 =	sld [smem:$0x3FFB];
	_ =	sdelay $0x3  }
0x92: {  	_ =	strace s17  }
0x93: {  	s2 =	sld [smem:$0x3FFC];
	_ =	sdelay $0x3  }
0x94: {  	_ =	strace s2  }
0x95: {  	s2 =	sld [smem:$0x3FFD];
	_ =	sdelay $0x3  }
0x96: {  	_ =	strace s2  }
0x97: {  	_ =	strace $0x8FFFFFFF  }
0x98: {  	s18 =	sld [smem:$0x3FDB];
	_ =	sdelay $0x1  }
0x99: {  	s19 =	simm.s32 $_scs_section_size  }
0x9a: {  	s4 =	simm.s32 $_size__tile_overlayer_lowered;
	s5 =	simm.s32 $_tile_overlayer_lowered  }
0x9b: {  	s22 =	simm.s32 $0x1BFF;
	s21 =	sshll.u32 s5, $0x1;
	s2 =	sadd.s32 s19, s18  }
0x9c: {  	s6 =	simm.s32 $0x0;
	s20 =	sshll.u32 s4, $0x1;
	s4 =	sadd.s32 s21, s2  }
0x9d: {  	[timem:s6], [sflag:s22] =	dma.local [hbm:s4], s20  }
0x9e: {  	_ =	swait.ge [sflag:s22], s20  }
0x9f: {  	s3 =	ssub.s32 $0x0, s20;
	[sflag:s22] =	ssyncset.done $0x0  }
0xa0: {  	[sflag:s22] =	ssyncadd.s32 s3;
	_ =	sdelay $0x1  }
0xa1: {  	s23 =	simm.s32 $0x1B8B  }
0xa2: {  	_ =	swait.ge [sflag:s23], $0x1  }
0xa3: {  	[sflag:s23] =	ssyncset.done $0x0  }
0xa4: {  	s25 =	simm.s32 $0x1B8E;
	s24 =	sld [smem:$0x3FFE];
	[sflag:s23] =	ssyncadd.s32 $0xFFFFFFFF  }
0xa5: {  	s26 =	simm.s32 $execute0_lowered;
	[smem:$0x3FD2] =	sst s25  }
0xa6: {  	s4 =	sshll.u32 s26, $0x1;
	_ =	strace $0x8000005B;
	[dreg:$0x1] =	wrdreg $0xFFFFFFFF  }
0xa7: {  	s28 =	simm.s32 $_size_execute0_lowered;
	s2 =	sadd.s32 s2, s4;
	[dreg:$0x0] =	wrdreg $0x0  }
0xa8: {  	s4 =	sshll.u32 s28, $0x1;
	[dreg:$0x2] =	wrdreg s2  }
0xa9: {  	[dreg:$0x3] =	wrdreg s4  }
0xaa: {  	[dreg:$0x4] =	wrdreg $0xC0  }
0xab: {  	_ =	task [dreg:s6], $0x5FFFF  }
0xac: {  	[dreg:$0x1] =	wrdreg $0xFFFFFFFF  }
0xad: {  	[dreg:$0x0] =	wrdreg $0x60  }
0xae: {  	[dreg:$0x2] =	wrdreg s24  }
0xaf: {  	[dreg:$0x3] =	wrdreg $0x29000  }
0xb0: {  	[dreg:$0x4] =	wrdreg $0x9  }
0xb1: {  	_ =	task.clear_ibuf [dreg:s6], $0x5FFFF;
	_ =	strace $0x9000005B  }
0xb2: {  	s29 =	simm.s32 $0x9;
	_ =	strace $0x8000005D  }
0xb3: {  	_ =	swait.ge [sflag:s29], $0x1  }
0xb4: {  	[sflag:s29] =	ssyncadd.s32 $0xFFFFFFFF  }
0xb5: {  	_ =	strace $0x9000005D  }
0xb6: {  	_ =	sfence  }
0xb7: {  	s30 =	sld [smem:$0x0];
	_ =	sdelay $0x2  }
0xb8: {  	s31 =	sshll.u32 s1, $0xD;
	s1 =	sshrl.u32 s1, $0x2  }
0xb9: {  	s3 =	sand.u32 $0x4000, s31;
	s1 =	sadd.s32 s1, s30  }
0xba: {  	s0 =	sor.u32 s3, s0;
	s1 =	sshll.u32 s1, $0x11  }
0xbb: {  	s0 =	sor.u32 s1, s0  }
0xbc: {  	s0 =	sadd.s32 $0x8F2B, s0  }
0xbd: {  	[sflag:s0] =	ssyncadd.remote.s32 $0x1  }
0xbe: {  	_ =	sfence.sel $0xFFFF  }
0xbf: {  	[dreg:$0x0] =	wrdreg $0xFFFFFFFF;
	(pc) =	sbr.abs _section_cstart, $3  }
0xc0: {  	[dreg:$0x1] =	wrdreg $0xFFFFFFFF  }
0xc1: {  	_ =	task.clear_ibuf [dreg:s6], $0x2FFFF;
	_ =	strace $0x9FFFFFFF  }
0xc2: {  	(tm) =	ssettm $0x7FFFFFFF  }
0xc3: {  	_ =	shalt  }
tec
execute0_lowered:
.L_overlay_start_1:
0x0: {  	(tag) =	ssettag $0x1  }
0x1: {  	s4 =	rddreg [dreg:$0x0]  }
0x2: {  	s2 =	rddreg [dreg:$0x1]  }
0x3: {  	s0 =	rddreg [dreg:$0x2];
	s1 =	stileid.u32  }
0x4: {  	s6 =	srdreg.scid;
	s3 =	simm.s32 $0x0;
	s15 =	simm.s32 $0x1500  }
0x5: {  	s16 =	simm.s32 $0x1;
	s17 =	simm.s32 $0x28;
	s5 =	smul.u32 $0x4E200, s1  }
0x6: {  	s18 =	simm.s32 $0x2;
	s19 =	simm.s32 $0x3;
	s7 =	smul.u32 $0x14000, s1  }
0x7: {  	s20 =	simm.s32 $0x4;
	s21 =	simm.s32 $0x0;
	s11 =	smul.u32 $0x50000, s1  }
0x8: {  	s6 =	sand.u32 $0x1, s6;
	[smem:$0x7FF] =	sst s3;
	s26 =	smul.u32 $0x4E20, s1  }
0x9: {  	s10 =	sadd.s32 $0x1C800, s4;
	s13 =	sshll.u32 s1, $0x6;
	s8 =	smul.u32 $0x140000, s6  }
0xa: {  	_ =	strace $0x8000005C;
	s23 =	ssub.s32 $0x2, s6;
	s14 =	smul.u32 $0x2710, s6  }
0xb: {  	s28 =	smul.u32 $0x27100, s6;
	s9 =	sadd.s32 s5, s4;
	s22 =	sshrl.u32 s7, $0x3  }
0xc: {  	s24 =	sshrl.u32 s23, $0x1;
	s25 =	sshrl.u32 s11, $0x2;
	s7 =	sadd.s32 s7, s8  }
0xd: {  	s5 =	sadd.s32 s22, s4;
	s8 =	ssub.s32 s23, s24;
	s12 =	sadd.s32 s25, s2  }
0xe: {  	s29 =	sadd.s32 s14, s26;
	s9 =	sadd.s32 s28, s9;
	s14 =	simm.s32 $0x80  }
0xf: {  	s7 =	sshrl.u32 s7, $0x3;
	s11 =	sshrl.u32 s29, $0x3;
	s30 =	sadd.s32 $0x28, s29  }
0x10: {  	s7 =	sadd.s32 s7, s4;
	s4 =	sadd.s32 $0x1499200, s5;
	s5 =	sor.u32 $0x1C05, s13  }
0x11: {  	s31 =	sshrl.u32 s30, $0x3;
	s13 =	simm.s32 $0x100;
	s6 =	sadd.s32 $0x5F7800, s7  }
0x12: {  	s7 =	smax.u32 s8, $0x1;
	s8 =	sadd.s32 $0xA5FC00, s9;
	s9 =	sadd.s32 s11, s10  }
0x13: {  	s10 =	sadd.s32 s31, s10;
	s11 =	sshrl.u32 s12, $0x3;
	s12 =	simm.s32 $0x5  }
.LBB2_1:
0x14: {  	[spmem:s11], [sflag:s5] =	dma.local [hbm:s4], $0x2800  }
0x15: {  	_ =	swait.ge [sflag:s12], $0x2800  }
0x16: {  	[sflag:s12] =	ssyncset.done $0x0  }
0x17: {  	[sflag:s12] =	ssyncadd.s32 $0xFFFFD800  }
0x18: {  	s22 =	sadd.s32 $0x0, s9;
	[bflag:$0x0] =	sbarrier.arrive $0xFFFF  }
0x19: {  	[tilespmem:s3], [sflag:$0x5] =	stream.linear.gather [hbm4b:s22+s3], $0x28, $0x38;
	[tilespmem:$0x16900] =	vst v63  }
0x1a: {  	_ =	swait.ge [sflag:s12], $0x28  }
0x1b: {  	[sflag:s12] =	ssyncset.done $0x0  }
0x1c: {  	[sflag:s12] =	ssyncadd.s32 $0xFFFFFFD8  }
0x1d: {  	[tilespmem:s13], [sflag:$0x1] =	stream.linear.gather [hbm4b:s8+s3], $0x1400, $0x38;
	[tilespmem:$0x16900] =	vst v63  }
0x1e: {  	s30 =	sadd.s32 $0x0, s10  }
0x1f: {  	[tilespmem:s14], [sflag:$0x5] =	stream.linear.gather [hbm4b:s30+s3], $0x28, $0x38;
	[tilespmem:$0x16900] =	vst v63  }
0x20: {  	_ =	swait.ge [sflag:s12], $0x28  }
0x21: {  	[sflag:s12] =	ssyncset.done $0x0  }
0x22: {  	s31 =	sadd.s32 $0x280, s8;
	[sflag:s12] =	ssyncadd.s32 $0xFFFFFFD8  }
0x23: {  	[tilespmem:s15], [sflag:$0x2] =	stream.linear.gather [hbm4b:s31+s3], $0x1400, $0x38;
	[tilespmem:$0x16900] =	vst v63  }
0x24: {  	_ =	swait.ge [sflag:s16], $0x1400  }
0x25: {  	[sflag:s16] =	ssyncset.done $0x0  }
0x26: {  	[sflag:s16] =	ssyncadd.s32 $0xFFFFEC00  }
0x27: {  	[spmem:s2] =	stream.indirect.scatter.add.f32 [tilespmem:s13], [sflag:$0x3], $0x80, s3, s17, $0xb8;
	[tilespmem:$0x16900] =	vst v63  }
0x28: {  	_ =	swait.ge [sflag:s18], $0x1400  }
0x29: {  	[sflag:s18] =	ssyncset.done $0x0  }
0x2a: {  	[sflag:s18] =	ssyncadd.s32 $0xFFFFEC00  }
0x2b: {  	[spmem:s2] =	stream.indirect.scatter.add.f32 [tilespmem:s15], [sflag:$0x4], $0x80, s14, s17, $0xb8;
	[tilespmem:$0x16900] =	vst v63  }
0x2c: {  	_ =	swait.ge [sflag:s19], $0x1400  }
0x2d: {  	[sflag:s19] =	ssyncset.done $0x0  }
0x2e: {  	[sflag:s19] =	ssyncadd.s32 $0xFFFFEC00  }
0x2f: {  	s23 =	simm.s32 $0xA;
	_ =	swait.ge [sflag:s20], $0x1400  }
0x30: {  	s24 =	simm.s32 $0x14;
	s22 =	sadd.s32 $0x500, s8;
	[sflag:s20] =	ssyncset.done $0x0  }
.LBB2_2:
0x31: {  	s25 =	sadd.s32 s23, s9  }
0x32: {  	[sflag:s20] =	ssyncadd.s32 $0xFFFFEC00;
	s26 =	smov.u32 s24;
	s28 =	sadd.s32 $0xA, s24  }
0x33: {  	[tilespmem:s3], [sflag:$0x5] =	stream.linear.gather [hbm4b:s25+s3], $0x28, $0x38;
	[tilespmem:$0x16900] =	vst v63  }
0x34: {  	p0 =	sne.s32 s24, $0x4D8;
	_ =	swait.ge [sflag:s12], $0x28  }
0x35: {  	[sflag:s12] =	ssyncset.done $0x0  }
0x36: {  	[sflag:s12] =	ssyncadd.s32 $0xFFFFFFD8  }
0x37: {  	[tilespmem:s13], [sflag:$0x1] =	stream.linear.gather [hbm4b:s22+s3], $0x1400, $0x38;
	[tilespmem:$0x16900] =	vst v63  }
0x38: {  	s24 =	sadd.s32 s23, s10;
	s23 =	smov.u32 s26  }
0x39: {  	[tilespmem:s14], [sflag:$0x5] =	stream.linear.gather [hbm4b:s24+s3], $0x28, $0x38;
	[tilespmem:$0x16900] =	vst v63  }
0x3a: {  	_ =	swait.ge [sflag:s12], $0x28  }
0x3b: {  	[sflag:s12] =	ssyncset.done $0x0  }
0x3c: {  	s24 =	sadd.s32 $0x280, s22;
	[sflag:s12] =	ssyncadd.s32 $0xFFFFFFD8  }
0x3d: {  	[tilespmem:s15], [sflag:$0x2] =	stream.linear.gather [hbm4b:s24+s3], $0x1400, $0x38;
	[tilespmem:$0x16900] =	vst v63  }
0x3e: {  	_ =	swait.ge [sflag:s16], $0x1400  }
0x3f: {  	[sflag:s16] =	ssyncset.done $0x0  }
0x40: {  	[sflag:s16] =	ssyncadd.s32 $0xFFFFEC00  }
0x41: {  	[spmem:s2] =	stream.indirect.scatter.add.f32 [tilespmem:s13], [sflag:$0x3], $0x80, s3, s17, $0xb8;
	[tilespmem:$0x16900] =	vst v63  }
0x42: {  	_ =	swait.ge [sflag:s18], $0x1400  }
0x43: {  	[sflag:s18] =	ssyncset.done $0x0  }
0x44: {  	[sflag:s18] =	ssyncadd.s32 $0xFFFFEC00  }
0x45: {  	[spmem:s2] =	stream.indirect.scatter.add.f32 [tilespmem:s15], [sflag:$0x4], $0x80, s14, s17, $0xb8;
	[tilespmem:$0x16900] =	vst v63  }
.Ltmp0:
0x46: {  	_ =	swait.ge [sflag:s19], $0x1400;
	(pc) =	sbr.rel @p0 .LBB2_2-.Ltmp0, $4  }
0x47: {  	[sflag:s19] =	ssyncset.done $0x0  }
0x48: {  	[sflag:s19] =	ssyncadd.s32 $0xFFFFEC00  }
0x49: {  	_ =	swait.ge [sflag:s20], $0x1400  }
0x4a: {  	s22 =	sadd.s32 $0x500, s22;
	s24 =	smov.u32 s28;
	[sflag:s20] =	ssyncset.done $0x0  }
0x4b: {  	s24 =	sadd.s32 s23, s9;
	[sflag:s20] =	ssyncadd.s32 $0xFFFFEC00  }
0x4c: {  	[tilespmem:s3], [sflag:$0x5] =	stream.linear.gather [hbm4b:s24+s3], $0x28, $0x38;
	[tilespmem:$0x16900] =	vst v63  }
0x4d: {  	_ =	swait.ge [sflag:s12], $0x28  }
0x4e: {  	[sflag:s12] =	ssyncset.done $0x0  }
0x4f: {  	[sflag:s12] =	ssyncadd.s32 $0xFFFFFFD8  }
0x50: {  	[tilespmem:s13], [sflag:$0x1] =	stream.linear.gather [hbm4b:s22+s3], $0x1400, $0x38;
	[tilespmem:$0x16900] =	vst v63  }
0x51: {  	s30 =	sadd.s32 s23, s10  }
0x52: {  	[tilespmem:s14], [sflag:$0x5] =	stream.linear.gather [hbm4b:s30+s3], $0x28, $0x38;
	[tilespmem:$0x16900] =	vst v63  }
0x53: {  	_ =	swait.ge [sflag:s12], $0x28  }
0x54: {  	[sflag:s12] =	ssyncset.done $0x0  }
0x55: {  	s31 =	sadd.s32 $0x280, s22;
	[sflag:s12] =	ssyncadd.s32 $0xFFFFFFD8  }
0x56: {  	[tilespmem:s15], [sflag:$0x2] =	stream.linear.gather [hbm4b:s31+s3], $0x1400, $0x38;
	[tilespmem:$0x16900] =	vst v63  }
0x57: {  	_ =	swait.ge [sflag:s16], $0x1400  }
0x58: {  	[sflag:s16] =	ssyncset.done $0x0  }
0x59: {  	[sflag:s16] =	ssyncadd.s32 $0xFFFFEC00  }
0x5a: {  	[spmem:s2] =	stream.indirect.scatter.add.f32 [tilespmem:s13], [sflag:$0x3], $0x80, s3, s17, $0xb8;
	[tilespmem:$0x16900] =	vst v63  }
0x5b: {  	_ =	swait.ge [sflag:s18], $0x1400  }
0x5c: {  	[sflag:s18] =	ssyncset.done $0x0  }
0x5d: {  	[sflag:s18] =	ssyncadd.s32 $0xFFFFEC00  }
0x5e: {  	[spmem:s2] =	stream.indirect.scatter.add.f32 [tilespmem:s15], [sflag:$0x4], $0x80, s14, s17, $0xb8;
	[tilespmem:$0x16900] =	vst v63  }
0x5f: {  	_ =	swait.ge [sflag:s19], $0x1400  }
0x60: {  	[sflag:s19] =	ssyncset.done $0x0  }
0x61: {  	[sflag:s19] =	ssyncadd.s32 $0xFFFFEC00  }
0x62: {  	_ =	swait.ge [sflag:s20], $0x1400  }
0x63: {  	s21 =	sadd.s32 $0x1, s21;
	[sflag:s20] =	ssyncset.done $0x0  }
0x64: {  	p0 =	sne.s32 s21, s7;
	[sflag:s20] =	ssyncadd.s32 $0xFFFFEC00  }
.Ltmp1:
0x65: {  	[bflag:$0x0] =	sbarrier.arrive $0xFFFF;
	(pc) =	sbr.rel @p0 .LBB2_1-.Ltmp1, $4  }
0x66: {  	[hbm:s6], [sflag:s5] =	dma.local [spmem:s11], $0x2800  }
0x67: {  	_ =	swait.ge [sflag:s12], $0x2800  }
0x68: {  	[sflag:s12] =	ssyncset.done $0x0  }
0x69: {  	[sflag:s12] =	ssyncadd.s32 $0xFFFFD800  }
0x6a: {  	_ =	sfence.sel $0x180000  }
0x6b: {  	[bflag:$0x0] =	sbarrier.arrive $0xFFFF  }
0x6c: {  	p0 =	sne.s32 s1, $0x0;
	_ =	strace $0x9000005C  }
0x6d: {  	s0 =	sadd.s32 @!p0 $0x100000, s0;
	[bflag:$0x2] =	sbarrier.arrive $0xFFFF  }
0x6e: {  	[sflag:s0] =	ssyncadd.tile.s32 @!p0 $0x1;
	_ =	shalt  }
.Lfunc_end2:
_tile_overlayer_lowered:
.L_overlay_start_2:
0x6f: {  	(tag) =	ssettag $0x2  }
0x70: {  	s0 =	rddreg [dreg:$0x0];
	s2 =	stileid.u32  }
0x71: {  	s1 =	rddreg [dreg:$0x1];
	p0 =	sne.s32 s2, $0x0  }
0x72: {  	s3 =	rddreg [dreg:$0x2];
	[bflag:$0x3] =	sbarrier.arrive $0xFFFF;
	s2 =	simm.s32 @!p0 $0x1C05  }
0x73: {  	[timem:s3], [sflag:s2] =	dma.local @!p0 [hbm:s0], s1  }
0x74: {  	s0 =	simm.s32 @!p0 $0x5  }
0x75: {  	_ =	swait.ge @!p0 [sflag:s0], s1  }
0x76: {  	s1 =	ssub.s32 @!p0 $0x0, s1;
	[sflag:s0] =	ssyncset.done @!p0 $0x0  }
0x77: {  	[sflag:s0] =	ssyncadd.s32 @!p0 s1  }
0x78: {  	[bflag:$0x3] =	sbarrier.arrive $0xFFFF  }
0x79: {  	_ =	shalt  }

// kernel: kernel.53.cloned.1.call-start
scs
__scs_entry_jumppad:
0x0: {  	(pc) =	sbr.rel $0x88, $3  }
0x1: {  	(tag) =	ssettag $0x0;
	lr =	simm.s32 $0x1  }
0x2: {  	[smem:$0x3F62] =	sst lr;
	_ =	strace $0xD0000000  }
0x3: {  	_ = 	snop  }
0x4: {  	_ = 	snop  }
0x5: {  	_ = 	snop  }
0x6: {  	_ = 	snop  }
0x7: {  	_ = 	snop  }
__scs_overlays_trampoline_lowered:
0x8: {  	[smem:$0x3F71] =	sst s0  }
0x9: {  	[smem:$0x3F72] =	sst s1  }
0xa: {  	[smem:$0x3F73] =	sst s2  }
0xb: {  	[smem:$0x3F74] =	sst s3  }
0xc: {  	[smem:$0x3F75] =	sst s4  }
0xd: {  	[smem:$0x3F76] =	sst s5  }
0xe: {  	[smem:$0x3F77] =	sst s6  }
0xf: {  	[smem:$0x3F78] =	sst s7  }
0x10: {  	[smem:$0x3F79] =	sst s8  }
0x11: {  	[smem:$0x3F7A] =	sst s9;
	s0 =	simm.s32 @!p0 $0x0  }
0x12: {  	s1 =	sld [smem:$0x3F60];
	s0 =	simm.s32 @p0 $0x1  }
0x13: {  	[smem:$0x3F7B] =	sst s0;
	s0 =	simm.s32 @!p1 $0x0  }
0x14: {  	s2 =	sld [smem:$0x3F5F];
	s0 =	simm.s32 @p1 $0x1  }
0x15: {  	[smem:$0x3F7C] =	sst s0;
	s0 =	simm.s32 @!p2 $0x0  }
0x16: {  	s3 =	sld [smem:$0x3FDB];
	s0 =	simm.s32 @p2 $0x1  }
0x17: {  	s4 =	simm.s32 $0x1BF5;
	[smem:$0x3F7E] =	sst s0  }
0x18: {  	s0 =	sld [smem:$0x3F61];
	_ =	swait.ge [sflag:s4], $0x0  }
0x19: {  	s7 =	sld [smem:$0x3F62]  }
0x1a: {  	s8 =	sadd.s32 $0xFFFFE003, lr  }
0x1b: {  	s9 =	sadd.s32 $0xFFFFFEF7, lr;
	s5 =	simm.s32 $0xFFFFFFFF;
	p2 =	slt.u32 s8, $0xFFFFF086  }
0x1c: {  	p1 =	slt.u32 s9, $0xF7A;
	s5 =	simm.s32 @!p2 $0x0  }
0x1d: {  	s5 =	simm.s32 @p1 $0x1;
	p0 =	seq.s32 s7, s2  }
0x1e: {  	s7 =	smul.u32 @!p0 $0xF7A, s2;
	p2 =	seq.s32 @!p0 s5, $0x0  }
0x1f: {  	s9 =	smul.u32 $0xF7A, s1;
	s8 =	simm.s32 @!p0 $0x1BF5;
	p2 =	por !p2, p0  }
0x20: {  	[sflag:s8] =	ssyncset.s32 @!p0 $0xFFFFF086;
	s6 =	sadd.s32 @!p0 s3, s7;
	s7 =	simm.s32 @!p0 $0x108  }
0x21: {  	s3 =	sadd.s32 s3, s9;
	s6 =	sadd.s32 @!p0 $0x88, s6;
	s7 =	simm.s32 @p2 $0x1082  }
0x22: {  	[simem:s7], [sflag:s8] =	dma.local @!p0 [hbm:s6], $0xF7A  }
0x23: {  	s9 =	sor.u32 $0xD0000000, s2;
	s6 =	simm.s32 $0x108;
	_ =	swait.ge @!p0 [sflag:s8], $0x0  }
0x24: {  	s3 =	sadd.s32 $0x88, s3;
	s6 =	simm.s32 @!p1 $0x1082;
	[sflag:s4] =	ssyncset.s32 $0xFFFFF086  }
0x25: {  	[simem:s6], [sflag:s4] =	dma.local [hbm:s3], $0xF7A  }
0x26: {  	[smem:$0x3F62] =	sst s1;
	(tag) =	ssettag s2;
	_ =	strace s9  }
0x27: {  	s1 =	sld [smem:$0x3F72]  }
0x28: {  	s2 =	sld [smem:$0x3F73]  }
0x29: {  	s4 =	sld [smem:$0x3F75]  }
0x2a: {  	p0 =	seq.s32 s5, $0x0;
	s5 =	sld [smem:$0x3F76]  }
0x2b: {  	s6 =	sld [smem:$0x3F77]  }
0x2c: {  	s7 =	sld [smem:$0x3F78]  }
0x2d: {  	s3 =	simm.s32 $0x108;
	s8 =	sld [smem:$0x3F79]  }
0x2e: {  	s3 =	simm.s32 @!p0 $0x1082;
	s9 =	sld [smem:$0x3F7A]  }
0x2f: {  	lr =	sadd.s32 s0, s3;
	s0 =	sld [smem:$0x3F71]  }
0x30: {  	s3 =	sld [smem:$0x3F74]  }
0x31: {  	[smem:$0x3F7D] =	sst s10  }
0x32: {  	s10 =	sld [smem:$0x3F7B];
	_ =	sdelay $0x3  }
0x33: {  	p0 =	seq.s32 s10, $0x1;
	s10 =	sld [smem:$0x3F7D];
	_ =	sdelay $0x3  }
0x34: {  	[smem:$0x3F7D] =	sst s10  }
0x35: {  	s10 =	sld [smem:$0x3F7C];
	_ =	sdelay $0x3  }
0x36: {  	p1 =	seq.s32 s10, $0x1;
	s10 =	sld [smem:$0x3F7D];
	_ =	sdelay $0x3  }
0x37: {  	[smem:$0x3F7D] =	sst s10  }
0x38: {  	s10 =	sld [smem:$0x3F7E]  }
0x39: {  	_ = 	snop;
	(pc) =	sbr.ind lr, $3  }
0x3a: {  	_ = 	snop  }
0x3b: {  	_ = 	snop  }
0x3c: {  	p2 =	seq.s32 s10, $0x1;
	s10 =	sld [smem:$0x3F7D]  }
0x3d: {  	_ =	shalt  }
0x3e: {  	_ =	shalt  }
0x3f: {  	_ =	shalt  }
0x40: {  	_ =	shalt  }
0x41: {  	_ =	shalt  }
0x42: {  	_ =	shalt  }
0x43: {  	_ =	shalt  }
0x44: {  	_ =	shalt  }
0x45: {  	_ =	shalt  }
0x46: {  	_ =	shalt  }
0x47: {  	_ =	shalt  }
0x48: {  	_ =	shalt  }
0x49: {  	_ =	shalt  }
0x4a: {  	_ =	shalt  }
0x4b: {  	_ =	shalt  }
0x4c: {  	_ =	shalt  }
0x4d: {  	_ =	shalt  }
0x4e: {  	_ =	shalt  }
0x4f: {  	_ =	shalt  }
0x50: {  	_ =	shalt  }
0x51: {  	_ =	shalt  }
0x52: {  	_ =	shalt  }
0x53: {  	_ =	shalt  }
0x54: {  	_ =	shalt  }
0x55: {  	_ =	shalt  }
0x56: {  	_ =	shalt  }
0x57: {  	_ =	shalt  }
0x58: {  	_ =	shalt  }
0x59: {  	_ =	shalt  }
0x5a: {  	_ =	shalt  }
0x5b: {  	_ =	shalt  }
0x5c: {  	_ =	shalt  }
0x5d: {  	_ =	shalt  }
0x5e: {  	_ =	shalt  }
0x5f: {  	_ =	shalt  }
0x60: {  	_ =	shalt  }
0x61: {  	_ =	shalt  }
0x62: {  	_ =	shalt  }
0x63: {  	_ =	shalt  }
0x64: {  	_ =	shalt  }
0x65: {  	_ =	shalt  }
0x66: {  	_ =	shalt  }
0x67: {  	_ =	shalt  }
0x68: {  	_ =	shalt  }
0x69: {  	_ =	shalt  }
0x6a: {  	_ =	shalt  }
0x6b: {  	_ =	shalt  }
0x6c: {  	_ =	shalt  }
0x6d: {  	_ =	shalt  }
0x6e: {  	_ =	shalt  }
0x6f: {  	_ =	shalt  }
0x70: {  	_ =	shalt  }
0x71: {  	_ =	shalt  }
0x72: {  	_ =	shalt  }
0x73: {  	_ =	shalt  }
0x74: {  	_ =	shalt  }
0x75: {  	_ =	shalt  }
0x76: {  	_ =	shalt  }
0x77: {  	_ =	shalt  }
0x78: {  	_ =	shalt  }
0x79: {  	_ =	shalt  }
0x7a: {  	_ =	shalt  }
0x7b: {  	_ =	shalt  }
0x7c: {  	_ =	shalt  }
0x7d: {  	_ =	shalt  }
0x7e: {  	_ =	shalt  }
0x7f: {  	_ =	shalt  }
0x80: {  	_ =	shalt  }
0x81: {  	_ =	shalt  }
0x82: {  	_ =	shalt  }
0x83: {  	_ =	shalt  }
0x84: {  	_ =	shalt  }
0x85: {  	_ =	shalt  }
0x86: {  	_ =	shalt  }
0x87: {  	_ =	shalt  }
.Lfunc_end0:
.L_simem_size_0:
called_computation.8_lowered:
.L_overlay_start_0:
0x88: {  	s2 =	sld [smem:$0x3FD9]  }
0x89: {  	s3 =	sld [smem:$0x3FFE];
	_ =	sdelay $0x1  }
0x8a: {  	s1 =	srdreg.scid  }
0x8b: {  	s0 =	sand.u32 $0x1, s1  }
0x8c: {  	s16 =	sshll.u32 s0, $0xA;
	s2 =	sadd.s32 s3, s2  }
0x8d: {  	s2 =	sadd.s32 s2, s16  }
0x8e: {  	[smem:$0x3F89] =	sst s2  }
0x8f: {  	_ = 	snop  }
0x90: {  	(tm) =	ssettm $0x1  }
0x91: {  	s17 =	sld [smem:$0x3FFB];
	_ =	sdelay $0x3  }
0x92: {  	_ =	strace s17  }
0x93: {  	s2 =	sld [smem:$0x3FFC];
	_ =	sdelay $0x3  }
0x94: {  	_ =	strace s2  }
0x95: {  	s2 =	sld [smem:$0x3FFD];
	_ =	sdelay $0x3  }
0x96: {  	_ =	strace s2  }
0x97: {  	_ =	strace $0x8FFFFFFF  }
0x98: {  	s18 =	sld [smem:$0x3FDB];
	_ =	sdelay $0x1  }
0x99: {  	s19 =	simm.s32 $_scs_section_size  }
0x9a: {  	s4 =	simm.s32 $_size__tile_overlayer_lowered;
	s5 =	simm.s32 $_tile_overlayer_lowered  }
0x9b: {  	s22 =	simm.s32 $0x1BFF;
	s21 =	sshll.u32 s5, $0x1;
	s2 =	sadd.s32 s19, s18  }
0x9c: {  	s6 =	simm.s32 $0x0;
	s20 =	sshll.u32 s4, $0x1;
	s4 =	sadd.s32 s21, s2  }
0x9d: {  	[timem:s6], [sflag:s22] =	dma.local [hbm:s4], s20  }
0x9e: {  	_ =	swait.ge [sflag:s22], s20  }
0x9f: {  	s3 =	ssub.s32 $0x0, s20;
	[sflag:s22] =	ssyncset.done $0x0  }
0xa0: {  	[sflag:s22] =	ssyncadd.s32 s3;
	_ =	sdelay $0x1  }
0xa1: {  	s23 =	simm.s32 $0x1B8B  }
0xa2: {  	_ =	swait.ge [sflag:s23], $0x1  }
0xa3: {  	[sflag:s23] =	ssyncset.done $0x0  }
0xa4: {  	s25 =	simm.s32 $0x1B8E;
	s24 =	sld [smem:$0x3FFE];
	[sflag:s23] =	ssyncadd.s32 $0xFFFFFFFF  }
0xa5: {  	s26 =	simm.s32 $execute0_lowered;
	[smem:$0x3FD2] =	sst s25  }
0xa6: {  	s4 =	sshll.u32 s26, $0x1;
	_ =	strace $0x8000005E;
	[dreg:$0x1] =	wrdreg $0xFFFFFFFF  }
0xa7: {  	s28 =	simm.s32 $_size_execute0_lowered;
	s2 =	sadd.s32 s2, s4;
	[dreg:$0x0] =	wrdreg $0x0  }
0xa8: {  	s4 =	sshll.u32 s28, $0x1;
	[dreg:$0x2] =	wrdreg s2  }
0xa9: {  	[dreg:$0x3] =	wrdreg s4  }
0xaa: {  	[dreg:$0x4] =	wrdreg $0xC0  }
0xab: {  	_ =	task [dreg:s6], $0x5FFFF  }
0xac: {  	[dreg:$0x1] =	wrdreg $0xFFFFFFFF  }
0xad: {  	[dreg:$0x0] =	wrdreg $0x60  }
0xae: {  	[dreg:$0x2] =	wrdreg s24  }
0xaf: {  	[dreg:$0x3] =	wrdreg $0x9  }
0xb0: {  	_ =	task.clear_ibuf [dreg:s6], $0x4FFFF;
	_ =	strace $0x9000005E  }
0xb1: {  	s29 =	simm.s32 $0x9;
	_ =	strace $0x80000060  }
0xb2: {  	_ =	swait.ge [sflag:s29], $0x1  }
0xb3: {  	[sflag:s29] =	ssyncadd.s32 $0xFFFFFFFF  }
0xb4: {  	_ =	strace $0x90000060  }
0xb5: {  	_ =	sfence  }
0xb6: {  	s30 =	sld [smem:$0x0];
	_ =	sdelay $0x2  }
0xb7: {  	s31 =	sshll.u32 s1, $0xD;
	s1 =	sshrl.u32 s1, $0x2  }
0xb8: {  	s3 =	sand.u32 $0x4000, s31;
	s1 =	sadd.s32 s1, s30  }
0xb9: {  	s0 =	sor.u32 s3, s0;
	s1 =	sshll.u32 s1, $0x11  }
0xba: {  	s0 =	sor.u32 s1, s0  }
0xbb: {  	s0 =	sadd.s32 $0x8F2B, s0  }
0xbc: {  	[sflag:s0] =	ssyncadd.remote.s32 $0x1  }
0xbd: {  	_ =	sfence.sel $0xFFFF  }
0xbe: {  	[dreg:$0x0] =	wrdreg $0xFFFFFFFF;
	(pc) =	sbr.abs _section_cstart, $3  }
0xbf: {  	[dreg:$0x1] =	wrdreg $0xFFFFFFFF  }
0xc0: {  	_ =	task.clear_ibuf [dreg:s6], $0x2FFFF;
	_ =	strace $0x9FFFFFFF  }
0xc1: {  	(tm) =	ssettm $0x7FFFFFFF  }
tec
execute0_lowered:
.L_overlay_start_1:
0x0: {  	(tag) =	ssettag $0x1  }
0x1: {  	s0 =	rddreg [dreg:$0x0]  }
0x2: {  	s2 =	simm.s32 $0x0;
	s5 =	stileid.u32;
	s1 =	srdreg.scid  }
0x3: {  	s12 =	simm.s32 $0x100;
	s13 =	simm.s32 $0x180;
	s14 =	simm.s32 $0x28  }
0x4: {  	s15 =	simm.s32 $0x200;
	s16 =	simm.s32 $0x1600;
	s17 =	simm.s32 $0x2A00  }
0x5: {  	s18 =	simm.s32 $0x3E00;
	s19 =	simm.s32 $0x1;
	s20 =	simm.s32 $0x2  }
0x6: {  	s21 =	simm.s32 $0x3;
	s22 =	simm.s32 $0x4;
	s23 =	simm.s32 $0x5  }
0x7: {  	s24 =	simm.s32 $0x6;
	s28 =	simm.s32 $0x0;
	[smem:$0x7FF] =	sst s2  }
0x8: {  	s3 =	sadd.s32 $0x5F7800, s0;
	s6 =	smul.u32 $0x4E200, s5;
	s1 =	sand.u32 $0x1, s1  }
0x9: {  	s4 =	sadd.s32 $0x61EA00, s0;
	s8 =	sadd.s32 $0x12A00, s0;
	s9 =	smul.u32 $0x4E20, s5  }
0xa: {  	_ =	strace $0x8000005F;
	s7 =	smul.u32 $0x27100, s1;
	s25 =	ssub.s32 $0x2, s1  }
0xb: {  	[dreg:$0x4] =	wrdreg s8;
	s1 =	smul.u32 $0x2710, s1;
	s11 =	sshrl.u32 s25, $0x1  }
0xc: {  	s10 =	sadd.s32 s6, s0;
	s6 =	sadd.s32 $0x1C800, s0;
	s26 =	ssub.s32 s25, s11  }
0xd: {  	s29 =	sadd.s32 s7, s10;
	s1 =	sadd.s32 s1, s9;
	s10 =	simm.s32 $0x9  }
0xe: {  	s11 =	simm.s32 $0x80;
	s25 =	simm.s32 $0x7;
	s0 =	smax.u32 s26, $0x1  }
0xf: {  	s30 =	sadd.s32 $0x14C1200, s29;
	s31 =	sadd.s32 $0x26600, s29;
	[dreg:$0x5] =	wrdreg s0  }
0x10: {  	s9 =	sadd.s32 $0x28, s1;
	s8 =	sshrl.u32 s1, $0x3;
	[dreg:$0x2] =	wrdreg s30  }
0x11: {  	s26 =	simm.s32 $0x8;
	[dreg:$0x3] =	wrdreg s31;
	s9 =	sshrl.u32 s9, $0x3  }
.LBB2_1:
0x12: {  	s5 =	rddreg [dreg:$0x4]  }
0x13: {  	s0 =	sadd.s32 s5, s8  }
0x14: {  	[tilespmem:s2], [sflag:$0x9] =	stream.linear.gather [hbm4b:s0+s2], $0x28, $0x38;
	[tilespmem:$0x5200] =	vst v63  }
0x15: {  	_ =	swait.ge [sflag:s10], $0x28  }
0x16: {  	[sflag:s10] =	ssyncset.done $0x0  }
0x17: {  	s1 =	sadd.s32 s6, s8;
	[sflag:s10] =	ssyncadd.s32 $0xFFFFFFD8  }
0x18: {  	[tilespmem:s11], [sflag:$0x9] =	stream.linear.gather [hbm4b:s1+s2], $0x28, $0x38;
	[tilespmem:$0x5200] =	vst v63  }
0x19: {  	_ =	swait.ge [sflag:s10], $0x28  }
0x1a: {  	[sflag:s10] =	ssyncset.done $0x0  }
0x1b: {  	s7 =	sadd.s32 s5, s9;
	[sflag:s10] =	ssyncadd.s32 $0xFFFFFFD8  }
0x1c: {  	[tilespmem:s12], [sflag:$0x9] =	stream.linear.gather [hbm4b:s7+s2], $0x28, $0x38;
	[tilespmem:$0x5200] =	vst v63  }
0x1d: {  	_ =	swait.ge [sflag:s10], $0x28  }
0x1e: {  	[sflag:s10] =	ssyncset.done $0x0  }
0x1f: {  	s1 =	sadd.s32 s6, s9;
	[sflag:s10] =	ssyncadd.s32 $0xFFFFFFD8  }
0x20: {  	[tilespmem:s13], [sflag:$0x9] =	stream.linear.gather [hbm4b:s1+s2], $0x28, $0x38;
	[tilespmem:$0x5200] =	vst v63  }
0x21: {  	_ =	swait.ge [sflag:s10], $0x28  }
0x22: {  	[sflag:s10] =	ssyncset.done $0x0  }
0x23: {  	[sflag:s10] =	ssyncadd.s32 $0xFFFFFFD8  }
0x24: {  	[tilespmem:s15], [sflag:$0x1] =	stream.indirect.gather [hbm4b:s3+s14], $0x80, s2, s14, $0xb8;
	[tilespmem:$0x5200] =	vst v63  }
0x25: {  	_ = 	snop  }
0x26: {  	[tilespmem:s16], [sflag:$0x2] =	stream.indirect.gather [hbm4b:s4+s14], $0x80, s11, s14, $0xb8;
	[tilespmem:$0x5200] =	vst v63  }
0x27: {  	_ = 	snop  }
0x28: {  	[tilespmem:s17], [sflag:$0x3] =	stream.indirect.gather [hbm4b:s3+s14], $0x80, s12, s14, $0xb8;
	[tilespmem:$0x5200] =	vst v63  }
0x29: {  	_ = 	snop  }
0x2a: {  	[tilespmem:s18], [sflag:$0x4] =	stream.indirect.gather [hbm4b:s4+s14], $0x80, s13, s14, $0xb8;
	[tilespmem:$0x5200] =	vst v63  }
0x2b: {  	_ =	swait.ge [sflag:s19], $0x1400  }
0x2c: {  	[sflag:s19] =	ssyncset.done $0x0  }
0x2d: {  	[sflag:s19] =	ssyncadd.s32 $0xFFFFEC00  }
0x2e: {  	_ =	swait.ge [sflag:s20], $0x1400  }
0x2f: {  	s7 =	rddreg [dreg:$0x2];
	[sflag:s20] =	ssyncset.done $0x0  }
0x30: {  	s1 =	rddreg [dreg:$0x3];
	[sflag:s20] =	ssyncadd.s32 $0xFFFFEC00;
	s0 =	sadd.s32 $0x0, s7  }
0x31: {  	[hbm4b:s0+s2] =	stream.linear.scatter [tilespmem:s15], [sflag:$0x5], $0x1400, $0x38;
	[tilespmem:$0x5200] =	vst v63  }
0x32: {  	s1 =	sadd.s32 $0x0, s1  }
0x33: {  	[hbm4b:s1+s2] =	stream.linear.scatter [tilespmem:s16], [sflag:$0x6], $0x1400, $0x38;
	[tilespmem:$0x5200] =	vst v63  }
0x34: {  	_ =	swait.ge [sflag:s21], $0x1400  }
0x35: {  	[sflag:s21] =	ssyncset.done $0x0  }
0x36: {  	[sflag:s21] =	ssyncadd.s32 $0xFFFFEC00  }
0x37: {  	_ =	swait.ge [sflag:s22], $0x1400  }
0x38: {  	[sflag:s22] =	ssyncset.done $0x0  }
0x39: {  	s0 =	sadd.s32 $0x280, s0;
	[sflag:s22] =	ssyncadd.s32 $0xFFFFEC00  }
0x3a: {  	[hbm4b:s0+s2] =	stream.linear.scatter [tilespmem:s17], [sflag:$0x7], $0x1400, $0x38;
	[tilespmem:$0x5200] =	vst v63  }
0x3b: {  	s7 =	sadd.s32 $0x280, s1  }
0x3c: {  	[hbm4b:s7+s2] =	stream.linear.scatter [tilespmem:s18], [sflag:$0x8], $0x1400, $0x38;
	[tilespmem:$0x5200] =	vst v63  }
0x3d: {  	_ =	swait.ge [sflag:s23], $0x1400  }
0x3e: {  	[sflag:s23] =	ssyncset.done $0x0  }
0x3f: {  	[sflag:s23] =	ssyncadd.s32 $0xFFFFEC00  }
0x40: {  	_ =	swait.ge [sflag:s24], $0x1400  }
0x41: {  	[sflag:s24] =	ssyncset.done $0x0  }
0x42: {  	[sflag:s24] =	ssyncadd.s32 $0xFFFFEC00  }
0x43: {  	_ =	swait.ge [sflag:s25], $0x1400  }
0x44: {  	[sflag:s25] =	ssyncset.done $0x0  }
0x45: {  	[sflag:s25] =	ssyncadd.s32 $0xFFFFEC00  }
0x46: {  	s29 =	simm.s32 $0x500;
	s31 =	smov.u32 s6;
	_ =	swait.ge [sflag:s26], $0x1400  }
0x47: {  	s30 =	sadd.s32 $0xA, s5;
	s0 =	simm.s32 $0xA00;
	[sflag:s26] =	ssyncset.done $0x0  }
.LBB2_2:
0x48: {  	s7 =	sadd.s32 s30, s8;
	[sflag:s26] =	ssyncadd.s32 $0xFFFFEC00  }
0x49: {  	[tilespmem:s2], [sflag:$0x9] =	stream.linear.gather [hbm4b:s7+s2], $0x28, $0x38;
	[tilespmem:$0x5200] =	vst v63  }
0x4a: {  	_ =	swait.ge [sflag:s10], $0x28  }
0x4b: {  	s31 =	sadd.s32 $0xA, s31;
	[sflag:s10] =	ssyncset.done $0x0  }
0x4c: {  	s5 =	sadd.s32 s31, s8;
	[sflag:s10] =	ssyncadd.s32 $0xFFFFFFD8  }
0x4d: {  	[tilespmem:s11], [sflag:$0x9] =	stream.linear.gather [hbm4b:s5+s2], $0x28, $0x38;
	[tilespmem:$0x5200] =	vst v63  }
0x4e: {  	_ =	swait.ge [sflag:s10], $0x28  }
0x4f: {  	[sflag:s10] =	ssyncset.done $0x0  }
0x50: {  	s5 =	sadd.s32 s30, s9;
	[sflag:s10] =	ssyncadd.s32 $0xFFFFFFD8  }
0x51: {  	[tilespmem:s12], [sflag:$0x9] =	stream.linear.gather [hbm4b:s5+s2], $0x28, $0x38;
	[tilespmem:$0x5200] =	vst v63  }
0x52: {  	_ =	swait.ge [sflag:s10], $0x28  }
0x53: {  	[sflag:s10] =	ssyncset.done $0x0  }
0x54: {  	s5 =	sadd.s32 s31, s9;
	[sflag:s10] =	ssyncadd.s32 $0xFFFFFFD8  }
0x55: {  	[tilespmem:s13], [sflag:$0x9] =	stream.linear.gather [hbm4b:s5+s2], $0x28, $0x38;
	[tilespmem:$0x5200] =	vst v63  }
0x56: {  	_ =	swait.ge [sflag:s10], $0x28  }
0x57: {  	[sflag:s10] =	ssyncset.done $0x0  }
0x58: {  	[sflag:s10] =	ssyncadd.s32 $0xFFFFFFD8  }
0x59: {  	[tilespmem:s15], [sflag:$0x1] =	stream.indirect.gather [hbm4b:s3+s14], $0x80, s2, s14, $0xb8;
	[tilespmem:$0x5200] =	vst v63  }
0x5a: {  	_ = 	snop  }
0x5b: {  	[tilespmem:s16], [sflag:$0x2] =	stream.indirect.gather [hbm4b:s4+s14], $0x80, s11, s14, $0xb8;
	[tilespmem:$0x5200] =	vst v63  }
0x5c: {  	_ = 	snop  }
0x5d: {  	[tilespmem:s17], [sflag:$0x3] =	stream.indirect.gather [hbm4b:s3+s14], $0x80, s12, s14, $0xb8;
	[tilespmem:$0x5200] =	vst v63  }
0x5e: {  	_ = 	snop  }
0x5f: {  	[tilespmem:s18], [sflag:$0x4] =	stream.indirect.gather [hbm4b:s4+s14], $0x80, s13, s14, $0xb8;
	[tilespmem:$0x5200] =	vst v63  }
0x60: {  	_ =	swait.ge [sflag:s19], $0x1400  }
0x61: {  	[sflag:s19] =	ssyncset.done $0x0  }
0x62: {  	[sflag:s19] =	ssyncadd.s32 $0xFFFFEC00  }
0x63: {  	_ =	swait.ge [sflag:s20], $0x1400  }
0x64: {  	s7 =	rddreg [dreg:$0x2];
	[sflag:s20] =	ssyncset.done $0x0  }
0x65: {  	s5 =	rddreg [dreg:$0x3];
	[sflag:s20] =	ssyncadd.s32 $0xFFFFEC00;
	s7 =	sadd.s32 s29, s7  }
0x66: {  	[hbm4b:s7+s2] =	stream.linear.scatter [tilespmem:s15], [sflag:$0x5], $0x1400, $0x38;
	[tilespmem:$0x5200] =	vst v63  }
0x67: {  	s5 =	sadd.s32 s29, s5  }
0x68: {  	[hbm4b:s5+s2] =	stream.linear.scatter [tilespmem:s16], [sflag:$0x6], $0x1400, $0x38;
	[tilespmem:$0x5200] =	vst v63  }
0x69: {  	_ =	swait.ge [sflag:s21], $0x1400  }
0x6a: {  	[sflag:s21] =	ssyncset.done $0x0  }
0x6b: {  	[sflag:s21] =	ssyncadd.s32 $0xFFFFEC00  }
0x6c: {  	_ =	swait.ge [sflag:s22], $0x1400  }
0x6d: {  	[sflag:s22] =	ssyncset.done $0x0  }
0x6e: {  	s7 =	sadd.s32 $0x280, s7;
	[sflag:s22] =	ssyncadd.s32 $0xFFFFEC00  }
0x6f: {  	[hbm4b:s7+s2] =	stream.linear.scatter [tilespmem:s17], [sflag:$0x7], $0x1400, $0x38;
	[tilespmem:$0x5200] =	vst v63  }
0x70: {  	s7 =	sadd.s32 $0x280, s5  }
0x71: {  	[hbm4b:s7+s2] =	stream.linear.scatter [tilespmem:s18], [sflag:$0x8], $0x1400, $0x38;
	[tilespmem:$0x5200] =	vst v63  }
0x72: {  	_ =	swait.ge [sflag:s23], $0x1400  }
0x73: {  	[sflag:s23] =	ssyncset.done $0x0  }
0x74: {  	[sflag:s23] =	ssyncadd.s32 $0xFFFFEC00  }
0x75: {  	_ =	swait.ge [sflag:s24], $0x1400  }
0x76: {  	[sflag:s24] =	ssyncset.done $0x0  }
0x77: {  	p0 =	sne.s32 s0, $0x26C00;
	[sflag:s24] =	ssyncadd.s32 $0xFFFFEC00  }
.Ltmp0:
0x78: {  	_ =	swait.ge [sflag:s25], $0x1400;
	(pc) =	sbr.rel @p0 .LBB2_2-.Ltmp0, $4  }
0x79: {  	[sflag:s25] =	ssyncset.done $0x0  }
0x7a: {  	[sflag:s25] =	ssyncadd.s32 $0xFFFFEC00  }
0x7b: {  	s1 =	smov.u32 s0;
	s0 =	sadd.s32 $0x500, s0;
	_ =	swait.ge [sflag:s26], $0x1400  }
0x7c: {  	s30 =	sadd.s32 $0xA, s30;
	s29 =	smov.u32 s1;
	[sflag:s26] =	ssyncset.done $0x0  }
0x7d: {  	s0 =	sadd.s32 s30, s8;
	[sflag:s26] =	ssyncadd.s32 $0xFFFFEC00  }
0x7e: {  	[tilespmem:s2], [sflag:$0x9] =	stream.linear.gather [hbm4b:s0+s2], $0x28, $0x38;
	[tilespmem:$0x5200] =	vst v63  }
0x7f: {  	_ =	swait.ge [sflag:s10], $0x28  }
0x80: {  	s7 =	sadd.s32 $0xA, s31;
	[sflag:s10] =	ssyncset.done $0x0  }
0x81: {  	s1 =	sadd.s32 s7, s8;
	[sflag:s10] =	ssyncadd.s32 $0xFFFFFFD8  }
0x82: {  	[tilespmem:s11], [sflag:$0x9] =	stream.linear.gather [hbm4b:s1+s2], $0x28, $0x38;
	[tilespmem:$0x5200] =	vst v63  }
0x83: {  	_ =	swait.ge [sflag:s10], $0x28  }
0x84: {  	[sflag:s10] =	ssyncset.done $0x0  }
0x85: {  	s31 =	sadd.s32 s30, s9;
	[sflag:s10] =	ssyncadd.s32 $0xFFFFFFD8  }
0x86: {  	[tilespmem:s12], [sflag:$0x9] =	stream.linear.gather [hbm4b:s31+s2], $0x28, $0x38;
	[tilespmem:$0x5200] =	vst v63  }
0x87: {  	_ =	swait.ge [sflag:s10], $0x28  }
0x88: {  	[sflag:s10] =	ssyncset.done $0x0  }
0x89: {  	s0 =	sadd.s32 s7, s9;
	[sflag:s10] =	ssyncadd.s32 $0xFFFFFFD8  }
0x8a: {  	[tilespmem:s13], [sflag:$0x9] =	stream.linear.gather [hbm4b:s0+s2], $0x28, $0x38;
	[tilespmem:$0x5200] =	vst v63  }
0x8b: {  	_ =	swait.ge [sflag:s10], $0x28  }
0x8c: {  	[sflag:s10] =	ssyncset.done $0x0  }
0x8d: {  	[sflag:s10] =	ssyncadd.s32 $0xFFFFFFD8  }
0x8e: {  	[tilespmem:s15], [sflag:$0x1] =	stream.indirect.gather [hbm4b:s3+s14], $0x80, s2, s14, $0xb8;
	[tilespmem:$0x5200] =	vst v63  }
0x8f: {  	_ = 	snop  }
0x90: {  	[tilespmem:s16], [sflag:$0x2] =	stream.indirect.gather [hbm4b:s4+s14], $0x80, s11, s14, $0xb8;
	[tilespmem:$0x5200] =	vst v63  }
0x91: {  	_ = 	snop  }
0x92: {  	[tilespmem:s17], [sflag:$0x3] =	stream.indirect.gather [hbm4b:s3+s14], $0x80, s12, s14, $0xb8;
	[tilespmem:$0x5200] =	vst v63  }
0x93: {  	_ = 	snop  }
0x94: {  	[tilespmem:s18], [sflag:$0x4] =	stream.indirect.gather [hbm4b:s4+s14], $0x80, s13, s14, $0xb8;
	[tilespmem:$0x5200] =	vst v63  }
0x95: {  	_ =	swait.ge [sflag:s19], $0x1400  }
0x96: {  	[sflag:s19] =	ssyncset.done $0x0  }
0x97: {  	[sflag:s19] =	ssyncadd.s32 $0xFFFFEC00  }
0x98: {  	_ =	swait.ge [sflag:s20], $0x1400  }
0x99: {  	s5 =	rddreg [dreg:$0x2];
	[sflag:s20] =	ssyncset.done $0x0  }
0x9a: {  	s7 =	rddreg [dreg:$0x3];
	[sflag:s20] =	ssyncadd.s32 $0xFFFFEC00;
	s0 =	sadd.s32 s29, s5  }
0x9b: {  	[hbm4b:s0+s2] =	stream.linear.scatter [tilespmem:s15], [sflag:$0x5], $0x1400, $0x38;
	[tilespmem:$0x5200] =	vst v63  }
0x9c: {  	s1 =	sadd.s32 s29, s7  }
0x9d: {  	[hbm4b:s1+s2] =	stream.linear.scatter [tilespmem:s16], [sflag:$0x6], $0x1400, $0x38;
	[tilespmem:$0x5200] =	vst v63  }
0x9e: {  	_ =	swait.ge [sflag:s21], $0x1400  }
0x9f: {  	[sflag:s21] =	ssyncset.done $0x0  }
0xa0: {  	[sflag:s21] =	ssyncadd.s32 $0xFFFFEC00  }
0xa1: {  	_ =	swait.ge [sflag:s22], $0x1400  }
0xa2: {  	[sflag:s22] =	ssyncset.done $0x0  }
0xa3: {  	s0 =	sadd.s32 $0x280, s0;
	[sflag:s22] =	ssyncadd.s32 $0xFFFFEC00  }
0xa4: {  	[hbm4b:s0+s2] =	stream.linear.scatter [tilespmem:s17], [sflag:$0x7], $0x1400, $0x38;
	[tilespmem:$0x5200] =	vst v63  }
0xa5: {  	s30 =	sadd.s32 $0x280, s1  }
0xa6: {  	[hbm4b:s30+s2] =	stream.linear.scatter [tilespmem:s18], [sflag:$0x8], $0x1400, $0x38;
	[tilespmem:$0x5200] =	vst v63  }
0xa7: {  	_ =	swait.ge [sflag:s23], $0x1400  }
0xa8: {  	[sflag:s23] =	ssyncset.done $0x0  }
0xa9: {  	[sflag:s23] =	ssyncadd.s32 $0xFFFFEC00  }
0xaa: {  	_ =	swait.ge [sflag:s24], $0x1400  }
0xab: {  	[sflag:s24] =	ssyncset.done $0x0  }
0xac: {  	[sflag:s24] =	ssyncadd.s32 $0xFFFFEC00  }
0xad: {  	_ =	swait.ge [sflag:s25], $0x1400  }
0xae: {  	[sflag:s25] =	ssyncset.done $0x0  }
0xaf: {  	[sflag:s25] =	ssyncadd.s32 $0xFFFFEC00  }
0xb0: {  	_ =	swait.ge [sflag:s26], $0x1400  }
0xb1: {  	s28 =	sadd.s32 $0x1, s28;
	s31 =	rddreg [dreg:$0x5]  }
0xb2: {  	p0 =	sne.s32 s28, s31  }
.Ltmp1:
0xb3: {  	_ = 	snop;
	(pc) =	sbr.rel @p0 .LBB2_1-.Ltmp1, $3  }
0xb4: {  	_ =	sdelay $0x1  }
0xb5: {  	[sflag:s26] =	ssyncset.done $0x0  }
0xb6: {  	[sflag:s26] =	ssyncadd.s32 $0xFFFFEC00  }
0xb7: {  	_ =	sfence.sel $0x180000  }
0xb8: {  	[bflag:$0x0] =	sbarrier.arrive $0xFFFF  }
0xb9: {  	_ =	strace $0x9000005F  }
0xba: {  	s0 =	stileid.u32;
	[bflag:$0x2] =	sbarrier.arrive $0xFFFF  }
0xbb: {  	p0 =	sne.s32 s0, $0x0;
	s0 =	rddreg [dreg:$0x1]  }
0xbc: {  	s0 =	sadd.s32 @!p0 $0x100000, s0  }
0xbd: {  	[sflag:s0] =	ssyncadd.tile.s32 @!p0 $0x1;
	_ =	shalt  }
.Lfunc_end2:
_tile_overlayer_lowered:
.L_overlay_start_2:
0xbe: {  	(tag) =	ssettag $0x2  }
0xbf: {  	s0 =	rddreg [dreg:$0x0];
	s2 =	stileid.u32  }
0xc0: {  	s1 =	rddreg [dreg:$0x1];
	p0 =	sne.s32 s2, $0x0  }
0xc1: {  	s3 =	rddreg [dreg:$0x2];
	[bflag:$0x3] =	sbarrier.arrive $0xFFFF;
	s2 =	simm.s32 @!p0 $0x1C09  }
0xc2: {  	[timem:s3], [sflag:s2] =	dma.local @!p0 [hbm:s0], s1  }
0xc3: {  	s0 =	simm.s32 @!p0 $0x9  }
0xc4: {  	_ =	swait.ge @!p0 [sflag:s0], s1  }
0xc5: {  	s1 =	ssub.s32 @!p0 $0x0, s1;
	[sflag:s0] =	ssyncset.done @!p0 $0x0  }
0xc6: {  	[sflag:s0] =	ssyncadd.s32 @!p0 s1  }
0xc7: {  	[bflag:$0x3] =	sbarrier.arrive $0xFFFF  }
0xc8: {  	_ =	shalt  }

// kernel: kernel.56.cloned.1.call-start
scs
__scs_entry_jumppad:
0x0: {  	(pc) =	sbr.rel $0x88, $3  }
0x1: {  	(tag) =	ssettag $0x0;
	lr =	simm.s32 $0x1  }
0x2: {  	[smem:$0x3F62] =	sst lr;
	_ =	strace $0xD0000000  }
0x3: {  	_ = 	snop  }
0x4: {  	_ = 	snop  }
0x5: {  	_ = 	snop  }
0x6: {  	_ = 	snop  }
0x7: {  	_ = 	snop  }
__scs_overlays_trampoline_lowered:
0x8: {  	[smem:$0x3F71] =	sst s0  }
0x9: {  	[smem:$0x3F72] =	sst s1  }
0xa: {  	[smem:$0x3F73] =	sst s2  }
0xb: {  	[smem:$0x3F74] =	sst s3  }
0xc: {  	[smem:$0x3F75] =	sst s4  }
0xd: {  	[smem:$0x3F76] =	sst s5  }
0xe: {  	[smem:$0x3F77] =	sst s6  }
0xf: {  	[smem:$0x3F78] =	sst s7  }
0x10: {  	[smem:$0x3F79] =	sst s8  }
0x11: {  	[smem:$0x3F7A] =	sst s9;
	s0 =	simm.s32 @!p0 $0x0  }
0x12: {  	s1 =	sld [smem:$0x3F60];
	s0 =	simm.s32 @p0 $0x1  }
0x13: {  	[smem:$0x3F7B] =	sst s0;
	s0 =	simm.s32 @!p1 $0x0  }
0x14: {  	s2 =	sld [smem:$0x3F5F];
	s0 =	simm.s32 @p1 $0x1  }
0x15: {  	[smem:$0x3F7C] =	sst s0;
	s0 =	simm.s32 @!p2 $0x0  }
0x16: {  	s3 =	sld [smem:$0x3FDB];
	s0 =	simm.s32 @p2 $0x1  }
0x17: {  	s4 =	simm.s32 $0x1BF5;
	[smem:$0x3F7E] =	sst s0  }
0x18: {  	s0 =	sld [smem:$0x3F61];
	_ =	swait.ge [sflag:s4], $0x0  }
0x19: {  	s7 =	sld [smem:$0x3F62]  }
0x1a: {  	s8 =	sadd.s32 $0xFFFFE003, lr  }
0x1b: {  	s9 =	sadd.s32 $0xFFFFFEF7, lr;
	s5 =	simm.s32 $0xFFFFFFFF;
	p2 =	slt.u32 s8, $0xFFFFF086  }
0x1c: {  	p1 =	slt.u32 s9, $0xF7A;
	s5 =	simm.s32 @!p2 $0x0  }
0x1d: {  	s5 =	simm.s32 @p1 $0x1;
	p0 =	seq.s32 s7, s2  }
0x1e: {  	s7 =	smul.u32 @!p0 $0xF7A, s2;
	p2 =	seq.s32 @!p0 s5, $0x0  }
0x1f: {  	s9 =	smul.u32 $0xF7A, s1;
	s8 =	simm.s32 @!p0 $0x1BF5;
	p2 =	por !p2, p0  }
0x20: {  	[sflag:s8] =	ssyncset.s32 @!p0 $0xFFFFF086;
	s6 =	sadd.s32 @!p0 s3, s7;
	s7 =	simm.s32 @!p0 $0x108  }
0x21: {  	s3 =	sadd.s32 s3, s9;
	s6 =	sadd.s32 @!p0 $0x88, s6;
	s7 =	simm.s32 @p2 $0x1082  }
0x22: {  	[simem:s7], [sflag:s8] =	dma.local @!p0 [hbm:s6], $0xF7A  }
0x23: {  	s9 =	sor.u32 $0xD0000000, s2;
	s6 =	simm.s32 $0x108;
	_ =	swait.ge @!p0 [sflag:s8], $0x0  }
0x24: {  	s3 =	sadd.s32 $0x88, s3;
	s6 =	simm.s32 @!p1 $0x1082;
	[sflag:s4] =	ssyncset.s32 $0xFFFFF086  }
0x25: {  	[simem:s6], [sflag:s4] =	dma.local [hbm:s3], $0xF7A  }
0x26: {  	[smem:$0x3F62] =	sst s1;
	(tag) =	ssettag s2;
	_ =	strace s9  }
0x27: {  	s1 =	sld [smem:$0x3F72]  }
0x28: {  	s2 =	sld [smem:$0x3F73]  }
0x29: {  	s4 =	sld [smem:$0x3F75]  }
0x2a: {  	p0 =	seq.s32 s5, $0x0;
	s5 =	sld [smem:$0x3F76]  }
0x2b: {  	s6 =	sld [smem:$0x3F77]  }
0x2c: {  	s7 =	sld [smem:$0x3F78]  }
0x2d: {  	s3 =	simm.s32 $0x108;
	s8 =	sld [smem:$0x3F79]  }
0x2e: {  	s3 =	simm.s32 @!p0 $0x1082;
	s9 =	sld [smem:$0x3F7A]  }
0x2f: {  	lr =	sadd.s32 s0, s3;
	s0 =	sld [smem:$0x3F71]  }
0x30: {  	s3 =	sld [smem:$0x3F74]  }
0x31: {  	[smem:$0x3F7D] =	sst s10  }
0x32: {  	s10 =	sld [smem:$0x3F7B];
	_ =	sdelay $0x3  }
0x33: {  	p0 =	seq.s32 s10, $0x1;
	s10 =	sld [smem:$0x3F7D];
	_ =	sdelay $0x3  }
0x34: {  	[smem:$0x3F7D] =	sst s10  }
0x35: {  	s10 =	sld [smem:$0x3F7C];
	_ =	sdelay $0x3  }
0x36: {  	p1 =	seq.s32 s10, $0x1;
	s10 =	sld [smem:$0x3F7D];
	_ =	sdelay $0x3  }
0x37: {  	[smem:$0x3F7D] =	sst s10  }
0x38: {  	s10 =	sld [smem:$0x3F7E]  }
0x39: {  	_ = 	snop;
	(pc) =	sbr.ind lr, $3  }
0x3a: {  	_ = 	snop  }
0x3b: {  	_ = 	snop  }
0x3c: {  	p2 =	seq.s32 s10, $0x1;
	s10 =	sld [smem:$0x3F7D]  }
0x3d: {  	_ =	shalt  }
0x3e: {  	_ =	shalt  }
0x3f: {  	_ =	shalt  }
0x40: {  	_ =	shalt  }
0x41: {  	_ =	shalt  }
0x42: {  	_ =	shalt  }
0x43: {  	_ =	shalt  }
0x44: {  	_ =	shalt  }
0x45: {  	_ =	shalt  }
0x46: {  	_ =	shalt  }
0x47: {  	_ =	shalt  }
0x48: {  	_ =	shalt  }
0x49: {  	_ =	shalt  }
0x4a: {  	_ =	shalt  }
0x4b: {  	_ =	shalt  }
0x4c: {  	_ =	shalt  }
0x4d: {  	_ =	shalt  }
0x4e: {  	_ =	shalt  }
0x4f: {  	_ =	shalt  }
0x50: {  	_ =	shalt  }
0x51: {  	_ =	shalt  }
0x52: {  	_ =	shalt  }
0x53: {  	_ =	shalt  }
0x54: {  	_ =	shalt  }
0x55: {  	_ =	shalt  }
0x56: {  	_ =	shalt  }
0x57: {  	_ =	shalt  }
0x58: {  	_ =	shalt  }
0x59: {  	_ =	shalt  }
0x5a: {  	_ =	shalt  }
0x5b: {  	_ =	shalt  }
0x5c: {  	_ =	shalt  }
0x5d: {  	_ =	shalt  }
0x5e: {  	_ =	shalt  }
0x5f: {  	_ =	shalt  }
0x60: {  	_ =	shalt  }
0x61: {  	_ =	shalt  }
0x62: {  	_ =	shalt  }
0x63: {  	_ =	shalt  }
0x64: {  	_ =	shalt  }
0x65: {  	_ =	shalt  }
0x66: {  	_ =	shalt  }
0x67: {  	_ =	shalt  }
0x68: {  	_ =	shalt  }
0x69: {  	_ =	shalt  }
0x6a: {  	_ =	shalt  }
0x6b: {  	_ =	shalt  }
0x6c: {  	_ =	shalt  }
0x6d: {  	_ =	shalt  }
0x6e: {  	_ =	shalt  }
0x6f: {  	_ =	shalt  }
0x70: {  	_ =	shalt  }
0x71: {  	_ =	shalt  }
0x72: {  	_ =	shalt  }
0x73: {  	_ =	shalt  }
0x74: {  	_ =	shalt  }
0x75: {  	_ =	shalt  }
0x76: {  	_ =	shalt  }
0x77: {  	_ =	shalt  }
0x78: {  	_ =	shalt  }
0x79: {  	_ =	shalt  }
0x7a: {  	_ =	shalt  }
0x7b: {  	_ =	shalt  }
0x7c: {  	_ =	shalt  }
0x7d: {  	_ =	shalt  }
0x7e: {  	_ =	shalt  }
0x7f: {  	_ =	shalt  }
0x80: {  	_ =	shalt  }
0x81: {  	_ =	shalt  }
0x82: {  	_ =	shalt  }
0x83: {  	_ =	shalt  }
0x84: {  	_ =	shalt  }
0x85: {  	_ =	shalt  }
0x86: {  	_ =	shalt  }
0x87: {  	_ =	shalt  }
.Lfunc_end0:
.L_simem_size_0:
called_computation.9_lowered:
.L_overlay_start_0:
0x88: {  	s2 =	sld [smem:$0x3FD9]  }
0x89: {  	s3 =	sld [smem:$0x3FFE];
	_ =	sdelay $0x1  }
0x8a: {  	s1 =	srdreg.scid  }
0x8b: {  	s0 =	sand.u32 $0x1, s1  }
0x8c: {  	s16 =	sshll.u32 s0, $0xA;
	s2 =	sadd.s32 s3, s2  }
0x8d: {  	s2 =	sadd.s32 s2, s16  }
0x8e: {  	[smem:$0x3F89] =	sst s2  }
0x8f: {  	_ = 	snop  }
0x90: {  	(tm) =	ssettm $0x1  }
0x91: {  	s17 =	sld [smem:$0x3FFB];
	_ =	sdelay $0x3  }
0x92: {  	_ =	strace s17  }
0x93: {  	s2 =	sld [smem:$0x3FFC];
	_ =	sdelay $0x3  }
0x94: {  	_ =	strace s2  }
0x95: {  	s2 =	sld [smem:$0x3FFD];
	_ =	sdelay $0x3  }
0x96: {  	_ =	strace s2  }
0x97: {  	_ =	strace $0x8FFFFFFF  }
0x98: {  	s18 =	sld [smem:$0x3FDB];
	_ =	sdelay $0x1  }
0x99: {  	s19 =	simm.s32 $_scs_section_size  }
0x9a: {  	s4 =	simm.s32 $_size__tile_overlayer_lowered;
	s5 =	simm.s32 $_tile_overlayer_lowered  }
0x9b: {  	s22 =	simm.s32 $0x1BFF;
	s21 =	sshll.u32 s5, $0x1;
	s2 =	sadd.s32 s19, s18  }
0x9c: {  	s6 =	simm.s32 $0x0;
	s20 =	sshll.u32 s4, $0x1;
	s4 =	sadd.s32 s21, s2  }
0x9d: {  	[timem:s6], [sflag:s22] =	dma.local [hbm:s4], s20  }
0x9e: {  	_ =	swait.ge [sflag:s22], s20  }
0x9f: {  	s3 =	ssub.s32 $0x0, s20;
	[sflag:s22] =	ssyncset.done $0x0  }
0xa0: {  	[sflag:s22] =	ssyncadd.s32 s3;
	_ =	sdelay $0x1  }
0xa1: {  	s23 =	simm.s32 $0x1B8B  }
0xa2: {  	_ =	swait.ge [sflag:s23], $0x1  }
0xa3: {  	[sflag:s23] =	ssyncset.done $0x0  }
0xa4: {  	s25 =	simm.s32 $0x1B8E;
	s24 =	sld [smem:$0x3FFE];
	[sflag:s23] =	ssyncadd.s32 $0xFFFFFFFF  }
0xa5: {  	s26 =	simm.s32 $execute0_lowered;
	[smem:$0x3FD2] =	sst s25  }
0xa6: {  	s4 =	sshll.u32 s26, $0x1;
	_ =	strace $0x80000061;
	[dreg:$0x1] =	wrdreg $0xFFFFFFFF  }
0xa7: {  	s28 =	simm.s32 $_size_execute0_lowered;
	s2 =	sadd.s32 s2, s4;
	[dreg:$0x0] =	wrdreg $0x0  }
0xa8: {  	s4 =	sshll.u32 s28, $0x1;
	[dreg:$0x2] =	wrdreg s2  }
0xa9: {  	[dreg:$0x3] =	wrdreg s4  }
0xaa: {  	[dreg:$0x4] =	wrdreg $0xC0  }
0xab: {  	_ =	task [dreg:s6], $0x5FFFF  }
0xac: {  	[dreg:$0x1] =	wrdreg $0xFFFFFFFF  }
0xad: {  	[dreg:$0x0] =	wrdreg $0x60  }
0xae: {  	[dreg:$0x2] =	wrdreg s24  }
0xaf: {  	[dreg:$0x3] =	wrdreg $0x29000  }
0xb0: {  	[dreg:$0x4] =	wrdreg $0x9  }
0xb1: {  	_ =	task.clear_ibuf [dreg:s6], $0x5FFFF;
	_ =	strace $0x90000061  }
0xb2: {  	s29 =	simm.s32 $0x9;
	_ =	strace $0x80000063  }
0xb3: {  	_ =	swait.ge [sflag:s29], $0x1  }
0xb4: {  	[sflag:s29] =	ssyncadd.s32 $0xFFFFFFFF  }
0xb5: {  	_ =	strace $0x90000063  }
0xb6: {  	_ =	sfence  }
0xb7: {  	s30 =	sld [smem:$0x0];
	_ =	sdelay $0x2  }
0xb8: {  	s31 =	sshll.u32 s1, $0xD;
	s1 =	sshrl.u32 s1, $0x2  }
0xb9: {  	s3 =	sand.u32 $0x4000, s31;
	s1 =	sadd.s32 s1, s30  }
0xba: {  	s0 =	sor.u32 s3, s0;
	s1 =	sshll.u32 s1, $0x11  }
0xbb: {  	s0 =	sor.u32 s1, s0  }
0xbc: {  	s0 =	sadd.s32 $0x8F2B, s0  }
0xbd: {  	[sflag:s0] =	ssyncadd.remote.s32 $0x1  }
0xbe: {  	_ =	sfence.sel $0xFFFF  }
0xbf: {  	[dreg:$0x0] =	wrdreg $0xFFFFFFFF;
	(pc) =	sbr.abs _section_cstart, $3  }
0xc0: {  	[dreg:$0x1] =	wrdreg $0xFFFFFFFF  }
0xc1: {  	_ =	task.clear_ibuf [dreg:s6], $0x2FFFF;
	_ =	strace $0x9FFFFFFF  }
0xc2: {  	(tm) =	ssettm $0x7FFFFFFF  }
0xc3: {  	_ =	shalt  }
tec
execute0_lowered:
.L_overlay_start_1:
0x0: {  	(tag) =	ssettag $0x1  }
0x1: {  	s4 =	rddreg [dreg:$0x0]  }
0x2: {  	s2 =	rddreg [dreg:$0x1]  }
0x3: {  	s0 =	rddreg [dreg:$0x2];
	s1 =	stileid.u32  }
0x4: {  	s6 =	srdreg.scid;
	s3 =	simm.s32 $0x0;
	s15 =	simm.s32 $0x1500  }
0x5: {  	s16 =	simm.s32 $0x1;
	s17 =	simm.s32 $0x28;
	s5 =	smul.u32 $0x4E200, s1  }
0x6: {  	s18 =	simm.s32 $0x2;
	s19 =	simm.s32 $0x3;
	s7 =	smul.u32 $0x14000, s1  }
0x7: {  	s20 =	simm.s32 $0x4;
	s21 =	simm.s32 $0x0;
	s11 =	smul.u32 $0x50000, s1  }
0x8: {  	s6 =	sand.u32 $0x1, s6;
	[smem:$0x7FF] =	sst s3;
	s26 =	smul.u32 $0x4E20, s1  }
0x9: {  	s10 =	sadd.s32 $0x1C800, s4;
	s13 =	sshll.u32 s1, $0x6;
	s8 =	smul.u32 $0x140000, s6  }
0xa: {  	_ =	strace $0x80000062;
	s23 =	ssub.s32 $0x2, s6;
	s14 =	smul.u32 $0x2710, s6  }
0xb: {  	s28 =	smul.u32 $0x27100, s6;
	s9 =	sadd.s32 s5, s4;
	s22 =	sshrl.u32 s7, $0x3  }
0xc: {  	s24 =	sshrl.u32 s23, $0x1;
	s25 =	sshrl.u32 s11, $0x2;
	s7 =	sadd.s32 s7, s8  }
0xd: {  	s5 =	sadd.s32 s22, s4;
	s8 =	ssub.s32 s23, s24;
	s12 =	sadd.s32 s25, s2  }
0xe: {  	s29 =	sadd.s32 s14, s26;
	s9 =	sadd.s32 s28, s9;
	s14 =	simm.s32 $0x80  }
0xf: {  	s7 =	sshrl.u32 s7, $0x3;
	s11 =	sshrl.u32 s29, $0x3;
	s30 =	sadd.s32 $0x28, s29  }
0x10: {  	s7 =	sadd.s32 s7, s4;
	s4 =	sadd.s32 $0x1499200, s5;
	s5 =	sor.u32 $0x1C05, s13  }
0x11: {  	s31 =	sshrl.u32 s30, $0x3;
	s13 =	simm.s32 $0x100;
	s6 =	sadd.s32 $0x5F7800, s7  }
0x12: {  	s7 =	smax.u32 s8, $0x1;
	s8 =	sadd.s32 $0xA5FC00, s9;
	s9 =	sadd.s32 s11, s10  }
0x13: {  	s10 =	sadd.s32 s31, s10;
	s11 =	sshrl.u32 s12, $0x3;
	s12 =	simm.s32 $0x5  }
.LBB2_1:
0x14: {  	[spmem:s11], [sflag:s5] =	dma.local [hbm:s4], $0x2800  }
0x15: {  	_ =	swait.ge [sflag:s12], $0x2800  }
0x16: {  	[sflag:s12] =	ssyncset.done $0x0  }
0x17: {  	[sflag:s12] =	ssyncadd.s32 $0xFFFFD800  }
0x18: {  	s22 =	sadd.s32 $0x0, s9;
	[bflag:$0x0] =	sbarrier.arrive $0xFFFF  }
0x19: {  	[tilespmem:s3], [sflag:$0x5] =	stream.linear.gather [hbm4b:s22+s3], $0x28, $0x38;
	[tilespmem:$0x16900] =	vst v63  }
0x1a: {  	_ =	swait.ge [sflag:s12], $0x28  }
0x1b: {  	[sflag:s12] =	ssyncset.done $0x0  }
0x1c: {  	[sflag:s12] =	ssyncadd.s32 $0xFFFFFFD8  }
0x1d: {  	[tilespmem:s13], [sflag:$0x1] =	stream.linear.gather [hbm4b:s8+s3], $0x1400, $0x38;
	[tilespmem:$0x16900] =	vst v63  }
0x1e: {  	s30 =	sadd.s32 $0x0, s10  }
0x1f: {  	[tilespmem:s14], [sflag:$0x5] =	stream.linear.gather [hbm4b:s30+s3], $0x28, $0x38;
	[tilespmem:$0x16900] =	vst v63  }
0x20: {  	_ =	swait.ge [sflag:s12], $0x28  }
0x21: {  	[sflag:s12] =	ssyncset.done $0x0  }
0x22: {  	s31 =	sadd.s32 $0x280, s8;
	[sflag:s12] =	ssyncadd.s32 $0xFFFFFFD8  }
0x23: {  	[tilespmem:s15], [sflag:$0x2] =	stream.linear.gather [hbm4b:s31+s3], $0x1400, $0x38;
	[tilespmem:$0x16900] =	vst v63  }
0x24: {  	_ =	swait.ge [sflag:s16], $0x1400  }
0x25: {  	[sflag:s16] =	ssyncset.done $0x0  }
0x26: {  	[sflag:s16] =	ssyncadd.s32 $0xFFFFEC00  }
0x27: {  	[spmem:s2] =	stream.indirect.scatter.add.f32 [tilespmem:s13], [sflag:$0x3], $0x80, s3, s17, $0xb8;
	[tilespmem:$0x16900] =	vst v63  }
0x28: {  	_ =	swait.ge [sflag:s18], $0x1400  }
0x29: {  	[sflag:s18] =	ssyncset.done $0x0  }
0x2a: {  	[sflag:s18] =	ssyncadd.s32 $0xFFFFEC00  }
0x2b: {  	[spmem:s2] =	stream.indirect.scatter.add.f32 [tilespmem:s15], [sflag:$0x4], $0x80, s14, s17, $0xb8;
	[tilespmem:$0x16900] =	vst v63  }
0x2c: {  	_ =	swait.ge [sflag:s19], $0x1400  }
0x2d: {  	[sflag:s19] =	ssyncset.done $0x0  }
0x2e: {  	[sflag:s19] =	ssyncadd.s32 $0xFFFFEC00  }
0x2f: {  	s23 =	simm.s32 $0xA;
	_ =	swait.ge [sflag:s20], $0x1400  }
0x30: {  	s24 =	simm.s32 $0x14;
	s22 =	sadd.s32 $0x500, s8;
	[sflag:s20] =	ssyncset.done $0x0  }
.LBB2_2:
0x31: {  	s25 =	sadd.s32 s23, s9  }
0x32: {  	[sflag:s20] =	ssyncadd.s32 $0xFFFFEC00;
	s26 =	smov.u32 s24;
	s28 =	sadd.s32 $0xA, s24  }
0x33: {  	[tilespmem:s3], [sflag:$0x5] =	stream.linear.gather [hbm4b:s25+s3], $0x28, $0x38;
	[tilespmem:$0x16900] =	vst v63  }
0x34: {  	p0 =	sne.s32 s24, $0x4D8;
	_ =	swait.ge [sflag:s12], $0x28  }
0x35: {  	[sflag:s12] =	ssyncset.done $0x0  }
0x36: {  	[sflag:s12] =	ssyncadd.s32 $0xFFFFFFD8  }
0x37: {  	[tilespmem:s13], [sflag:$0x1] =	stream.linear.gather [hbm4b:s22+s3], $0x1400, $0x38;
	[tilespmem:$0x16900] =	vst v63  }
0x38: {  	s24 =	sadd.s32 s23, s10;
	s23 =	smov.u32 s26  }
0x39: {  	[tilespmem:s14], [sflag:$0x5] =	stream.linear.gather [hbm4b:s24+s3], $0x28, $0x38;
	[tilespmem:$0x16900] =	vst v63  }
0x3a: {  	_ =	swait.ge [sflag:s12], $0x28  }
0x3b: {  	[sflag:s12] =	ssyncset.done $0x0  }
0x3c: {  	s24 =	sadd.s32 $0x280, s22;
	[sflag:s12] =	ssyncadd.s32 $0xFFFFFFD8  }
0x3d: {  	[tilespmem:s15], [sflag:$0x2] =	stream.linear.gather [hbm4b:s24+s3], $0x1400, $0x38;
	[tilespmem:$0x16900] =	vst v63  }
0x3e: {  	_ =	swait.ge [sflag:s16], $0x1400  }
0x3f: {  	[sflag:s16] =	ssyncset.done $0x0  }
0x40: {  	[sflag:s16] =	ssyncadd.s32 $0xFFFFEC00  }
0x41: {  	[spmem:s2] =	stream.indirect.scatter.add.f32 [tilespmem:s13], [sflag:$0x3], $0x80, s3, s17, $0xb8;
	[tilespmem:$0x16900] =	vst v63  }
0x42: {  	_ =	swait.ge [sflag:s18], $0x1400  }
0x43: {  	[sflag:s18] =	ssyncset.done $0x0  }
0x44: {  	[sflag:s18] =	ssyncadd.s32 $0xFFFFEC00  }
0x45: {  	[spmem:s2] =	stream.indirect.scatter.add.f32 [tilespmem:s15], [sflag:$0x4], $0x80, s14, s17, $0xb8;
	[tilespmem:$0x16900] =	vst v63  }
.Ltmp0:
0x46: {  	_ =	swait.ge [sflag:s19], $0x1400;
	(pc) =	sbr.rel @p0 .LBB2_2-.Ltmp0, $4  }
0x47: {  	[sflag:s19] =	ssyncset.done $0x0  }
0x48: {  	[sflag:s19] =	ssyncadd.s32 $0xFFFFEC00  }
0x49: {  	_ =	swait.ge [sflag:s20], $0x1400  }
0x4a: {  	s22 =	sadd.s32 $0x500, s22;
	s24 =	smov.u32 s28;
	[sflag:s20] =	ssyncset.done $0x0  }
0x4b: {  	s24 =	sadd.s32 s23, s9;
	[sflag:s20] =	ssyncadd.s32 $0xFFFFEC00  }
0x4c: {  	[tilespmem:s3], [sflag:$0x5] =	stream.linear.gather [hbm4b:s24+s3], $0x28, $0x38;
	[tilespmem:$0x16900] =	vst v63  }
0x4d: {  	_ =	swait.ge [sflag:s12], $0x28  }
0x4e: {  	[sflag:s12] =	ssyncset.done $0x0  }
0x4f: {  	[sflag:s12] =	ssyncadd.s32 $0xFFFFFFD8  }
0x50: {  	[tilespmem:s13], [sflag:$0x1] =	stream.linear.gather [hbm4b:s22+s3], $0x1400, $0x38;
	[tilespmem:$0x16900] =	vst v63  }
0x51: {  	s30 =	sadd.s32 s23, s10  }
0x52: {  	[tilespmem:s14], [sflag:$0x5] =	stream.linear.gather [hbm4b:s30+s3], $0x28, $0x38;
	[tilespmem:$0x16900] =	vst v63  }
0x53: {  	_ =	swait.ge [sflag:s12], $0x28  }
0x54: {  	[sflag:s12] =	ssyncset.done $0x0  }
0x55: {  	s31 =	sadd.s32 $0x280, s22;
	[sflag:s12] =	ssyncadd.s32 $0xFFFFFFD8  }
0x56: {  	[tilespmem:s15], [sflag:$0x2] =	stream.linear.gather [hbm4b:s31+s3], $0x1400, $0x38;
	[tilespmem:$0x16900] =	vst v63  }
0x57: {  	_ =	swait.ge [sflag:s16], $0x1400  }
0x58: {  	[sflag:s16] =	ssyncset.done $0x0  }
0x59: {  	[sflag:s16] =	ssyncadd.s32 $0xFFFFEC00  }
0x5a: {  	[spmem:s2] =	stream.indirect.scatter.add.f32 [tilespmem:s13], [sflag:$0x3], $0x80, s3, s17, $0xb8;
	[tilespmem:$0x16900] =	vst v63  }
0x5b: {  	_ =	swait.ge [sflag:s18], $0x1400  }
0x5c: {  	[sflag:s18] =	ssyncset.done $0x0  }
0x5d: {  	[sflag:s18] =	ssyncadd.s32 $0xFFFFEC00  }
0x5e: {  	[spmem:s2] =	stream.indirect.scatter.add.f32 [tilespmem:s15], [sflag:$0x4], $0x80, s14, s17, $0xb8;
	[tilespmem:$0x16900] =	vst v63  }
0x5f: {  	_ =	swait.ge [sflag:s19], $0x1400  }
0x60: {  	[sflag:s19] =	ssyncset.done $0x0  }
0x61: {  	[sflag:s19] =	ssyncadd.s32 $0xFFFFEC00  }
0x62: {  	_ =	swait.ge [sflag:s20], $0x1400  }
0x63: {  	s21 =	sadd.s32 $0x1, s21;
	[sflag:s20] =	ssyncset.done $0x0  }
0x64: {  	p0 =	sne.s32 s21, s7;
	[sflag:s20] =	ssyncadd.s32 $0xFFFFEC00  }
.Ltmp1:
0x65: {  	[bflag:$0x0] =	sbarrier.arrive $0xFFFF;
	(pc) =	sbr.rel @p0 .LBB2_1-.Ltmp1, $4  }
0x66: {  	[hbm:s6], [sflag:s5] =	dma.local [spmem:s11], $0x2800  }
0x67: {  	_ =	swait.ge [sflag:s12], $0x2800  }
0x68: {  	[sflag:s12] =	ssyncset.done $0x0  }
0x69: {  	[sflag:s12] =	ssyncadd.s32 $0xFFFFD800  }
0x6a: {  	_ =	sfence.sel $0x180000  }
0x6b: {  	[bflag:$0x0] =	sbarrier.arrive $0xFFFF  }
0x6c: {  	p0 =	sne.s32 s1, $0x0;
	_ =	strace $0x90000062  }
0x6d: {  	s0 =	sadd.s32 @!p0 $0x100000, s0;
	[bflag:$0x2] =	sbarrier.arrive $0xFFFF  }
0x6e: {  	[sflag:s0] =	ssyncadd.tile.s32 @!p0 $0x1;
	_ =	shalt  }
.Lfunc_end2:
_tile_overlayer_lowered:
.L_overlay_start_2:
0x6f: {  	(tag) =	ssettag $0x2  }
0x70: {  	s0 =	rddreg [dreg:$0x0];
	s2 =	stileid.u32  }
0x71: {  	s1 =	rddreg [dreg:$0x1];
	p0 =	sne.s32 s2, $0x0  }
0x72: {  	s3 =	rddreg [dreg:$0x2];
	[bflag:$0x3] =	sbarrier.arrive $0xFFFF;
	s2 =	simm.s32 @!p0 $0x1C05  }
0x73: {  	[timem:s3], [sflag:s2] =	dma.local @!p0 [hbm:s0], s1  }
0x74: {  	s0 =	simm.s32 @!p0 $0x5  }
0x75: {  	_ =	swait.ge @!p0 [sflag:s0], s1  }
0x76: {  	s1 =	ssub.s32 @!p0 $0x0, s1;
	[sflag:s0] =	ssyncset.done @!p0 $0x0  }
0x77: {  	[sflag:s0] =	ssyncadd.s32 @!p0 s1  }
0x78: {  	[bflag:$0x3] =	sbarrier.arrive $0xFFFF  }
0x79: {  	_ =	shalt  }

</sc_bundles>
